<compile_context>
chip_gen: v7x
topology: tpu7x:2x2x1
jax: 0.10.2.dev20260603
libtpu: 0.0.44.dev20260713+nightly
codegen_flags: <defaults>
</compile_context>

<pallas_src>
import functools

import jax
import jax.numpy as jnp
from jax import lax
from jax.experimental import pallas as pl
from jax.experimental.pallas import tpu as pltpu
from jax.experimental.pallas import tpu_sc as plsc

NC = 2
NS = 16
NW = NC * NS

D = 64
LANES = 16
BCH = 128


def _sc_body(seq_len, idxT_hbm, pos_hbm, token_hbm, out_hbm,
             idx_v, buf, tbuf, pos_v, gsem, osem):
    w = lax.axis_index("s") * NC + lax.axis_index("c")
    b0 = w * BCH

    pltpu.sync_copy(pos_hbm, pos_v)
    pltpu.sync_copy(idxT_hbm.at[:, pl.ds(b0, BCH)], idx_v)
    iota = lax.iota(jnp.int32, LANES)
    zero_vec = iota * 0
    rowk64 = [(iota + LANES * k) * D for k in range(BCH // LANES)]
    rowk = [iota + LANES * k for k in range(BCH // LANES)]

    def fire_gather(s, b):
        pltpu.async_copy(token_hbm.at[idx_v.at[s]], buf[b], gsem[b])

    def drain_g(b):
        pltpu.make_async_copy(token_hbm.at[pl.ds(0, BCH)], buf[b],
                              gsem[b]).wait()

    def drain_o(b):
        pltpu.make_async_copy(out_hbm.at[0, :, 0, :], tbuf[b],
                              osem[b]).wait()

    def transpose_add(s, b):
        s64 = jnp.full((LANES,), s * D, jnp.int32)

        @plsc.parallel_loop(0, LANES, 1, unroll=2)
        def r_body(r):
            m16 = (iota + r) % LANES
            m8x128 = (m16 % 8) * 128
            tdrow = (m16 // 8) * 1024 + m8x128
            for c2 in range(D // LANES):
                dgoff = m16 + c2 * LANES
                ps = plsc.load_gather(pos_v, [zero_vec, dgoff + s64])
                base = tdrow + c2 * 2048
                for k in range(BCH // LANES):
                    v = plsc.load_gather(buf[b], [zero_vec, rowk64[k] + dgoff])
                    plsc.store_scatter(tbuf[b], [zero_vec, base + rowk[k]],
                                       v + ps)

    fire_gather(0, 0)

    def pair_body(p, carry):
        for b in range(2):
            s = 2 * p + b

            @pl.when(s + 1 < seq_len)
            def _prefetch():
                fire_gather(s + 1, 1 - b)

            drain_g(b)

            @pl.when(s >= 2)
            def _wait_writeout():
                drain_o(b)

            transpose_add(s, b)
            pltpu.async_copy(tbuf[b], out_hbm.at[s, :, w, :], osem[b])
        return carry

    lax.fori_loop(0, seq_len // 2, pair_body, 0)
    drain_o(0)
    drain_o(1)


@functools.partial(jax.jit, static_argnums=(3, 4))
def _sc_embed(idxT, pos_table, token_table, batch, seq_len):
    n_tb = batch // BCH
    mesh = plsc.VectorSubcoreMesh(core_axis_name="c", subcore_axis_name="s",
                                  num_cores=NC, num_subcores=NS)
    body = functools.partial(_sc_body, seq_len)
    out = pl.kernel(
        body,
        out_type=jax.ShapeDtypeStruct((seq_len, D // 8, n_tb, 8 * BCH),
                                      jnp.float32),
        mesh=mesh,
        compiler_params=pltpu.CompilerParams(use_tc_tiling_on_sc=False,
                                             needs_layout_passes=False),
        scratch_types=[
            pltpu.VMEM((seq_len, BCH), jnp.int32),
            [pltpu.VMEM((BCH, D), jnp.float32)] * 2,
            [pltpu.VMEM((D // 8, 8 * BCH), jnp.float32)] * 2,
            pltpu.VMEM((seq_len, D), jnp.float32),
            [pltpu.SemaphoreType.DMA] * 2,
            [pltpu.SemaphoreType.DMA] * 2,
        ],
    )(idxT, pos_table, token_table)
    return out


def kernel(inputs, token_table, pos_table):
    batch, seq_len = inputs.shape
    assert batch == NW * BCH and seq_len % 2 == 0 and token_table.shape[1] == D
    idxT = inputs.T
    out4 = _sc_embed(idxT, pos_table, token_table, batch, seq_len)
    out5 = out4.reshape(seq_len, D // 8, batch // BCH, 8, BCH)
    return out5.transpose(2, 4, 0, 1, 3).reshape(batch, seq_len, D)

# --- scband reference (transcript-rebuilt; emitter-appended) ---
"""Pipeline reference for scband-positional-embedding-72361609003422 (READ-ONLY COPY).

The authoritative reference and input builder live on the scoring server;
editing this copy changes nothing except your own understanding.
"""

import jax, jax.numpy as jnp
import numpy as np

VOCAB_SIZE = 1000000
MAX_LENGTH = 200
D_MODEL = 64
BATCH = 4096
SEQ_LEN = 200


def setup_inputs(seed: int = 0) -> dict:
    key = jax.random.key(seed)
    k1, k2, k3 = jax.random.split(key, 3)
    inputs = jax.random.randint(k1, (BATCH, SEQ_LEN), 0, VOCAB_SIZE, dtype=jnp.int64 if jax.config.jax_enable_x64 else jnp.int32).astype(jnp.int32)
    token_table = jax.random.normal(k2, (VOCAB_SIZE, D_MODEL), dtype=jnp.float32) * 0.02
    pos_table = jax.random.normal(k3, (MAX_LENGTH, D_MODEL), dtype=jnp.float32) * 0.02
    return {"inputs": inputs, "token_table": token_table, "pos_table": pos_table}


def reference(inputs, token_table, pos_table):
    # Faithful translation of PositionalEmbedding.call:
    #   length = shape(inputs)[-1]
    #   positions = range(0, length)
    #   embedded_tokens = token_embeddings(inputs)
    #   embedded_positions = position_embedding(positions)
    #   return embedded_tokens + embedded_positions
    length = inputs.shape[-1]
    positions = jnp.arange(0, length)
    embedded_tokens = jnp.take(token_table, inputs, axis=0)
    embedded_positions = jnp.take(pos_table, positions, axis=0)
    return embedded_tokens + embedded_positions

if __name__ == "__main__":
    import jax
    _d = setup_inputs()
    print(jax.jit(kernel)(*tuple(_d.values())))

</pallas_src>

<mosaic_0001>
#map = affine_map<(d0, d1) -> (0, 0)>
#map1 = affine_map<(d0, d1) -> (0, 0, 0, 0)>
module attributes {stable_mosaic.version = 14 : i64} {
  func.func @_sc_body(%arg0: i32, %arg1: i32, %arg2: memref<200x4096xi32, #tpu.memory_space<hbm>>, %arg3: memref<200x64xf32, #tpu.memory_space<hbm>>, %arg4: memref<1000000x64xf32, #tpu.memory_space<hbm>>, %arg5: memref<200x8x32x1024xf32, #tpu.memory_space<hbm>>, %arg6: memref<200x128xi32, #tpu.memory_space<vmem>>, %arg7: memref<128x64xf32, #tpu.memory_space<vmem>>, %arg8: memref<128x64xf32, #tpu.memory_space<vmem>>, %arg9: memref<8x1024xf32, #tpu.memory_space<vmem>>, %arg10: memref<8x1024xf32, #tpu.memory_space<vmem>>, %arg11: memref<200x64xf32, #tpu.memory_space<vmem>>, %arg12: memref<!tpu.dma_semaphore, #tpu.memory_space<semaphore_mem>>, %arg13: memref<!tpu.dma_semaphore, #tpu.memory_space<semaphore_mem>>, %arg14: memref<!tpu.dma_semaphore, #tpu.memory_space<semaphore_mem>>, %arg15: memref<!tpu.dma_semaphore, #tpu.memory_space<semaphore_mem>>) attributes {dimension_semantics = [#tpu.dimension_semantics<core_parallel>, #tpu.dimension_semantics<subcore_parallel>], iteration_bounds = array<i64: 2, 16>, scalar_prefetch = 0 : i64, scratch_operands = 10 : i64, tpu.core_type = #tpu.core_type<sc_vector_subcore>, window_params = [{transform_indices = #map}, {transform_indices = #map}, {transform_indices = #map}, {transform_indices = #map1}]} {
    %mul3A = arith.constant 2 : i32
    %mul3A_0 = arith.muli %arg1, %mul3A : i32
    %add3A = arith.addi %mul3A_0, %arg0 : i32
    %mul3A_1 = arith.constant 128 : i32
    %mul3A_2 = arith.muli %add3A, %mul3A_1 : i32
    "tpu.region"() ({
      %run_scoped3A = tpu.sem_alloc : memref<!tpu.dma_semaphore, #tpu.memory_space<semaphore_mem>>
      tpu.enqueue_dma source(%arg3 : memref<200x64xf32, #tpu.memory_space<hbm>>) target(%arg11 : memref<200x64xf32, #tpu.memory_space<vmem>>) target_semaphore(%run_scoped3A : memref<!tpu.dma_semaphore, #tpu.memory_space<semaphore_mem>>)
      tpu.wait_dma2 semaphore(%run_scoped3A : memref<!tpu.dma_semaphore, #tpu.memory_space<semaphore_mem>>) src(%arg3 : memref<200x64xf32, #tpu.memory_space<hbm>>) dst(%arg11 : memref<200x64xf32, #tpu.memory_space<vmem>>)
      tpu.yield
    }) : () -> ()
    "tpu.region"() ({
      %run_scoped3A = tpu.sem_alloc : memref<!tpu.dma_semaphore, #tpu.memory_space<semaphore_mem>>
      %dma_start3A_108 = arith.constant 0 : i32
      %dma_start3A_109 = tpu.memref_slice %arg2[%dma_start3A_108, %mul3A_2] : memref<200x4096xi32, #tpu.memory_space<hbm>> -> memref<200x128xi32, #tpu.memory_space<hbm>>
      %dma_start3A_110 = arith.constant 0 : i32
      %dma_start3A_111 = tpu.memref_slice %arg2[%dma_start3A_110, %mul3A_2] : memref<200x4096xi32, #tpu.memory_space<hbm>> -> memref<200x128xi32, #tpu.memory_space<hbm>>
      tpu.enqueue_dma source(%dma_start3A_111 : memref<200x128xi32, #tpu.memory_space<hbm>>) target(%arg6 : memref<200x128xi32, #tpu.memory_space<vmem>>) target_semaphore(%run_scoped3A : memref<!tpu.dma_semaphore, #tpu.memory_space<semaphore_mem>>)
      %dma_wait3A_112 = arith.constant 0 : i32
      %dma_wait3A_113 = tpu.memref_slice %arg2[%dma_wait3A_112, %mul3A_2] : memref<200x4096xi32, #tpu.memory_space<hbm>> -> memref<200x128xi32, #tpu.memory_space<hbm>>
      %dma_wait3A_114 = arith.constant 0 : i32
      %dma_wait3A_115 = tpu.memref_slice %arg2[%dma_wait3A_114, %mul3A_2] : memref<200x4096xi32, #tpu.memory_space<hbm>> -> memref<200x128xi32, #tpu.memory_space<hbm>>
      tpu.wait_dma2 semaphore(%run_scoped3A : memref<!tpu.dma_semaphore, #tpu.memory_space<semaphore_mem>>) src(%dma_wait3A_115 : memref<200x128xi32, #tpu.memory_space<hbm>>) dst(%arg6 : memref<200x128xi32, #tpu.memory_space<vmem>>)
      tpu.yield
    }) : () -> ()
    %iota3A = tpu.iota {dimensions = array<i32: 0>} : vector<16xi32>
    %mul3A_3 = arith.constant 0 : i32
    %mul3A_4 = vector.broadcast %mul3A_3 : i32 to vector<16xi32>
    %mul3A_5 = arith.muli %iota3A, %mul3A_4 : vector<16xi32>
    %add3A_6 = arith.constant 0 : i32
    %add3A_7 = vector.broadcast %add3A_6 : i32 to vector<16xi32>
    %add3A_8 = arith.addi %iota3A, %add3A_7 : vector<16xi32>
    %mul3A_9 = arith.constant 64 : i32
    %mul3A_10 = vector.broadcast %mul3A_9 : i32 to vector<16xi32>
    %mul3A_11 = arith.muli %add3A_8, %mul3A_10 : vector<16xi32>
    %add3A_12 = arith.constant 16 : i32
    %add3A_13 = vector.broadcast %add3A_12 : i32 to vector<16xi32>
    %add3A_14 = arith.addi %iota3A, %add3A_13 : vector<16xi32>
    %mul3A_15 = arith.constant 64 : i32
    %mul3A_16 = vector.broadcast %mul3A_15 : i32 to vector<16xi32>
    %mul3A_17 = arith.muli %add3A_14, %mul3A_16 : vector<16xi32>
    %add3A_18 = arith.constant 32 : i32
    %add3A_19 = vector.broadcast %add3A_18 : i32 to vector<16xi32>
    %add3A_20 = arith.addi %iota3A, %add3A_19 : vector<16xi32>
    %mul3A_21 = arith.constant 64 : i32
    %mul3A_22 = vector.broadcast %mul3A_21 : i32 to vector<16xi32>
    %mul3A_23 = arith.muli %add3A_20, %mul3A_22 : vector<16xi32>
    %add3A_24 = arith.constant 48 : i32
    %add3A_25 = vector.broadcast %add3A_24 : i32 to vector<16xi32>
    %add3A_26 = arith.addi %iota3A, %add3A_25 : vector<16xi32>
    %mul3A_27 = arith.constant 64 : i32
    %mul3A_28 = vector.broadcast %mul3A_27 : i32 to vector<16xi32>
    %mul3A_29 = arith.muli %add3A_26, %mul3A_28 : vector<16xi32>
    %add3A_30 = arith.constant 64 : i32
    %add3A_31 = vector.broadcast %add3A_30 : i32 to vector<16xi32>
    %add3A_32 = arith.addi %iota3A, %add3A_31 : vector<16xi32>
    %mul3A_33 = arith.constant 64 : i32
    %mul3A_34 = vector.broadcast %mul3A_33 : i32 to vector<16xi32>
    %mul3A_35 = arith.muli %add3A_32, %mul3A_34 : vector<16xi32>
    %add3A_36 = arith.constant 80 : i32
    %add3A_37 = vector.broadcast %add3A_36 : i32 to vector<16xi32>
    %add3A_38 = arith.addi %iota3A, %add3A_37 : vector<16xi32>
    %mul3A_39 = arith.constant 64 : i32
    %mul3A_40 = vector.broadcast %mul3A_39 : i32 to vector<16xi32>
    %mul3A_41 = arith.muli %add3A_38, %mul3A_40 : vector<16xi32>
    %add3A_42 = arith.constant 96 : i32
    %add3A_43 = vector.broadcast %add3A_42 : i32 to vector<16xi32>
    %add3A_44 = arith.addi %iota3A, %add3A_43 : vector<16xi32>
    %mul3A_45 = arith.constant 64 : i32
    %mul3A_46 = vector.broadcast %mul3A_45 : i32 to vector<16xi32>
    %mul3A_47 = arith.muli %add3A_44, %mul3A_46 : vector<16xi32>
    %add3A_48 = arith.constant 112 : i32
    %add3A_49 = vector.broadcast %add3A_48 : i32 to vector<16xi32>
    %add3A_50 = arith.addi %iota3A, %add3A_49 : vector<16xi32>
    %mul3A_51 = arith.constant 64 : i32
    %mul3A_52 = vector.broadcast %mul3A_51 : i32 to vector<16xi32>
    %mul3A_53 = arith.muli %add3A_50, %mul3A_52 : vector<16xi32>
    %add3A_54 = arith.constant 0 : i32
    %add3A_55 = vector.broadcast %add3A_54 : i32 to vector<16xi32>
    %add3A_56 = arith.addi %iota3A, %add3A_55 : vector<16xi32>
    %add3A_57 = arith.constant 16 : i32
    %add3A_58 = vector.broadcast %add3A_57 : i32 to vector<16xi32>
    %add3A_59 = arith.addi %iota3A, %add3A_58 : vector<16xi32>
    %add3A_60 = arith.constant 32 : i32
    %add3A_61 = vector.broadcast %add3A_60 : i32 to vector<16xi32>
    %add3A_62 = arith.addi %iota3A, %add3A_61 : vector<16xi32>
    %add3A_63 = arith.constant 48 : i32
    %add3A_64 = vector.broadcast %add3A_63 : i32 to vector<16xi32>
    %add3A_65 = arith.addi %iota3A, %add3A_64 : vector<16xi32>
    %add3A_66 = arith.constant 64 : i32
    %add3A_67 = vector.broadcast %add3A_66 : i32 to vector<16xi32>
    %add3A_68 = arith.addi %iota3A, %add3A_67 : vector<16xi32>
    %add3A_69 = arith.constant 80 : i32
    %add3A_70 = vector.broadcast %add3A_69 : i32 to vector<16xi32>
    %add3A_71 = arith.addi %iota3A, %add3A_70 : vector<16xi32>
    %add3A_72 = arith.constant 96 : i32
    %add3A_73 = vector.broadcast %add3A_72 : i32 to vector<16xi32>
    %add3A_74 = arith.addi %iota3A, %add3A_73 : vector<16xi32>
    %add3A_75 = arith.constant 112 : i32
    %add3A_76 = vector.broadcast %add3A_75 : i32 to vector<16xi32>
    %add3A_77 = arith.addi %iota3A, %add3A_76 : vector<16xi32>
    %dma_start3A = arith.constant 0 : i32
    %dma_start3A_78 = arith.constant 0 : i32
    %dma_start3A_79 = tpu.memref_slice %arg6[%dma_start3A, %dma_start3A_78] : memref<200x128xi32, #tpu.memory_space<vmem>> -> memref<1x128xi32, #tpu.memory_space<vmem>>
    %dma_start3A_80 = tpu.memref_squeeze %dma_start3A_79 : memref<1x128xi32, #tpu.memory_space<vmem>> -> memref<128xi32, #tpu.memory_space<vmem>>
    %dma_start3A_81 = arith.constant 0 : i32
    %dma_start3A_82 = arith.constant 0 : i32
    %dma_start3A_83 = tpu.memref_slice %arg4[%dma_start3A_81, %dma_start3A_82] : memref<1000000x64xf32, #tpu.memory_space<hbm>> -> memref<1000000x64xf32, #tpu.memory_space<hbm>>
    tpu.enqueue_indirect_dma source(%dma_start3A_83 : memref<1000000x64xf32, #tpu.memory_space<hbm>>) target(%arg7 : memref<128x64xf32, #tpu.memory_space<vmem>>) offsets(%dma_start3A_80 : memref<128xi32, #tpu.memory_space<vmem>>) semaphore(%arg12 : memref<!tpu.dma_semaphore, #tpu.memory_space<semaphore_mem>>)
    %scan3A = arith.constant 0 : i32
    %scan3A_84 = arith.constant 0 : i32
    %scan3A_85 = arith.constant 100 : i32
    %scan3A_86 = arith.addi %scan3A_84, %scan3A_85 : i32
    %scan3A_87 = arith.constant 1 : i32
    scf.for %scan3A_108 = %scan3A_84 to %scan3A_86 step %scan3A_87  : i32 {
      %mul3A_109 = arith.constant 2 : i32
      %mul3A_110 = arith.muli %mul3A_109, %scan3A_108 : i32
      %add3A_111 = arith.constant 0 : i32
      %add3A_112 = arith.addi %mul3A_110, %add3A_111 : i32
      %add3A_113 = arith.constant 1 : i32
      %add3A_114 = arith.addi %add3A_112, %add3A_113 : i32
      %lt3A = arith.constant 200 : i32
      %lt3A_115 = arith.cmpi slt, %add3A_114, %lt3A : i32
      %convert_element_type3A = arith.extui %lt3A_115 : i1 to i32
      %cond3A = arith.constant 0 : i32
      %cond3A_116 = arith.cmpi ne, %convert_element_type3A, %cond3A : i32
      scf.if %cond3A_116 {
        %add3A_175 = arith.constant 1 : i32
        %add3A_176 = arith.addi %add3A_112, %add3A_175 : i32
        %dma_start3A_177 = arith.constant 0 : i32
        %dma_start3A_178 = tpu.memref_slice %arg6[%add3A_176, %dma_start3A_177] : memref<200x128xi32, #tpu.memory_space<vmem>> -> memref<1x128xi32, #tpu.memory_space<vmem>>
        %dma_start3A_179 = tpu.memref_squeeze %dma_start3A_178 : memref<1x128xi32, #tpu.memory_space<vmem>> -> memref<128xi32, #tpu.memory_space<vmem>>
        %dma_start3A_180 = arith.constant 0 : i32
        %dma_start3A_181 = arith.constant 0 : i32
        %dma_start3A_182 = tpu.memref_slice %arg4[%dma_start3A_180, %dma_start3A_181] : memref<1000000x64xf32, #tpu.memory_space<hbm>> -> memref<1000000x64xf32, #tpu.memory_space<hbm>>
        tpu.enqueue_indirect_dma source(%dma_start3A_182 : memref<1000000x64xf32, #tpu.memory_space<hbm>>) target(%arg8 : memref<128x64xf32, #tpu.memory_space<vmem>>) offsets(%dma_start3A_179 : memref<128xi32, #tpu.memory_space<vmem>>) semaphore(%arg13 : memref<!tpu.dma_semaphore, #tpu.memory_space<semaphore_mem>>)
      } else {
      }
      %dma_wait3A_117 = arith.constant 0 : i32
      %dma_wait3A_118 = arith.constant 0 : i32
      %dma_wait3A_119 = tpu.memref_slice %arg4[%dma_wait3A_117, %dma_wait3A_118] : memref<1000000x64xf32, #tpu.memory_space<hbm>> -> memref<128x64xf32, #tpu.memory_space<hbm>>
      %dma_wait3A_120 = arith.constant 0 : i32
      %dma_wait3A_121 = arith.constant 0 : i32
      %dma_wait3A_122 = tpu.memref_slice %arg4[%dma_wait3A_120, %dma_wait3A_121] : memref<1000000x64xf32, #tpu.memory_space<hbm>> -> memref<128x64xf32, #tpu.memory_space<hbm>>
      tpu.wait_dma2 semaphore(%arg12 : memref<!tpu.dma_semaphore, #tpu.memory_space<semaphore_mem>>) src(%dma_wait3A_122 : memref<128x64xf32, #tpu.memory_space<hbm>>) dst(%arg7 : memref<128x64xf32, #tpu.memory_space<vmem>>)
      %ge3A = arith.constant 2 : i32
      %ge3A_123 = arith.cmpi sge, %add3A_112, %ge3A : i32
      %convert_element_type3A_124 = arith.extui %ge3A_123 : i1 to i32
      %cond3A_125 = arith.constant 0 : i32
      %cond3A_126 = arith.cmpi ne, %convert_element_type3A_124, %cond3A_125 : i32
      scf.if %cond3A_126 {
        %dma_wait3A_175 = arith.constant 0 : i32
        %dma_wait3A_176 = arith.constant 0 : i32
        %dma_wait3A_177 = arith.constant 0 : i32
        %dma_wait3A_178 = arith.constant 0 : i32
        %dma_wait3A_179 = tpu.memref_slice %arg5[%dma_wait3A_175, %dma_wait3A_177, %dma_wait3A_176, %dma_wait3A_178] : memref<200x8x32x1024xf32, #tpu.memory_space<hbm>> -> memref<1x8x1x1024xf32, #tpu.memory_space<hbm>>
        %dma_wait3A_180 = tpu.memref_squeeze %dma_wait3A_179 : memref<1x8x1x1024xf32, #tpu.memory_space<hbm>> -> memref<8x1024xf32, #tpu.memory_space<hbm>>
        %dma_wait3A_181 = arith.constant 0 : i32
        %dma_wait3A_182 = arith.constant 0 : i32
        %dma_wait3A_183 = tpu.memref_slice %arg5[%dma_wait3A_175, %dma_wait3A_181, %dma_wait3A_176, %dma_wait3A_182] : memref<200x8x32x1024xf32, #tpu.memory_space<hbm>> -> memref<1x8x1x1024xf32, #tpu.memory_space<hbm>>
        %dma_wait3A_184 = tpu.memref_squeeze %dma_wait3A_183 : memref<1x8x1x1024xf32, #tpu.memory_space<hbm>> -> memref<8x1024xf32, #tpu.memory_space<hbm>>
        tpu.wait_dma2 semaphore(%arg14 : memref<!tpu.dma_semaphore, #tpu.memory_space<semaphore_mem>>) src(%dma_wait3A_184 : memref<8x1024xf32, #tpu.memory_space<hbm>>) dst(%arg9 : memref<8x1024xf32, #tpu.memory_space<vmem>>)
      } else {
      }
      %mul3A_127 = arith.constant 64 : i32
      %mul3A_128 = arith.muli %add3A_112, %mul3A_127 : i32
      %broadcast_in_dim3A = vector.broadcast %mul3A_128 : i32 to vector<16xi32>
      %parallel_loop3A = arith.constant 0 : i32
      %parallel_loop3A_129 = arith.constant 16 : i32
      %parallel_loop3A_130 = arith.constant 1 : i32
      scf.for %parallel_loop3A_175 = %parallel_loop3A to %parallel_loop3A_129 step %parallel_loop3A_130  : i32 {
        %parallel_loop3A_176 = vector.broadcast %parallel_loop3A_175 : i32 to vector<16xi32>
        %parallel_loop3A_177 = arith.addi %iota3A, %parallel_loop3A_176 : vector<16xi32>
        %parallel_loop3A_178 = arith.constant 16 : i32
        %parallel_loop3A_179 = arith.constant 0 : i32
        %parallel_loop3A_180 = arith.cmpi eq, %parallel_loop3A_178, %parallel_loop3A_179 : i32
        %parallel_loop3A_181 = arith.constant 1 : i32
        %parallel_loop3A_182 = arith.select %parallel_loop3A_180, %parallel_loop3A_181, %parallel_loop3A_178 : i32
        %parallel_loop3A_183 = vector.broadcast %parallel_loop3A_182 : i32 to vector<16xi32>
        %parallel_loop3A_184 = arith.remsi %parallel_loop3A_177, %parallel_loop3A_183 : vector<16xi32>
        %parallel_loop3A_185 = arith.constant 0 : i32
        %parallel_loop3A_186 = vector.broadcast %parallel_loop3A_185 : i32 to vector<16xi32>
        %parallel_loop3A_187 = arith.cmpi ne, %parallel_loop3A_184, %parallel_loop3A_186 : vector<16xi32>
        %parallel_loop3A_188 = arith.constant 0 : i32
        %parallel_loop3A_189 = vector.broadcast %parallel_loop3A_188 : i32 to vector<16xi32>
        %parallel_loop3A_190 = arith.cmpi slt, %parallel_loop3A_184, %parallel_loop3A_189 : vector<16xi32>
        %parallel_loop3A_191 = arith.constant 0 : i32
        %parallel_loop3A_192 = arith.cmpi slt, %parallel_loop3A_182, %parallel_loop3A_191 : i32
        %parallel_loop3A_193 = vector.broadcast %parallel_loop3A_192 : i1 to vector<16xi1>
        %parallel_loop3A_194 = vector.broadcast %parallel_loop3A_193 : vector<16xi1> to vector<16xi1>
        %parallel_loop3A_195 = arith.xori %parallel_loop3A_190, %parallel_loop3A_194 : vector<16xi1>
        %parallel_loop3A_196 = arith.andi %parallel_loop3A_195, %parallel_loop3A_187 : vector<16xi1>
        %parallel_loop3A_197 = vector.broadcast %parallel_loop3A_182 : i32 to vector<16xi32>
        %parallel_loop3A_198 = arith.addi %parallel_loop3A_184, %parallel_loop3A_197 : vector<16xi32>
        %parallel_loop3A_199 = arith.select %parallel_loop3A_196, %parallel_loop3A_198, %parallel_loop3A_184 : vector<16xi1>, vector<16xi32>
        %parallel_loop3A_200 = arith.constant 8 : i32
        %parallel_loop3A_201 = arith.constant 0 : i32
        %parallel_loop3A_202 = arith.cmpi eq, %parallel_loop3A_200, %parallel_loop3A_201 : i32
        %parallel_loop3A_203 = arith.constant 1 : i32
        %parallel_loop3A_204 = arith.select %parallel_loop3A_202, %parallel_loop3A_203, %parallel_loop3A_200 : i32
        %parallel_loop3A_205 = vector.broadcast %parallel_loop3A_204 : i32 to vector<16xi32>
        %parallel_loop3A_206 = arith.remsi %parallel_loop3A_199, %parallel_loop3A_205 : vector<16xi32>
        %parallel_loop3A_207 = arith.constant 0 : i32
        %parallel_loop3A_208 = vector.broadcast %parallel_loop3A_207 : i32 to vector<16xi32>
        %parallel_loop3A_209 = arith.cmpi ne, %parallel_loop3A_206, %parallel_loop3A_208 : vector<16xi32>
        %parallel_loop3A_210 = arith.constant 0 : i32
        %parallel_loop3A_211 = vector.broadcast %parallel_loop3A_210 : i32 to vector<16xi32>
        %parallel_loop3A_212 = arith.cmpi slt, %parallel_loop3A_206, %parallel_loop3A_211 : vector<16xi32>
        %parallel_loop3A_213 = arith.constant 0 : i32
        %parallel_loop3A_214 = arith.cmpi slt, %parallel_loop3A_204, %parallel_loop3A_213 : i32
        %parallel_loop3A_215 = vector.broadcast %parallel_loop3A_214 : i1 to vector<16xi1>
        %parallel_loop3A_216 = vector.broadcast %parallel_loop3A_215 : vector<16xi1> to vector<16xi1>
        %parallel_loop3A_217 = arith.xori %parallel_loop3A_212, %parallel_loop3A_216 : vector<16xi1>
        %parallel_loop3A_218 = arith.andi %parallel_loop3A_217, %parallel_loop3A_209 : vector<16xi1>
        %parallel_loop3A_219 = vector.broadcast %parallel_loop3A_204 : i32 to vector<16xi32>
        %parallel_loop3A_220 = arith.addi %parallel_loop3A_206, %parallel_loop3A_219 : vector<16xi32>
        %parallel_loop3A_221 = arith.select %parallel_loop3A_218, %parallel_loop3A_220, %parallel_loop3A_206 : vector<16xi1>, vector<16xi32>
        %parallel_loop3A_222 = arith.constant 128 : i32
        %parallel_loop3A_223 = vector.broadcast %parallel_loop3A_222 : i32 to vector<16xi32>
        %parallel_loop3A_224 = arith.muli %parallel_loop3A_221, %parallel_loop3A_223 : vector<16xi32>
        %parallel_loop3A_225 = arith.constant 8 : i32
        %parallel_loop3A_226 = vector.broadcast %parallel_loop3A_225 : i32 to vector<16xi32>
        %parallel_loop3A_227 = arith.divsi %parallel_loop3A_199, %parallel_loop3A_226 : vector<16xi32>
        %parallel_loop3A_228 = arith.constant 0 : i32
        %parallel_loop3A_229 = vector.broadcast %parallel_loop3A_228 : i32 to vector<16xi32>
        %parallel_loop3A_230 = arith.cmpi sgt, %parallel_loop3A_199, %parallel_loop3A_229 : vector<16xi32>
        %parallel_loop3A_231 = arith.extui %parallel_loop3A_230 : vector<16xi1> to vector<16xi32>
        %parallel_loop3A_232 = arith.constant 0 : i32
        %parallel_loop3A_233 = vector.broadcast %parallel_loop3A_232 : i32 to vector<16xi32>
        %parallel_loop3A_234 = arith.cmpi slt, %parallel_loop3A_199, %parallel_loop3A_233 : vector<16xi32>
        %parallel_loop3A_235 = arith.extui %parallel_loop3A_234 : vector<16xi1> to vector<16xi32>
        %parallel_loop3A_236 = arith.subi %parallel_loop3A_231, %parallel_loop3A_235 : vector<16xi32>
        %parallel_loop3A_237 = arith.constant 0 : i32
        %parallel_loop3A_238 = arith.cmpi sgt, %parallel_loop3A_225, %parallel_loop3A_237 : i32
        %parallel_loop3A_239 = arith.extui %parallel_loop3A_238 : i1 to i32
        %parallel_loop3A_240 = arith.constant 0 : i32
        %parallel_loop3A_241 = arith.cmpi slt, %parallel_loop3A_225, %parallel_loop3A_240 : i32
        %parallel_loop3A_242 = arith.extui %parallel_loop3A_241 : i1 to i32
        %parallel_loop3A_243 = arith.subi %parallel_loop3A_239, %parallel_loop3A_242 : i32
        %parallel_loop3A_244 = vector.broadcast %parallel_loop3A_243 : i32 to vector<16xi32>
        %parallel_loop3A_245 = arith.cmpi ne, %parallel_loop3A_236, %parallel_loop3A_244 : vector<16xi32>
        %parallel_loop3A_246 = vector.broadcast %parallel_loop3A_225 : i32 to vector<16xi32>
        %parallel_loop3A_247 = arith.remsi %parallel_loop3A_199, %parallel_loop3A_246 : vector<16xi32>
        %parallel_loop3A_248 = arith.constant 0 : i32
        %parallel_loop3A_249 = vector.broadcast %parallel_loop3A_248 : i32 to vector<16xi32>
        %parallel_loop3A_250 = arith.cmpi ne, %parallel_loop3A_247, %parallel_loop3A_249 : vector<16xi32>
        %parallel_loop3A_251 = arith.andi %parallel_loop3A_245, %parallel_loop3A_250 : vector<16xi1>
        %parallel_loop3A_252 = arith.constant 1 : i32
        %parallel_loop3A_253 = vector.broadcast %parallel_loop3A_252 : i32 to vector<16xi32>
        %parallel_loop3A_254 = arith.subi %parallel_loop3A_227, %parallel_loop3A_253 : vector<16xi32>
        %parallel_loop3A_255 = arith.select %parallel_loop3A_251, %parallel_loop3A_254, %parallel_loop3A_227 : vector<16xi1>, vector<16xi32>
        %parallel_loop3A_256 = arith.constant 1024 : i32
        %parallel_loop3A_257 = vector.broadcast %parallel_loop3A_256 : i32 to vector<16xi32>
        %parallel_loop3A_258 = arith.muli %parallel_loop3A_255, %parallel_loop3A_257 : vector<16xi32>
        %parallel_loop3A_259 = arith.addi %parallel_loop3A_258, %parallel_loop3A_224 : vector<16xi32>
        %parallel_loop3A_260 = arith.constant 0 : i32
        %parallel_loop3A_261 = vector.broadcast %parallel_loop3A_260 : i32 to vector<16xi32>
        %parallel_loop3A_262 = arith.addi %parallel_loop3A_199, %parallel_loop3A_261 : vector<16xi32>
        %parallel_loop3A_263 = arith.addi %parallel_loop3A_262, %broadcast_in_dim3A : vector<16xi32>
        %parallel_loop3A_264 = tpu.vector_load_idx %arg11[%mul3A_5, %parallel_loop3A_263] : memref<200x64xf32, #tpu.memory_space<vmem>>[vector<16xi32>, vector<16xi32>], vector<16xf32>,
        %parallel_loop3A_265 = arith.constant 0 : i32
        %parallel_loop3A_266 = vector.broadcast %parallel_loop3A_265 : i32 to vector<16xi32>
        %parallel_loop3A_267 = arith.addi %parallel_loop3A_259, %parallel_loop3A_266 : vector<16xi32>
        %parallel_loop3A_268 = arith.addi %mul3A_11, %parallel_loop3A_262 : vector<16xi32>
        %parallel_loop3A_269 = tpu.vector_load_idx %arg7[%mul3A_5, %parallel_loop3A_268] : memref<128x64xf32, #tpu.memory_space<vmem>>[vector<16xi32>, vector<16xi32>], vector<16xf32>,
        %parallel_loop3A_270 = arith.addi %parallel_loop3A_267, %add3A_56 : vector<16xi32>
        %parallel_loop3A_271 = arith.addf %parallel_loop3A_269, %parallel_loop3A_264 : vector<16xf32>
        tpu.vector_store_idx %arg9[%mul3A_5, %parallel_loop3A_270], %parallel_loop3A_271 : memref<8x1024xf32, #tpu.memory_space<vmem>>[vector<16xi32>, vector<16xi32>], vector<16xf32>,
        %parallel_loop3A_272 = arith.addi %mul3A_17, %parallel_loop3A_262 : vector<16xi32>
        %parallel_loop3A_273 = tpu.vector_load_idx %arg7[%mul3A_5, %parallel_loop3A_272] : memref<128x64xf32, #tpu.memory_space<vmem>>[vector<16xi32>, vector<16xi32>], vector<16xf32>,
        %parallel_loop3A_274 = arith.addi %parallel_loop3A_267, %add3A_59 : vector<16xi32>
        %parallel_loop3A_275 = arith.addf %parallel_loop3A_273, %parallel_loop3A_264 : vector<16xf32>
        tpu.vector_store_idx %arg9[%mul3A_5, %parallel_loop3A_274], %parallel_loop3A_275 : memref<8x1024xf32, #tpu.memory_space<vmem>>[vector<16xi32>, vector<16xi32>], vector<16xf32>,
        %parallel_loop3A_276 = arith.addi %mul3A_23, %parallel_loop3A_262 : vector<16xi32>
        %parallel_loop3A_277 = tpu.vector_load_idx %arg7[%mul3A_5, %parallel_loop3A_276] : memref<128x64xf32, #tpu.memory_space<vmem>>[vector<16xi32>, vector<16xi32>], vector<16xf32>,
        %parallel_loop3A_278 = arith.addi %parallel_loop3A_267, %add3A_62 : vector<16xi32>
        %parallel_loop3A_279 = arith.addf %parallel_loop3A_277, %parallel_loop3A_264 : vector<16xf32>
        tpu.vector_store_idx %arg9[%mul3A_5, %parallel_loop3A_278], %parallel_loop3A_279 : memref<8x1024xf32, #tpu.memory_space<vmem>>[vector<16xi32>, vector<16xi32>], vector<16xf32>,
        %parallel_loop3A_280 = arith.addi %mul3A_29, %parallel_loop3A_262 : vector<16xi32>
        %parallel_loop3A_281 = tpu.vector_load_idx %arg7[%mul3A_5, %parallel_loop3A_280] : memref<128x64xf32, #tpu.memory_space<vmem>>[vector<16xi32>, vector<16xi32>], vector<16xf32>,
        %parallel_loop3A_282 = arith.addi %parallel_loop3A_267, %add3A_65 : vector<16xi32>
        %parallel_loop3A_283 = arith.addf %parallel_loop3A_281, %parallel_loop3A_264 : vector<16xf32>
        tpu.vector_store_idx %arg9[%mul3A_5, %parallel_loop3A_282], %parallel_loop3A_283 : memref<8x1024xf32, #tpu.memory_space<vmem>>[vector<16xi32>, vector<16xi32>], vector<16xf32>,
        %parallel_loop3A_284 = arith.addi %mul3A_35, %parallel_loop3A_262 : vector<16xi32>
        %parallel_loop3A_285 = tpu.vector_load_idx %arg7[%mul3A_5, %parallel_loop3A_284] : memref<128x64xf32, #tpu.memory_space<vmem>>[vector<16xi32>, vector<16xi32>], vector<16xf32>,
        %parallel_loop3A_286 = arith.addi %parallel_loop3A_267, %add3A_68 : vector<16xi32>
        %parallel_loop3A_287 = arith.addf %parallel_loop3A_285, %parallel_loop3A_264 : vector<16xf32>
        tpu.vector_store_idx %arg9[%mul3A_5, %parallel_loop3A_286], %parallel_loop3A_287 : memref<8x1024xf32, #tpu.memory_space<vmem>>[vector<16xi32>, vector<16xi32>], vector<16xf32>,
        %parallel_loop3A_288 = arith.addi %mul3A_41, %parallel_loop3A_262 : vector<16xi32>
        %parallel_loop3A_289 = tpu.vector_load_idx %arg7[%mul3A_5, %parallel_loop3A_288] : memref<128x64xf32, #tpu.memory_space<vmem>>[vector<16xi32>, vector<16xi32>], vector<16xf32>,
        %parallel_loop3A_290 = arith.addi %parallel_loop3A_267, %add3A_71 : vector<16xi32>
        %parallel_loop3A_291 = arith.addf %parallel_loop3A_289, %parallel_loop3A_264 : vector<16xf32>
        tpu.vector_store_idx %arg9[%mul3A_5, %parallel_loop3A_290], %parallel_loop3A_291 : memref<8x1024xf32, #tpu.memory_space<vmem>>[vector<16xi32>, vector<16xi32>], vector<16xf32>,
        %parallel_loop3A_292 = arith.addi %mul3A_47, %parallel_loop3A_262 : vector<16xi32>
        %parallel_loop3A_293 = tpu.vector_load_idx %arg7[%mul3A_5, %parallel_loop3A_292] : memref<128x64xf32, #tpu.memory_space<vmem>>[vector<16xi32>, vector<16xi32>], vector<16xf32>,
        %parallel_loop3A_294 = arith.addi %parallel_loop3A_267, %add3A_74 : vector<16xi32>
        %parallel_loop3A_295 = arith.addf %parallel_loop3A_293, %parallel_loop3A_264 : vector<16xf32>
        tpu.vector_store_idx %arg9[%mul3A_5, %parallel_loop3A_294], %parallel_loop3A_295 : memref<8x1024xf32, #tpu.memory_space<vmem>>[vector<16xi32>, vector<16xi32>], vector<16xf32>,
        %parallel_loop3A_296 = arith.addi %mul3A_53, %parallel_loop3A_262 : vector<16xi32>
        %parallel_loop3A_297 = tpu.vector_load_idx %arg7[%mul3A_5, %parallel_loop3A_296] : memref<128x64xf32, #tpu.memory_space<vmem>>[vector<16xi32>, vector<16xi32>], vector<16xf32>,
        %parallel_loop3A_298 = arith.addi %parallel_loop3A_267, %add3A_77 : vector<16xi32>
        %parallel_loop3A_299 = arith.addf %parallel_loop3A_297, %parallel_loop3A_264 : vector<16xf32>
        tpu.vector_store_idx %arg9[%mul3A_5, %parallel_loop3A_298], %parallel_loop3A_299 : memref<8x1024xf32, #tpu.memory_space<vmem>>[vector<16xi32>, vector<16xi32>], vector<16xf32>,
        %parallel_loop3A_300 = arith.constant 16 : i32
        %parallel_loop3A_301 = vector.broadcast %parallel_loop3A_300 : i32 to vector<16xi32>
        %parallel_loop3A_302 = arith.addi %parallel_loop3A_199, %parallel_loop3A_301 : vector<16xi32>
        %parallel_loop3A_303 = arith.addi %parallel_loop3A_302, %broadcast_in_dim3A : vector<16xi32>
        %parallel_loop3A_304 = tpu.vector_load_idx %arg11[%mul3A_5, %parallel_loop3A_303] : memref<200x64xf32, #tpu.memory_space<vmem>>[vector<16xi32>, vector<16xi32>], vector<16xf32>,
        %parallel_loop3A_305 = arith.constant 2048 : i32
        %parallel_loop3A_306 = vector.broadcast %parallel_loop3A_305 : i32 to vector<16xi32>
        %parallel_loop3A_307 = arith.addi %parallel_loop3A_259, %parallel_loop3A_306 : vector<16xi32>
        %parallel_loop3A_308 = arith.addi %mul3A_11, %parallel_loop3A_302 : vector<16xi32>
        %parallel_loop3A_309 = tpu.vector_load_idx %arg7[%mul3A_5, %parallel_loop3A_308] : memref<128x64xf32, #tpu.memory_space<vmem>>[vector<16xi32>, vector<16xi32>], vector<16xf32>,
        %parallel_loop3A_310 = arith.addi %parallel_loop3A_307, %add3A_56 : vector<16xi32>
        %parallel_loop3A_311 = arith.addf %parallel_loop3A_309, %parallel_loop3A_304 : vector<16xf32>
        tpu.vector_store_idx %arg9[%mul3A_5, %parallel_loop3A_310], %parallel_loop3A_311 : memref<8x1024xf32, #tpu.memory_space<vmem>>[vector<16xi32>, vector<16xi32>], vector<16xf32>,
        %parallel_loop3A_312 = arith.addi %mul3A_17, %parallel_loop3A_302 : vector<16xi32>
        %parallel_loop3A_313 = tpu.vector_load_idx %arg7[%mul3A_5, %parallel_loop3A_312] : memref<128x64xf32, #tpu.memory_space<vmem>>[vector<16xi32>, vector<16xi32>], vector<16xf32>,
        %parallel_loop3A_314 = arith.addi %parallel_loop3A_307, %add3A_59 : vector<16xi32>
        %parallel_loop3A_315 = arith.addf %parallel_loop3A_313, %parallel_loop3A_304 : vector<16xf32>
        tpu.vector_store_idx %arg9[%mul3A_5, %parallel_loop3A_314], %parallel_loop3A_315 : memref<8x1024xf32, #tpu.memory_space<vmem>>[vector<16xi32>, vector<16xi32>], vector<16xf32>,
        %parallel_loop3A_316 = arith.addi %mul3A_23, %parallel_loop3A_302 : vector<16xi32>
        %parallel_loop3A_317 = tpu.vector_load_idx %arg7[%mul3A_5, %parallel_loop3A_316] : memref<128x64xf32, #tpu.memory_space<vmem>>[vector<16xi32>, vector<16xi32>], vector<16xf32>,
        %parallel_loop3A_318 = arith.addi %parallel_loop3A_307, %add3A_62 : vector<16xi32>
        %parallel_loop3A_319 = arith.addf %parallel_loop3A_317, %parallel_loop3A_304 : vector<16xf32>
        tpu.vector_store_idx %arg9[%mul3A_5, %parallel_loop3A_318], %parallel_loop3A_319 : memref<8x1024xf32, #tpu.memory_space<vmem>>[vector<16xi32>, vector<16xi32>], vector<16xf32>,
        %parallel_loop3A_320 = arith.addi %mul3A_29, %parallel_loop3A_302 : vector<16xi32>
        %parallel_loop3A_321 = tpu.vector_load_idx %arg7[%mul3A_5, %parallel_loop3A_320] : memref<128x64xf32, #tpu.memory_space<vmem>>[vector<16xi32>, vector<16xi32>], vector<16xf32>,
        %parallel_loop3A_322 = arith.addi %parallel_loop3A_307, %add3A_65 : vector<16xi32>
        %parallel_loop3A_323 = arith.addf %parallel_loop3A_321, %parallel_loop3A_304 : vector<16xf32>
        tpu.vector_store_idx %arg9[%mul3A_5, %parallel_loop3A_322], %parallel_loop3A_323 : memref<8x1024xf32, #tpu.memory_space<vmem>>[vector<16xi32>, vector<16xi32>], vector<16xf32>,
        %parallel_loop3A_324 = arith.addi %mul3A_35, %parallel_loop3A_302 : vector<16xi32>
        %parallel_loop3A_325 = tpu.vector_load_idx %arg7[%mul3A_5, %parallel_loop3A_324] : memref<128x64xf32, #tpu.memory_space<vmem>>[vector<16xi32>, vector<16xi32>], vector<16xf32>,
        %parallel_loop3A_326 = arith.addi %parallel_loop3A_307, %add3A_68 : vector<16xi32>
        %parallel_loop3A_327 = arith.addf %parallel_loop3A_325, %parallel_loop3A_304 : vector<16xf32>
        tpu.vector_store_idx %arg9[%mul3A_5, %parallel_loop3A_326], %parallel_loop3A_327 : memref<8x1024xf32, #tpu.memory_space<vmem>>[vector<16xi32>, vector<16xi32>], vector<16xf32>,
        %parallel_loop3A_328 = arith.addi %mul3A_41, %parallel_loop3A_302 : vector<16xi32>
        %parallel_loop3A_329 = tpu.vector_load_idx %arg7[%mul3A_5, %parallel_loop3A_328] : memref<128x64xf32, #tpu.memory_space<vmem>>[vector<16xi32>, vector<16xi32>], vector<16xf32>,
        %parallel_loop3A_330 = arith.addi %parallel_loop3A_307, %add3A_71 : vector<16xi32>
        %parallel_loop3A_331 = arith.addf %parallel_loop3A_329, %parallel_loop3A_304 : vector<16xf32>
        tpu.vector_store_idx %arg9[%mul3A_5, %parallel_loop3A_330], %parallel_loop3A_331 : memref<8x1024xf32, #tpu.memory_space<vmem>>[vector<16xi32>, vector<16xi32>], vector<16xf32>,
        %parallel_loop3A_332 = arith.addi %mul3A_47, %parallel_loop3A_302 : vector<16xi32>
        %parallel_loop3A_333 = tpu.vector_load_idx %arg7[%mul3A_5, %parallel_loop3A_332] : memref<128x64xf32, #tpu.memory_space<vmem>>[vector<16xi32>, vector<16xi32>], vector<16xf32>,
        %parallel_loop3A_334 = arith.addi %parallel_loop3A_307, %add3A_74 : vector<16xi32>
        %parallel_loop3A_335 = arith.addf %parallel_loop3A_333, %parallel_loop3A_304 : vector<16xf32>
        tpu.vector_store_idx %arg9[%mul3A_5, %parallel_loop3A_334], %parallel_loop3A_335 : memref<8x1024xf32, #tpu.memory_space<vmem>>[vector<16xi32>, vector<16xi32>], vector<16xf32>,
        %parallel_loop3A_336 = arith.addi %mul3A_53, %parallel_loop3A_302 : vector<16xi32>
        %parallel_loop3A_337 = tpu.vector_load_idx %arg7[%mul3A_5, %parallel_loop3A_336] : memref<128x64xf32, #tpu.memory_space<vmem>>[vector<16xi32>, vector<16xi32>], vector<16xf32>,
        %parallel_loop3A_338 = arith.addi %parallel_loop3A_307, %add3A_77 : vector<16xi32>
        %parallel_loop3A_339 = arith.addf %parallel_loop3A_337, %parallel_loop3A_304 : vector<16xf32>
        tpu.vector_store_idx %arg9[%mul3A_5, %parallel_loop3A_338], %parallel_loop3A_339 : memref<8x1024xf32, #tpu.memory_space<vmem>>[vector<16xi32>, vector<16xi32>], vector<16xf32>,
        %parallel_loop3A_340 = arith.constant 32 : i32
        %parallel_loop3A_341 = vector.broadcast %parallel_loop3A_340 : i32 to vector<16xi32>
        %parallel_loop3A_342 = arith.addi %parallel_loop3A_199, %parallel_loop3A_341 : vector<16xi32>
        %parallel_loop3A_343 = arith.addi %parallel_loop3A_342, %broadcast_in_dim3A : vector<16xi32>
        %parallel_loop3A_344 = tpu.vector_load_idx %arg11[%mul3A_5, %parallel_loop3A_343] : memref<200x64xf32, #tpu.memory_space<vmem>>[vector<16xi32>, vector<16xi32>], vector<16xf32>,
        %parallel_loop3A_345 = arith.constant 4096 : i32
        %parallel_loop3A_346 = vector.broadcast %parallel_loop3A_345 : i32 to vector<16xi32>
        %parallel_loop3A_347 = arith.addi %parallel_loop3A_259, %parallel_loop3A_346 : vector<16xi32>
        %parallel_loop3A_348 = arith.addi %mul3A_11, %parallel_loop3A_342 : vector<16xi32>
        %parallel_loop3A_349 = tpu.vector_load_idx %arg7[%mul3A_5, %parallel_loop3A_348] : memref<128x64xf32, #tpu.memory_space<vmem>>[vector<16xi32>, vector<16xi32>], vector<16xf32>,
        %parallel_loop3A_350 = arith.addi %parallel_loop3A_347, %add3A_56 : vector<16xi32>
        %parallel_loop3A_351 = arith.addf %parallel_loop3A_349, %parallel_loop3A_344 : vector<16xf32>
        tpu.vector_store_idx %arg9[%mul3A_5, %parallel_loop3A_350], %parallel_loop3A_351 : memref<8x1024xf32, #tpu.memory_space<vmem>>[vector<16xi32>, vector<16xi32>], vector<16xf32>,
        %parallel_loop3A_352 = arith.addi %mul3A_17, %parallel_loop3A_342 : vector<16xi32>
        %parallel_loop3A_353 = tpu.vector_load_idx %arg7[%mul3A_5, %parallel_loop3A_352] : memref<128x64xf32, #tpu.memory_space<vmem>>[vector<16xi32>, vector<16xi32>], vector<16xf32>,
        %parallel_loop3A_354 = arith.addi %parallel_loop3A_347, %add3A_59 : vector<16xi32>
        %parallel_loop3A_355 = arith.addf %parallel_loop3A_353, %parallel_loop3A_344 : vector<16xf32>
        tpu.vector_store_idx %arg9[%mul3A_5, %parallel_loop3A_354], %parallel_loop3A_355 : memref<8x1024xf32, #tpu.memory_space<vmem>>[vector<16xi32>, vector<16xi32>], vector<16xf32>,
        %parallel_loop3A_356 = arith.addi %mul3A_23, %parallel_loop3A_342 : vector<16xi32>
        %parallel_loop3A_357 = tpu.vector_load_idx %arg7[%mul3A_5, %parallel_loop3A_356] : memref<128x64xf32, #tpu.memory_space<vmem>>[vector<16xi32>, vector<16xi32>], vector<16xf32>,
        %parallel_loop3A_358 = arith.addi %parallel_loop3A_347, %add3A_62 : vector<16xi32>
        %parallel_loop3A_359 = arith.addf %parallel_loop3A_357, %parallel_loop3A_344 : vector<16xf32>
        tpu.vector_store_idx %arg9[%mul3A_5, %parallel_loop3A_358], %parallel_loop3A_359 : memref<8x1024xf32, #tpu.memory_space<vmem>>[vector<16xi32>, vector<16xi32>], vector<16xf32>,
        %parallel_loop3A_360 = arith.addi %mul3A_29, %parallel_loop3A_342 : vector<16xi32>
        %parallel_loop3A_361 = tpu.vector_load_idx %arg7[%mul3A_5, %parallel_loop3A_360] : memref<128x64xf32, #tpu.memory_space<vmem>>[vector<16xi32>, vector<16xi32>], vector<16xf32>,
        %parallel_loop3A_362 = arith.addi %parallel_loop3A_347, %add3A_65 : vector<16xi32>
        %parallel_loop3A_363 = arith.addf %parallel_loop3A_361, %parallel_loop3A_344 : vector<16xf32>
        tpu.vector_store_idx %arg9[%mul3A_5, %parallel_loop3A_362], %parallel_loop3A_363 : memref<8x1024xf32, #tpu.memory_space<vmem>>[vector<16xi32>, vector<16xi32>], vector<16xf32>,
        %parallel_loop3A_364 = arith.addi %mul3A_35, %parallel_loop3A_342 : vector<16xi32>
        %parallel_loop3A_365 = tpu.vector_load_idx %arg7[%mul3A_5, %parallel_loop3A_364] : memref<128x64xf32, #tpu.memory_space<vmem>>[vector<16xi32>, vector<16xi32>], vector<16xf32>,
        %parallel_loop3A_366 = arith.addi %parallel_loop3A_347, %add3A_68 : vector<16xi32>
        %parallel_loop3A_367 = arith.addf %parallel_loop3A_365, %parallel_loop3A_344 : vector<16xf32>
        tpu.vector_store_idx %arg9[%mul3A_5, %parallel_loop3A_366], %parallel_loop3A_367 : memref<8x1024xf32, #tpu.memory_space<vmem>>[vector<16xi32>, vector<16xi32>], vector<16xf32>,
        %parallel_loop3A_368 = arith.addi %mul3A_41, %parallel_loop3A_342 : vector<16xi32>
        %parallel_loop3A_369 = tpu.vector_load_idx %arg7[%mul3A_5, %parallel_loop3A_368] : memref<128x64xf32, #tpu.memory_space<vmem>>[vector<16xi32>, vector<16xi32>], vector<16xf32>,
        %parallel_loop3A_370 = arith.addi %parallel_loop3A_347, %add3A_71 : vector<16xi32>
        %parallel_loop3A_371 = arith.addf %parallel_loop3A_369, %parallel_loop3A_344 : vector<16xf32>
        tpu.vector_store_idx %arg9[%mul3A_5, %parallel_loop3A_370], %parallel_loop3A_371 : memref<8x1024xf32, #tpu.memory_space<vmem>>[vector<16xi32>, vector<16xi32>], vector<16xf32>,
        %parallel_loop3A_372 = arith.addi %mul3A_47, %parallel_loop3A_342 : vector<16xi32>
        %parallel_loop3A_373 = tpu.vector_load_idx %arg7[%mul3A_5, %parallel_loop3A_372] : memref<128x64xf32, #tpu.memory_space<vmem>>[vector<16xi32>, vector<16xi32>], vector<16xf32>,
        %parallel_loop3A_374 = arith.addi %parallel_loop3A_347, %add3A_74 : vector<16xi32>
        %parallel_loop3A_375 = arith.addf %parallel_loop3A_373, %parallel_loop3A_344 : vector<16xf32>
        tpu.vector_store_idx %arg9[%mul3A_5, %parallel_loop3A_374], %parallel_loop3A_375 : memref<8x1024xf32, #tpu.memory_space<vmem>>[vector<16xi32>, vector<16xi32>], vector<16xf32>,
        %parallel_loop3A_376 = arith.addi %mul3A_53, %parallel_loop3A_342 : vector<16xi32>
        %parallel_loop3A_377 = tpu.vector_load_idx %arg7[%mul3A_5, %parallel_loop3A_376] : memref<128x64xf32, #tpu.memory_space<vmem>>[vector<16xi32>, vector<16xi32>], vector<16xf32>,
        %parallel_loop3A_378 = arith.addi %parallel_loop3A_347, %add3A_77 : vector<16xi32>
        %parallel_loop3A_379 = arith.addf %parallel_loop3A_377, %parallel_loop3A_344 : vector<16xf32>
        tpu.vector_store_idx %arg9[%mul3A_5, %parallel_loop3A_378], %parallel_loop3A_379 : memref<8x1024xf32, #tpu.memory_space<vmem>>[vector<16xi32>, vector<16xi32>], vector<16xf32>,
        %parallel_loop3A_380 = arith.constant 48 : i32
        %parallel_loop3A_381 = vector.broadcast %parallel_loop3A_380 : i32 to vector<16xi32>
        %parallel_loop3A_382 = arith.addi %parallel_loop3A_199, %parallel_loop3A_381 : vector<16xi32>
        %parallel_loop3A_383 = arith.addi %parallel_loop3A_382, %broadcast_in_dim3A : vector<16xi32>
        %parallel_loop3A_384 = tpu.vector_load_idx %arg11[%mul3A_5, %parallel_loop3A_383] : memref<200x64xf32, #tpu.memory_space<vmem>>[vector<16xi32>, vector<16xi32>], vector<16xf32>,
        %parallel_loop3A_385 = arith.constant 6144 : i32
        %parallel_loop3A_386 = vector.broadcast %parallel_loop3A_385 : i32 to vector<16xi32>
        %parallel_loop3A_387 = arith.addi %parallel_loop3A_259, %parallel_loop3A_386 : vector<16xi32>
        %parallel_loop3A_388 = arith.addi %mul3A_11, %parallel_loop3A_382 : vector<16xi32>
        %parallel_loop3A_389 = tpu.vector_load_idx %arg7[%mul3A_5, %parallel_loop3A_388] : memref<128x64xf32, #tpu.memory_space<vmem>>[vector<16xi32>, vector<16xi32>], vector<16xf32>,
        %parallel_loop3A_390 = arith.addi %parallel_loop3A_387, %add3A_56 : vector<16xi32>
        %parallel_loop3A_391 = arith.addf %parallel_loop3A_389, %parallel_loop3A_384 : vector<16xf32>
        tpu.vector_store_idx %arg9[%mul3A_5, %parallel_loop3A_390], %parallel_loop3A_391 : memref<8x1024xf32, #tpu.memory_space<vmem>>[vector<16xi32>, vector<16xi32>], vector<16xf32>,
        %parallel_loop3A_392 = arith.addi %mul3A_17, %parallel_loop3A_382 : vector<16xi32>
        %parallel_loop3A_393 = tpu.vector_load_idx %arg7[%mul3A_5, %parallel_loop3A_392] : memref<128x64xf32, #tpu.memory_space<vmem>>[vector<16xi32>, vector<16xi32>], vector<16xf32>,
        %parallel_loop3A_394 = arith.addi %parallel_loop3A_387, %add3A_59 : vector<16xi32>
        %parallel_loop3A_395 = arith.addf %parallel_loop3A_393, %parallel_loop3A_384 : vector<16xf32>
        tpu.vector_store_idx %arg9[%mul3A_5, %parallel_loop3A_394], %parallel_loop3A_395 : memref<8x1024xf32, #tpu.memory_space<vmem>>[vector<16xi32>, vector<16xi32>], vector<16xf32>,
        %parallel_loop3A_396 = arith.addi %mul3A_23, %parallel_loop3A_382 : vector<16xi32>
        %parallel_loop3A_397 = tpu.vector_load_idx %arg7[%mul3A_5, %parallel_loop3A_396] : memref<128x64xf32, #tpu.memory_space<vmem>>[vector<16xi32>, vector<16xi32>], vector<16xf32>,
        %parallel_loop3A_398 = arith.addi %parallel_loop3A_387, %add3A_62 : vector<16xi32>
        %parallel_loop3A_399 = arith.addf %parallel_loop3A_397, %parallel_loop3A_384 : vector<16xf32>
        tpu.vector_store_idx %arg9[%mul3A_5, %parallel_loop3A_398], %parallel_loop3A_399 : memref<8x1024xf32, #tpu.memory_space<vmem>>[vector<16xi32>, vector<16xi32>], vector<16xf32>,
        %parallel_loop3A_400 = arith.addi %mul3A_29, %parallel_loop3A_382 : vector<16xi32>
        %parallel_loop3A_401 = tpu.vector_load_idx %arg7[%mul3A_5, %parallel_loop3A_400] : memref<128x64xf32, #tpu.memory_space<vmem>>[vector<16xi32>, vector<16xi32>], vector<16xf32>,
        %parallel_loop3A_402 = arith.addi %parallel_loop3A_387, %add3A_65 : vector<16xi32>
        %parallel_loop3A_403 = arith.addf %parallel_loop3A_401, %parallel_loop3A_384 : vector<16xf32>
        tpu.vector_store_idx %arg9[%mul3A_5, %parallel_loop3A_402], %parallel_loop3A_403 : memref<8x1024xf32, #tpu.memory_space<vmem>>[vector<16xi32>, vector<16xi32>], vector<16xf32>,
        %parallel_loop3A_404 = arith.addi %mul3A_35, %parallel_loop3A_382 : vector<16xi32>
        %parallel_loop3A_405 = tpu.vector_load_idx %arg7[%mul3A_5, %parallel_loop3A_404] : memref<128x64xf32, #tpu.memory_space<vmem>>[vector<16xi32>, vector<16xi32>], vector<16xf32>,
        %parallel_loop3A_406 = arith.addi %parallel_loop3A_387, %add3A_68 : vector<16xi32>
        %parallel_loop3A_407 = arith.addf %parallel_loop3A_405, %parallel_loop3A_384 : vector<16xf32>
        tpu.vector_store_idx %arg9[%mul3A_5, %parallel_loop3A_406], %parallel_loop3A_407 : memref<8x1024xf32, #tpu.memory_space<vmem>>[vector<16xi32>, vector<16xi32>], vector<16xf32>,
        %parallel_loop3A_408 = arith.addi %mul3A_41, %parallel_loop3A_382 : vector<16xi32>
        %parallel_loop3A_409 = tpu.vector_load_idx %arg7[%mul3A_5, %parallel_loop3A_408] : memref<128x64xf32, #tpu.memory_space<vmem>>[vector<16xi32>, vector<16xi32>], vector<16xf32>,
        %parallel_loop3A_410 = arith.addi %parallel_loop3A_387, %add3A_71 : vector<16xi32>
        %parallel_loop3A_411 = arith.addf %parallel_loop3A_409, %parallel_loop3A_384 : vector<16xf32>
        tpu.vector_store_idx %arg9[%mul3A_5, %parallel_loop3A_410], %parallel_loop3A_411 : memref<8x1024xf32, #tpu.memory_space<vmem>>[vector<16xi32>, vector<16xi32>], vector<16xf32>,
        %parallel_loop3A_412 = arith.addi %mul3A_47, %parallel_loop3A_382 : vector<16xi32>
        %parallel_loop3A_413 = tpu.vector_load_idx %arg7[%mul3A_5, %parallel_loop3A_412] : memref<128x64xf32, #tpu.memory_space<vmem>>[vector<16xi32>, vector<16xi32>], vector<16xf32>,
        %parallel_loop3A_414 = arith.addi %parallel_loop3A_387, %add3A_74 : vector<16xi32>
        %parallel_loop3A_415 = arith.addf %parallel_loop3A_413, %parallel_loop3A_384 : vector<16xf32>
        tpu.vector_store_idx %arg9[%mul3A_5, %parallel_loop3A_414], %parallel_loop3A_415 : memref<8x1024xf32, #tpu.memory_space<vmem>>[vector<16xi32>, vector<16xi32>], vector<16xf32>,
        %parallel_loop3A_416 = arith.addi %mul3A_53, %parallel_loop3A_382 : vector<16xi32>
        %parallel_loop3A_417 = tpu.vector_load_idx %arg7[%mul3A_5, %parallel_loop3A_416] : memref<128x64xf32, #tpu.memory_space<vmem>>[vector<16xi32>, vector<16xi32>], vector<16xf32>,
        %parallel_loop3A_418 = arith.addi %parallel_loop3A_387, %add3A_77 : vector<16xi32>
        %parallel_loop3A_419 = arith.addf %parallel_loop3A_417, %parallel_loop3A_384 : vector<16xf32>
        tpu.vector_store_idx %arg9[%mul3A_5, %parallel_loop3A_418], %parallel_loop3A_419 : memref<8x1024xf32, #tpu.memory_space<vmem>>[vector<16xi32>, vector<16xi32>], vector<16xf32>,
      } {sc.loop_unroll_factor = 2 : i64, sc.parallel_access}
      %dma_start3A_131 = arith.constant 0 : i32
      %dma_start3A_132 = arith.constant 0 : i32
      %dma_start3A_133 = tpu.memref_slice %arg5[%add3A_112, %dma_start3A_131, %add3A, %dma_start3A_132] : memref<200x8x32x1024xf32, #tpu.memory_space<hbm>> -> memref<1x8x1x1024xf32, #tpu.memory_space<hbm>>
      %dma_start3A_134 = tpu.memref_squeeze %dma_start3A_133 : memref<1x8x1x1024xf32, #tpu.memory_space<hbm>> -> memref<8x1024xf32, #tpu.memory_space<hbm>>
      %dma_start3A_135 = arith.constant 0 : i32
      %dma_start3A_136 = arith.constant 0 : i32
      %dma_start3A_137 = tpu.memref_slice %arg5[%add3A_112, %dma_start3A_135, %add3A, %dma_start3A_136] : memref<200x8x32x1024xf32, #tpu.memory_space<hbm>> -> memref<1x8x1x1024xf32, #tpu.memory_space<hbm>>
      %dma_start3A_138 = tpu.memref_squeeze %dma_start3A_137 : memref<1x8x1x1024xf32, #tpu.memory_space<hbm>> -> memref<8x1024xf32, #tpu.memory_space<hbm>>
      tpu.enqueue_dma source(%arg9 : memref<8x1024xf32, #tpu.memory_space<vmem>>) target(%dma_start3A_138 : memref<8x1024xf32, #tpu.memory_space<hbm>>) target_semaphore(%arg14 : memref<!tpu.dma_semaphore, #tpu.memory_space<semaphore_mem>>)
      %mul3A_139 = arith.constant 2 : i32
      %mul3A_140 = arith.muli %mul3A_139, %scan3A_108 : i32
      %add3A_141 = arith.constant 1 : i32
      %add3A_142 = arith.addi %mul3A_140, %add3A_141 : i32
      %add3A_143 = arith.constant 1 : i32
      %add3A_144 = arith.addi %add3A_142, %add3A_143 : i32
      %lt3A_145 = arith.constant 200 : i32
      %lt3A_146 = arith.cmpi slt, %add3A_144, %lt3A_145 : i32
      %convert_element_type3A_147 = arith.extui %lt3A_146 : i1 to i32
      %cond3A_148 = arith.constant 0 : i32
      %cond3A_149 = arith.cmpi ne, %convert_element_type3A_147, %cond3A_148 : i32
      scf.if %cond3A_149 {
        %add3A_175 = arith.constant 1 : i32
        %add3A_176 = arith.addi %add3A_142, %add3A_175 : i32
        %dma_start3A_177 = arith.constant 0 : i32
        %dma_start3A_178 = tpu.memref_slice %arg6[%add3A_176, %dma_start3A_177] : memref<200x128xi32, #tpu.memory_space<vmem>> -> memref<1x128xi32, #tpu.memory_space<vmem>>
        %dma_start3A_179 = tpu.memref_squeeze %dma_start3A_178 : memref<1x128xi32, #tpu.memory_space<vmem>> -> memref<128xi32, #tpu.memory_space<vmem>>
        %dma_start3A_180 = arith.constant 0 : i32
        %dma_start3A_181 = arith.constant 0 : i32
        %dma_start3A_182 = tpu.memref_slice %arg4[%dma_start3A_180, %dma_start3A_181] : memref<1000000x64xf32, #tpu.memory_space<hbm>> -> memref<1000000x64xf32, #tpu.memory_space<hbm>>
        tpu.enqueue_indirect_dma source(%dma_start3A_182 : memref<1000000x64xf32, #tpu.memory_space<hbm>>) target(%arg7 : memref<128x64xf32, #tpu.memory_space<vmem>>) offsets(%dma_start3A_179 : memref<128xi32, #tpu.memory_space<vmem>>) semaphore(%arg12 : memref<!tpu.dma_semaphore, #tpu.memory_space<semaphore_mem>>)
      } else {
      }
      %dma_wait3A_150 = arith.constant 0 : i32
      %dma_wait3A_151 = arith.constant 0 : i32
      %dma_wait3A_152 = tpu.memref_slice %arg4[%dma_wait3A_150, %dma_wait3A_151] : memref<1000000x64xf32, #tpu.memory_space<hbm>> -> memref<128x64xf32, #tpu.memory_space<hbm>>
      %dma_wait3A_153 = arith.constant 0 : i32
      %dma_wait3A_154 = arith.constant 0 : i32
      %dma_wait3A_155 = tpu.memref_slice %arg4[%dma_wait3A_153, %dma_wait3A_154] : memref<1000000x64xf32, #tpu.memory_space<hbm>> -> memref<128x64xf32, #tpu.memory_space<hbm>>
      tpu.wait_dma2 semaphore(%arg13 : memref<!tpu.dma_semaphore, #tpu.memory_space<semaphore_mem>>) src(%dma_wait3A_155 : memref<128x64xf32, #tpu.memory_space<hbm>>) dst(%arg8 : memref<128x64xf32, #tpu.memory_space<vmem>>)
      %ge3A_156 = arith.constant 2 : i32
      %ge3A_157 = arith.cmpi sge, %add3A_142, %ge3A_156 : i32
      %convert_element_type3A_158 = arith.extui %ge3A_157 : i1 to i32
      %cond3A_159 = arith.constant 0 : i32
      %cond3A_160 = arith.cmpi ne, %convert_element_type3A_158, %cond3A_159 : i32
      scf.if %cond3A_160 {
        %dma_wait3A_175 = arith.constant 0 : i32
        %dma_wait3A_176 = arith.constant 0 : i32
        %dma_wait3A_177 = arith.constant 0 : i32
        %dma_wait3A_178 = arith.constant 0 : i32
        %dma_wait3A_179 = tpu.memref_slice %arg5[%dma_wait3A_175, %dma_wait3A_177, %dma_wait3A_176, %dma_wait3A_178] : memref<200x8x32x1024xf32, #tpu.memory_space<hbm>> -> memref<1x8x1x1024xf32, #tpu.memory_space<hbm>>
        %dma_wait3A_180 = tpu.memref_squeeze %dma_wait3A_179 : memref<1x8x1x1024xf32, #tpu.memory_space<hbm>> -> memref<8x1024xf32, #tpu.memory_space<hbm>>
        %dma_wait3A_181 = arith.constant 0 : i32
        %dma_wait3A_182 = arith.constant 0 : i32
        %dma_wait3A_183 = tpu.memref_slice %arg5[%dma_wait3A_175, %dma_wait3A_181, %dma_wait3A_176, %dma_wait3A_182] : memref<200x8x32x1024xf32, #tpu.memory_space<hbm>> -> memref<1x8x1x1024xf32, #tpu.memory_space<hbm>>
        %dma_wait3A_184 = tpu.memref_squeeze %dma_wait3A_183 : memref<1x8x1x1024xf32, #tpu.memory_space<hbm>> -> memref<8x1024xf32, #tpu.memory_space<hbm>>
        tpu.wait_dma2 semaphore(%arg15 : memref<!tpu.dma_semaphore, #tpu.memory_space<semaphore_mem>>) src(%dma_wait3A_184 : memref<8x1024xf32, #tpu.memory_space<hbm>>) dst(%arg10 : memref<8x1024xf32, #tpu.memory_space<vmem>>)
      } else {
      }
      %mul3A_161 = arith.constant 64 : i32
      %mul3A_162 = arith.muli %add3A_142, %mul3A_161 : i32
      %broadcast_in_dim3A_163 = vector.broadcast %mul3A_162 : i32 to vector<16xi32>
      %parallel_loop3A_164 = arith.constant 0 : i32
      %parallel_loop3A_165 = arith.constant 16 : i32
      %parallel_loop3A_166 = arith.constant 1 : i32
      scf.for %parallel_loop3A_175 = %parallel_loop3A_164 to %parallel_loop3A_165 step %parallel_loop3A_166  : i32 {
        %parallel_loop3A_176 = vector.broadcast %parallel_loop3A_175 : i32 to vector<16xi32>
        %parallel_loop3A_177 = arith.addi %iota3A, %parallel_loop3A_176 : vector<16xi32>
        %parallel_loop3A_178 = arith.constant 16 : i32
        %parallel_loop3A_179 = arith.constant 0 : i32
        %parallel_loop3A_180 = arith.cmpi eq, %parallel_loop3A_178, %parallel_loop3A_179 : i32
        %parallel_loop3A_181 = arith.constant 1 : i32
        %parallel_loop3A_182 = arith.select %parallel_loop3A_180, %parallel_loop3A_181, %parallel_loop3A_178 : i32
        %parallel_loop3A_183 = vector.broadcast %parallel_loop3A_182 : i32 to vector<16xi32>
        %parallel_loop3A_184 = arith.remsi %parallel_loop3A_177, %parallel_loop3A_183 : vector<16xi32>
        %parallel_loop3A_185 = arith.constant 0 : i32
        %parallel_loop3A_186 = vector.broadcast %parallel_loop3A_185 : i32 to vector<16xi32>
        %parallel_loop3A_187 = arith.cmpi ne, %parallel_loop3A_184, %parallel_loop3A_186 : vector<16xi32>
        %parallel_loop3A_188 = arith.constant 0 : i32
        %parallel_loop3A_189 = vector.broadcast %parallel_loop3A_188 : i32 to vector<16xi32>
        %parallel_loop3A_190 = arith.cmpi slt, %parallel_loop3A_184, %parallel_loop3A_189 : vector<16xi32>
        %parallel_loop3A_191 = arith.constant 0 : i32
        %parallel_loop3A_192 = arith.cmpi slt, %parallel_loop3A_182, %parallel_loop3A_191 : i32
        %parallel_loop3A_193 = vector.broadcast %parallel_loop3A_192 : i1 to vector<16xi1>
        %parallel_loop3A_194 = vector.broadcast %parallel_loop3A_193 : vector<16xi1> to vector<16xi1>
        %parallel_loop3A_195 = arith.xori %parallel_loop3A_190, %parallel_loop3A_194 : vector<16xi1>
        %parallel_loop3A_196 = arith.andi %parallel_loop3A_195, %parallel_loop3A_187 : vector<16xi1>
        %parallel_loop3A_197 = vector.broadcast %parallel_loop3A_182 : i32 to vector<16xi32>
        %parallel_loop3A_198 = arith.addi %parallel_loop3A_184, %parallel_loop3A_197 : vector<16xi32>
        %parallel_loop3A_199 = arith.select %parallel_loop3A_196, %parallel_loop3A_198, %parallel_loop3A_184 : vector<16xi1>, vector<16xi32>
        %parallel_loop3A_200 = arith.constant 8 : i32
        %parallel_loop3A_201 = arith.constant 0 : i32
        %parallel_loop3A_202 = arith.cmpi eq, %parallel_loop3A_200, %parallel_loop3A_201 : i32
        %parallel_loop3A_203 = arith.constant 1 : i32
        %parallel_loop3A_204 = arith.select %parallel_loop3A_202, %parallel_loop3A_203, %parallel_loop3A_200 : i32
        %parallel_loop3A_205 = vector.broadcast %parallel_loop3A_204 : i32 to vector<16xi32>
        %parallel_loop3A_206 = arith.remsi %parallel_loop3A_199, %parallel_loop3A_205 : vector<16xi32>
        %parallel_loop3A_207 = arith.constant 0 : i32
        %parallel_loop3A_208 = vector.broadcast %parallel_loop3A_207 : i32 to vector<16xi32>
        %parallel_loop3A_209 = arith.cmpi ne, %parallel_loop3A_206, %parallel_loop3A_208 : vector<16xi32>
        %parallel_loop3A_210 = arith.constant 0 : i32
        %parallel_loop3A_211 = vector.broadcast %parallel_loop3A_210 : i32 to vector<16xi32>
        %parallel_loop3A_212 = arith.cmpi slt, %parallel_loop3A_206, %parallel_loop3A_211 : vector<16xi32>
        %parallel_loop3A_213 = arith.constant 0 : i32
        %parallel_loop3A_214 = arith.cmpi slt, %parallel_loop3A_204, %parallel_loop3A_213 : i32
        %parallel_loop3A_215 = vector.broadcast %parallel_loop3A_214 : i1 to vector<16xi1>
        %parallel_loop3A_216 = vector.broadcast %parallel_loop3A_215 : vector<16xi1> to vector<16xi1>
        %parallel_loop3A_217 = arith.xori %parallel_loop3A_212, %parallel_loop3A_216 : vector<16xi1>
        %parallel_loop3A_218 = arith.andi %parallel_loop3A_217, %parallel_loop3A_209 : vector<16xi1>
        %parallel_loop3A_219 = vector.broadcast %parallel_loop3A_204 : i32 to vector<16xi32>
        %parallel_loop3A_220 = arith.addi %parallel_loop3A_206, %parallel_loop3A_219 : vector<16xi32>
        %parallel_loop3A_221 = arith.select %parallel_loop3A_218, %parallel_loop3A_220, %parallel_loop3A_206 : vector<16xi1>, vector<16xi32>
        %parallel_loop3A_222 = arith.constant 128 : i32
        %parallel_loop3A_223 = vector.broadcast %parallel_loop3A_222 : i32 to vector<16xi32>
        %parallel_loop3A_224 = arith.muli %parallel_loop3A_221, %parallel_loop3A_223 : vector<16xi32>
        %parallel_loop3A_225 = arith.constant 8 : i32
        %parallel_loop3A_226 = vector.broadcast %parallel_loop3A_225 : i32 to vector<16xi32>
        %parallel_loop3A_227 = arith.divsi %parallel_loop3A_199, %parallel_loop3A_226 : vector<16xi32>
        %parallel_loop3A_228 = arith.constant 0 : i32
        %parallel_loop3A_229 = vector.broadcast %parallel_loop3A_228 : i32 to vector<16xi32>
        %parallel_loop3A_230 = arith.cmpi sgt, %parallel_loop3A_199, %parallel_loop3A_229 : vector<16xi32>
        %parallel_loop3A_231 = arith.extui %parallel_loop3A_230 : vector<16xi1> to vector<16xi32>
        %parallel_loop3A_232 = arith.constant 0 : i32
        %parallel_loop3A_233 = vector.broadcast %parallel_loop3A_232 : i32 to vector<16xi32>
        %parallel_loop3A_234 = arith.cmpi slt, %parallel_loop3A_199, %parallel_loop3A_233 : vector<16xi32>
        %parallel_loop3A_235 = arith.extui %parallel_loop3A_234 : vector<16xi1> to vector<16xi32>
        %parallel_loop3A_236 = arith.subi %parallel_loop3A_231, %parallel_loop3A_235 : vector<16xi32>
        %parallel_loop3A_237 = arith.constant 0 : i32
        %parallel_loop3A_238 = arith.cmpi sgt, %parallel_loop3A_225, %parallel_loop3A_237 : i32
        %parallel_loop3A_239 = arith.extui %parallel_loop3A_238 : i1 to i32
        %parallel_loop3A_240 = arith.constant 0 : i32
        %parallel_loop3A_241 = arith.cmpi slt, %parallel_loop3A_225, %parallel_loop3A_240 : i32
        %parallel_loop3A_242 = arith.extui %parallel_loop3A_241 : i1 to i32
        %parallel_loop3A_243 = arith.subi %parallel_loop3A_239, %parallel_loop3A_242 : i32
        %parallel_loop3A_244 = vector.broadcast %parallel_loop3A_243 : i32 to vector<16xi32>
        %parallel_loop3A_245 = arith.cmpi ne, %parallel_loop3A_236, %parallel_loop3A_244 : vector<16xi32>
        %parallel_loop3A_246 = vector.broadcast %parallel_loop3A_225 : i32 to vector<16xi32>
        %parallel_loop3A_247 = arith.remsi %parallel_loop3A_199, %parallel_loop3A_246 : vector<16xi32>
        %parallel_loop3A_248 = arith.constant 0 : i32
        %parallel_loop3A_249 = vector.broadcast %parallel_loop3A_248 : i32 to vector<16xi32>
        %parallel_loop3A_250 = arith.cmpi ne, %parallel_loop3A_247, %parallel_loop3A_249 : vector<16xi32>
        %parallel_loop3A_251 = arith.andi %parallel_loop3A_245, %parallel_loop3A_250 : vector<16xi1>
        %parallel_loop3A_252 = arith.constant 1 : i32
        %parallel_loop3A_253 = vector.broadcast %parallel_loop3A_252 : i32 to vector<16xi32>
        %parallel_loop3A_254 = arith.subi %parallel_loop3A_227, %parallel_loop3A_253 : vector<16xi32>
        %parallel_loop3A_255 = arith.select %parallel_loop3A_251, %parallel_loop3A_254, %parallel_loop3A_227 : vector<16xi1>, vector<16xi32>
        %parallel_loop3A_256 = arith.constant 1024 : i32
        %parallel_loop3A_257 = vector.broadcast %parallel_loop3A_256 : i32 to vector<16xi32>
        %parallel_loop3A_258 = arith.muli %parallel_loop3A_255, %parallel_loop3A_257 : vector<16xi32>
        %parallel_loop3A_259 = arith.addi %parallel_loop3A_258, %parallel_loop3A_224 : vector<16xi32>
        %parallel_loop3A_260 = arith.constant 0 : i32
        %parallel_loop3A_261 = vector.broadcast %parallel_loop3A_260 : i32 to vector<16xi32>
        %parallel_loop3A_262 = arith.addi %parallel_loop3A_199, %parallel_loop3A_261 : vector<16xi32>
        %parallel_loop3A_263 = arith.addi %parallel_loop3A_262, %broadcast_in_dim3A_163 : vector<16xi32>
        %parallel_loop3A_264 = tpu.vector_load_idx %arg11[%mul3A_5, %parallel_loop3A_263] : memref<200x64xf32, #tpu.memory_space<vmem>>[vector<16xi32>, vector<16xi32>], vector<16xf32>,
        %parallel_loop3A_265 = arith.constant 0 : i32
        %parallel_loop3A_266 = vector.broadcast %parallel_loop3A_265 : i32 to vector<16xi32>
        %parallel_loop3A_267 = arith.addi %parallel_loop3A_259, %parallel_loop3A_266 : vector<16xi32>
        %parallel_loop3A_268 = arith.addi %mul3A_11, %parallel_loop3A_262 : vector<16xi32>
        %parallel_loop3A_269 = tpu.vector_load_idx %arg8[%mul3A_5, %parallel_loop3A_268] : memref<128x64xf32, #tpu.memory_space<vmem>>[vector<16xi32>, vector<16xi32>], vector<16xf32>,
        %parallel_loop3A_270 = arith.addi %parallel_loop3A_267, %add3A_56 : vector<16xi32>
        %parallel_loop3A_271 = arith.addf %parallel_loop3A_269, %parallel_loop3A_264 : vector<16xf32>
        tpu.vector_store_idx %arg10[%mul3A_5, %parallel_loop3A_270], %parallel_loop3A_271 : memref<8x1024xf32, #tpu.memory_space<vmem>>[vector<16xi32>, vector<16xi32>], vector<16xf32>,
        %parallel_loop3A_272 = arith.addi %mul3A_17, %parallel_loop3A_262 : vector<16xi32>
        %parallel_loop3A_273 = tpu.vector_load_idx %arg8[%mul3A_5, %parallel_loop3A_272] : memref<128x64xf32, #tpu.memory_space<vmem>>[vector<16xi32>, vector<16xi32>], vector<16xf32>,
        %parallel_loop3A_274 = arith.addi %parallel_loop3A_267, %add3A_59 : vector<16xi32>
        %parallel_loop3A_275 = arith.addf %parallel_loop3A_273, %parallel_loop3A_264 : vector<16xf32>
        tpu.vector_store_idx %arg10[%mul3A_5, %parallel_loop3A_274], %parallel_loop3A_275 : memref<8x1024xf32, #tpu.memory_space<vmem>>[vector<16xi32>, vector<16xi32>], vector<16xf32>,
        %parallel_loop3A_276 = arith.addi %mul3A_23, %parallel_loop3A_262 : vector<16xi32>
        %parallel_loop3A_277 = tpu.vector_load_idx %arg8[%mul3A_5, %parallel_loop3A_276] : memref<128x64xf32, #tpu.memory_space<vmem>>[vector<16xi32>, vector<16xi32>], vector<16xf32>,
        %parallel_loop3A_278 = arith.addi %parallel_loop3A_267, %add3A_62 : vector<16xi32>
        %parallel_loop3A_279 = arith.addf %parallel_loop3A_277, %parallel_loop3A_264 : vector<16xf32>
        tpu.vector_store_idx %arg10[%mul3A_5, %parallel_loop3A_278], %parallel_loop3A_279 : memref<8x1024xf32, #tpu.memory_space<vmem>>[vector<16xi32>, vector<16xi32>], vector<16xf32>,
        %parallel_loop3A_280 = arith.addi %mul3A_29, %parallel_loop3A_262 : vector<16xi32>
        %parallel_loop3A_281 = tpu.vector_load_idx %arg8[%mul3A_5, %parallel_loop3A_280] : memref<128x64xf32, #tpu.memory_space<vmem>>[vector<16xi32>, vector<16xi32>], vector<16xf32>,
        %parallel_loop3A_282 = arith.addi %parallel_loop3A_267, %add3A_65 : vector<16xi32>
        %parallel_loop3A_283 = arith.addf %parallel_loop3A_281, %parallel_loop3A_264 : vector<16xf32>
        tpu.vector_store_idx %arg10[%mul3A_5, %parallel_loop3A_282], %parallel_loop3A_283 : memref<8x1024xf32, #tpu.memory_space<vmem>>[vector<16xi32>, vector<16xi32>], vector<16xf32>,
        %parallel_loop3A_284 = arith.addi %mul3A_35, %parallel_loop3A_262 : vector<16xi32>
        %parallel_loop3A_285 = tpu.vector_load_idx %arg8[%mul3A_5, %parallel_loop3A_284] : memref<128x64xf32, #tpu.memory_space<vmem>>[vector<16xi32>, vector<16xi32>], vector<16xf32>,
        %parallel_loop3A_286 = arith.addi %parallel_loop3A_267, %add3A_68 : vector<16xi32>
        %parallel_loop3A_287 = arith.addf %parallel_loop3A_285, %parallel_loop3A_264 : vector<16xf32>
        tpu.vector_store_idx %arg10[%mul3A_5, %parallel_loop3A_286], %parallel_loop3A_287 : memref<8x1024xf32, #tpu.memory_space<vmem>>[vector<16xi32>, vector<16xi32>], vector<16xf32>,
        %parallel_loop3A_288 = arith.addi %mul3A_41, %parallel_loop3A_262 : vector<16xi32>
        %parallel_loop3A_289 = tpu.vector_load_idx %arg8[%mul3A_5, %parallel_loop3A_288] : memref<128x64xf32, #tpu.memory_space<vmem>>[vector<16xi32>, vector<16xi32>], vector<16xf32>,
        %parallel_loop3A_290 = arith.addi %parallel_loop3A_267, %add3A_71 : vector<16xi32>
        %parallel_loop3A_291 = arith.addf %parallel_loop3A_289, %parallel_loop3A_264 : vector<16xf32>
        tpu.vector_store_idx %arg10[%mul3A_5, %parallel_loop3A_290], %parallel_loop3A_291 : memref<8x1024xf32, #tpu.memory_space<vmem>>[vector<16xi32>, vector<16xi32>], vector<16xf32>,
        %parallel_loop3A_292 = arith.addi %mul3A_47, %parallel_loop3A_262 : vector<16xi32>
        %parallel_loop3A_293 = tpu.vector_load_idx %arg8[%mul3A_5, %parallel_loop3A_292] : memref<128x64xf32, #tpu.memory_space<vmem>>[vector<16xi32>, vector<16xi32>], vector<16xf32>,
        %parallel_loop3A_294 = arith.addi %parallel_loop3A_267, %add3A_74 : vector<16xi32>
        %parallel_loop3A_295 = arith.addf %parallel_loop3A_293, %parallel_loop3A_264 : vector<16xf32>
        tpu.vector_store_idx %arg10[%mul3A_5, %parallel_loop3A_294], %parallel_loop3A_295 : memref<8x1024xf32, #tpu.memory_space<vmem>>[vector<16xi32>, vector<16xi32>], vector<16xf32>,
        %parallel_loop3A_296 = arith.addi %mul3A_53, %parallel_loop3A_262 : vector<16xi32>
        %parallel_loop3A_297 = tpu.vector_load_idx %arg8[%mul3A_5, %parallel_loop3A_296] : memref<128x64xf32, #tpu.memory_space<vmem>>[vector<16xi32>, vector<16xi32>], vector<16xf32>,
        %parallel_loop3A_298 = arith.addi %parallel_loop3A_267, %add3A_77 : vector<16xi32>
        %parallel_loop3A_299 = arith.addf %parallel_loop3A_297, %parallel_loop3A_264 : vector<16xf32>
        tpu.vector_store_idx %arg10[%mul3A_5, %parallel_loop3A_298], %parallel_loop3A_299 : memref<8x1024xf32, #tpu.memory_space<vmem>>[vector<16xi32>, vector<16xi32>], vector<16xf32>,
        %parallel_loop3A_300 = arith.constant 16 : i32
        %parallel_loop3A_301 = vector.broadcast %parallel_loop3A_300 : i32 to vector<16xi32>
        %parallel_loop3A_302 = arith.addi %parallel_loop3A_199, %parallel_loop3A_301 : vector<16xi32>
        %parallel_loop3A_303 = arith.addi %parallel_loop3A_302, %broadcast_in_dim3A_163 : vector<16xi32>
        %parallel_loop3A_304 = tpu.vector_load_idx %arg11[%mul3A_5, %parallel_loop3A_303] : memref<200x64xf32, #tpu.memory_space<vmem>>[vector<16xi32>, vector<16xi32>], vector<16xf32>,
        %parallel_loop3A_305 = arith.constant 2048 : i32
        %parallel_loop3A_306 = vector.broadcast %parallel_loop3A_305 : i32 to vector<16xi32>
        %parallel_loop3A_307 = arith.addi %parallel_loop3A_259, %parallel_loop3A_306 : vector<16xi32>
        %parallel_loop3A_308 = arith.addi %mul3A_11, %parallel_loop3A_302 : vector<16xi32>
        %parallel_loop3A_309 = tpu.vector_load_idx %arg8[%mul3A_5, %parallel_loop3A_308] : memref<128x64xf32, #tpu.memory_space<vmem>>[vector<16xi32>, vector<16xi32>], vector<16xf32>,
        %parallel_loop3A_310 = arith.addi %parallel_loop3A_307, %add3A_56 : vector<16xi32>
        %parallel_loop3A_311 = arith.addf %parallel_loop3A_309, %parallel_loop3A_304 : vector<16xf32>
        tpu.vector_store_idx %arg10[%mul3A_5, %parallel_loop3A_310], %parallel_loop3A_311 : memref<8x1024xf32, #tpu.memory_space<vmem>>[vector<16xi32>, vector<16xi32>], vector<16xf32>,
        %parallel_loop3A_312 = arith.addi %mul3A_17, %parallel_loop3A_302 : vector<16xi32>
        %parallel_loop3A_313 = tpu.vector_load_idx %arg8[%mul3A_5, %parallel_loop3A_312] : memref<128x64xf32, #tpu.memory_space<vmem>>[vector<16xi32>, vector<16xi32>], vector<16xf32>,
        %parallel_loop3A_314 = arith.addi %parallel_loop3A_307, %add3A_59 : vector<16xi32>
        %parallel_loop3A_315 = arith.addf %parallel_loop3A_313, %parallel_loop3A_304 : vector<16xf32>
        tpu.vector_store_idx %arg10[%mul3A_5, %parallel_loop3A_314], %parallel_loop3A_315 : memref<8x1024xf32, #tpu.memory_space<vmem>>[vector<16xi32>, vector<16xi32>], vector<16xf32>,
        %parallel_loop3A_316 = arith.addi %mul3A_23, %parallel_loop3A_302 : vector<16xi32>
        %parallel_loop3A_317 = tpu.vector_load_idx %arg8[%mul3A_5, %parallel_loop3A_316] : memref<128x64xf32, #tpu.memory_space<vmem>>[vector<16xi32>, vector<16xi32>], vector<16xf32>,
        %parallel_loop3A_318 = arith.addi %parallel_loop3A_307, %add3A_62 : vector<16xi32>
        %parallel_loop3A_319 = arith.addf %parallel_loop3A_317, %parallel_loop3A_304 : vector<16xf32>
        tpu.vector_store_idx %arg10[%mul3A_5, %parallel_loop3A_318], %parallel_loop3A_319 : memref<8x1024xf32, #tpu.memory_space<vmem>>[vector<16xi32>, vector<16xi32>], vector<16xf32>,
        %parallel_loop3A_320 = arith.addi %mul3A_29, %parallel_loop3A_302 : vector<16xi32>
        %parallel_loop3A_321 = tpu.vector_load_idx %arg8[%mul3A_5, %parallel_loop3A_320] : memref<128x64xf32, #tpu.memory_space<vmem>>[vector<16xi32>, vector<16xi32>], vector<16xf32>,
        %parallel_loop3A_322 = arith.addi %parallel_loop3A_307, %add3A_65 : vector<16xi32>
        %parallel_loop3A_323 = arith.addf %parallel_loop3A_321, %parallel_loop3A_304 : vector<16xf32>
        tpu.vector_store_idx %arg10[%mul3A_5, %parallel_loop3A_322], %parallel_loop3A_323 : memref<8x1024xf32, #tpu.memory_space<vmem>>[vector<16xi32>, vector<16xi32>], vector<16xf32>,
        %parallel_loop3A_324 = arith.addi %mul3A_35, %parallel_loop3A_302 : vector<16xi32>
        %parallel_loop3A_325 = tpu.vector_load_idx %arg8[%mul3A_5, %parallel_loop3A_324] : memref<128x64xf32, #tpu.memory_space<vmem>>[vector<16xi32>, vector<16xi32>], vector<16xf32>,
        %parallel_loop3A_326 = arith.addi %parallel_loop3A_307, %add3A_68 : vector<16xi32>
        %parallel_loop3A_327 = arith.addf %parallel_loop3A_325, %parallel_loop3A_304 : vector<16xf32>
        tpu.vector_store_idx %arg10[%mul3A_5, %parallel_loop3A_326], %parallel_loop3A_327 : memref<8x1024xf32, #tpu.memory_space<vmem>>[vector<16xi32>, vector<16xi32>], vector<16xf32>,
        %parallel_loop3A_328 = arith.addi %mul3A_41, %parallel_loop3A_302 : vector<16xi32>
        %parallel_loop3A_329 = tpu.vector_load_idx %arg8[%mul3A_5, %parallel_loop3A_328] : memref<128x64xf32, #tpu.memory_space<vmem>>[vector<16xi32>, vector<16xi32>], vector<16xf32>,
        %parallel_loop3A_330 = arith.addi %parallel_loop3A_307, %add3A_71 : vector<16xi32>
        %parallel_loop3A_331 = arith.addf %parallel_loop3A_329, %parallel_loop3A_304 : vector<16xf32>
        tpu.vector_store_idx %arg10[%mul3A_5, %parallel_loop3A_330], %parallel_loop3A_331 : memref<8x1024xf32, #tpu.memory_space<vmem>>[vector<16xi32>, vector<16xi32>], vector<16xf32>,
        %parallel_loop3A_332 = arith.addi %mul3A_47, %parallel_loop3A_302 : vector<16xi32>
        %parallel_loop3A_333 = tpu.vector_load_idx %arg8[%mul3A_5, %parallel_loop3A_332] : memref<128x64xf32, #tpu.memory_space<vmem>>[vector<16xi32>, vector<16xi32>], vector<16xf32>,
        %parallel_loop3A_334 = arith.addi %parallel_loop3A_307, %add3A_74 : vector<16xi32>
        %parallel_loop3A_335 = arith.addf %parallel_loop3A_333, %parallel_loop3A_304 : vector<16xf32>
        tpu.vector_store_idx %arg10[%mul3A_5, %parallel_loop3A_334], %parallel_loop3A_335 : memref<8x1024xf32, #tpu.memory_space<vmem>>[vector<16xi32>, vector<16xi32>], vector<16xf32>,
        %parallel_loop3A_336 = arith.addi %mul3A_53, %parallel_loop3A_302 : vector<16xi32>
        %parallel_loop3A_337 = tpu.vector_load_idx %arg8[%mul3A_5, %parallel_loop3A_336] : memref<128x64xf32, #tpu.memory_space<vmem>>[vector<16xi32>, vector<16xi32>], vector<16xf32>,
        %parallel_loop3A_338 = arith.addi %parallel_loop3A_307, %add3A_77 : vector<16xi32>
        %parallel_loop3A_339 = arith.addf %parallel_loop3A_337, %parallel_loop3A_304 : vector<16xf32>
        tpu.vector_store_idx %arg10[%mul3A_5, %parallel_loop3A_338], %parallel_loop3A_339 : memref<8x1024xf32, #tpu.memory_space<vmem>>[vector<16xi32>, vector<16xi32>], vector<16xf32>,
        %parallel_loop3A_340 = arith.constant 32 : i32
        %parallel_loop3A_341 = vector.broadcast %parallel_loop3A_340 : i32 to vector<16xi32>
        %parallel_loop3A_342 = arith.addi %parallel_loop3A_199, %parallel_loop3A_341 : vector<16xi32>
        %parallel_loop3A_343 = arith.addi %parallel_loop3A_342, %broadcast_in_dim3A_163 : vector<16xi32>
        %parallel_loop3A_344 = tpu.vector_load_idx %arg11[%mul3A_5, %parallel_loop3A_343] : memref<200x64xf32, #tpu.memory_space<vmem>>[vector<16xi32>, vector<16xi32>], vector<16xf32>,
        %parallel_loop3A_345 = arith.constant 4096 : i32
        %parallel_loop3A_346 = vector.broadcast %parallel_loop3A_345 : i32 to vector<16xi32>
        %parallel_loop3A_347 = arith.addi %parallel_loop3A_259, %parallel_loop3A_346 : vector<16xi32>
        %parallel_loop3A_348 = arith.addi %mul3A_11, %parallel_loop3A_342 : vector<16xi32>
        %parallel_loop3A_349 = tpu.vector_load_idx %arg8[%mul3A_5, %parallel_loop3A_348] : memref<128x64xf32, #tpu.memory_space<vmem>>[vector<16xi32>, vector<16xi32>], vector<16xf32>,
        %parallel_loop3A_350 = arith.addi %parallel_loop3A_347, %add3A_56 : vector<16xi32>
        %parallel_loop3A_351 = arith.addf %parallel_loop3A_349, %parallel_loop3A_344 : vector<16xf32>
        tpu.vector_store_idx %arg10[%mul3A_5, %parallel_loop3A_350], %parallel_loop3A_351 : memref<8x1024xf32, #tpu.memory_space<vmem>>[vector<16xi32>, vector<16xi32>], vector<16xf32>,
        %parallel_loop3A_352 = arith.addi %mul3A_17, %parallel_loop3A_342 : vector<16xi32>
        %parallel_loop3A_353 = tpu.vector_load_idx %arg8[%mul3A_5, %parallel_loop3A_352] : memref<128x64xf32, #tpu.memory_space<vmem>>[vector<16xi32>, vector<16xi32>], vector<16xf32>,
        %parallel_loop3A_354 = arith.addi %parallel_loop3A_347, %add3A_59 : vector<16xi32>
        %parallel_loop3A_355 = arith.addf %parallel_loop3A_353, %parallel_loop3A_344 : vector<16xf32>
        tpu.vector_store_idx %arg10[%mul3A_5, %parallel_loop3A_354], %parallel_loop3A_355 : memref<8x1024xf32, #tpu.memory_space<vmem>>[vector<16xi32>, vector<16xi32>], vector<16xf32>,
        %parallel_loop3A_356 = arith.addi %mul3A_23, %parallel_loop3A_342 : vector<16xi32>
        %parallel_loop3A_357 = tpu.vector_load_idx %arg8[%mul3A_5, %parallel_loop3A_356] : memref<128x64xf32, #tpu.memory_space<vmem>>[vector<16xi32>, vector<16xi32>], vector<16xf32>,
        %parallel_loop3A_358 = arith.addi %parallel_loop3A_347, %add3A_62 : vector<16xi32>
        %parallel_loop3A_359 = arith.addf %parallel_loop3A_357, %parallel_loop3A_344 : vector<16xf32>
        tpu.vector_store_idx %arg10[%mul3A_5, %parallel_loop3A_358], %parallel_loop3A_359 : memref<8x1024xf32, #tpu.memory_space<vmem>>[vector<16xi32>, vector<16xi32>], vector<16xf32>,
        %parallel_loop3A_360 = arith.addi %mul3A_29, %parallel_loop3A_342 : vector<16xi32>
        %parallel_loop3A_361 = tpu.vector_load_idx %arg8[%mul3A_5, %parallel_loop3A_360] : memref<128x64xf32, #tpu.memory_space<vmem>>[vector<16xi32>, vector<16xi32>], vector<16xf32>,
        %parallel_loop3A_362 = arith.addi %parallel_loop3A_347, %add3A_65 : vector<16xi32>
        %parallel_loop3A_363 = arith.addf %parallel_loop3A_361, %parallel_loop3A_344 : vector<16xf32>
        tpu.vector_store_idx %arg10[%mul3A_5, %parallel_loop3A_362], %parallel_loop3A_363 : memref<8x1024xf32, #tpu.memory_space<vmem>>[vector<16xi32>, vector<16xi32>], vector<16xf32>,
        %parallel_loop3A_364 = arith.addi %mul3A_35, %parallel_loop3A_342 : vector<16xi32>
        %parallel_loop3A_365 = tpu.vector_load_idx %arg8[%mul3A_5, %parallel_loop3A_364] : memref<128x64xf32, #tpu.memory_space<vmem>>[vector<16xi32>, vector<16xi32>], vector<16xf32>,
        %parallel_loop3A_366 = arith.addi %parallel_loop3A_347, %add3A_68 : vector<16xi32>
        %parallel_loop3A_367 = arith.addf %parallel_loop3A_365, %parallel_loop3A_344 : vector<16xf32>
        tpu.vector_store_idx %arg10[%mul3A_5, %parallel_loop3A_366], %parallel_loop3A_367 : memref<8x1024xf32, #tpu.memory_space<vmem>>[vector<16xi32>, vector<16xi32>], vector<16xf32>,
        %parallel_loop3A_368 = arith.addi %mul3A_41, %parallel_loop3A_342 : vector<16xi32>
        %parallel_loop3A_369 = tpu.vector_load_idx %arg8[%mul3A_5, %parallel_loop3A_368] : memref<128x64xf32, #tpu.memory_space<vmem>>[vector<16xi32>, vector<16xi32>], vector<16xf32>,
        %parallel_loop3A_370 = arith.addi %parallel_loop3A_347, %add3A_71 : vector<16xi32>
        %parallel_loop3A_371 = arith.addf %parallel_loop3A_369, %parallel_loop3A_344 : vector<16xf32>
        tpu.vector_store_idx %arg10[%mul3A_5, %parallel_loop3A_370], %parallel_loop3A_371 : memref<8x1024xf32, #tpu.memory_space<vmem>>[vector<16xi32>, vector<16xi32>], vector<16xf32>,
        %parallel_loop3A_372 = arith.addi %mul3A_47, %parallel_loop3A_342 : vector<16xi32>
        %parallel_loop3A_373 = tpu.vector_load_idx %arg8[%mul3A_5, %parallel_loop3A_372] : memref<128x64xf32, #tpu.memory_space<vmem>>[vector<16xi32>, vector<16xi32>], vector<16xf32>,
        %parallel_loop3A_374 = arith.addi %parallel_loop3A_347, %add3A_74 : vector<16xi32>
        %parallel_loop3A_375 = arith.addf %parallel_loop3A_373, %parallel_loop3A_344 : vector<16xf32>
        tpu.vector_store_idx %arg10[%mul3A_5, %parallel_loop3A_374], %parallel_loop3A_375 : memref<8x1024xf32, #tpu.memory_space<vmem>>[vector<16xi32>, vector<16xi32>], vector<16xf32>,
        %parallel_loop3A_376 = arith.addi %mul3A_53, %parallel_loop3A_342 : vector<16xi32>
        %parallel_loop3A_377 = tpu.vector_load_idx %arg8[%mul3A_5, %parallel_loop3A_376] : memref<128x64xf32, #tpu.memory_space<vmem>>[vector<16xi32>, vector<16xi32>], vector<16xf32>,
        %parallel_loop3A_378 = arith.addi %parallel_loop3A_347, %add3A_77 : vector<16xi32>
        %parallel_loop3A_379 = arith.addf %parallel_loop3A_377, %parallel_loop3A_344 : vector<16xf32>
        tpu.vector_store_idx %arg10[%mul3A_5, %parallel_loop3A_378], %parallel_loop3A_379 : memref<8x1024xf32, #tpu.memory_space<vmem>>[vector<16xi32>, vector<16xi32>], vector<16xf32>,
        %parallel_loop3A_380 = arith.constant 48 : i32
        %parallel_loop3A_381 = vector.broadcast %parallel_loop3A_380 : i32 to vector<16xi32>
        %parallel_loop3A_382 = arith.addi %parallel_loop3A_199, %parallel_loop3A_381 : vector<16xi32>
        %parallel_loop3A_383 = arith.addi %parallel_loop3A_382, %broadcast_in_dim3A_163 : vector<16xi32>
        %parallel_loop3A_384 = tpu.vector_load_idx %arg11[%mul3A_5, %parallel_loop3A_383] : memref<200x64xf32, #tpu.memory_space<vmem>>[vector<16xi32>, vector<16xi32>], vector<16xf32>,
        %parallel_loop3A_385 = arith.constant 6144 : i32
        %parallel_loop3A_386 = vector.broadcast %parallel_loop3A_385 : i32 to vector<16xi32>
        %parallel_loop3A_387 = arith.addi %parallel_loop3A_259, %parallel_loop3A_386 : vector<16xi32>
        %parallel_loop3A_388 = arith.addi %mul3A_11, %parallel_loop3A_382 : vector<16xi32>
        %parallel_loop3A_389 = tpu.vector_load_idx %arg8[%mul3A_5, %parallel_loop3A_388] : memref<128x64xf32, #tpu.memory_space<vmem>>[vector<16xi32>, vector<16xi32>], vector<16xf32>,
        %parallel_loop3A_390 = arith.addi %parallel_loop3A_387, %add3A_56 : vector<16xi32>
        %parallel_loop3A_391 = arith.addf %parallel_loop3A_389, %parallel_loop3A_384 : vector<16xf32>
        tpu.vector_store_idx %arg10[%mul3A_5, %parallel_loop3A_390], %parallel_loop3A_391 : memref<8x1024xf32, #tpu.memory_space<vmem>>[vector<16xi32>, vector<16xi32>], vector<16xf32>,
        %parallel_loop3A_392 = arith.addi %mul3A_17, %parallel_loop3A_382 : vector<16xi32>
        %parallel_loop3A_393 = tpu.vector_load_idx %arg8[%mul3A_5, %parallel_loop3A_392] : memref<128x64xf32, #tpu.memory_space<vmem>>[vector<16xi32>, vector<16xi32>], vector<16xf32>,
        %parallel_loop3A_394 = arith.addi %parallel_loop3A_387, %add3A_59 : vector<16xi32>
        %parallel_loop3A_395 = arith.addf %parallel_loop3A_393, %parallel_loop3A_384 : vector<16xf32>
        tpu.vector_store_idx %arg10[%mul3A_5, %parallel_loop3A_394], %parallel_loop3A_395 : memref<8x1024xf32, #tpu.memory_space<vmem>>[vector<16xi32>, vector<16xi32>], vector<16xf32>,
        %parallel_loop3A_396 = arith.addi %mul3A_23, %parallel_loop3A_382 : vector<16xi32>
        %parallel_loop3A_397 = tpu.vector_load_idx %arg8[%mul3A_5, %parallel_loop3A_396] : memref<128x64xf32, #tpu.memory_space<vmem>>[vector<16xi32>, vector<16xi32>], vector<16xf32>,
        %parallel_loop3A_398 = arith.addi %parallel_loop3A_387, %add3A_62 : vector<16xi32>
        %parallel_loop3A_399 = arith.addf %parallel_loop3A_397, %parallel_loop3A_384 : vector<16xf32>
        tpu.vector_store_idx %arg10[%mul3A_5, %parallel_loop3A_398], %parallel_loop3A_399 : memref<8x1024xf32, #tpu.memory_space<vmem>>[vector<16xi32>, vector<16xi32>], vector<16xf32>,
        %parallel_loop3A_400 = arith.addi %mul3A_29, %parallel_loop3A_382 : vector<16xi32>
        %parallel_loop3A_401 = tpu.vector_load_idx %arg8[%mul3A_5, %parallel_loop3A_400] : memref<128x64xf32, #tpu.memory_space<vmem>>[vector<16xi32>, vector<16xi32>], vector<16xf32>,
        %parallel_loop3A_402 = arith.addi %parallel_loop3A_387, %add3A_65 : vector<16xi32>
        %parallel_loop3A_403 = arith.addf %parallel_loop3A_401, %parallel_loop3A_384 : vector<16xf32>
        tpu.vector_store_idx %arg10[%mul3A_5, %parallel_loop3A_402], %parallel_loop3A_403 : memref<8x1024xf32, #tpu.memory_space<vmem>>[vector<16xi32>, vector<16xi32>], vector<16xf32>,
        %parallel_loop3A_404 = arith.addi %mul3A_35, %parallel_loop3A_382 : vector<16xi32>
        %parallel_loop3A_405 = tpu.vector_load_idx %arg8[%mul3A_5, %parallel_loop3A_404] : memref<128x64xf32, #tpu.memory_space<vmem>>[vector<16xi32>, vector<16xi32>], vector<16xf32>,
        %parallel_loop3A_406 = arith.addi %parallel_loop3A_387, %add3A_68 : vector<16xi32>
        %parallel_loop3A_407 = arith.addf %parallel_loop3A_405, %parallel_loop3A_384 : vector<16xf32>
        tpu.vector_store_idx %arg10[%mul3A_5, %parallel_loop3A_406], %parallel_loop3A_407 : memref<8x1024xf32, #tpu.memory_space<vmem>>[vector<16xi32>, vector<16xi32>], vector<16xf32>,
        %parallel_loop3A_408 = arith.addi %mul3A_41, %parallel_loop3A_382 : vector<16xi32>
        %parallel_loop3A_409 = tpu.vector_load_idx %arg8[%mul3A_5, %parallel_loop3A_408] : memref<128x64xf32, #tpu.memory_space<vmem>>[vector<16xi32>, vector<16xi32>], vector<16xf32>,
        %parallel_loop3A_410 = arith.addi %parallel_loop3A_387, %add3A_71 : vector<16xi32>
        %parallel_loop3A_411 = arith.addf %parallel_loop3A_409, %parallel_loop3A_384 : vector<16xf32>
        tpu.vector_store_idx %arg10[%mul3A_5, %parallel_loop3A_410], %parallel_loop3A_411 : memref<8x1024xf32, #tpu.memory_space<vmem>>[vector<16xi32>, vector<16xi32>], vector<16xf32>,
        %parallel_loop3A_412 = arith.addi %mul3A_47, %parallel_loop3A_382 : vector<16xi32>
        %parallel_loop3A_413 = tpu.vector_load_idx %arg8[%mul3A_5, %parallel_loop3A_412] : memref<128x64xf32, #tpu.memory_space<vmem>>[vector<16xi32>, vector<16xi32>], vector<16xf32>,
        %parallel_loop3A_414 = arith.addi %parallel_loop3A_387, %add3A_74 : vector<16xi32>
        %parallel_loop3A_415 = arith.addf %parallel_loop3A_413, %parallel_loop3A_384 : vector<16xf32>
        tpu.vector_store_idx %arg10[%mul3A_5, %parallel_loop3A_414], %parallel_loop3A_415 : memref<8x1024xf32, #tpu.memory_space<vmem>>[vector<16xi32>, vector<16xi32>], vector<16xf32>,
        %parallel_loop3A_416 = arith.addi %mul3A_53, %parallel_loop3A_382 : vector<16xi32>
        %parallel_loop3A_417 = tpu.vector_load_idx %arg8[%mul3A_5, %parallel_loop3A_416] : memref<128x64xf32, #tpu.memory_space<vmem>>[vector<16xi32>, vector<16xi32>], vector<16xf32>,
        %parallel_loop3A_418 = arith.addi %parallel_loop3A_387, %add3A_77 : vector<16xi32>
        %parallel_loop3A_419 = arith.addf %parallel_loop3A_417, %parallel_loop3A_384 : vector<16xf32>
        tpu.vector_store_idx %arg10[%mul3A_5, %parallel_loop3A_418], %parallel_loop3A_419 : memref<8x1024xf32, #tpu.memory_space<vmem>>[vector<16xi32>, vector<16xi32>], vector<16xf32>,
      } {sc.loop_unroll_factor = 2 : i64, sc.parallel_access}
      %dma_start3A_167 = arith.constant 0 : i32
      %dma_start3A_168 = arith.constant 0 : i32
      %dma_start3A_169 = tpu.memref_slice %arg5[%add3A_142, %dma_start3A_167, %add3A, %dma_start3A_168] : memref<200x8x32x1024xf32, #tpu.memory_space<hbm>> -> memref<1x8x1x1024xf32, #tpu.memory_space<hbm>>
      %dma_start3A_170 = tpu.memref_squeeze %dma_start3A_169 : memref<1x8x1x1024xf32, #tpu.memory_space<hbm>> -> memref<8x1024xf32, #tpu.memory_space<hbm>>
      %dma_start3A_171 = arith.constant 0 : i32
      %dma_start3A_172 = arith.constant 0 : i32
      %dma_start3A_173 = tpu.memref_slice %arg5[%add3A_142, %dma_start3A_171, %add3A, %dma_start3A_172] : memref<200x8x32x1024xf32, #tpu.memory_space<hbm>> -> memref<1x8x1x1024xf32, #tpu.memory_space<hbm>>
      %dma_start3A_174 = tpu.memref_squeeze %dma_start3A_173 : memref<1x8x1x1024xf32, #tpu.memory_space<hbm>> -> memref<8x1024xf32, #tpu.memory_space<hbm>>
      tpu.enqueue_dma source(%arg10 : memref<8x1024xf32, #tpu.memory_space<vmem>>) target(%dma_start3A_174 : memref<8x1024xf32, #tpu.memory_space<hbm>>) target_semaphore(%arg15 : memref<!tpu.dma_semaphore, #tpu.memory_space<semaphore_mem>>)
    }
    %scan3A_88 = arith.constant 100 : i32
    %dma_wait3A = arith.constant 0 : i32
    %dma_wait3A_89 = arith.constant 0 : i32
    %dma_wait3A_90 = arith.constant 0 : i32
    %dma_wait3A_91 = arith.constant 0 : i32
    %dma_wait3A_92 = tpu.memref_slice %arg5[%dma_wait3A, %dma_wait3A_90, %dma_wait3A_89, %dma_wait3A_91] : memref<200x8x32x1024xf32, #tpu.memory_space<hbm>> -> memref<1x8x1x1024xf32, #tpu.memory_space<hbm>>
    %dma_wait3A_93 = tpu.memref_squeeze %dma_wait3A_92 : memref<1x8x1x1024xf32, #tpu.memory_space<hbm>> -> memref<8x1024xf32, #tpu.memory_space<hbm>>
    %dma_wait3A_94 = arith.constant 0 : i32
    %dma_wait3A_95 = arith.constant 0 : i32
    %dma_wait3A_96 = tpu.memref_slice %arg5[%dma_wait3A, %dma_wait3A_94, %dma_wait3A_89, %dma_wait3A_95] : memref<200x8x32x1024xf32, #tpu.memory_space<hbm>> -> memref<1x8x1x1024xf32, #tpu.memory_space<hbm>>
    %dma_wait3A_97 = tpu.memref_squeeze %dma_wait3A_96 : memref<1x8x1x1024xf32, #tpu.memory_space<hbm>> -> memref<8x1024xf32, #tpu.memory_space<hbm>>
    tpu.wait_dma2 semaphore(%arg14 : memref<!tpu.dma_semaphore, #tpu.memory_space<semaphore_mem>>) src(%dma_wait3A_97 : memref<8x1024xf32, #tpu.memory_space<hbm>>) dst(%arg9 : memref<8x1024xf32, #tpu.memory_space<vmem>>)
    %dma_wait3A_98 = arith.constant 0 : i32
    %dma_wait3A_99 = arith.constant 0 : i32
    %dma_wait3A_100 = arith.constant 0 : i32
    %dma_wait3A_101 = arith.constant 0 : i32
    %dma_wait3A_102 = tpu.memref_slice %arg5[%dma_wait3A_98, %dma_wait3A_100, %dma_wait3A_99, %dma_wait3A_101] : memref<200x8x32x1024xf32, #tpu.memory_space<hbm>> -> memref<1x8x1x1024xf32, #tpu.memory_space<hbm>>
    %dma_wait3A_103 = tpu.memref_squeeze %dma_wait3A_102 : memref<1x8x1x1024xf32, #tpu.memory_space<hbm>> -> memref<8x1024xf32, #tpu.memory_space<hbm>>
    %dma_wait3A_104 = arith.constant 0 : i32
    %dma_wait3A_105 = arith.constant 0 : i32
    %dma_wait3A_106 = tpu.memref_slice %arg5[%dma_wait3A_98, %dma_wait3A_104, %dma_wait3A_99, %dma_wait3A_105] : memref<200x8x32x1024xf32, #tpu.memory_space<hbm>> -> memref<1x8x1x1024xf32, #tpu.memory_space<hbm>>
    %dma_wait3A_107 = tpu.memref_squeeze %dma_wait3A_106 : memref<1x8x1x1024xf32, #tpu.memory_space<hbm>> -> memref<8x1024xf32, #tpu.memory_space<hbm>>
    tpu.wait_dma2 semaphore(%arg15 : memref<!tpu.dma_semaphore, #tpu.memory_space<semaphore_mem>>) src(%dma_wait3A_107 : memref<8x1024xf32, #tpu.memory_space<hbm>>) dst(%arg10 : memref<8x1024xf32, #tpu.memory_space<vmem>>)
    return
  }
}

</mosaic_0001>

<sc_bundles>
// kernel: _sc_embed.3.cloned.1.call-start
scs
__scs_entry_jumppad:
0x0: {  	(pc) =	sbr.rel $0x88, $3  }
0x1: {  	(tag) =	ssettag $0x0;
	lr =	simm.s32 $0x1  }
0x2: {  	[smem:$0x3F9E] =	sst lr;
	_ =	strace $0xD0000000  }
0x3: {  	_ = 	snop  }
0x4: {  	_ = 	snop  }
0x5: {  	_ = 	snop  }
0x6: {  	_ = 	snop  }
0x7: {  	_ = 	snop  }
__scs_overlays_trampoline_lowered:
0x8: {  	[smem:$0x3FAD] =	sst s0  }
0x9: {  	[smem:$0x3FAE] =	sst s1  }
0xa: {  	[smem:$0x3FAF] =	sst s2  }
0xb: {  	[smem:$0x3FB0] =	sst s3  }
0xc: {  	[smem:$0x3FB1] =	sst s4  }
0xd: {  	[smem:$0x3FB2] =	sst s5  }
0xe: {  	[smem:$0x3FB3] =	sst s6  }
0xf: {  	[smem:$0x3FB4] =	sst s7  }
0x10: {  	[smem:$0x3FB5] =	sst s8  }
0x11: {  	[smem:$0x3FB6] =	sst s9;
	s0 =	simm.s32 @!p0 $0x0  }
0x12: {  	s1 =	sld [smem:$0x3F9C];
	s0 =	simm.s32 @p0 $0x1  }
0x13: {  	[smem:$0x3FB7] =	sst s0;
	s0 =	simm.s32 @!p1 $0x0  }
0x14: {  	s2 =	sld [smem:$0x3F9B];
	s0 =	simm.s32 @p1 $0x1  }
0x15: {  	[smem:$0x3FB8] =	sst s0;
	s0 =	simm.s32 @!p2 $0x0  }
0x16: {  	s3 =	sld [smem:$0x3FDB];
	s0 =	simm.s32 @p2 $0x1  }
0x17: {  	s4 =	simm.s32 $0x1BF5;
	[smem:$0x3FBA] =	sst s0  }
0x18: {  	s0 =	sld [smem:$0x3F9D];
	_ =	swait.ge [sflag:s4], $0x0  }
0x19: {  	s7 =	sld [smem:$0x3F9E]  }
0x1a: {  	s8 =	sadd.s32 $0xFFFFE003, lr  }
0x1b: {  	s9 =	sadd.s32 $0xFFFFFEF7, lr;
	s5 =	simm.s32 $0xFFFFFFFF;
	p2 =	slt.u32 s8, $0xFFFFF086  }
0x1c: {  	p1 =	slt.u32 s9, $0xF7A;
	s5 =	simm.s32 @!p2 $0x0  }
0x1d: {  	s5 =	simm.s32 @p1 $0x1;
	p0 =	seq.s32 s7, s2  }
0x1e: {  	s7 =	smul.u32 @!p0 $0xF7A, s2;
	p2 =	seq.s32 @!p0 s5, $0x0  }
0x1f: {  	s9 =	smul.u32 $0xF7A, s1;
	s8 =	simm.s32 @!p0 $0x1BF5;
	p2 =	por !p2, p0  }
0x20: {  	[sflag:s8] =	ssyncset.s32 @!p0 $0xFFFFF086;
	s6 =	sadd.s32 @!p0 s3, s7;
	s7 =	simm.s32 @!p0 $0x108  }
0x21: {  	s3 =	sadd.s32 s3, s9;
	s6 =	sadd.s32 @!p0 $0x88, s6;
	s7 =	simm.s32 @p2 $0x1082  }
0x22: {  	[simem:s7], [sflag:s8] =	dma.local @!p0 [hbm:s6], $0xF7A  }
0x23: {  	s9 =	sor.u32 $0xD0000000, s2;
	s6 =	simm.s32 $0x108;
	_ =	swait.ge @!p0 [sflag:s8], $0x0  }
0x24: {  	s3 =	sadd.s32 $0x88, s3;
	s6 =	simm.s32 @!p1 $0x1082;
	[sflag:s4] =	ssyncset.s32 $0xFFFFF086  }
0x25: {  	[simem:s6], [sflag:s4] =	dma.local [hbm:s3], $0xF7A  }
0x26: {  	[smem:$0x3F9E] =	sst s1;
	(tag) =	ssettag s2;
	_ =	strace s9  }
0x27: {  	s1 =	sld [smem:$0x3FAE]  }
0x28: {  	s2 =	sld [smem:$0x3FAF]  }
0x29: {  	s4 =	sld [smem:$0x3FB1]  }
0x2a: {  	p0 =	seq.s32 s5, $0x0;
	s5 =	sld [smem:$0x3FB2]  }
0x2b: {  	s6 =	sld [smem:$0x3FB3]  }
0x2c: {  	s7 =	sld [smem:$0x3FB4]  }
0x2d: {  	s3 =	simm.s32 $0x108;
	s8 =	sld [smem:$0x3FB5]  }
0x2e: {  	s3 =	simm.s32 @!p0 $0x1082;
	s9 =	sld [smem:$0x3FB6]  }
0x2f: {  	lr =	sadd.s32 s0, s3;
	s0 =	sld [smem:$0x3FAD]  }
0x30: {  	s3 =	sld [smem:$0x3FB0]  }
0x31: {  	[smem:$0x3FB9] =	sst s10  }
0x32: {  	s10 =	sld [smem:$0x3FB7];
	_ =	sdelay $0x3  }
0x33: {  	p0 =	seq.s32 s10, $0x1;
	s10 =	sld [smem:$0x3FB9];
	_ =	sdelay $0x3  }
0x34: {  	[smem:$0x3FB9] =	sst s10  }
0x35: {  	s10 =	sld [smem:$0x3FB8];
	_ =	sdelay $0x3  }
0x36: {  	p1 =	seq.s32 s10, $0x1;
	s10 =	sld [smem:$0x3FB9];
	_ =	sdelay $0x3  }
0x37: {  	[smem:$0x3FB9] =	sst s10  }
0x38: {  	s10 =	sld [smem:$0x3FBA]  }
0x39: {  	_ = 	snop;
	(pc) =	sbr.ind lr, $3  }
0x3a: {  	_ = 	snop  }
0x3b: {  	_ = 	snop  }
0x3c: {  	p2 =	seq.s32 s10, $0x1;
	s10 =	sld [smem:$0x3FB9]  }
0x3d: {  	_ =	shalt  }
0x3e: {  	_ =	shalt  }
0x3f: {  	_ =	shalt  }
0x40: {  	_ =	shalt  }
0x41: {  	_ =	shalt  }
0x42: {  	_ =	shalt  }
0x43: {  	_ =	shalt  }
0x44: {  	_ =	shalt  }
0x45: {  	_ =	shalt  }
0x46: {  	_ =	shalt  }
0x47: {  	_ =	shalt  }
0x48: {  	_ =	shalt  }
0x49: {  	_ =	shalt  }
0x4a: {  	_ =	shalt  }
0x4b: {  	_ =	shalt  }
0x4c: {  	_ =	shalt  }
0x4d: {  	_ =	shalt  }
0x4e: {  	_ =	shalt  }
0x4f: {  	_ =	shalt  }
0x50: {  	_ =	shalt  }
0x51: {  	_ =	shalt  }
0x52: {  	_ =	shalt  }
0x53: {  	_ =	shalt  }
0x54: {  	_ =	shalt  }
0x55: {  	_ =	shalt  }
0x56: {  	_ =	shalt  }
0x57: {  	_ =	shalt  }
0x58: {  	_ =	shalt  }
0x59: {  	_ =	shalt  }
0x5a: {  	_ =	shalt  }
0x5b: {  	_ =	shalt  }
0x5c: {  	_ =	shalt  }
0x5d: {  	_ =	shalt  }
0x5e: {  	_ =	shalt  }
0x5f: {  	_ =	shalt  }
0x60: {  	_ =	shalt  }
0x61: {  	_ =	shalt  }
0x62: {  	_ =	shalt  }
0x63: {  	_ =	shalt  }
0x64: {  	_ =	shalt  }
0x65: {  	_ =	shalt  }
0x66: {  	_ =	shalt  }
0x67: {  	_ =	shalt  }
0x68: {  	_ =	shalt  }
0x69: {  	_ =	shalt  }
0x6a: {  	_ =	shalt  }
0x6b: {  	_ =	shalt  }
0x6c: {  	_ =	shalt  }
0x6d: {  	_ =	shalt  }
0x6e: {  	_ =	shalt  }
0x6f: {  	_ =	shalt  }
0x70: {  	_ =	shalt  }
0x71: {  	_ =	shalt  }
0x72: {  	_ =	shalt  }
0x73: {  	_ =	shalt  }
0x74: {  	_ =	shalt  }
0x75: {  	_ =	shalt  }
0x76: {  	_ =	shalt  }
0x77: {  	_ =	shalt  }
0x78: {  	_ =	shalt  }
0x79: {  	_ =	shalt  }
0x7a: {  	_ =	shalt  }
0x7b: {  	_ =	shalt  }
0x7c: {  	_ =	shalt  }
0x7d: {  	_ =	shalt  }
0x7e: {  	_ =	shalt  }
0x7f: {  	_ =	shalt  }
0x80: {  	_ =	shalt  }
0x81: {  	_ =	shalt  }
0x82: {  	_ =	shalt  }
0x83: {  	_ =	shalt  }
0x84: {  	_ =	shalt  }
0x85: {  	_ =	shalt  }
0x86: {  	_ =	shalt  }
0x87: {  	_ =	shalt  }
.Lfunc_end0:
.L_simem_size_0:
called_computation_lowered:
.L_overlay_start_0:
0x88: {  	s2 =	sld [smem:$0x3FD9]  }
0x89: {  	s3 =	sld [smem:$0x3FFE];
	_ =	sdelay $0x1  }
0x8a: {  	s1 =	srdreg.scid  }
0x8b: {  	s0 =	sand.u32 $0x1, s1  }
0x8c: {  	s17 =	sshll.u32 s0, $0xA;
	s2 =	sadd.s32 s3, s2  }
0x8d: {  	s2 =	sadd.s32 s2, s17  }
0x8e: {  	[smem:$0x3FC5] =	sst s2  }
0x8f: {  	_ = 	snop  }
0x90: {  	s2 =	sld [smem:$0x3FD0];
	(tm) =	ssettm $0x1  }
0x91: {  	s18 =	sld [smem:$0x3FFB];
	_ =	sdelay $0x3  }
0x92: {  	_ =	strace s18  }
0x93: {  	s3 =	sld [smem:$0x3FFC];
	_ =	sdelay $0x3  }
0x94: {  	_ =	strace s3  }
0x95: {  	s3 =	sld [smem:$0x3FFD];
	_ =	sdelay $0x3  }
0x96: {  	_ =	strace s3  }
0x97: {  	_ =	strace $0x8FFFFFFF  }
0x98: {  	s19 =	sld [smem:$0x3FDB];
	_ =	sdelay $0x1  }
0x99: {  	s4 =	simm.s32 $_scs_section_size  }
0x9a: {  	s5 =	simm.s32 $_size__tile_overlayer_lowered;
	s6 =	simm.s32 $_tile_overlayer_lowered  }
0x9b: {  	s22 =	simm.s32 $0x1BFF;
	s21 =	sshll.u32 s6, $0x1;
	s3 =	sadd.s32 s4, s19  }
0x9c: {  	s7 =	simm.s32 $0x0;
	s20 =	sshll.u32 s5, $0x1;
	s5 =	sadd.s32 s21, s3  }
0x9d: {  	[timem:s7], [sflag:s22] =	dma.local [hbm:s5], s20  }
0x9e: {  	_ =	swait.ge [sflag:s22], s20  }
0x9f: {  	s4 =	ssub.s32 $0x0, s20;
	[sflag:s22] =	ssyncset.done $0x0  }
0xa0: {  	[sflag:s22] =	ssyncadd.s32 s4;
	_ =	sdelay $0x1  }
0xa1: {  	s23 =	simm.s32 $0x1B8B  }
0xa2: {  	_ =	swait.ge [sflag:s23], $0x1  }
0xa3: {  	[sflag:s23] =	ssyncset.done $0x0  }
0xa4: {  	s25 =	simm.s32 $0x1B8E;
	s24 =	sld [smem:$0x3FFE];
	[sflag:s23] =	ssyncadd.s32 $0xFFFFFFFF  }
0xa5: {  	s26 =	simm.s32 $execute0_lowered;
	[smem:$0x3FD2] =	sst s25  }
0xa6: {  	s5 =	sshll.u32 s26, $0x1;
	_ =	strace $0x80000046;
	[dreg:$0x1] =	wrdreg $0xFFFFFFFF  }
0xa7: {  	s28 =	simm.s32 $_size_execute0_lowered;
	s3 =	sadd.s32 s3, s5;
	[dreg:$0x0] =	wrdreg $0x0  }
0xa8: {  	s5 =	sshll.u32 s28, $0x1;
	[dreg:$0x2] =	wrdreg s3  }
0xa9: {  	[dreg:$0x3] =	wrdreg s5  }
0xaa: {  	[dreg:$0x4] =	wrdreg $0xC0  }
0xab: {  	_ =	task [dreg:s7], $0x5FFFF  }
0xac: {  	[dreg:$0x1] =	wrdreg $0xFFFFFFFF  }
0xad: {  	[dreg:$0x0] =	wrdreg $0x60  }
0xae: {  	[dreg:$0x2] =	wrdreg s2  }
0xaf: {  	[dreg:$0x3] =	wrdreg s24  }
0xb0: {  	[dreg:$0x4] =	wrdreg $0x9  }
0xb1: {  	_ =	task.clear_ibuf [dreg:s7], $0x5FFFF;
	_ =	strace $0x90000046  }
0xb2: {  	s29 =	simm.s32 $0x9;
	_ =	strace $0x80000048  }
0xb3: {  	_ =	swait.ge [sflag:s29], $0x1  }
0xb4: {  	[sflag:s29] =	ssyncadd.s32 $0xFFFFFFFF  }
0xb5: {  	_ =	strace $0x90000048  }
0xb6: {  	_ =	sfence  }
0xb7: {  	s30 =	sld [smem:$0x0];
	_ =	sdelay $0x2  }
0xb8: {  	s31 =	sshll.u32 s1, $0xD;
	s1 =	sshrl.u32 s1, $0x2  }
0xb9: {  	s3 =	sand.u32 $0x4000, s31;
	s1 =	sadd.s32 s1, s30  }
0xba: {  	s0 =	sor.u32 s3, s0;
	s1 =	sshll.u32 s1, $0x11  }
0xbb: {  	s0 =	sor.u32 s1, s0  }
0xbc: {  	s0 =	sadd.s32 $0x8F2B, s0  }
0xbd: {  	[sflag:s0] =	ssyncadd.remote.s32 $0x1  }
0xbe: {  	_ =	sfence.sel $0xFFFF  }
0xbf: {  	[dreg:$0x0] =	wrdreg $0xFFFFFFFF;
	(pc) =	sbr.abs _section_cstart, $3  }
0xc0: {  	[dreg:$0x1] =	wrdreg $0xFFFFFFFF  }
0xc1: {  	_ =	task.clear_ibuf [dreg:s7], $0x2FFFF;
	_ =	strace $0x9FFFFFFF  }
0xc2: {  	(tm) =	ssettm $0x7FFFFFFF  }
0xc3: {  	_ =	shalt  }
tec
execute0_lowered:
.L_overlay_start_1:
0x0: {  	(tag) =	ssettag $0x1  }
0x1: {  	v3 =	vlaneseq.u32  }
0x2: {  	v5 =	vmul.u32 $0x40, v3;
	v1 =	vor.u32 $0x20, v3  }
0x3: {  	[tilespmem:$0x1FC60] =	vst v1;
	v1 =	vor.u32 $0x810, v3  }
0x4: {  	v0 =	vor.u32 $0x400, v5;
	[tilespmem:$0x1FC70] =	vst v1  }
0x5: {  	s6 =	rddreg [dreg:$0x0];
	v1 =	vor.u32 $0x810, v5;
	[tilespmem:$0x1FC50] =	vst v0  }
0x6: {  	s5 =	rddreg [dreg:$0x1];
	s1 =	simm.s32 $0x0;
	[tilespmem:$0x1FC80] =	vst v1;
	v1 =	vor.u32 $0x820, v3  }
0x7: {  	v62 =	vmul.u32 $0x41, v3;
	[smem:$0x7FF] =	sst s1;
	[tilespmem:$0x1FC90] =	vst v1;
	v1 =	vor.u32 $0xC10, v5  }
0x8: {  	s0 =	rddreg [dreg:$0x2];
	_ =	strace $0x80000047;
	[tilespmem:$0x1FCA0] =	vst v1  }
0x9: {  	[tilespmem:$0x1FDC0] =	vst v62  }
0xa: {  	v13 =	vor.u32 $0x800, v62;
	[tilespmem:$0x1FDD0] =	vst v5  }
0xb: {  	v14 =	vor.u32 $0xC00, v62;
	[tilespmem:$0x1FDE0] =	vst v13  }
0xc: {  	v28 =	vor.u32 $0xC00, v5;
	[tilespmem:$0x1FDF0] =	vst v14  }
0xd: {  	v31 =	vor.u32 $0x30, v3;
	[tilespmem:$0x1FE00] =	vst v28  }
0xe: {  	v46 =	vor.u32 $0x10, v3;
	[tilespmem:$0x1FE10] =	vst v31  }
0xf: {  	v55 =	vor.u32 $0x1000, v5;
	[tilespmem:$0x1FE20] =	vst v46  }
0x10: {  	v37 =	vor.u32 $0x40, v3;
	[tilespmem:$0x1FE30] =	vst v55  }
0x11: {  	v17 =	vor.u32 $0x1400, v62;
	[tilespmem:$0x1FE40] =	vst v37  }
0x12: {  	v18 =	vor.u32 $0x1400, v5;
	[tilespmem:$0x1FE50] =	vst v17  }
0x13: {  	v20 =	vor.u32 $0x1800, v5;
	[tilespmem:$0x1FE60] =	vst v18  }
0x14: {  	v4 =	vor.u32 $0x1C00, v62;
	[tilespmem:$0x1FE70] =	vst v20  }
0x15: {  	v19 =	vor.u32 $0x1C00, v5;
	[tilespmem:$0x1FE80] =	vst v4  }
0x16: {  	v58 =	vor.u32 $0x70, v3;
	[tilespmem:$0x1FE90] =	vst v19  }
0x17: {  	v59 =	vor.u32 $0x10, v5;
	[tilespmem:$0x1FEA0] =	vst v58  }
0x18: {  	v7 =	vor.u32 $0x830, v3;
	[tilespmem:$0x1FEB0] =	vst v59  }
0x19: {  	v23 =	vor.u32 $0x1010, v5;
	[tilespmem:$0x1FEC0] =	vst v7  }
0x1a: {  	v24 =	vor.u32 $0x840, v3;
	[tilespmem:$0x1FED0] =	vst v23  }
0x1b: {  	v32 =	vor.u32 $0x1410, v5;
	[tilespmem:$0x1FEE0] =	vst v24  }
0x1c: {  	v29 =	vor.u32 $0x850, v3;
	[tilespmem:$0x1FEF0] =	vst v32  }
0x1d: {  	v30 =	vor.u32 $0x1810, v5;
	[tilespmem:$0x1FF00] =	vst v29  }
0x1e: {  	v8 =	vor.u32 $0x860, v3;
	[tilespmem:$0x1FF10] =	vst v30  }
0x1f: {  	v0 =	vor.u32 $0x1C10, v5;
	[tilespmem:$0x1FF20] =	vst v8  }
0x20: {  	v36 =	vor.u32 $0x870, v3;
	[tilespmem:$0x1FF30] =	vst v0  }
0x21: {  	v11 =	vadd.s32 $0x20, v62;
	[tilespmem:$0x1FF40] =	vst v36  }
0x22: {  	v10 =	vor.u32 $0xC20, v5;
	[tilespmem:$0x1FF50] =	vst v11  }
0x23: {  	v52 =	vor.u32 $0x1040, v3;
	[tilespmem:$0x1FF60] =	vst v10  }
0x24: {  	v15 =	vor.u32 $0x1000, v62;
	[tilespmem:$0x1FF70] =	vst v52  }
0x25: {  	v27 =	vor.u32 $0x800, v5;
	[tilespmem:$0x1FF80] =	vst v15  }
0x26: {  	v2 =	vor.u32 $0x800, v3;
	[tilespmem:$0x1FF90] =	vst v27  }
0x27: {  	v60 =	vor.u32 $0x410, v5;
	[tilespmem:$0x1FFA0] =	vst v2  }
0x28: {  	v61 =	vor.u32 $0x400, v62;
	[tilespmem:$0x1FFB0] =	vst v60  }
0x29: {  	v51 =	vor.u32 $0x60, v3;
	[tilespmem:$0x1FFC0] =	vst v61  }
0x2a: {  	v42 =	vor.u32 $0x50, v3;
	[tilespmem:$0x1FFD0] =	vst v51  }
0x2b: {  	v6 =	vor.u32 $0x1800, v62;
	[tilespmem:$0x1FFE0] =	vst v42  }
0x2c: {  	v1 =	vor.u32 $0x20, v5;
	[tilespmem:$0x1FFF0] =	vst v6  }
0x2d: {  	[tilespmem:$0x1FCB0] =	vst v1;
	v1 =	vor.u32 $0x1000, v3  }
0x2e: {  	[tilespmem:$0x1FCC0] =	vst v1;
	v1 =	vadd.s32 $0x420, v62  }
0x2f: {  	[tilespmem:$0x1FCD0] =	vst v1;
	v1 =	vor.u32 $0x420, v5  }
0x30: {  	[tilespmem:$0x1FCE0] =	vst v1;
	v1 =	vor.u32 $0x1010, v3  }
0x31: {  	[tilespmem:$0x1FCF0] =	vst v1;
	v1 =	vadd.s32 $0x820, v62  }
0x32: {  	[tilespmem:$0x1FD00] =	vst v1;
	v1 =	vor.u32 $0x820, v5  }
0x33: {  	[tilespmem:$0x1FD10] =	vst v1;
	v1 =	vor.u32 $0x1020, v3  }
0x34: {  	s3 =	srdreg.scid;
	s2 =	stileid.u32;
	s11 =	simm.s32 $0x80;
	[tilespmem:$0x1FD20] =	vst v1;
	v1 =	vadd.s32 $0xC20, v62  }
0x35: {  	s12 =	simm.s32 $0x1000;
	s13 =	simm.s32 $0x6400;
	s14 =	simm.s32 $0x8400;
	[tilespmem:$0x1FD30] =	vst v1;
	v1 =	vor.u32 $0x1030, v3  }
0x36: {  	s15 =	simm.s32 $0x1;
	s16 =	simm.s32 $0xA400;
	s17 =	simm.s32 $0x400;
	[tilespmem:$0x1FD40] =	vst v1;
	v1 =	vadd.s32 $0x1020, v62  }
0x37: {  	s18 =	simm.s32 $0x8000;
	s19 =	simm.s32 $0x2;
	s20 =	simm.s32 $0x4;
	[tilespmem:$0x1FD50] =	vst v1;
	v1 =	vor.u32 $0x1020, v5  }
0x38: {  	s21 =	simm.s32 $0xC400;
	s22 =	simm.s32 $0x3;
	s23 =	simm.s32 $0x0;
	[tilespmem:$0x1FD60] =	vst v1;
	v1 =	vadd.s32 $0x1420, v62  }
0x39: {  	s7 =	sand.u32 $0x1, s3;
	s3 =	sadd.s32 $0x800, s5;
	s9 =	sshll.u32 s2, $0x1;
	[tilespmem:$0x1FD70] =	vst v1;
	v1 =	vor.u32 $0x1420, v5  }
0x3a: {  	s4 =	sadd.s32 $0xF42C00, s5;
	s8 =	ssub.s32 $0x2, s7;
	s7 =	sor.u32 s7, s9;
	[tilespmem:$0x1FD80] =	vst v1;
	v1 =	vor.u32 $0x1050, v3  }
0x3b: {  	s5 =	sadd.s32 $0x1000, s5;
	s10 =	sshrl.u32 s8, $0x1;
	s9 =	sshll.u32 s7, $0x4;
	[tilespmem:$0x1FD90] =	vst v1;
	v1 =	vadd.s32 $0x1820, v62  }
0x3c: {  	s7 =	sshll.u32 s7, $0xA;
	s8 =	ssub.s32 s8, s10;
	s6 =	sadd.s32 s6, s9;
	[tilespmem:$0x1FDA0] =	vst v1;
	v1 =	vor.u32 $0x1820, v5  }
0x3d: {  	s9 =	simm.s32 $0xE400;
	s10 =	simm.s32 $0x5;
	s8 =	smax.u32 s8, $0x1;
	[tilespmem:$0x1FDB0] =	vst v1  }
.LBB2_1:
0x3e: {  	[tilespmem:s9], [sflag:$0x5] =	stream.linear.gather [hbm4b:s3+s1], $0x3200, $0x38;
	[tilespmem:$0x11600] =	vst v63  }
0x3f: {  	_ =	swait.ge [sflag:s10], $0x3200  }
0x40: {  	[sflag:s10] =	ssyncset.done $0x0  }
0x41: {  	[sflag:s10] =	ssyncadd.s32 $0xFFFFCE00  }
0x42: {  	[tilespmem:s1], [sflag:$0x5] =	stream.strided.gather [hbm4b:s6+s11], $0x6400, s12, s11, $0x38;
	[tilespmem:$0x11600] =	vst v63  }
0x43: {  	_ =	swait.ge [sflag:s10], $0x6400  }
0x44: {  	[sflag:s10] =	ssyncset.done $0x0  }
0x45: {  	s24 =	simm.s32 $0x0;
	[sflag:s10] =	ssyncadd.s32 $0xFFFF9C00  }
0x46: {  	[tilespmem:s13], [sflag:$0x1] =	stream.indirect.gather [hbm4b:s4+s11], $0x40, s1, s11, $0xb8;
	[tilespmem:$0x11600] =	vst v63  }
.LBB2_2:
0x47: {  	s25 =	sshllo.u32 s24, $0x1  }
0x48: {  	s26 =	sshll.u32 s25, $0x7  }
0x49: {  	s26 =	sand.u32 $0x3FFFFF80, s26  }
0x4a: {  	[tilespmem:s14], [sflag:$0x2] =	stream.indirect.gather [hbm4b:s4+s11], $0x40, s26, s11, $0xb8;
	[tilespmem:$0x11600] =	vst v63  }
0x4b: {  	v12 =	vlaneseq.u32;
	s26 =	simm.s32 $0x0  }
0x4c: {  	s28 =	sshll.u32 s24, $0x7;
	_ =	swait.ge [sflag:s15], $0x2000;
	v41 =	vadd.s32 s26, v12;
	v3 =	vadd.s32 s26, v62  }
0x4d: {  	p0 =	seq.s32 s24, $0x0;
	v25 =	vmov s28;
	[sflag:s15] =	ssyncset.done $0x0;
	v1 =	vand.u32 $0xF, v41;
	v3 =	vand.u32 $0x3CF, v3  }
0x4e: {  	s29 =	simm.s32 @!p0 $0x3;
	[tilespmem:$0x1FBF0] =	vst v1;
	[sflag:s15] =	ssyncadd.s32 $0xFFFFE000;
	v43 =	vor.u32 v25, v1  }
0x4f: {  	_ =	swait.ge @!p0 [sflag:s29], $0x2000  }
0x50: {  	s28 =	simm.s32 $0x1;
	[sflag:s29] =	ssyncset.done @!p0 $0x0  }
0x51: {  	v47 =	vadd.s32 s28, v12;
	[sflag:s29] =	ssyncadd.s32 @!p0 $0xFFFFE000  }
0x52: {  	v44 =	vmov v5;
	v11 =	vand.u32 $0xF, v47;
	v3 =	vld.idx.msk [tilespmem:v3+s13+$0x0], $0xffff  }
0x53: {  	v33 =	vmovc v4;
	v21 =	vmovc v44;
	v26 =	vand.u32 $0x7, v47;
	v45 =	vor.u32 v5, v11;
	v44 =	vshll.u32 v41, $0x7;
	v4 =	vld.idx.msk [tilespmem:v43+s9+$0x0], $0xffff  }
0x54: {  	v48 =	vor.u32 v25, v11;
	v49 =	vand.u32 $0x3C8, v45;
	v53 =	vand.u32 $0x780, v44  }
0x55: {  	v22 =	vmovc v7;
	v8 =	vadd.s32 s26, v61;
	v7 =	vor.u32 v26, v49;
	v9 =	vor.u32 v12, v53  }
0x56: {  	v8 =	vand.u32 $0x7CF, v8;
	v49 =	vld [tilespmem:$0x1FC50];
	_ =	sdelay $0x1  }
0x57: {  	v3 =	vadd.f32 v3, v4  }
0x58: {  	v1 =	vmov v6;
	v6 =	vld.idx.msk [tilespmem:v48+s9+$0x0], $0xffff  }
0x59: {  	v10 =	vshll.u32 v47, $0x7;
	v7 =	vld.idx.msk [tilespmem:v7+s13+$0x0], $0xffff;
	[tilespmem:v9+s16+$0x0] =	vst.idx.msk $0xffff, v3  }
0x5a: {  	v43 =	vand.u32 $0x780, v10;
	v10 =	vor.u32 v49, v11;
	v8 =	vld.idx.msk [tilespmem:v8+s13+$0x0], $0xffff  }
0x5b: {  	v12 =	vor.u32 v12, v43;
	v10 =	vand.u32 $0x7C8, v10  }
0x5c: {  	v3 =	vor.u32 v26, v10;
	v9 =	vor.u32 v46, v53;
	_ =	sdelay $0x1  }
0x5d: {  	v7 =	vadd.f32 v7, v6  }
0x5e: {  	v10 =	vadd.s32 s26, v13;
	v50 =	vadd.f32 v8, v4  }
0x5f: {  	[tilespmem:v12+s16+$0x0] =	vst.idx.msk $0xffff, v7;
	v10 =	vand.u32 $0xBCF, v10  }
0x60: {  	v3 =	vld.idx.msk [tilespmem:v3+s13+$0x0], $0xffff;
	[tilespmem:v9+s16+$0x0] =	vst.idx.msk $0xffff, v50  }
0x61: {  	v48 =	vld [tilespmem:$0x1FC60]  }
0x62: {  	v8 =	vor.u32 v27, v11  }
0x63: {  	v12 =	vor.u32 v46, v43;
	v8 =	vand.u32 $0xBC8, v8  }
0x64: {  	v54 =	vor.u32 v26, v8;
	v8 =	vld.idx.msk [tilespmem:v10+s13+$0x0], $0xffff;
	_ =	sdelay $0x1  }
0x65: {  	v9 =	vadd.s32 s26, v14;
	v3 =	vadd.f32 v3, v6;
	v10 =	vor.u32 v48, v53  }
0x66: {  	v9 =	vand.u32 $0xFCF, v9  }
0x67: {  	[tilespmem:v12+s16+$0x0] =	vst.idx.msk $0xffff, v3  }
0x68: {  	v3 =	vld.idx.msk [tilespmem:v54+s13+$0x0], $0xffff;
	v56 =	vadd.f32 v8, v4  }
0x69: {  	v8 =	vor.u32 v28, v11  }
0x6a: {  	v12 =	vor.u32 v48, v43;
	v8 =	vand.u32 $0xFC8, v8;
	[tilespmem:v10+s16+$0x0] =	vst.idx.msk $0xffff, v56  }
0x6b: {  	v57 =	vor.u32 v26, v8;
	v8 =	vld.idx.msk [tilespmem:v9+s13+$0x0], $0xffff;
	_ =	sdelay $0x1  }
0x6c: {  	v3 =	vadd.f32 v3, v6;
	v10 =	vor.u32 v31, v53;
	v9 =	vadd.s32 s26, v15  }
0x6d: {  	v9 =	vand.u32 $0x13CF, v9  }
0x6e: {  	[tilespmem:v12+s16+$0x0] =	vst.idx.msk $0xffff, v3  }
0x6f: {  	v3 =	vld.idx.msk [tilespmem:v57+s13+$0x0], $0xffff;
	v63 =	vadd.f32 v8, v4  }
0x70: {  	v8 =	vor.u32 v55, v11  }
0x71: {  	v12 =	vor.u32 v31, v43;
	v8 =	vand.u32 $0x13C8, v8;
	[tilespmem:v10+s16+$0x0] =	vst.idx.msk $0xffff, v63  }
0x72: {  	v34 =	vor.u32 v26, v8;
	v8 =	vld.idx.msk [tilespmem:v9+s13+$0x0], $0xffff;
	_ =	sdelay $0x1  }
0x73: {  	v3 =	vadd.f32 v3, v6;
	v10 =	vor.u32 v37, v53;
	v9 =	vadd.s32 s26, v17  }
0x74: {  	v9 =	vand.u32 $0x17CF, v9  }
0x75: {  	[tilespmem:v12+s16+$0x0] =	vst.idx.msk $0xffff, v3  }
0x76: {  	v3 =	vld.idx.msk [tilespmem:v34+s13+$0x0], $0xffff;
	v35 =	vadd.f32 v8, v4  }
0x77: {  	v8 =	vor.u32 v18, v11  }
0x78: {  	v12 =	vor.u32 v37, v43;
	v8 =	vand.u32 $0x17C8, v8;
	[tilespmem:v10+s16+$0x0] =	vst.idx.msk $0xffff, v35  }
0x79: {  	v38 =	vor.u32 v26, v8;
	v8 =	vld.idx.msk [tilespmem:v9+s13+$0x0], $0xffff;
	_ =	sdelay $0x1  }
0x7a: {  	v10 =	vor.u32 v42, v53;
	v9 =	vadd.s32 s26, v1;
	v3 =	vadd.f32 v3, v6  }
0x7b: {  	v9 =	vand.u32 $0x1BCF, v9  }
0x7c: {  	[tilespmem:v12+s16+$0x0] =	vst.idx.msk $0xffff, v3  }
0x7d: {  	v3 =	vld.idx.msk [tilespmem:v38+s13+$0x0], $0xffff;
	v39 =	vadd.f32 v8, v4  }
0x7e: {  	v8 =	vor.u32 v20, v11  }
0x7f: {  	v12 =	vor.u32 v42, v43;
	v8 =	vand.u32 $0x1BC8, v8;
	[tilespmem:v10+s16+$0x0] =	vst.idx.msk $0xffff, v39  }
0x80: {  	v40 =	vor.u32 v26, v8;
	v8 =	vld.idx.msk [tilespmem:v9+s13+$0x0], $0xffff;
	_ =	sdelay $0x1  }
0x81: {  	v10 =	vor.u32 v51, v53;
	v9 =	vadd.s32 s26, v33;
	v3 =	vadd.f32 v3, v6  }
0x82: {  	v9 =	vand.u32 $0x1FCF, v9  }
0x83: {  	[tilespmem:v12+s16+$0x0] =	vst.idx.msk $0xffff, v3  }
0x84: {  	v3 =	vld.idx.msk [tilespmem:v40+s13+$0x0], $0xffff;
	v45 =	vadd.f32 v8, v4  }
0x85: {  	v8 =	vor.u32 v19, v11  }
0x86: {  	s28 =	simm.s32 $0x2;
	v63 =	vlaneseq.u32;
	v12 =	vor.u32 v51, v43;
	v8 =	vand.u32 $0x1FC8, v8;
	[tilespmem:v10+s16+$0x0] =	vst.idx.msk $0xffff, v45  }
0x87: {  	v56 =	vadd.s32 s28, v63;
	v34 =	vmovc v15;
	v50 =	vor.u32 v26, v8;
	v15 =	vld.idx.msk [tilespmem:v9+s13+$0x0], $0xffff;
	v9 =	vadd.s32 s28, v62  }
0x88: {  	v40 =	vor.u32 $0x10, v25;
	v45 =	vand.u32 $0xF, v56;
	v9 =	vand.u32 $0x3CF, v9  }
0x89: {  	v38 =	vmovc v14;
	v10 =	vor.u32 v58, v53;
	v14 =	vor.u32 v25, v45;
	v3 =	vadd.f32 v3, v6  }
0x8a: {  	v39 =	vmov v13;
	v13 =	vor.u32 v41, v40  }
0x8b: {  	[tilespmem:v12+s16+$0x0] =	vst.idx.msk $0xffff, v3;
	v3 =	vor.u32 v59, v41  }
0x8c: {  	v12 =	vld.idx.msk [tilespmem:v50+s13+$0x0], $0xffff;
	[tilespmem:$0x1FBC0] =	vst v45;
	v4 =	vadd.f32 v15, v4  }
0x8d: {  	v9 =	vld.idx.msk [tilespmem:v9+s13+$0x0], $0xffff  }
0x8e: {  	[tilespmem:v10+s16+$0x0] =	vst.idx.msk $0xffff, v4;
	v4 =	vld.idx.msk [tilespmem:v14+s9+$0x0], $0xffff  }
0x8f: {  	v8 =	vshll.u32 v56, $0x7;
	v15 =	vor.u32 v58, v43;
	v7 =	vld.idx.msk [tilespmem:v13+s9+$0x0], $0xffff  }
0x90: {  	v54 =	vand.u32 $0x780, v8;
	v10 =	vor.u32 v47, v40;
	v3 =	vld.idx.msk [tilespmem:v3+s13+$0x0], $0xffff  }
0x91: {  	v16 =	vor.u32 v63, v54  }
0x92: {  	v13 =	vor.u32 v59, v47;
	v6 =	vadd.f32 v12, v6;
	v12 =	vor.u32 v2, v44;
	_ =	sdelay $0x1  }
0x93: {  	[tilespmem:v15+s16+$0x0] =	vst.idx.msk $0xffff, v6;
	v15 =	vadd.s32 s28, v61;
	v9 =	vadd.f32 v9, v4  }
0x94: {  	v6 =	vld.idx.msk [tilespmem:v10+s9+$0x0], $0xffff;
	v10 =	vand.u32 $0x7CF, v15;
	v3 =	vadd.f32 v3, v7  }
0x95: {  	v14 =	vor.u32 v60, v41;
	[tilespmem:v16+s16+$0x0] =	vst.idx.msk $0xffff, v9  }
0x96: {  	v13 =	vld.idx.msk [tilespmem:v13+s13+$0x0], $0xffff;
	[tilespmem:v12+s16+$0x0] =	vst.idx.msk $0xffff, v3  }
0x97: {  	v35 =	vld [tilespmem:$0x1FC70];
	_ =	sdelay $0x1  }
0x98: {  	v10 =	vld.idx.msk [tilespmem:v10+s13+$0x0], $0xffff  }
0x99: {  	v15 =	vor.u32 v2, v43;
	v9 =	vld.idx.msk [tilespmem:v14+s13+$0x0], $0xffff  }
0x9a: {  	v14 =	vor.u32 v46, v54;
	v20 =	vld [tilespmem:$0x1FC80]  }
0x9b: {  	v3 =	vor.u32 v60, v47;
	v12 =	vadd.f32 v13, v6;
	v13 =	vor.u32 v35, v44;
	_ =	sdelay $0x1  }
0x9c: {  	v10 =	vadd.f32 v10, v4  }
0x9d: {  	[tilespmem:v15+s16+$0x0] =	vst.idx.msk $0xffff, v12;
	v9 =	vadd.f32 v9, v7  }
0x9e: {  	v16 =	vadd.s32 s28, v39;
	v39 =	vmov v17;
	v17 =	vor.u32 v20, v41;
	[tilespmem:v14+s16+$0x0] =	vst.idx.msk $0xffff, v10  }
0x9f: {  	v12 =	vand.u32 $0xBCF, v16;
	v3 =	vld.idx.msk [tilespmem:v3+s13+$0x0], $0xffff;
	[tilespmem:v13+s16+$0x0] =	vst.idx.msk $0xffff, v9  }
0xa0: {  	v57 =	vld [tilespmem:$0x1FC90]  }
0xa1: {  	v15 =	vor.u32 v35, v43;
	v45 =	vld [tilespmem:$0x1FCA0]  }
0xa2: {  	v9 =	vor.u32 v20, v47  }
0xa3: {  	v10 =	vld.idx.msk [tilespmem:v17+s13+$0x0], $0xffff  }
0xa4: {  	v12 =	vld.idx.msk [tilespmem:v12+s13+$0x0], $0xffff;
	v3 =	vadd.f32 v3, v6  }
0xa5: {  	v63 =	vmov v18;
	v13 =	vor.u32 v57, v44  }
0xa6: {  	v18 =	vor.u32 v48, v54;
	v16 =	vadd.s32 s28, v38;
	[tilespmem:v15+s16+$0x0] =	vst.idx.msk $0xffff, v3;
	v14 =	vor.u32 v45, v41  }
0xa7: {  	s29 =	simm.s32 $0x3;
	v38 =	vlaneseq.u32;
	v3 =	vand.u32 $0xFCF, v16;
	v9 =	vld.idx.msk [tilespmem:v9+s13+$0x0], $0xffff  }
0xa8: {  	v5 =	vmov v0;
	v0 =	vadd.s32 s29, v38;
	v10 =	vadd.f32 v10, v7  }
0xa9: {  	v17 =	vand.u32 $0xF, v0;
	v12 =	vadd.f32 v12, v4;
	v15 =	vor.u32 v57, v43  }
0xaa: {  	[tilespmem:v13+s16+$0x0] =	vst.idx.msk $0xffff, v10;
	v10 =	vor.u32 v21, v17;
	v13 =	vor.u32 v45, v47  }
0xab: {  	v16 =	vor.u32 v25, v17;
	[tilespmem:v18+s16+$0x0] =	vst.idx.msk $0xffff, v12;
	v12 =	vld.idx.msk [tilespmem:v14+s13+$0x0], $0xffff;
	v10 =	vand.u32 $0x3C8, v10;
	v14 =	vand.u32 $0x7, v0  }
0xac: {  	v18 =	vld.idx.msk [tilespmem:v3+s13+$0x0], $0xffff;
	v3 =	vadd.f32 v9, v6;
	v10 =	vor.u32 v14, v10  }
0xad: {  	v19 =	vadd.s32 s28, v34;
	v9 =	vor.u32 v22, v44  }
0xae: {  	v50 =	vmov v22;
	v22 =	vor.u32 v31, v54;
	v21 =	vor.u32 v23, v41;
	[tilespmem:v15+s16+$0x0] =	vst.idx.msk $0xffff, v3  }
0xaf: {  	v15 =	vand.u32 $0x13CF, v19;
	v13 =	vld.idx.msk [tilespmem:v13+s13+$0x0], $0xffff  }
0xb0: {  	v3 =	vld.idx.msk [tilespmem:v16+s9+$0x0], $0xffff;
	v12 =	vadd.f32 v12, v7  }
0xb1: {  	v16 =	vadd.f32 v18, v4;
	v18 =	vshll.u32 v0, $0x7;
	v19 =	vor.u32 v50, v43;
	v10 =	vld.idx.msk [tilespmem:v10+s13+$0x0], $0xffff  }
0xb2: {  	v50 =	vand.u32 $0x780, v18;
	[tilespmem:v9+s16+$0x0] =	vst.idx.msk $0xffff, v12;
	v9 =	vor.u32 v23, v47;
	v12 =	vor.u32 v49, v17  }
0xb3: {  	v18 =	vor.u32 v38, v50;
	[tilespmem:v22+s16+$0x0] =	vst.idx.msk $0xffff, v16;
	v16 =	vld.idx.msk [tilespmem:v21+s13+$0x0], $0xffff;
	v12 =	vand.u32 $0x7C8, v12  }
0xb4: {  	v15 =	vld.idx.msk [tilespmem:v15+s13+$0x0], $0xffff;
	v12 =	vor.u32 v14, v12;
	v13 =	vadd.f32 v13, v6  }
0xb5: {  	v34 =	vmovc v24;
	v38 =	vmov v23;
	v22 =	vor.u32 v24, v44;
	v24 =	vor.u32 v32, v41  }
0xb6: {  	v23 =	vadd.s32 s28, v39;
	v21 =	vor.u32 v37, v54;
	v10 =	vadd.f32 v10, v3;
	[tilespmem:v19+s16+$0x0] =	vst.idx.msk $0xffff, v13  }
0xb7: {  	v13 =	vand.u32 $0x17CF, v23;
	v9 =	vld.idx.msk [tilespmem:v9+s13+$0x0], $0xffff  }
0xb8: {  	v16 =	vadd.f32 v16, v7;
	[tilespmem:v18+s16+$0x0] =	vst.idx.msk $0xffff, v10  }
0xb9: {  	v10 =	vadd.f32 v15, v4;
	v15 =	vor.u32 v34, v43;
	v12 =	vld.idx.msk [tilespmem:v12+s13+$0x0], $0xffff  }
0xba: {  	v18 =	vor.u32 v32, v47;
	[tilespmem:v22+s16+$0x0] =	vst.idx.msk $0xffff, v16;
	v16 =	vor.u32 v27, v17  }
0xbb: {  	v19 =	vor.u32 v46, v50;
	[tilespmem:v21+s16+$0x0] =	vst.idx.msk $0xffff, v10;
	v10 =	vld.idx.msk [tilespmem:v24+s13+$0x0], $0xffff;
	v16 =	vand.u32 $0xBC8, v16  }
0xbc: {  	v13 =	vld.idx.msk [tilespmem:v13+s13+$0x0], $0xffff;
	v16 =	vor.u32 v14, v16;
	v9 =	vadd.f32 v9, v6;
	_ =	sdelay $0x1  }
0xbd: {  	v22 =	vor.u32 v29, v44;
	v12 =	vadd.f32 v12, v3;
	[tilespmem:v15+s16+$0x0] =	vst.idx.msk $0xffff, v9  }
0xbe: {  	v24 =	vor.u32 v42, v54;
	v15 =	vld.idx.msk [tilespmem:v18+s13+$0x0], $0xffff  }
0xbf: {  	[tilespmem:v19+s16+$0x0] =	vst.idx.msk $0xffff, v12  }
0xc0: {  	v10 =	vadd.f32 v10, v7;
	v12 =	vadd.f32 v13, v4;
	v13 =	vld.idx.msk [tilespmem:v16+s13+$0x0], $0xffff;
	v16 =	vor.u32 v29, v43;
	_ =	sdelay $0x1  }
0xc1: {  	v21 =	vor.u32 v30, v41;
	[tilespmem:v22+s16+$0x0] =	vst.idx.msk $0xffff, v10  }
0xc2: {  	v23 =	vadd.s32 s28, v1;
	[tilespmem:v24+s16+$0x0] =	vst.idx.msk $0xffff, v12;
	v15 =	vadd.f32 v15, v6  }
0xc3: {  	v9 =	vand.u32 $0x1BCF, v23;
	v1 =	vld [tilespmem:$0x1FF20]  }
0xc4: {  	[tilespmem:v16+s16+$0x0] =	vst.idx.msk $0xffff, v15  }
0xc5: {  	v18 =	vor.u32 v30, v47;
	v16 =	vld [tilespmem:$0x1FE80]  }
0xc6: {  	v19 =	vor.u32 v48, v50;
	v10 =	vor.u32 v28, v17;
	v12 =	vld.idx.msk [tilespmem:v21+s13+$0x0], $0xffff  }
0xc7: {  	v10 =	vand.u32 $0xFC8, v10  }
0xc8: {  	v9 =	vld.idx.msk [tilespmem:v9+s13+$0x0], $0xffff;
	v10 =	vor.u32 v14, v10;
	v21 =	vor.u32 v1, v44  }
0xc9: {  	v13 =	vadd.f32 v13, v3  }
0xca: {  	v22 =	vor.u32 v5, v41;
	v15 =	vld.idx.msk [tilespmem:v18+s13+$0x0], $0xffff;
	v18 =	vor.u32 v51, v54;
	v16 =	vadd.s32 s28, v16  }
0xcb: {  	v12 =	vadd.f32 v12, v7;
	[tilespmem:v19+s16+$0x0] =	vst.idx.msk $0xffff, v13;
	v13 =	vand.u32 $0x1FCF, v16  }
0xcc: {  	v16 =	vor.u32 v1, v43  }
0xcd: {  	v33 =	vmov v52;
	v52 =	vlaneseq.u32;
	s29 =	simm.s32 $0x4;
	v9 =	vadd.f32 v9, v4;
	v10 =	vld.idx.msk [tilespmem:v10+s13+$0x0], $0xffff;
	[tilespmem:v21+s16+$0x0] =	vst.idx.msk $0xffff, v12  }
0xce: {  	v12 =	vor.u32 v55, v17;
	v55 =	vadd.s32 s29, v52;
	v49 =	vld [tilespmem:$0x1FF60]  }
0xcf: {  	v29 =	vmov v32;
	v15 =	vadd.f32 v15, v6;
	v21 =	vld.idx.msk [tilespmem:v22+s13+$0x0], $0xffff;
	[tilespmem:v18+s16+$0x0] =	vst.idx.msk $0xffff, v9;
	v32 =	vand.u32 $0xF, v55  }
0xd0: {  	v13 =	vld.idx.msk [tilespmem:v13+s13+$0x0], $0xffff;
	[tilespmem:$0x1FBD0] =	vst v32  }
0xd1: {  	[tilespmem:v16+s16+$0x0] =	vst.idx.msk $0xffff, v15  }
0xd2: {  	v1 =	vld [tilespmem:$0x1FF50];
	_ =	sdelay $0x2  }
0xd3: {  	v19 =	vor.u32 v5, v47;
	v22 =	vor.u32 v31, v50  }
0xd4: {  	v23 =	vadd.s32 s29, v62  }
0xd5: {  	v12 =	vand.u32 $0x13C8, v12;
	v9 =	vand.u32 $0x3CF, v23;
	v23 =	vadd.s32 s26, v1;
	v1 =	vld [tilespmem:$0x1FBF0]  }
0xd6: {  	v10 =	vadd.f32 v10, v3;
	v12 =	vor.u32 v14, v12  }
0xd7: {  	[tilespmem:$0x1FBE0] =	vst v54  }
0xd8: {  	v18 =	vor.u32 v25, v32;
	v19 =	vld.idx.msk [tilespmem:v19+s13+$0x0], $0xffff;
	[tilespmem:v22+s16+$0x0] =	vst.idx.msk $0xffff, v10  }
0xd9: {  	v32 =	vor.u32 $0x20, v25;
	v16 =	vor.u32 v36, v44;
	v22 =	vld [tilespmem:$0x1FCB0]  }
0xda: {  	v1 =	vor.u32 v1, v32  }
0xdb: {  	v7 =	vadd.f32 v21, v7;
	v21 =	vor.u32 v36, v43;
	v10 =	vand.u32 $0x3EF, v23;
	v12 =	vld.idx.msk [tilespmem:v12+s13+$0x0], $0xffff  }
0xdc: {  	v15 =	vor.u32 v58, v54;
	v28 =	vor.u32 v11, v32;
	v9 =	vld.idx.msk [tilespmem:v9+s13+$0x0], $0xffff;
	[tilespmem:$0x1FC00] =	vst v32  }
0xdd: {  	v4 =	vadd.f32 v13, v4;
	v23 =	vor.u32 v63, v17;
	v30 =	vld.idx.msk [tilespmem:v18+s9+$0x0], $0xffff;
	v18 =	vor.u32 v37, v50  }
0xde: {  	v6 =	vadd.f32 v19, v6;
	[tilespmem:v16+s16+$0x0] =	vst.idx.msk $0xffff, v7;
	v22 =	vor.u32 v22, v11  }
0xdf: {  	v23 =	vand.u32 $0x17C8, v23;
	v16 =	vor.u32 v56, v40;
	v22 =	vand.u32 $0x3E8, v22;
	v24 =	vld.idx.msk [tilespmem:v1+s9+$0x0], $0xffff  }
0xe0: {  	[tilespmem:v21+s16+$0x0] =	vst.idx.msk $0xffff, v6;
	v22 =	vor.u32 v26, v22;
	v1 =	vld.idx.msk [tilespmem:v10+s13+$0x0], $0xffff;
	v10 =	vadd.f32 v12, v3  }
0xe1: {  	v7 =	vor.u32 v14, v23;
	v36 =	vld [tilespmem:$0x1FCD0];
	[tilespmem:v15+s16+$0x0] =	vst.idx.msk $0xffff, v4  }
0xe2: {  	v5 =	vshll.u32 v55, $0x7;
	v28 =	vld.idx.msk [tilespmem:v28+s9+$0x0], $0xffff;
	[tilespmem:v18+s16+$0x0] =	vst.idx.msk $0xffff, v10  }
0xe3: {  	v23 =	vand.u32 $0x780, v5;
	v18 =	vld [tilespmem:$0x1FCC0]  }
0xe4: {  	v32 =	vor.u32 v52, v23;
	v52 =	vld.idx.msk [tilespmem:v16+s9+$0x0], $0xffff  }
0xe5: {  	v10 =	vld.idx.msk [tilespmem:v22+s13+$0x0], $0xffff  }
0xe6: {  	v7 =	vld.idx.msk [tilespmem:v7+s13+$0x0], $0xffff  }
0xe7: {  	v15 =	vld [tilespmem:$0x1FCE0]  }
0xe8: {  	v16 =	vld [tilespmem:$0x1FE70];
	v12 =	vor.u32 v18, v53  }
0xe9: {  	v13 =	vor.u32 v59, v56;
	v18 =	vor.u32 v18, v43  }
0xea: {  	v19 =	vor.u32 v42, v50;
	v9 =	vadd.f32 v9, v30  }
0xeb: {  	v63 =	vadd.s32 s26, v36;
	v1 =	vadd.f32 v1, v24  }
0xec: {  	v6 =	vand.u32 $0x7EF, v63;
	[tilespmem:v32+s16+$0x0] =	vst.idx.msk $0xffff, v9;
	v15 =	vor.u32 v15, v11;
	v63 =	vadd.f32 v10, v28  }
0xed: {  	v16 =	vor.u32 v16, v17;
	v15 =	vand.u32 $0x7E8, v15;
	[tilespmem:v12+s16+$0x0] =	vst.idx.msk $0xffff, v1;
	v1 =	vadd.f32 v7, v3  }
0xee: {  	v13 =	vld.idx.msk [tilespmem:v13+s13+$0x0], $0xffff;
	v16 =	vand.u32 $0x1BC8, v16;
	v15 =	vor.u32 v26, v15;
	[tilespmem:v18+s16+$0x0] =	vst.idx.msk $0xffff, v63  }
0xef: {  	v16 =	vor.u32 v14, v16;
	v10 =	vld [tilespmem:$0x1FD00];
	[tilespmem:v19+s16+$0x0] =	vst.idx.msk $0xffff, v1  }
0xf0: {  	v18 =	vld [tilespmem:$0x1FCF0]  }
0xf1: {  	v22 =	vor.u32 v2, v8  }
0xf2: {  	v6 =	vld.idx.msk [tilespmem:v6+s13+$0x0], $0xffff  }
0xf3: {  	v21 =	vadd.s32 s29, v61;
	v1 =	vld.idx.msk [tilespmem:v15+s13+$0x0], $0xffff  }
0xf4: {  	v42 =	vadd.f32 v13, v52;
	v9 =	vand.u32 $0x7CF, v21;
	v13 =	vld.idx.msk [tilespmem:v16+s13+$0x0], $0xffff  }
0xf5: {  	v15 =	vld [tilespmem:$0x1FD10];
	v12 =	vor.u32 v18, v53  }
0xf6: {  	v32 =	vor.u32 v60, v56;
	[tilespmem:v22+s16+$0x0] =	vst.idx.msk $0xffff, v42;
	v16 =	vor.u32 v18, v43  }
0xf7: {  	v21 =	vld [tilespmem:$0x1FDE0];
	v18 =	vor.u32 v51, v50  }
0xf8: {  	v4 =	vld [tilespmem:$0x1FE90];
	v6 =	vadd.f32 v6, v24  }
0xf9: {  	v9 =	vld.idx.msk [tilespmem:v9+s13+$0x0], $0xffff;
	v1 =	vadd.f32 v1, v28  }
0xfa: {  	v10 =	vadd.s32 s26, v10;
	v15 =	vor.u32 v15, v11;
	v13 =	vadd.f32 v13, v3;
	[tilespmem:v12+s16+$0x0] =	vst.idx.msk $0xffff, v6  }
0xfb: {  	v7 =	vld.idx.msk [tilespmem:v32+s13+$0x0], $0xffff;
	v10 =	vand.u32 $0xBEF, v10;
	v15 =	vand.u32 $0xBE8, v15;
	[tilespmem:v16+s16+$0x0] =	vst.idx.msk $0xffff, v1  }
0xfc: {  	v19 =	vor.u32 v46, v23;
	v21 =	vadd.s32 s29, v21;
	v15 =	vor.u32 v26, v15;
	v1 =	vld [tilespmem:$0x1FD30];
	[tilespmem:v18+s16+$0x0] =	vst.idx.msk $0xffff, v13  }
0xfd: {  	v22 =	vor.u32 v35, v8;
	v4 =	vor.u32 v4, v17;
	v21 =	vand.u32 $0xBCF, v21;
	v16 =	vld [tilespmem:$0x1FD20]  }
0xfe: {  	v4 =	vand.u32 $0x1FC8, v4  }
0xff: {  	v9 =	vadd.f32 v9, v30;
	v4 =	vor.u32 v14, v4  }
0x100: {  	v46 =	vor.u32 v20, v56;
	v7 =	vadd.f32 v7, v52;
	v10 =	vld.idx.msk [tilespmem:v10+s13+$0x0], $0xffff  }
0x101: {  	v12 =	vld.idx.msk [tilespmem:v15+s13+$0x0], $0xffff;
	[tilespmem:v19+s16+$0x0] =	vst.idx.msk $0xffff, v9  }
0x102: {  	[tilespmem:v22+s16+$0x0] =	vst.idx.msk $0xffff, v7;
	v51 =	vld.idx.msk [tilespmem:v21+s13+$0x0], $0xffff;
	v13 =	vor.u32 v16, v53  }
0x103: {  	v21 =	vld [tilespmem:$0x1FDF0];
	v9 =	vor.u32 v16, v43  }
0x104: {  	v15 =	vor.u32 v49, v11;
	v4 =	vld.idx.msk [tilespmem:v4+s13+$0x0], $0xffff;
	v1 =	vadd.s32 s26, v1  }
0x105: {  	v15 =	vand.u32 $0xFE8, v15;
	v6 =	vld.idx.msk [tilespmem:v46+s13+$0x0], $0xffff;
	v10 =	vadd.f32 v10, v24;
	v1 =	vand.u32 $0xFEF, v1  }
0x106: {  	[tilespmem:$0x1FC10] =	vst v40;
	v15 =	vor.u32 v26, v15;
	v16 =	vor.u32 v58, v50;
	v12 =	vadd.f32 v12, v28  }
0x107: {  	v18 =	vor.u32 v0, v40;
	[tilespmem:v13+s16+$0x0] =	vst.idx.msk $0xffff, v10  }
0x108: {  	v19 =	vor.u32 v59, v0;
	v22 =	vor.u32 v48, v23;
	v21 =	vadd.s32 s29, v21;
	v58 =	vld [tilespmem:$0x1FD50];
	[tilespmem:v9+s16+$0x0] =	vst.idx.msk $0xffff, v12  }
0x109: {  	v3 =	vadd.f32 v4, v3;
	v10 =	vor.u32 v57, v8;
	v9 =	vand.u32 $0xFCF, v21;
	v21 =	vld [tilespmem:$0x1FD40]  }
0x10a: {  	v1 =	vld.idx.msk [tilespmem:v1+s13+$0x0], $0xffff  }
0x10b: {  	v7 =	vadd.f32 v51, v30;
	[tilespmem:v16+s16+$0x0] =	vst.idx.msk $0xffff, v3;
	v3 =	vld.idx.msk [tilespmem:v15+s13+$0x0], $0xffff  }
0x10c: {  	v6 =	vadd.f32 v6, v52;
	v15 =	vld [tilespmem:$0x1FD60]  }
0x10d: {  	v32 =	vld.idx.msk [tilespmem:v18+s9+$0x0], $0xffff;
	[tilespmem:v22+s16+$0x0] =	vst.idx.msk $0xffff, v7  }
0x10e: {  	v16 =	vld.idx.msk [tilespmem:v19+s13+$0x0], $0xffff;
	[tilespmem:v10+s16+$0x0] =	vst.idx.msk $0xffff, v6;
	v13 =	vor.u32 v21, v53  }
0x10f: {  	v63 =	vor.u32 v2, v50;
	v2 =	vld [tilespmem:$0x1FF80]  }
0x110: {  	v18 =	vor.u32 v21, v43  }
0x111: {  	v12 =	vor.u32 v45, v56;
	v1 =	vadd.f32 v1, v24;
	v15 =	vor.u32 v15, v11  }
0x112: {  	v9 =	vld.idx.msk [tilespmem:v9+s13+$0x0], $0xffff;
	v15 =	vand.u32 $0x13E8, v15  }
0x113: {  	v3 =	vadd.f32 v3, v28;
	v59 =	vor.u32 v26, v15;
	v15 =	vld [tilespmem:$0x1FD70];
	[tilespmem:v13+s16+$0x0] =	vst.idx.msk $0xffff, v1  }
0x114: {  	v4 =	vadd.s32 s26, v58;
	v16 =	vadd.f32 v16, v32;
	v19 =	vadd.s32 s29, v2;
	v2 =	vld [tilespmem:$0x1FEC0]  }
0x115: {  	v4 =	vand.u32 $0x13EF, v4;
	[tilespmem:v18+s16+$0x0] =	vst.idx.msk $0xffff, v3  }
0x116: {  	v10 =	vld.idx.msk [tilespmem:v12+s13+$0x0], $0xffff;
	v12 =	vor.u32 v60, v0;
	v1 =	vor.u32 v31, v23;
	[tilespmem:v63+s16+$0x0] =	vst.idx.msk $0xffff, v16  }
0x117: {  	v40 =	vadd.f32 v9, v30;
	v9 =	vld [tilespmem:$0x1FD80];
	_ =	sdelay $0x1  }
0x118: {  	v19 =	vand.u32 $0x13CF, v19;
	v13 =	vor.u32 v2, v8  }
0x119: {  	v4 =	vld.idx.msk [tilespmem:v4+s13+$0x0], $0xffff  }
0x11a: {  	v10 =	vadd.f32 v10, v52;
	v3 =	vor.u32 v38, v56;
	v12 =	vld.idx.msk [tilespmem:v12+s13+$0x0], $0xffff;
	[tilespmem:v1+s16+$0x0] =	vst.idx.msk $0xffff, v40  }
0x11b: {  	v18 =	vor.u32 v33, v53;
	v7 =	vld.idx.msk [tilespmem:v59+s13+$0x0], $0xffff;
	[tilespmem:$0x1FC20] =	vst v25;
	v2 =	vor.u32 $0x30, v25;
	v9 =	vor.u32 v9, v11  }
0x11c: {  	v16 =	vor.u32 v33, v43;
	v15 =	vadd.s32 s26, v15;
	[tilespmem:$0x1FC30] =	vst v2;
	v9 =	vand.u32 $0x17E8, v9  }
0x11d: {  	v15 =	vand.u32 $0x17EF, v15;
	v1 =	vor.u32 v26, v9;
	v9 =	vld.idx.msk [tilespmem:v19+s13+$0x0], $0xffff;
	[tilespmem:v13+s16+$0x0] =	vst.idx.msk $0xffff, v10  }
0x11e: {  	v4 =	vadd.f32 v4, v24;
	v13 =	vld [tilespmem:$0x1FDA0]  }
0x11f: {  	v42 =	vor.u32 v35, v50  }
0x120: {  	v35 =	vor.u32 v37, v23;
	v63 =	vadd.s32 $0x1C20, v62;
	v7 =	vadd.f32 v7, v28;
	[tilespmem:v18+s16+$0x0] =	vst.idx.msk $0xffff, v4  }
0x121: {  	v3 =	vld.idx.msk [tilespmem:v3+s13+$0x0], $0xffff;
	[tilespmem:$0x1FC40] =	vst v63  }
0x122: {  	v12 =	vadd.f32 v12, v32;
	v15 =	vld.idx.msk [tilespmem:v15+s13+$0x0], $0xffff;
	[tilespmem:v16+s16+$0x0] =	vst.idx.msk $0xffff, v7  }
0x123: {  	v9 =	vadd.f32 v9, v30;
	v63 =	vld [tilespmem:$0x1FDB0];
	v13 =	vadd.s32 s26, v13  }
0x124: {  	v46 =	vadd.s32 s28, v36;
	v36 =	vand.u32 $0x1BEF, v13;
	v13 =	vld [tilespmem:$0x1FD90];
	[tilespmem:v42+s16+$0x0] =	vst.idx.msk $0xffff, v12  }
0x125: {  	s30 =	simm.s32 $0x5;
	v54 =	vlaneseq.u32;
	v1 =	vld.idx.msk [tilespmem:v1+s13+$0x0], $0xffff;
	[tilespmem:v35+s16+$0x0] =	vst.idx.msk $0xffff, v9  }
0x126: {  	v48 =	vor.u32 v29, v56;
	v58 =	vadd.s32 s30, v54;
	v10 =	vor.u32 v20, v0;
	v2 =	vld [tilespmem:$0x1FDD0]  }
0x127: {  	v51 =	vor.u32 v34, v8;
	v57 =	vor.u32 v57, v50;
	v34 =	vand.u32 $0xF, v58  }
0x128: {  	v31 =	vor.u32 v45, v0;
	v33 =	vadd.s32 s29, v39;
	v4 =	vor.u32 v63, v11  }
0x129: {  	v29 =	vmovc v0;
	v62 =	vand.u32 $0x17CF, v33;
	v59 =	vmovc v5;
	v54 =	vadd.f32 v3, v52;
	v4 =	vand.u32 $0x1BE8, v4  }
0x12a: {  	v20 =	vmovc v8;
	v38 =	vadd.f32 v15, v24;
	v45 =	vadd.f32 v1, v28;
	v42 =	vor.u32 v26, v4  }
0x12b: {  	s30 =	simm.s32 $0x6;
	v35 =	vld.idx.msk [tilespmem:v10+s13+$0x0], $0xffff;
	v37 =	vor.u32 v13, v53;
	v39 =	vor.u32 v13, v43;
	v60 =	vor.u32 v2, v34  }
.LBB2_3:
0x12c: {  	v0 =	vld [tilespmem:$0x1FFF0];
	_ =	sdelay $0x4  }
0x12d: {  	v10 =	vadd.s32 s29, v0;
	v0 =	vld [tilespmem:$0x1FC40];
	_ =	sdelay $0x2  }
0x12e: {  	v1 =	vld.idx.msk [tilespmem:v62+s13+$0x0], $0xffff  }
0x12f: {  	v5 =	vld [tilespmem:$0x1FC20]  }
0x130: {  	v25 =	vld [tilespmem:$0x1FF10];
	v13 =	vadd.s32 s26, v0;
	v0 =	vor.u32 $0x1C20, v2  }
0x131: {  	[tilespmem:$0x1FA90] =	vst v0;
	v19 =	vor.u32 v0, v11;
	v0 =	vld [tilespmem:$0x1FEC0]  }
0x132: {  	v8 =	vld [tilespmem:$0x1FFE0]  }
0x133: {  	v40 =	vld [tilespmem:$0x1FF00]  }
0x134: {  	v63 =	vmov v61;
	v61 =	vld [tilespmem:$0x1FFD0];
	[tilespmem:v51+s16+$0x0] =	vst.idx.msk $0xffff, v54  }
0x135: {  	v4 =	vand.u32 $0x3C8, v60;
	v7 =	vld.idx.msk [tilespmem:v48+s13+$0x0], $0xffff;
	v3 =	vor.u32 v5, v34  }
0x136: {  	v6 =	vand.u32 $0x7, v58;
	[tilespmem:v39+s16+$0x0] =	vst.idx.msk $0xffff, v45;
	v9 =	vadd.f32 v35, v32;
	v54 =	vor.u32 v0, v50;
	v0 =	vld [tilespmem:$0x1FED0]  }
0x137: {  	v4 =	vor.u32 v6, v4;
	[tilespmem:v37+s16+$0x0] =	vst.idx.msk $0xffff, v38;
	v15 =	vld.idx.msk [tilespmem:v42+s13+$0x0], $0xffff  }
0x138: {  	v49 =	vlaneseq.u32;
	[tilespmem:v57+s16+$0x0] =	vst.idx.msk $0xffff, v9;
	v9 =	vld.idx.msk [tilespmem:v36+s13+$0x0], $0xffff  }
0x139: {  	v22 =	vor.u32 $0x1060, v49;
	v16 =	vor.u32 v8, v23;
	v18 =	vld.idx.msk [tilespmem:v31+s13+$0x0], $0xffff  }
0x13a: {  	[tilespmem:$0x1FAA0] =	vst v22;
	v10 =	vand.u32 $0x1BCF, v10;
	v21 =	vld.idx.msk [tilespmem:v3+s9+$0x0], $0xffff;
	v3 =	vor.u32 v22, v53;
	v22 =	vor.u32 v22, v43  }
0x13b: {  	v1 =	vadd.f32 v1, v30;
	v45 =	vor.u32 v40, v20;
	v57 =	vor.u32 v0, v29;
	v0 =	vld [tilespmem:$0x1FC50]  }
0x13c: {  	v4 =	vld.idx.msk [tilespmem:v4+s13+$0x0], $0xffff;
	v31 =	vshll.u32 v58, $0x7;
	v13 =	vand.u32 $0x1FEF, v13;
	v19 =	vand.u32 $0x1FE8, v19  }
0x13d: {  	v33 =	vld [tilespmem:$0x1FEA0];
	v31 =	vand.u32 $0x780, v31;
	v19 =	vor.u32 v26, v19;
	v26 =	vmovc v14;
	v14 =	vmovc v6;
	v6 =	vadd.f32 v15, v28  }
0x13e: {  	v51 =	vld [tilespmem:$0x1FF20];
	[tilespmem:v16+s16+$0x0] =	vst.idx.msk $0xffff, v1;
	v9 =	vadd.f32 v9, v24;
	v15 =	vor.u32 v49, v31  }
0x13f: {  	v11 =	vmov v17;
	v17 =	vmov v34;
	v10 =	vld.idx.msk [tilespmem:v10+s13+$0x0], $0xffff;
	[tilespmem:v22+s16+$0x0] =	vst.idx.msk $0xffff, v6;
	v6 =	vadd.f32 v7, v52  }
0x140: {  	v18 =	vadd.f32 v18, v32;
	[tilespmem:v3+s16+$0x0] =	vst.idx.msk $0xffff, v9;
	v1 =	vor.u32 v0, v17;
	v0 =	vld [tilespmem:$0x1FE80]  }
0x141: {  	v3 =	vadd.f32 v4, v21;
	v13 =	vld.idx.msk [tilespmem:v13+s13+$0x0], $0xffff;
	[tilespmem:v45+s16+$0x0] =	vst.idx.msk $0xffff, v6  }
0x142: {  	v9 =	vld.idx.msk [tilespmem:v19+s13+$0x0], $0xffff;
	[tilespmem:v54+s16+$0x0] =	vst.idx.msk $0xffff, v18  }
0x143: {  	v12 =	vor.u32 v25, v56;
	v6 =	vld.idx.msk [tilespmem:v57+s13+$0x0], $0xffff;
	[tilespmem:v15+s16+$0x0] =	vst.idx.msk $0xffff, v3;
	v3 =	vor.u32 $0x30, v2  }
0x144: {  	v35 =	vld [tilespmem:$0x1FC60];
	s26 =	smov.u32 s28;
	s28 =	smov.u32 s29;
	v62 =	vor.u32 v3, v41  }
0x145: {  	[tilespmem:$0x1FAC0] =	vst v3;
	v42 =	vor.u32 v3, v47;
	v3 =	vld [tilespmem:$0x1FEF0];
	v16 =	vadd.s32 s28, v0;
	v0 =	vor.u32 $0x1070, v49  }
0x146: {  	v15 =	vor.u32 v0, v53;
	[tilespmem:$0x1FAB0] =	vst v0;
	v19 =	vor.u32 v0, v43;
	v0 =	vld [tilespmem:$0x1FBE0]  }
0x147: {  	v22 =	vld [tilespmem:$0x1FC30];
	v1 =	vand.u32 $0x7C8, v1  }
0x148: {  	v48 =	vmov v29;
	v12 =	vld.idx.msk [tilespmem:v12+s13+$0x0], $0xffff;
	v18 =	vor.u32 v61, v23;
	v1 =	vor.u32 v14, v1  }
0x149: {  	v54 =	vor.u32 v25, v48;
	v25 =	vld [tilespmem:$0x1FF40];
	v16 =	vand.u32 $0x1FCF, v16  }
0x14a: {  	v45 =	vor.u32 v3, v29;
	v3 =	vld [tilespmem:$0x1FF50]  }
0x14b: {  	v10 =	vadd.f32 v10, v30;
	v53 =	vmov v0;
	v0 =	vld [tilespmem:$0x1FEE0]  }
0x14c: {  	v4 =	vor.u32 v51, v20;
	v7 =	vor.u32 v41, v22;
	v22 =	vor.u32 v47, v22;
	v29 =	vld [tilespmem:$0x1FE20]  }
0x14d: {  	v9 =	vadd.f32 v9, v28;
	[tilespmem:v18+s16+$0x0] =	vst.idx.msk $0xffff, v10;
	v1 =	vld.idx.msk [tilespmem:v1+s13+$0x0], $0xffff  }
0x14e: {  	v13 =	vadd.f32 v13, v24;
	v16 =	vld.idx.msk [tilespmem:v16+s13+$0x0], $0xffff  }
0x14f: {  	[tilespmem:v19+s16+$0x0] =	vst.idx.msk $0xffff, v9;
	v9 =	vadd.f32 v12, v52;
	v12 =	vadd.s32 s26, v3;
	v3 =	vld [tilespmem:$0x1FDC0]  }
0x150: {  	[tilespmem:v15+s16+$0x0] =	vst.idx.msk $0xffff, v13;
	v60 =	vor.u32 v0, v50;
	v0 =	vmov v23;
	v23 =	vor.u32 v27, v17;
	v27 =	vld [tilespmem:$0x1FF30]  }
0x151: {  	v36 =	vld.idx.msk [tilespmem:v22+s9+$0x0], $0xffff;
	[tilespmem:v4+s16+$0x0] =	vst.idx.msk $0xffff, v9  }
0x152: {  	[tilespmem:$0x1FB70] =	vst v56;
	v6 =	vadd.f32 v6, v32;
	v10 =	vor.u32 v29, v31;
	v34 =	vld.idx.msk [tilespmem:v7+s9+$0x0], $0xffff  }
0x153: {  	v19 =	vadd.s32 s30, v49;
	v18 =	vand.u32 $0xBC8, v23;
	[tilespmem:$0x1FBE0] =	vst v0;
	v39 =	vor.u32 v33, v0;
	v0 =	vld [tilespmem:$0x1FE00]  }
0x154: {  	[tilespmem:$0x1FB80] =	vst v19;
	v28 =	vld.idx.msk [tilespmem:v62+s13+$0x0], $0xffff;
	v18 =	vor.u32 v14, v18  }
0x155: {  	v15 =	vand.u32 $0xF, v19;
	v13 =	vor.u32 v27, v56;
	[tilespmem:v60+s16+$0x0] =	vst.idx.msk $0xffff, v6;
	v56 =	vmovc v19;
	v19 =	vadd.s32 s30, v3;
	v3 =	vld [tilespmem:$0x1FC10]  }
0x156: {  	v1 =	vadd.f32 v1, v21;
	v23 =	vor.u32 v5, v15;
	v6 =	vld.idx.msk [tilespmem:v42+s13+$0x0], $0xffff  }
0x157: {  	v9 =	vld.idx.msk [tilespmem:v45+s13+$0x0], $0xffff  }
0x158: {  	v24 =	vor.u32 v40, v50;
	[tilespmem:v10+s16+$0x0] =	vst.idx.msk $0xffff, v1;
	v1 =	vor.u32 $0x1800, v49;
	v40 =	vor.u32 v0, v17;
	v0 =	vld [tilespmem:$0x1FFB0]  }
0x159: {  	[tilespmem:$0x1FB90] =	vst v20;
	v7 =	vld.idx.msk [tilespmem:v18+s13+$0x0], $0xffff;
	v18 =	vor.u32 v1, v43  }
0x15a: {  	[tilespmem:$0x1FBB0] =	vst v48;
	v5 =	vld [tilespmem:$0x1FEB0];
	v19 =	vand.u32 $0x3CF, v19;
	v22 =	vor.u32 v55, v3;
	v3 =	vor.u32 $0x430, v2  }
0x15b: {  	v57 =	vor.u32 v35, v31;
	v16 =	vadd.f32 v16, v30;
	v30 =	vld.idx.msk [tilespmem:v23+s9+$0x0], $0xffff;
	v10 =	vor.u32 v1, v44  }
0x15c: {  	v40 =	vand.u32 $0xFC8, v40;
	v13 =	vld.idx.msk [tilespmem:v13+s13+$0x0], $0xffff;
	v37 =	vor.u32 v3, v41;
	[tilespmem:$0x1FAE0] =	vst v3;
	v6 =	vadd.f32 v6, v36  }
0x15d: {  	v38 =	vor.u32 v3, v47;
	v9 =	vadd.f32 v9, v32;
	v3 =	vmovc v48;
	v48 =	vor.u32 v0, v55;
	v0 =	vld [tilespmem:$0x1FBC0]  }
0x15e: {  	v40 =	vor.u32 v14, v40;
	[tilespmem:v18+s16+$0x0] =	vst.idx.msk $0xffff, v6;
	v6 =	vadd.f32 v7, v21;
	v7 =	vld [tilespmem:$0x1FC00]  }
0x15f: {  	v19 =	vld.idx.msk [tilespmem:v19+s13+$0x0], $0xffff;
	[tilespmem:v24+s16+$0x0] =	vst.idx.msk $0xffff, v9  }
0x160: {  	[tilespmem:v39+s16+$0x0] =	vst.idx.msk $0xffff, v16;
	v24 =	vld.idx.msk [tilespmem:v54+s13+$0x0], $0xffff  }
0x161: {  	v16 =	vor.u32 v25, v20;
	v20 =	vadd.f32 v28, v34;
	v13 =	vadd.f32 v13, v52;
	v52 =	vld.idx.msk [tilespmem:v22+s9+$0x0], $0xffff  }
0x162: {  	v23 =	vor.u32 v5, v55;
	v9 =	vld.idx.msk [tilespmem:v38+s13+$0x0], $0xffff;
	[tilespmem:v57+s16+$0x0] =	vst.idx.msk $0xffff, v6  }
0x163: {  	[tilespmem:v10+s16+$0x0] =	vst.idx.msk $0xffff, v20;
	v22 =	vld.idx.msk [tilespmem:v40+s13+$0x0], $0xffff;
	v18 =	vor.u32 v0, v7;
	v0 =	vor.u32 $0x1810, v49  }
0x164: {  	v10 =	vor.u32 v0, v43;
	[tilespmem:$0x1FAF0] =	vst v0;
	v40 =	vor.u32 v0, v44;
	v0 =	vld [tilespmem:$0x1FE30]  }
0x165: {  	v39 =	vld.idx.msk [tilespmem:v37+s13+$0x0], $0xffff  }
0x166: {  	[tilespmem:$0x1FAD0] =	vst v1;
	v1 =	vor.u32 $0x830, v2;
	v37 =	vld [tilespmem:$0x1FE10]  }
0x167: {  	v42 =	vor.u32 v1, v47;
	[tilespmem:$0x1FB00] =	vst v1  }
0x168: {  	v54 =	vor.u32 v1, v41;
	v38 =	vor.u32 v51, v50;
	v45 =	vld.idx.msk [tilespmem:v23+s13+$0x0], $0xffff;
	v51 =	vor.u32 v27, v3  }
0x169: {  	[tilespmem:v16+s16+$0x0] =	vst.idx.msk $0xffff, v13;
	v13 =	vadd.f32 v24, v32;
	v20 =	vor.u32 v0, v17;
	v0 =	vmov v15  }
0x16a: {  	v1 =	vld [tilespmem:$0x1FBD0];
	v9 =	vadd.f32 v9, v36;
	v23 =	vand.u32 $0x13C8, v20;
	[tilespmem:$0x1FBD0] =	vst v0;
	v0 =	vshll.u32 v56, $0x7  }
0x16b: {  	v62 =	vor.u32 v37, v31;
	[tilespmem:$0x1FBA0] =	vst v0;
	v15 =	vor.u32 v14, v23;
	v23 =	vand.u32 $0x780, v0;
	v0 =	vld [tilespmem:$0x1FCB0]  }
0x16c: {  	[tilespmem:v10+s16+$0x0] =	vst.idx.msk $0xffff, v9  }
0x16d: {  	v24 =	vld.idx.msk [tilespmem:v18+s9+$0x0], $0xffff;
	[tilespmem:v38+s16+$0x0] =	vst.idx.msk $0xffff, v13  }
0x16e: {  	v12 =	vand.u32 $0x3EF, v12;
	v9 =	vadd.f32 v22, v21;
	v13 =	vld.idx.msk [tilespmem:v42+s13+$0x0], $0xffff  }
0x16f: {  	v38 =	vld.idx.msk [tilespmem:v51+s13+$0x0], $0xffff  }
0x170: {  	[tilespmem:v62+s16+$0x0] =	vst.idx.msk $0xffff, v9;
	v18 =	vor.u32 v49, v23;
	v62 =	vor.u32 v0, v11;
	v0 =	vld [tilespmem:$0x1FE40]  }
0x171: {  	v39 =	vadd.f32 v39, v34;
	_ =	sdelay $0x1  }
0x172: {  	v19 =	vadd.f32 v19, v30;
	v12 =	vld.idx.msk [tilespmem:v12+s13+$0x0], $0xffff;
	[tilespmem:v40+s16+$0x0] =	vst.idx.msk $0xffff, v39  }
0x173: {  	v54 =	vld.idx.msk [tilespmem:v54+s13+$0x0], $0xffff  }
0x174: {  	[tilespmem:v18+s16+$0x0] =	vst.idx.msk $0xffff, v19;
	v18 =	vor.u32 v0, v31;
	v0 =	vld [tilespmem:$0x1FE60];
	_ =	sdelay $0x1  }
0x175: {  	v60 =	vmov v46;
	v46 =	vld [tilespmem:$0x1FFA0]  }
0x176: {  	v1 =	vmov v1  }
0x177: {  	[tilespmem:$0x1FBC0] =	vst v1;
	v1 =	vld [tilespmem:$0x1FCC0]  }
0x178: {  	v19 =	vor.u32 v0, v17;
	v0 =	vld [tilespmem:$0x1FD70]  }
0x179: {  	v28 =	vadd.s32 s30, v63  }
0x17a: {  	v3 =	vor.u32 $0x1820, v49;
	v16 =	vand.u32 $0x7CF, v28;
	v28 =	vor.u32 v46, v59  }
0x17b: {  	v4 =	vor.u32 $0xC30, v2;
	v39 =	vor.u32 v3, v43  }
0x17c: {  	v40 =	vor.u32 v4, v47;
	v22 =	vor.u32 v1, v53;
	v15 =	vld.idx.msk [tilespmem:v15+s13+$0x0], $0xffff  }
0x17d: {  	v42 =	vadd.f32 v45, v52;
	v45 =	vor.u32 v25, v50;
	v56 =	vadd.s32 s26, v0;
	v0 =	vld [tilespmem:$0x1FD50]  }
0x17e: {  	v51 =	vor.u32 v11, v7;
	v12 =	vadd.f32 v12, v24;
	v13 =	vadd.f32 v13, v36  }
0x17f: {  	[tilespmem:v28+s16+$0x0] =	vst.idx.msk $0xffff, v42;
	v28 =	vadd.f32 v38, v32;
	v32 =	vor.u32 v3, v44  }
0x180: {  	v57 =	vand.u32 $0x3E8, v62;
	[tilespmem:v39+s16+$0x0] =	vst.idx.msk $0xffff, v13;
	v16 =	vld.idx.msk [tilespmem:v16+s13+$0x0], $0xffff  }
0x181: {  	v42 =	vor.u32 v26, v57;
	v38 =	vld.idx.msk [tilespmem:v48+s13+$0x0], $0xffff;
	[tilespmem:v22+s16+$0x0] =	vst.idx.msk $0xffff, v12;
	v13 =	vadd.f32 v15, v21  }
0x182: {  	[tilespmem:v45+s16+$0x0] =	vst.idx.msk $0xffff, v28;
	v15 =	vand.u32 $0x7EF, v60;
	v60 =	vadd.f32 v54, v34;
	v22 =	vadd.s32 s26, v0;
	v0 =	vld [tilespmem:$0x1FD30]  }
0x183: {  	v39 =	vld.idx.msk [tilespmem:v40+s13+$0x0], $0xffff  }
0x184: {  	v28 =	vld.idx.msk [tilespmem:v51+s9+$0x0], $0xffff;
	[tilespmem:v32+s16+$0x0] =	vst.idx.msk $0xffff, v60;
	v19 =	vand.u32 $0x17C8, v19  }
0x185: {  	v60 =	vor.u32 v1, v50;
	v1 =	vld [tilespmem:$0x1FD00];
	[tilespmem:v18+s16+$0x0] =	vst.idx.msk $0xffff, v13;
	v19 =	vor.u32 v14, v19  }
0x186: {  	v18 =	vld.idx.msk [tilespmem:v42+s13+$0x0], $0xffff  }
0x187: {  	v42 =	vadd.s32 s26, v0;
	v0 =	vld [tilespmem:$0x1FE70]  }
0x188: {  	[tilespmem:$0x1FB10] =	vst v3;
	v3 =	vor.u32 $0x1830, v49  }
0x189: {  	[tilespmem:$0x1FB20] =	vst v4;
	v62 =	vor.u32 v4, v41;
	v4 =	vor.u32 $0x1030, v2;
	v32 =	vor.u32 v3, v43  }
0x18a: {  	v54 =	vor.u32 v4, v47;
	v19 =	vld.idx.msk [tilespmem:v19+s13+$0x0], $0xffff  }
0x18b: {  	v27 =	vadd.s32 s26, v1;
	v1 =	vld [tilespmem:$0x1FDE0]  }
0x18c: {  	v39 =	vadd.f32 v39, v36;
	v40 =	vor.u32 v0, v17;
	v0 =	vld [tilespmem:$0x1FCE0];
	_ =	sdelay $0x1  }
0x18d: {  	v20 =	vld [tilespmem:$0x1FC70];
	[tilespmem:v32+s16+$0x0] =	vst.idx.msk $0xffff, v39  }
0x18e: {  	v32 =	vadd.f32 v16, v30;
	v16 =	vadd.f32 v19, v21;
	v19 =	vld.idx.msk [tilespmem:v54+s13+$0x0], $0xffff  }
0x18f: {  	v57 =	vor.u32 v8, v31;
	v54 =	vadd.s32 s30, v1;
	v1 =	vld [tilespmem:$0x1FE90]  }
0x190: {  	v48 =	vld.idx.msk [tilespmem:v62+s13+$0x0], $0xffff;
	v51 =	vor.u32 v0, v11  }
0x191: {  	v18 =	vadd.f32 v18, v28;
	v51 =	vand.u32 $0x7E8, v51  }
0x192: {  	v62 =	vor.u32 v3, v44;
	v51 =	vor.u32 v26, v51  }
0x193: {  	v8 =	vmov v59;
	v45 =	vor.u32 v20, v59;
	v59 =	vor.u32 v4, v41;
	[tilespmem:v60+s16+$0x0] =	vst.idx.msk $0xffff, v18;
	v0 =	vld [tilespmem:$0x1FCF0]  }
0x194: {  	v39 =	vor.u32 v29, v23;
	[tilespmem:v57+s16+$0x0] =	vst.idx.msk $0xffff, v16;
	v57 =	vor.u32 v1, v17;
	v1 =	vld [tilespmem:$0x1FD10]  }
0x195: {  	[tilespmem:$0x1FB40] =	vst v4;
	v4 =	vor.u32 $0x1430, v2;
	v18 =	vadd.f32 v48, v34  }
0x196: {  	[tilespmem:$0x1FB30] =	vst v3;
	v3 =	vor.u32 $0x1840, v49;
	v15 =	vld.idx.msk [tilespmem:v15+s13+$0x0], $0xffff;
	v54 =	vand.u32 $0xBCF, v54;
	v40 =	vand.u32 $0x1BC8, v40  }
0x197: {  	[tilespmem:v62+s16+$0x0] =	vst.idx.msk $0xffff, v18;
	v18 =	vor.u32 v3, v43;
	v40 =	vor.u32 v14, v40;
	v51 =	vld.idx.msk [tilespmem:v51+s13+$0x0], $0xffff  }
0x198: {  	v38 =	vadd.f32 v38, v52;
	v62 =	vor.u32 v4, v47;
	v59 =	vld.idx.msk [tilespmem:v59+s13+$0x0], $0xffff;
	v25 =	vor.u32 v0, v53  }
0x199: {  	[tilespmem:v39+s16+$0x0] =	vst.idx.msk $0xffff, v32;
	v60 =	vor.u32 v1, v11;
	v1 =	vld [tilespmem:$0x1FF80];
	v39 =	vor.u32 v0, v50  }
0x19a: {  	[tilespmem:v45+s16+$0x0] =	vst.idx.msk $0xffff, v38;
	v19 =	vadd.f32 v19, v36  }
0x19b: {  	v48 =	vadd.f32 v15, v24;
	v54 =	vld.idx.msk [tilespmem:v54+s13+$0x0], $0xffff  }
0x19c: {  	v40 =	vld.idx.msk [tilespmem:v40+s13+$0x0], $0xffff;
	[tilespmem:v18+s16+$0x0] =	vst.idx.msk $0xffff, v19;
	v51 =	vadd.f32 v51, v28  }
0x19d: {  	v27 =	vand.u32 $0xBEF, v27;
	[tilespmem:v25+s16+$0x0] =	vst.idx.msk $0xffff, v48;
	v25 =	vld.idx.msk [tilespmem:v62+s13+$0x0], $0xffff  }
0x19e: {  	v32 =	vor.u32 v61, v31;
	v60 =	vand.u32 $0xBE8, v60;
	[tilespmem:v39+s16+$0x0] =	vst.idx.msk $0xffff, v51;
	v39 =	vadd.s32 s30, v1;
	v1 =	vld [tilespmem:$0x1FD20]  }
0x19f: {  	v61 =	vand.u32 $0x1FC8, v57;
	v45 =	vor.u32 v26, v60  }
0x1a0: {  	v13 =	vld [tilespmem:$0x1FC80];
	v57 =	vor.u32 v3, v44;
	v38 =	vor.u32 v14, v61  }
0x1a1: {  	[tilespmem:$0x1FB50] =	vst v3;
	v3 =	vld [tilespmem:$0x1FF60];
	v60 =	vor.u32 v4, v41;
	v18 =	vadd.f32 v40, v21  }
0x1a2: {  	v19 =	vadd.f32 v59, v34;
	v27 =	vld.idx.msk [tilespmem:v27+s13+$0x0], $0xffff  }
0x1a3: {  	[tilespmem:v32+s16+$0x0] =	vst.idx.msk $0xffff, v18;
	v18 =	vor.u32 $0x1850, v49;
	v32 =	vor.u32 v1, v53;
	v62 =	vor.u32 v1, v50;
	v1 =	vld [tilespmem:$0x1FC10]  }
0x1a4: {  	v45 =	vld.idx.msk [tilespmem:v45+s13+$0x0], $0xffff;
	v48 =	vor.u32 v18, v43  }
0x1a5: {  	v61 =	vor.u32 v13, v55;
	[tilespmem:v57+s16+$0x0] =	vst.idx.msk $0xffff, v19;
	v19 =	vor.u32 $0x1830, v2;
	v38 =	vld.idx.msk [tilespmem:v38+s13+$0x0], $0xffff  }
0x1a6: {  	v57 =	vld.idx.msk [tilespmem:v60+s13+$0x0], $0xffff;
	v60 =	vor.u32 v19, v47  }
0x1a7: {  	v51 =	vor.u32 v3, v11;
	v3 =	vor.u32 v33, v31;
	v25 =	vadd.f32 v25, v36  }
0x1a8: {  	v6 =	vld [tilespmem:$0x1FDF0];
	v27 =	vadd.f32 v27, v24;
	v1 =	vor.u32 v58, v1  }
0x1a9: {  	v7 =	vor.u32 v5, v58;
	v5 =	vld [tilespmem:$0x1FB70];
	v45 =	vadd.f32 v45, v28;
	[tilespmem:v48+s16+$0x0] =	vst.idx.msk $0xffff, v25  }
0x1aa: {  	v61 =	vld.idx.msk [tilespmem:v61+s13+$0x0], $0xffff;
	v21 =	vadd.f32 v38, v21;
	[tilespmem:v32+s16+$0x0] =	vst.idx.msk $0xffff, v27  }
0x1ab: {  	v27 =	vld.idx.msk [tilespmem:v60+s13+$0x0], $0xffff;
	[tilespmem:v62+s16+$0x0] =	vst.idx.msk $0xffff, v45  }
0x1ac: {  	v12 =	vld [tilespmem:$0x1FC90];
	v42 =	vand.u32 $0xFEF, v42;
	v59 =	vor.u32 v18, v44;
	[tilespmem:v3+s16+$0x0] =	vst.idx.msk $0xffff, v21  }
0x1ad: {  	v10 =	vmovc v63;
	v63 =	vor.u32 v19, v41;
	v32 =	vld.idx.msk [tilespmem:v1+s9+$0x0], $0xffff;
	v1 =	vand.u32 $0x13EF, v22;
	v22 =	vor.u32 $0x1C30, v2  }
0x1ae: {  	v60 =	vor.u32 v22, v41;
	v41 =	vmov v5;
	v5 =	vld [tilespmem:$0x1FFB0]  }
0x1af: {  	v15 =	vld [tilespmem:$0x1FCA0];
	v57 =	vadd.f32 v57, v34  }
0x1b0: {  	v16 =	vld [tilespmem:$0x1FD40];
	v51 =	vand.u32 $0xFE8, v51  }
0x1b1: {  	v9 =	vlaneseq.u32;
	v51 =	vor.u32 v26, v51;
	v42 =	vld.idx.msk [tilespmem:v42+s13+$0x0], $0xffff;
	[tilespmem:v59+s16+$0x0] =	vst.idx.msk $0xffff, v57  }
0x1b2: {  	v21 =	vor.u32 $0x1860, v9;
	v59 =	vld.idx.msk [tilespmem:v63+s13+$0x0], $0xffff  }
0x1b3: {  	v45 =	vor.u32 v21, v43;
	v63 =	vor.u32 v5, v58;
	v5 =	vld [tilespmem:$0x1FEC0]  }
0x1b4: {  	v6 =	vadd.s32 s30, v6;
	v25 =	vor.u32 v35, v23;
	v9 =	vld [tilespmem:$0x1FD60]  }
0x1b5: {  	v6 =	vand.u32 $0xFCF, v6;
	v40 =	vor.u32 v12, v8  }
0x1b6: {  	[tilespmem:$0x1FB60] =	vst v4;
	v0 =	vor.u32 v15, v55;
	v3 =	vld.idx.msk [tilespmem:v51+s13+$0x0], $0xffff;
	v27 =	vadd.f32 v27, v36  }
0x1b7: {  	v4 =	vor.u32 v16, v53;
	v38 =	vadd.f32 v54, v30;
	v7 =	vld.idx.msk [tilespmem:v7+s13+$0x0], $0xffff;
	v47 =	vor.u32 v22, v47  }
0x1b8: {  	v48 =	vadd.f32 v61, v52;
	[tilespmem:v45+s16+$0x0] =	vst.idx.msk $0xffff, v27;
	v27 =	vor.u32 v5, v8;
	v5 =	vld [tilespmem:$0x1FED0]  }
0x1b9: {  	v57 =	vor.u32 v16, v50;
	[tilespmem:v25+s16+$0x0] =	vst.idx.msk $0xffff, v38;
	v35 =	vor.u32 v9, v11  }
0x1ba: {  	v6 =	vld.idx.msk [tilespmem:v6+s13+$0x0], $0xffff;
	[tilespmem:v40+s16+$0x0] =	vst.idx.msk $0xffff, v48;
	v62 =	vadd.f32 v42, v24;
	v51 =	vand.u32 $0x13E8, v35  }
0x1bb: {  	v25 =	vand.u32 $0x17EF, v56;
	v38 =	vor.u32 v46, v31;
	v0 =	vld.idx.msk [tilespmem:v0+s13+$0x0], $0xffff;
	v56 =	vor.u32 v26, v51  }
0x1bc: {  	v54 =	vor.u32 v21, v44;
	[tilespmem:v4+s16+$0x0] =	vst.idx.msk $0xffff, v62;
	v4 =	vld.idx.msk [tilespmem:v47+s13+$0x0], $0xffff  }
0x1bd: {  	v3 =	vadd.f32 v3, v28;
	v47 =	vor.u32 v37, v23;
	v45 =	vor.u32 v5, v55;
	v5 =	vld [tilespmem:$0x1FF70]  }
0x1be: {  	v7 =	vadd.f32 v7, v32  }
0x1bf: {  	v39 =	vand.u32 $0x13CF, v39;
	v61 =	vmovc v10;
	v10 =	vlaneseq.u32;
	v46 =	vadd.f32 v59, v34;
	v1 =	vld.idx.msk [tilespmem:v1+s13+$0x0], $0xffff;
	[tilespmem:v57+s16+$0x0] =	vst.idx.msk $0xffff, v3  }
0x1c0: {  	v40 =	vor.u32 $0x1870, v10;
	v6 =	vadd.f32 v6, v30;
	v33 =	vld.idx.msk [tilespmem:v56+s13+$0x0], $0xffff;
	[tilespmem:v38+s16+$0x0] =	vst.idx.msk $0xffff, v7  }
0x1c1: {  	v0 =	vadd.f32 v0, v52;
	[tilespmem:v54+s16+$0x0] =	vst.idx.msk $0xffff, v46;
	v57 =	vor.u32 v40, v43;
	v42 =	vld.idx.msk [tilespmem:v63+s13+$0x0], $0xffff  }
0x1c2: {  	v63 =	vld.idx.msk [tilespmem:v60+s13+$0x0], $0xffff;
	[tilespmem:v47+s16+$0x0] =	vst.idx.msk $0xffff, v6;
	v3 =	vor.u32 v5, v53  }
0x1c3: {  	v9 =	vld [tilespmem:$0x1FD80];
	[tilespmem:v27+s16+$0x0] =	vst.idx.msk $0xffff, v0  }
0x1c4: {  	v4 =	vadd.f32 v4, v36;
	v27 =	vld.idx.msk [tilespmem:v39+s13+$0x0], $0xffff  }
0x1c5: {  	v1 =	vadd.f32 v1, v24;
	v59 =	vor.u32 v5, v50;
	v5 =	vld [tilespmem:$0x1FB80]  }
0x1c6: {  	[tilespmem:v57+s16+$0x0] =	vst.idx.msk $0xffff, v4;
	v4 =	vld.idx.msk [tilespmem:v45+s13+$0x0], $0xffff  }
0x1c7: {  	[tilespmem:v3+s16+$0x0] =	vst.idx.msk $0xffff, v1;
	v3 =	vld [tilespmem:$0x1FB90];
	_ =	sdelay $0x1  }
0x1c8: {  	v9 =	vor.u32 v9, v11  }
0x1c9: {  	v62 =	vand.u32 $0x17E8, v9;
	v9 =	vld [tilespmem:$0x1FCD0]  }
0x1ca: {  	v56 =	vmov v55;
	v55 =	vmov v5;
	v5 =	vld [tilespmem:$0x1FE40]  }
0x1cb: {  	v7 =	vor.u32 v40, v44;
	v44 =	vmov v3;
	v3 =	vld [tilespmem:$0x1FE50];
	_ =	sdelay $0x1  }
0x1cc: {  	v1 =	vld [tilespmem:$0x1FDA0]  }
0x1cd: {  	v43 =	vmov v50;
	v6 =	vor.u32 v26, v62;
	v50 =	vmov v31  }
0x1ce: {  	v46 =	vadd.s32 s28, v9;
	v9 =	vld [tilespmem:$0x1FD90];
	v0 =	vor.u32 v20, v50  }
0x1cf: {  	v49 =	vadd.f32 v33, v28;
	v45 =	vor.u32 v5, v23;
	v5 =	vld [tilespmem:$0x1FBA0];
	v3 =	vadd.s32 s30, v3  }
0x1d0: {  	v62 =	vand.u32 $0x17CF, v3;
	v3 =	vld [tilespmem:$0x1FEE0]  }
0x1d1: {  	v54 =	vadd.f32 v42, v32;
	[tilespmem:v59+s16+$0x0] =	vst.idx.msk $0xffff, v49;
	v25 =	vld.idx.msk [tilespmem:v25+s13+$0x0], $0xffff;
	v1 =	vadd.s32 s26, v1  }
0x1d2: {  	v36 =	vand.u32 $0x1BEF, v1;
	v1 =	vld.idx.msk [tilespmem:v6+s13+$0x0], $0xffff  }
0x1d3: {  	[tilespmem:v0+s16+$0x0] =	vst.idx.msk $0xffff, v54;
	v0 =	vld [tilespmem:$0x1FDB0]  }
0x1d4: {  	v31 =	vor.u32 v13, v58;
	v20 =	vmov v8;
	v59 =	vmov v5;
	v5 =	vld [tilespmem:$0x1FBB0]  }
0x1d5: {  	v51 =	vor.u32 v3, v20;
	v3 =	vld [tilespmem:$0x1FEF0];
	_ =	sdelay $0x1  }
0x1d6: {  	p1 =	slt.u32 s30, $0xE;
	v37 =	vor.u32 v9, v53;
	v39 =	vor.u32 v9, v43  }
.Ltmp0:
0x1d7: {  	v57 =	vor.u32 v12, v50;
	v6 =	vadd.f32 v63, v34;
	v0 =	vor.u32 v0, v11;
	(pc) =	sbr.rel @p1 .LBB2_3-.Ltmp0, $4  }
0x1d8: {  	s31 =	sadd.s32 $0x1, s30;
	v54 =	vadd.f32 v4, v52;
	v38 =	vadd.f32 v25, v24;
	v35 =	vld.idx.msk [tilespmem:v31+s13+$0x0], $0xffff;
	v0 =	vand.u32 $0x1BE8, v0  }
0x1d9: {  	v47 =	vmovc v5;
	v5 =	vmovc v58;
	v58 =	vadd.s32 s31, v10;
	v48 =	vor.u32 v3, v56;
	v3 =	vadd.f32 v27, v30  }
0x1da: {  	[tilespmem:v7+s16+$0x0] =	vst.idx.msk $0xffff, v6;
	v42 =	vor.u32 v26, v0;
	v34 =	vand.u32 $0xF, v58;
	v31 =	vor.u32 v15, v5  }
0x1db: {  	s29 =	smov.u32 s30;
	v6 =	vlaneseq.u32;
	s30 =	sadd.s32 $0x2, s30;
	v29 =	vmovc v5;
	v60 =	vor.u32 v2, v34;
	v27 =	vld [tilespmem:$0x1FF90];
	[tilespmem:v45+s16+$0x0] =	vst.idx.msk $0xffff, v3;
	v45 =	vadd.f32 v1, v28  }
0x1dc: {  	v0 =	vld [tilespmem:$0x1FC20];
	_ =	sdelay $0x2  }
0x1dd: {  	v1 =	vand.u32 $0x3C8, v60;
	v49 =	vand.u32 $0x7, v58  }
0x1de: {  	v1 =	vor.u32 v49, v1  }
0x1df: {  	v0 =	vor.u32 v0, v34;
	_ =	sdelay $0x2  }
0x1e0: {  	v2 =	vld [tilespmem:$0x1FC50]  }
0x1e1: {  	v1 =	vld.idx.msk [tilespmem:v1+s13+$0x0], $0xffff  }
0x1e2: {  	v3 =	vshll.u32 v58, $0x7;
	v0 =	vld.idx.msk [tilespmem:v0+s9+$0x0], $0xffff  }
0x1e3: {  	v63 =	vmov v59;
	v59 =	vand.u32 $0x780, v3  }
0x1e4: {  	v4 =	vor.u32 v6, v59;
	_ =	sdelay $0x1  }
0x1e5: {  	v60 =	vor.u32 v2, v34  }
0x1e6: {  	v3 =	vand.u32 $0x7C8, v60;
	v1 =	vadd.f32 v1, v0  }
0x1e7: {  	v3 =	vor.u32 v49, v3  }
0x1e8: {  	[tilespmem:v4+s16+$0x0] =	vst.idx.msk $0xffff, v1  }
0x1e9: {  	v9 =	vld [tilespmem:$0x1FE20];
	_ =	sdelay $0x2  }
0x1ea: {  	v1 =	vld.idx.msk [tilespmem:v3+s13+$0x0], $0xffff;
	_ =	sdelay $0x1  }
0x1eb: {  	v10 =	vor.u32 v9, v59;
	_ =	sdelay $0x1  }
0x1ec: {  	v8 =	vor.u32 v27, v34  }
0x1ed: {  	v3 =	vand.u32 $0xBC8, v8;
	v1 =	vadd.f32 v1, v0  }
0x1ee: {  	v3 =	vor.u32 v49, v3  }
0x1ef: {  	[tilespmem:v10+s16+$0x0] =	vst.idx.msk $0xffff, v1  }
0x1f0: {  	v7 =	vld [tilespmem:$0x1FC60];
	_ =	sdelay $0x1  }
0x1f1: {  	v33 =	vld [tilespmem:$0x1FE00]  }
0x1f2: {  	v1 =	vld.idx.msk [tilespmem:v3+s13+$0x0], $0xffff;
	_ =	sdelay $0x1  }
0x1f3: {  	v8 =	vor.u32 v7, v59;
	_ =	sdelay $0x1  }
0x1f4: {  	v60 =	vor.u32 v33, v34  }
0x1f5: {  	v1 =	vadd.f32 v1, v0;
	v3 =	vand.u32 $0xFC8, v60  }
0x1f6: {  	v3 =	vor.u32 v49, v3  }
0x1f7: {  	[tilespmem:v8+s16+$0x0] =	vst.idx.msk $0xffff, v1  }
0x1f8: {  	v33 =	vld [tilespmem:$0x1FE10];
	_ =	sdelay $0x1  }
0x1f9: {  	v9 =	vld [tilespmem:$0x1FE30]  }
0x1fa: {  	v1 =	vld.idx.msk [tilespmem:v3+s13+$0x0], $0xffff;
	_ =	sdelay $0x1  }
0x1fb: {  	v60 =	vor.u32 v33, v59;
	_ =	sdelay $0x1  }
0x1fc: {  	v10 =	vor.u32 v9, v34  }
0x1fd: {  	v3 =	vand.u32 $0x13C8, v10;
	v1 =	vadd.f32 v1, v0  }
0x1fe: {  	v3 =	vor.u32 v49, v3  }
0x1ff: {  	[tilespmem:v60+s16+$0x0] =	vst.idx.msk $0xffff, v1  }
0x200: {  	v9 =	vld [tilespmem:$0x1FE40];
	_ =	sdelay $0x1  }
0x201: {  	v7 =	vld [tilespmem:$0x1FE60]  }
0x202: {  	v1 =	vld.idx.msk [tilespmem:v3+s13+$0x0], $0xffff;
	_ =	sdelay $0x1  }
0x203: {  	v10 =	vor.u32 v9, v59;
	_ =	sdelay $0x1  }
0x204: {  	v8 =	vor.u32 v7, v34  }
0x205: {  	v3 =	vand.u32 $0x17C8, v8;
	v1 =	vadd.f32 v1, v0  }
0x206: {  	v3 =	vor.u32 v49, v3  }
0x207: {  	[tilespmem:v10+s16+$0x0] =	vst.idx.msk $0xffff, v1  }
0x208: {  	v9 =	vld [tilespmem:$0x1FFE0];
	_ =	sdelay $0x1  }
0x209: {  	v33 =	vld [tilespmem:$0x1FE70]  }
0x20a: {  	v1 =	vld.idx.msk [tilespmem:v3+s13+$0x0], $0xffff  }
0x20b: {  	v62 =	vld.idx.msk [tilespmem:v62+s13+$0x0], $0xffff  }
0x20c: {  	v5 =	vld [tilespmem:$0x1FFF0];
	v10 =	vor.u32 v9, v59  }
0x20d: {  	v25 =	vor.u32 v9, v23;
	_ =	sdelay $0x1  }
0x20e: {  	v60 =	vor.u32 v33, v34;
	v1 =	vadd.f32 v1, v0  }
0x20f: {  	v4 =	vadd.f32 v62, v30;
	v3 =	vand.u32 $0x1BC8, v60  }
0x210: {  	v7 =	vadd.s32 s29, v5;
	v3 =	vor.u32 v49, v3;
	[tilespmem:v10+s16+$0x0] =	vst.idx.msk $0xffff, v1  }
0x211: {  	v7 =	vand.u32 $0x1BCF, v7;
	[tilespmem:v25+s16+$0x0] =	vst.idx.msk $0xffff, v4  }
0x212: {  	v62 =	vld [tilespmem:$0x1FFD0];
	_ =	sdelay $0x1  }
0x213: {  	v33 =	vld [tilespmem:$0x1FE90]  }
0x214: {  	v1 =	vld.idx.msk [tilespmem:v3+s13+$0x0], $0xffff  }
0x215: {  	v4 =	vld.idx.msk [tilespmem:v7+s13+$0x0], $0xffff  }
0x216: {  	v10 =	vld [tilespmem:$0x1FE80];
	v9 =	vor.u32 v62, v59  }
0x217: {  	v25 =	vor.u32 v62, v23;
	_ =	sdelay $0x1  }
0x218: {  	v60 =	vor.u32 v33, v34;
	v1 =	vadd.f32 v1, v0  }
0x219: {  	v4 =	vadd.f32 v4, v30;
	v3 =	vand.u32 $0x1FC8, v60  }
0x21a: {  	v33 =	vadd.s32 s29, v10;
	v3 =	vor.u32 v49, v3;
	[tilespmem:v9+s16+$0x0] =	vst.idx.msk $0xffff, v1  }
0x21b: {  	v7 =	vand.u32 $0x1FCF, v33;
	[tilespmem:v25+s16+$0x0] =	vst.idx.msk $0xffff, v4  }
0x21c: {  	v60 =	vld [tilespmem:$0x1FEA0]  }
0x21d: {  	v62 =	vld [tilespmem:$0x1FC10]  }
0x21e: {  	v10 =	vld [tilespmem:$0x1FEB0]  }
0x21f: {  	v1 =	vld.idx.msk [tilespmem:v3+s13+$0x0], $0xffff  }
0x220: {  	v3 =	vld.idx.msk [tilespmem:v7+s13+$0x0], $0xffff  }
0x221: {  	v4 =	vor.u32 v60, v59  }
0x222: {  	v9 =	vor.u32 v60, v23;
	_ =	sdelay $0x1  }
0x223: {  	v6 =	vor.u32 v58, v62;
	v0 =	vadd.f32 v1, v0  }
0x224: {  	v27 =	vor.u32 v10, v58;
	v3 =	vadd.f32 v3, v30  }
0x225: {  	v33 =	vor.u32 v55, v62;
	[tilespmem:v4+s16+$0x0] =	vst.idx.msk $0xffff, v0  }
0x226: {  	v62 =	vor.u32 v10, v55;
	[tilespmem:v9+s16+$0x0] =	vst.idx.msk $0xffff, v3  }
0x227: {  	v8 =	vld [tilespmem:$0x1FFA0]  }
0x228: {  	v25 =	vld.idx.msk [tilespmem:v6+s9+$0x0], $0xffff  }
0x229: {  	v0 =	vld.idx.msk [tilespmem:v27+s13+$0x0], $0xffff  }
0x22a: {  	v30 =	vld.idx.msk [tilespmem:v33+s9+$0x0], $0xffff  }
0x22b: {  	v1 =	vld.idx.msk [tilespmem:v62+s13+$0x0], $0xffff  }
0x22c: {  	v10 =	vld [tilespmem:$0x1FFB0];
	v9 =	vor.u32 v8, v59  }
0x22d: {  	v60 =	vor.u32 v8, v63;
	_ =	sdelay $0x1  }
0x22e: {  	v0 =	vadd.f32 v0, v25  }
0x22f: {  	v8 =	vadd.f32 v1, v30  }
0x230: {  	v33 =	vor.u32 v10, v58;
	[tilespmem:v9+s16+$0x0] =	vst.idx.msk $0xffff, v0  }
0x231: {  	[tilespmem:v60+s16+$0x0] =	vst.idx.msk $0xffff, v8  }
0x232: {  	v62 =	vor.u32 v10, v55;
	v9 =	vld [tilespmem:$0x1FC70];
	_ =	sdelay $0x2  }
0x233: {  	v1 =	vld.idx.msk [tilespmem:v33+s13+$0x0], $0xffff  }
0x234: {  	v33 =	vadd.f32 v35, v32;
	v35 =	vld [tilespmem:$0x1FC80]  }
0x235: {  	v0 =	vld.idx.msk [tilespmem:v62+s13+$0x0], $0xffff;
	v10 =	vor.u32 v9, v59;
	_ =	sdelay $0x1  }
0x236: {  	v62 =	vor.u32 v9, v63  }
0x237: {  	v1 =	vadd.f32 v1, v25  }
0x238: {  	[tilespmem:v57+s16+$0x0] =	vst.idx.msk $0xffff, v33;
	v60 =	vor.u32 v35, v58  }
0x239: {  	v27 =	vld.idx.msk [tilespmem:v31+s13+$0x0], $0xffff;
	v33 =	vor.u32 v35, v55;
	v0 =	vadd.f32 v0, v30;
	[tilespmem:v10+s16+$0x0] =	vst.idx.msk $0xffff, v1  }
0x23a: {  	v9 =	vld [tilespmem:$0x1FEC0]  }
0x23b: {  	v5 =	vld [tilespmem:$0x1FED0];
	[tilespmem:v62+s16+$0x0] =	vst.idx.msk $0xffff, v0  }
0x23c: {  	v62 =	vld [tilespmem:$0x1FC90]  }
0x23d: {  	v3 =	vld.idx.msk [tilespmem:v60+s13+$0x0], $0xffff  }
0x23e: {  	v0 =	vld.idx.msk [tilespmem:v33+s13+$0x0], $0xffff  }
0x23f: {  	v33 =	vld [tilespmem:$0x1FCA0]  }
0x240: {  	v35 =	vor.u32 v9, v50  }
0x241: {  	v60 =	vor.u32 v62, v59;
	_ =	sdelay $0x1  }
0x242: {  	v10 =	vadd.f32 v27, v32  }
0x243: {  	v3 =	vadd.f32 v3, v25;
	v27 =	vor.u32 v33, v58  }
0x244: {  	v6 =	vor.u32 v5, v29;
	[tilespmem:v35+s16+$0x0] =	vst.idx.msk $0xffff, v10  }
0x245: {  	[tilespmem:v60+s16+$0x0] =	vst.idx.msk $0xffff, v3  }
0x246: {  	v2 =	vld [tilespmem:$0x1FEE0];
	_ =	sdelay $0x1  }
0x247: {  	v4 =	vld.idx.msk [tilespmem:v27+s13+$0x0], $0xffff  }
0x248: {  	v31 =	vor.u32 v62, v63;
	v6 =	vld.idx.msk [tilespmem:v6+s13+$0x0], $0xffff  }
0x249: {  	v35 =	vor.u32 v33, v55;
	v33 =	vor.u32 v9, v59;
	v8 =	vld [tilespmem:$0x1FEF0]  }
0x24a: {  	v60 =	vor.u32 v2, v50  }
0x24b: {  	v0 =	vadd.f32 v0, v30  }
0x24c: {  	v4 =	vadd.f32 v4, v25  }
0x24d: {  	[tilespmem:v31+s16+$0x0] =	vst.idx.msk $0xffff, v0;
	v6 =	vadd.f32 v6, v32  }
0x24e: {  	v10 =	vor.u32 v8, v29;
	[tilespmem:v33+s16+$0x0] =	vst.idx.msk $0xffff, v4  }
0x24f: {  	v27 =	vor.u32 v5, v58;
	v0 =	vld.idx.msk [tilespmem:v35+s13+$0x0], $0xffff;
	[tilespmem:v60+s16+$0x0] =	vst.idx.msk $0xffff, v6  }
0x250: {  	v31 =	vor.u32 v9, v63;
	v9 =	vld [tilespmem:$0x1FF00]  }
0x251: {  	v35 =	vor.u32 v5, v55;
	v5 =	vld [tilespmem:$0x1FF10];
	_ =	sdelay $0x1  }
0x252: {  	v6 =	vld.idx.msk [tilespmem:v10+s13+$0x0], $0xffff  }
0x253: {  	v4 =	vld.idx.msk [tilespmem:v27+s13+$0x0], $0xffff  }
0x254: {  	v0 =	vadd.f32 v0, v30;
	v60 =	vor.u32 v9, v50  }
0x255: {  	[tilespmem:v51+s16+$0x0] =	vst.idx.msk $0xffff, v54;
	v54 =	vor.u32 v2, v59;
	v10 =	vor.u32 v5, v29  }
0x256: {  	[tilespmem:v31+s16+$0x0] =	vst.idx.msk $0xffff, v0  }
0x257: {  	v0 =	vld.idx.msk [tilespmem:v35+s13+$0x0], $0xffff;
	v6 =	vadd.f32 v6, v32  }
0x258: {  	v31 =	vor.u32 v8, v58;
	v27 =	vld.idx.msk [tilespmem:v48+s13+$0x0], $0xffff;
	v4 =	vadd.f32 v4, v25  }
0x259: {  	v48 =	vor.u32 v2, v63;
	[tilespmem:v60+s16+$0x0] =	vst.idx.msk $0xffff, v6  }
0x25a: {  	[tilespmem:v54+s16+$0x0] =	vst.idx.msk $0xffff, v4;
	v60 =	vor.u32 v8, v55;
	v7 =	vld.idx.msk [tilespmem:v10+s13+$0x0], $0xffff  }
0x25b: {  	v10 =	vld [tilespmem:$0x1FF20]  }
0x25c: {  	v0 =	vadd.f32 v0, v30  }
0x25d: {  	v35 =	vor.u32 v9, v20;
	v51 =	vadd.f32 v27, v52;
	v27 =	vld.idx.msk [tilespmem:v31+s13+$0x0], $0xffff  }
0x25e: {  	v13 =	vld [tilespmem:$0x1FF30];
	[tilespmem:v48+s16+$0x0] =	vst.idx.msk $0xffff, v0  }
0x25f: {  	v0 =	vld.idx.msk [tilespmem:v60+s13+$0x0], $0xffff;
	v60 =	vor.u32 v9, v59  }
0x260: {  	v33 =	vor.u32 v5, v56;
	v54 =	vor.u32 v10, v50;
	_ =	sdelay $0x1  }
0x261: {  	[tilespmem:v35+s16+$0x0] =	vst.idx.msk $0xffff, v51;
	v51 =	vadd.f32 v27, v25;
	v9 =	vor.u32 v9, v63  }
0x262: {  	v2 =	vadd.f32 v7, v32  }
0x263: {  	[tilespmem:v60+s16+$0x0] =	vst.idx.msk $0xffff, v51  }
0x264: {  	v3 =	vld.idx.msk [tilespmem:v33+s13+$0x0], $0xffff;
	v31 =	vor.u32 v13, v29;
	v0 =	vadd.f32 v0, v30;
	[tilespmem:v54+s16+$0x0] =	vst.idx.msk $0xffff, v2  }
0x265: {  	v7 =	vor.u32 v5, v58;
	v12 =	vld [tilespmem:$0x1FF40]  }
0x266: {  	v2 =	vld [tilespmem:$0x1FCB0];
	[tilespmem:v9+s16+$0x0] =	vst.idx.msk $0xffff, v0  }
0x267: {  	v35 =	vor.u32 v10, v20;
	v8 =	vld [tilespmem:$0x1FC00];
	_ =	sdelay $0x1  }
0x268: {  	v31 =	vld.idx.msk [tilespmem:v31+s13+$0x0], $0xffff  }
0x269: {  	v33 =	vor.u32 v5, v55;
	v54 =	vadd.f32 v3, v52;
	v7 =	vld.idx.msk [tilespmem:v7+s13+$0x0], $0xffff  }
0x26a: {  	v27 =	vor.u32 v13, v56;
	v3 =	vor.u32 v12, v50  }
0x26b: {  	[tilespmem:v35+s16+$0x0] =	vst.idx.msk $0xffff, v54;
	v54 =	vor.u32 v10, v59;
	v9 =	vor.u32 v17, v8;
	_ =	sdelay $0x1  }
0x26c: {  	v31 =	vadd.f32 v31, v32  }
0x26d: {  	v4 =	vld.idx.msk [tilespmem:v33+s13+$0x0], $0xffff;
	v7 =	vadd.f32 v7, v25;
	v60 =	vor.u32 v2, v17  }
0x26e: {  	v27 =	vld.idx.msk [tilespmem:v27+s13+$0x0], $0xffff;
	v6 =	vand.u32 $0x3E8, v60;
	[tilespmem:v3+s16+$0x0] =	vst.idx.msk $0xffff, v31  }
0x26f: {  	[tilespmem:v54+s16+$0x0] =	vst.idx.msk $0xffff, v7;
	v1 =	vor.u32 v14, v6;
	v32 =	vld.idx.msk [tilespmem:v9+s9+$0x0], $0xffff  }
0x270: {  	v35 =	vor.u32 v13, v58;
	v9 =	vld [tilespmem:$0x1FCE0]  }
0x271: {  	v15 =	vld [tilespmem:$0x1FCC0]  }
0x272: {  	v48 =	vor.u32 v10, v63;
	v10 =	vld [tilespmem:$0x1FF50]  }
0x273: {  	v3 =	vor.u32 v13, v55;
	v31 =	vor.u32 v12, v20;
	v33 =	vld [tilespmem:$0x1FBC0]  }
0x274: {  	v4 =	vadd.f32 v4, v30;
	v1 =	vld.idx.msk [tilespmem:v1+s13+$0x0], $0xffff  }
0x275: {  	v57 =	vmovc v29;
	v54 =	vmov v20;
	v51 =	vadd.f32 v27, v52;
	v29 =	vld.idx.msk [tilespmem:v35+s13+$0x0], $0xffff;
	v20 =	vor.u32 v9, v17  }
0x276: {  	v27 =	vor.u32 v2, v34;
	v35 =	vor.u32 v15, v50;
	v20 =	vand.u32 $0x7E8, v20  }
0x277: {  	[tilespmem:v48+s16+$0x0] =	vst.idx.msk $0xffff, v4;
	v4 =	vor.u32 v14, v20;
	v20 =	vor.u32 v12, v59  }
0x278: {  	v27 =	vand.u32 $0x3E8, v27;
	v3 =	vld.idx.msk [tilespmem:v3+s13+$0x0], $0xffff;
	[tilespmem:v31+s16+$0x0] =	vst.idx.msk $0xffff, v51;
	v31 =	vor.u32 v12, v63  }
0x279: {  	v60 =	vadd.s32 s28, v10;
	v6 =	vor.u32 v33, v8;
	v1 =	vadd.f32 v1, v32  }
0x27a: {  	v33 =	vadd.f32 v29, v25;
	v0 =	vand.u32 $0x3EF, v60;
	v60 =	vor.u32 v49, v27  }
0x27b: {  	v5 =	vld [tilespmem:$0x1FBD0];
	[tilespmem:v35+s16+$0x0] =	vst.idx.msk $0xffff, v1  }
0x27c: {  	[tilespmem:v20+s16+$0x0] =	vst.idx.msk $0xffff, v33  }
0x27d: {  	v3 =	vadd.f32 v3, v30;
	v2 =	vld [tilespmem:$0x1FBE0]  }
0x27e: {  	v16 =	vld [tilespmem:$0x1FD10]  }
0x27f: {  	v7 =	vor.u32 v34, v8;
	[tilespmem:v31+s16+$0x0] =	vst.idx.msk $0xffff, v3;
	v52 =	vld.idx.msk [tilespmem:v60+s13+$0x0], $0xffff  }
0x280: {  	v60 =	vld [tilespmem:$0x1FCF0]  }
0x281: {  	v27 =	vld.idx.msk [tilespmem:v6+s9+$0x0], $0xffff  }
0x282: {  	v0 =	vld.idx.msk [tilespmem:v0+s13+$0x0], $0xffff  }
0x283: {  	v25 =	vadd.s32 s29, v10;
	v4 =	vld.idx.msk [tilespmem:v4+s13+$0x0], $0xffff  }
0x284: {  	v51 =	vor.u32 v5, v8;
	v35 =	vand.u32 $0x3EF, v25;
	v8 =	vld.idx.msk [tilespmem:v7+s9+$0x0], $0xffff;
	v6 =	vor.u32 v15, v2  }
0x285: {  	v25 =	vor.u32 v60, v50  }
0x286: {  	v31 =	vor.u32 v15, v59  }
0x287: {  	v46 =	vand.u32 $0x7EF, v46;
	v0 =	vadd.f32 v0, v27;
	v20 =	vor.u32 v16, v17  }
0x288: {  	v30 =	vor.u32 v9, v34;
	v5 =	vld [tilespmem:$0x1FCD0];
	v4 =	vadd.f32 v4, v32;
	v29 =	vand.u32 $0xBE8, v20  }
0x289: {  	v1 =	vld.idx.msk [tilespmem:v35+s13+$0x0], $0xffff;
	v3 =	vadd.f32 v52, v8;
	v29 =	vor.u32 v14, v29;
	[tilespmem:v6+s16+$0x0] =	vst.idx.msk $0xffff, v0  }
0x28a: {  	v30 =	vand.u32 $0x7E8, v30;
	v20 =	vld.idx.msk [tilespmem:v51+s9+$0x0], $0xffff;
	[tilespmem:v25+s16+$0x0] =	vst.idx.msk $0xffff, v4  }
0x28b: {  	v9 =	vor.u32 v15, v23;
	v30 =	vor.u32 v49, v30;
	v15 =	vld [tilespmem:$0x1FD00];
	[tilespmem:v31+s16+$0x0] =	vst.idx.msk $0xffff, v3  }
0x28c: {  	v12 =	vld [tilespmem:$0x1FD20]  }
0x28d: {  	v6 =	vld.idx.msk [tilespmem:v46+s13+$0x0], $0xffff  }
0x28e: {  	v48 =	vld.idx.msk [tilespmem:v29+s13+$0x0], $0xffff  }
0x28f: {  	v33 =	vadd.s32 s29, v5;
	v5 =	vld [tilespmem:$0x1FF60]  }
0x290: {  	v51 =	vor.u32 v60, v2;
	v29 =	vld.idx.msk [tilespmem:v30+s13+$0x0], $0xffff  }
0x291: {  	v33 =	vand.u32 $0x7EF, v33;
	v1 =	vadd.f32 v1, v20;
	v30 =	vor.u32 v12, v50  }
0x292: {  	v31 =	vor.u32 v60, v59  }
0x293: {  	[tilespmem:v9+s16+$0x0] =	vst.idx.msk $0xffff, v1;
	v6 =	vadd.f32 v6, v27;
	v46 =	vadd.s32 s28, v15  }
0x294: {  	[tilespmem:v39+s16+$0x0] =	vst.idx.msk $0xffff, v45;
	v7 =	vadd.f32 v48, v32;
	v4 =	vand.u32 $0xBEF, v46;
	v25 =	vor.u32 v5, v17  }
0x295: {  	v52 =	vor.u32 v16, v34;
	[tilespmem:v51+s16+$0x0] =	vst.idx.msk $0xffff, v6;
	v29 =	vadd.f32 v29, v8;
	v25 =	vand.u32 $0xFE8, v25  }
0x296: {  	v1 =	vand.u32 $0xBE8, v52;
	v0 =	vld.idx.msk [tilespmem:v33+s13+$0x0], $0xffff;
	v25 =	vor.u32 v14, v25;
	[tilespmem:v30+s16+$0x0] =	vst.idx.msk $0xffff, v7  }
0x297: {  	v1 =	vor.u32 v49, v1;
	v48 =	vld [tilespmem:$0x1FD30];
	[tilespmem:v31+s16+$0x0] =	vst.idx.msk $0xffff, v29  }
0x298: {  	v16 =	vld [tilespmem:$0x1FD40]  }
0x299: {  	v60 =	vor.u32 v60, v23;
	v39 =	vadd.s32 s29, v15;
	v4 =	vld.idx.msk [tilespmem:v4+s13+$0x0], $0xffff  }
0x29a: {  	v46 =	vand.u32 $0xBEF, v39;
	v39 =	vld [tilespmem:$0x1FD60]  }
0x29b: {  	v29 =	vor.u32 v12, v2;
	v25 =	vld.idx.msk [tilespmem:v25+s13+$0x0], $0xffff  }
0x29c: {  	v0 =	vadd.f32 v0, v20;
	v1 =	vld.idx.msk [tilespmem:v1+s13+$0x0], $0xffff  }
0x29d: {  	v31 =	vor.u32 v16, v50  }
0x29e: {  	v45 =	vld.idx.msk [tilespmem:v42+s13+$0x0], $0xffff;
	[tilespmem:v60+s16+$0x0] =	vst.idx.msk $0xffff, v0;
	v60 =	vor.u32 v12, v59;
	v4 =	vadd.f32 v4, v27  }
0x29f: {  	v52 =	vor.u32 v5, v34;
	[tilespmem:v37+s16+$0x0] =	vst.idx.msk $0xffff, v38;
	v51 =	vadd.s32 s28, v48;
	v30 =	vor.u32 v39, v17  }
0x2a0: {  	v7 =	vand.u32 $0xFEF, v51;
	v25 =	vadd.f32 v25, v32;
	v51 =	vld [tilespmem:$0x1FA90];
	[tilespmem:v29+s16+$0x0] =	vst.idx.msk $0xffff, v4;
	v30 =	vand.u32 $0x13E8, v30  }
0x2a1: {  	v0 =	vand.u32 $0xFE8, v52;
	v1 =	vadd.f32 v1, v8;
	v52 =	vld [tilespmem:$0x1FAA0];
	v30 =	vor.u32 v14, v30  }
0x2a2: {  	v6 =	vld.idx.msk [tilespmem:v46+s13+$0x0], $0xffff;
	[tilespmem:v31+s16+$0x0] =	vst.idx.msk $0xffff, v25  }
0x2a3: {  	v0 =	vor.u32 v49, v0;
	v15 =	vld [tilespmem:$0x1FD50];
	[tilespmem:v60+s16+$0x0] =	vst.idx.msk $0xffff, v1  }
0x2a4: {  	v3 =	vadd.f32 v45, v28;
	v45 =	vld [tilespmem:$0x1FF70]  }
0x2a5: {  	v42 =	vor.u32 v12, v23;
	v5 =	vadd.s32 s29, v48;
	v7 =	vld.idx.msk [tilespmem:v7+s13+$0x0], $0xffff  }
0x2a6: {  	v48 =	vand.u32 $0xFEF, v5;
	v29 =	vor.u32 v52, v43;
	v30 =	vld.idx.msk [tilespmem:v30+s13+$0x0], $0xffff  }
0x2a7: {  	v38 =	vld [tilespmem:$0x1FD80]  }
0x2a8: {  	v6 =	vadd.f32 v6, v20;
	v60 =	vor.u32 v16, v2;
	v0 =	vld.idx.msk [tilespmem:v0+s13+$0x0], $0xffff  }
0x2a9: {  	v33 =	vor.u32 v45, v50  }
0x2aa: {  	v35 =	vld.idx.msk [tilespmem:v36+s13+$0x0], $0xffff;
	v10 =	vor.u32 v39, v34;
	v36 =	vor.u32 v16, v59;
	[tilespmem:v42+s16+$0x0] =	vst.idx.msk $0xffff, v6  }
0x2ab: {  	v4 =	vld.idx.msk [tilespmem:v48+s13+$0x0], $0xffff;
	v7 =	vadd.f32 v7, v27;
	v25 =	vadd.s32 s28, v15;
	[tilespmem:v29+s16+$0x0] =	vst.idx.msk $0xffff, v3  }
0x2ac: {  	v29 =	vor.u32 v16, v23;
	v31 =	vor.u32 v38, v17;
	v46 =	vadd.f32 v30, v32  }
0x2ad: {  	v25 =	vand.u32 $0x13EF, v25;
	[tilespmem:v60+s16+$0x0] =	vst.idx.msk $0xffff, v7;
	v0 =	vadd.f32 v0, v8;
	v31 =	vand.u32 $0x17E8, v31  }
0x2ae: {  	v37 =	vor.u32 v52, v53;
	v31 =	vor.u32 v14, v31;
	[tilespmem:v33+s16+$0x0] =	vst.idx.msk $0xffff, v46  }
0x2af: {  	v6 =	vand.u32 $0x13E8, v10;
	v48 =	vadd.s32 s29, v15;
	v15 =	vld [tilespmem:$0x1FD70];
	[tilespmem:v36+s16+$0x0] =	vst.idx.msk $0xffff, v0  }
0x2b0: {  	v11 =	vor.u32 v51, v11;
	v6 =	vor.u32 v49, v6;
	v4 =	vadd.f32 v4, v20;
	v16 =	vld [tilespmem:$0x1FDB0]  }
0x2b1: {  	v42 =	vand.u32 $0x1FE8, v11;
	v60 =	vadd.f32 v35, v24;
	v33 =	vld [tilespmem:$0x1FD90]  }
0x2b2: {  	v1 =	vor.u32 v26, v42;
	v7 =	vld.idx.msk [tilespmem:v25+s13+$0x0], $0xffff;
	[tilespmem:v29+s16+$0x0] =	vst.idx.msk $0xffff, v4  }
0x2b3: {  	v3 =	vand.u32 $0x13EF, v48;
	v25 =	vld.idx.msk [tilespmem:v31+s13+$0x0], $0xffff;
	[tilespmem:v37+s16+$0x0] =	vst.idx.msk $0xffff, v60  }
0x2b4: {  	v36 =	vld [tilespmem:$0x1FAB0]  }
0x2b5: {  	v46 =	vor.u32 v45, v2;
	v6 =	vld.idx.msk [tilespmem:v6+s13+$0x0], $0xffff;
	v39 =	vadd.s32 s28, v15;
	v30 =	vor.u32 v16, v17  }
0x2b6: {  	v42 =	vand.u32 $0x17EF, v39;
	v31 =	vor.u32 v33, v50;
	v30 =	vand.u32 $0x1BE8, v30  }
0x2b7: {  	v1 =	vld.idx.msk [tilespmem:v1+s13+$0x0], $0xffff;
	v29 =	vor.u32 v14, v30;
	v30 =	vor.u32 v45, v59  }
0x2b8: {  	v48 =	vor.u32 v38, v34;
	v38 =	vor.u32 v45, v23;
	v3 =	vld.idx.msk [tilespmem:v3+s13+$0x0], $0xffff;
	v7 =	vadd.f32 v7, v27  }
0x2b9: {  	v4 =	vand.u32 $0x17E8, v48;
	v25 =	vadd.f32 v25, v32;
	v60 =	vor.u32 v36, v43  }
0x2ba: {  	v4 =	vor.u32 v49, v4;
	[tilespmem:v46+s16+$0x0] =	vst.idx.msk $0xffff, v7;
	v6 =	vadd.f32 v6, v8  }
0x2bb: {  	v37 =	vadd.s32 s29, v15;
	[tilespmem:v31+s16+$0x0] =	vst.idx.msk $0xffff, v25;
	v0 =	vld.idx.msk [tilespmem:v42+s13+$0x0], $0xffff  }
0x2bc: {  	v1 =	vadd.f32 v1, v28;
	v7 =	vand.u32 $0x17EF, v37;
	v35 =	vld [tilespmem:$0x1FC40];
	[tilespmem:v30+s16+$0x0] =	vst.idx.msk $0xffff, v6  }
0x2bd: {  	v3 =	vadd.f32 v3, v20;
	v15 =	vld [tilespmem:$0x1FDA0]  }
0x2be: {  	v28 =	vld.idx.msk [tilespmem:v29+s13+$0x0], $0xffff;
	v29 =	vor.u32 v33, v2;
	[tilespmem:v60+s16+$0x0] =	vst.idx.msk $0xffff, v1  }
0x2bf: {  	v4 =	vld.idx.msk [tilespmem:v4+s13+$0x0], $0xffff;
	[tilespmem:v38+s16+$0x0] =	vst.idx.msk $0xffff, v3  }
0x2c0: {  	v46 =	vor.u32 v16, v34;
	v37 =	vld [tilespmem:$0x1FC30]  }
0x2c1: {  	v45 =	vor.u32 v52, v50;
	v7 =	vld.idx.msk [tilespmem:v7+s13+$0x0], $0xffff;
	v0 =	vadd.f32 v0, v27;
	v25 =	vadd.s32 s26, v35  }
0x2c2: {  	v48 =	vor.u32 v33, v59;
	v16 =	vld [tilespmem:$0x1FAC0];
	v25 =	vand.u32 $0x1FEF, v25;
	v39 =	vadd.s32 s28, v15  }
0x2c3: {  	[tilespmem:v29+s16+$0x0] =	vst.idx.msk $0xffff, v0;
	v29 =	vor.u32 v33, v23;
	v42 =	vand.u32 $0x1BEF, v39  }
0x2c4: {  	v6 =	vand.u32 $0x1BE8, v46;
	v28 =	vadd.f32 v28, v32  }
0x2c5: {  	v17 =	vor.u32 v51, v17;
	v6 =	vor.u32 v49, v6;
	v4 =	vadd.f32 v4, v8  }
0x2c6: {  	v60 =	vor.u32 v47, v37;
	[tilespmem:v45+s16+$0x0] =	vst.idx.msk $0xffff, v28;
	v7 =	vadd.f32 v7, v20  }
0x2c7: {  	v10 =	vand.u32 $0x1FE8, v17;
	v30 =	vor.u32 v16, v47;
	[tilespmem:v48+s16+$0x0] =	vst.idx.msk $0xffff, v4;
	v25 =	vld.idx.msk [tilespmem:v25+s13+$0x0], $0xffff  }
0x2c8: {  	v14 =	vor.u32 v14, v10;
	v33 =	vadd.s32 s28, v35;
	[tilespmem:v29+s16+$0x0] =	vst.idx.msk $0xffff, v7;
	v1 =	vld.idx.msk [tilespmem:v42+s13+$0x0], $0xffff  }
0x2c9: {  	v9 =	vadd.s32 s29, v15;
	v3 =	vand.u32 $0x1FEF, v33;
	v28 =	vor.u32 v36, v53;
	v33 =	vld [tilespmem:$0x1FAD0]  }
0x2ca: {  	v38 =	vor.u32 v52, v2;
	v0 =	vand.u32 $0x1BEF, v9;
	v6 =	vld.idx.msk [tilespmem:v6+s13+$0x0], $0xffff  }
0x2cb: {  	v5 =	vld.idx.msk [tilespmem:v60+s9+$0x0], $0xffff  }
0x2cc: {  	v17 =	vor.u32 v41, v37;
	v39 =	vor.u32 v51, v34;
	v30 =	vld.idx.msk [tilespmem:v30+s13+$0x0], $0xffff;
	v45 =	vadd.f32 v25, v24  }
0x2cd: {  	v11 =	vand.u32 $0x1FE8, v39;
	v14 =	vld.idx.msk [tilespmem:v14+s13+$0x0], $0xffff;
	v42 =	vor.u32 v52, v59;
	v1 =	vadd.f32 v1, v27  }
0x2ce: {  	v31 =	vor.u32 v49, v11;
	v34 =	vld [tilespmem:$0x1FAE0];
	v24 =	vor.u32 v33, v43;
	[tilespmem:v28+s16+$0x0] =	vst.idx.msk $0xffff, v45  }
0x2cf: {  	v29 =	vor.u32 v16, v41;
	v0 =	vld.idx.msk [tilespmem:v0+s13+$0x0], $0xffff;
	v28 =	vor.u32 v36, v50;
	[tilespmem:v38+s16+$0x0] =	vst.idx.msk $0xffff, v1  }
0x2d0: {  	v46 =	vadd.s32 s29, v35;
	v49 =	vor.u32 v57, v37;
	v6 =	vadd.f32 v6, v8;
	v3 =	vld.idx.msk [tilespmem:v3+s13+$0x0], $0xffff  }
0x2d1: {  	v48 =	vor.u32 v52, v23;
	v11 =	vld.idx.msk [tilespmem:v17+s9+$0x0], $0xffff;
	v17 =	vadd.f32 v30, v5;
	v30 =	vor.u32 v16, v57  }
0x2d2: {  	v51 =	vor.u32 v36, v2;
	v14 =	vadd.f32 v14, v32;
	[tilespmem:v42+s16+$0x0] =	vst.idx.msk $0xffff, v6;
	v1 =	vand.u32 $0x1FEF, v46  }
0x2d3: {  	v31 =	vld.idx.msk [tilespmem:v31+s13+$0x0], $0xffff;
	[tilespmem:v24+s16+$0x0] =	vst.idx.msk $0xffff, v17  }
0x2d4: {  	v0 =	vadd.f32 v0, v20;
	v17 =	vld.idx.msk [tilespmem:v29+s13+$0x0], $0xffff;
	v24 =	vor.u32 v56, v37;
	[tilespmem:v28+s16+$0x0] =	vst.idx.msk $0xffff, v14  }
0x2d5: {  	v29 =	vor.u32 v16, v56;
	v15 =	vld.idx.msk [tilespmem:v49+s9+$0x0], $0xffff;
	v3 =	vadd.f32 v3, v27  }
0x2d6: {  	v52 =	vor.u32 v36, v59;
	v25 =	vor.u32 v34, v47;
	[tilespmem:v48+s16+$0x0] =	vst.idx.msk $0xffff, v0;
	v38 =	vld.idx.msk [tilespmem:v30+s13+$0x0], $0xffff  }
0x2d7: {  	v1 =	vld.idx.msk [tilespmem:v1+s13+$0x0], $0xffff;
	[tilespmem:v51+s16+$0x0] =	vst.idx.msk $0xffff, v3  }
0x2d8: {  	v39 =	vor.u32 v36, v23;
	v23 =	vadd.f32 v31, v8;
	v8 =	vld [tilespmem:$0x1FAF0]  }
0x2d9: {  	v14 =	vld.idx.msk [tilespmem:v24+s9+$0x0], $0xffff  }
0x2da: {  	v27 =	vor.u32 v33, v44;
	v24 =	vor.u32 v55, v37;
	v29 =	vld.idx.msk [tilespmem:v29+s13+$0x0], $0xffff  }
0x2db: {  	v53 =	vor.u32 v58, v37;
	v25 =	vld.idx.msk [tilespmem:v25+s13+$0x0], $0xffff;
	[tilespmem:v52+s16+$0x0] =	vst.idx.msk $0xffff, v23;
	v23 =	vor.u32 v33, v50  }
0x2dc: {  	v60 =	vor.u32 v16, v58;
	v45 =	vor.u32 v33, v54;
	v32 =	vld [tilespmem:$0x1FB00];
	v1 =	vadd.f32 v1, v20  }
0x2dd: {  	v28 =	vor.u32 v34, v41;
	v26 =	vadd.f32 v17, v11;
	v30 =	vor.u32 v8, v43  }
0x2de: {  	v46 =	vadd.f32 v38, v15;
	[tilespmem:v39+s16+$0x0] =	vst.idx.msk $0xffff, v1  }
0x2df: {  	[tilespmem:v27+s16+$0x0] =	vst.idx.msk $0xffff, v26;
	v20 =	vld.idx.msk [tilespmem:v24+s9+$0x0], $0xffff;
	v24 =	vadd.f32 v29, v14  }
0x2e0: {  	v25 =	vadd.f32 v25, v5;
	v17 =	vld.idx.msk [tilespmem:v53+s9+$0x0], $0xffff;
	v26 =	vor.u32 v34, v57;
	[tilespmem:v23+s16+$0x0] =	vst.idx.msk $0xffff, v46  }
0x2e1: {  	v6 =	vld.idx.msk [tilespmem:v60+s13+$0x0], $0xffff;
	v42 =	vor.u32 v32, v47;
	[tilespmem:v45+s16+$0x0] =	vst.idx.msk $0xffff, v24  }
0x2e2: {  	v27 =	vld.idx.msk [tilespmem:v28+s13+$0x0], $0xffff;
	v28 =	vor.u32 v34, v56;
	[tilespmem:v30+s16+$0x0] =	vst.idx.msk $0xffff, v25  }
0x2e3: {  	v31 =	vor.u32 v16, v55;
	v53 =	vld [tilespmem:$0x1FB10]  }
0x2e4: {  	v48 =	vor.u32 v33, v59  }
0x2e5: {  	v51 =	vor.u32 v34, v58;
	v49 =	vor.u32 v8, v44;
	v23 =	vld.idx.msk [tilespmem:v26+s13+$0x0], $0xffff  }
0x2e6: {  	v29 =	vor.u32 v32, v41;
	v0 =	vld.idx.msk [tilespmem:v42+s13+$0x0], $0xffff  }
0x2e7: {  	v6 =	vadd.f32 v6, v17;
	v24 =	vadd.f32 v27, v11;
	v27 =	vld.idx.msk [tilespmem:v28+s13+$0x0], $0xffff  }
0x2e8: {  	v25 =	vld.idx.msk [tilespmem:v31+s13+$0x0], $0xffff;
	v26 =	vor.u32 v53, v43  }
0x2e9: {  	v31 =	vor.u32 v8, v50;
	v9 =	vld [tilespmem:$0x1FB20];
	[tilespmem:v48+s16+$0x0] =	vst.idx.msk $0xffff, v6  }
0x2ea: {  	v60 =	vor.u32 v8, v54;
	[tilespmem:v49+s16+$0x0] =	vst.idx.msk $0xffff, v24;
	v1 =	vld.idx.msk [tilespmem:v51+s13+$0x0], $0xffff  }
0x2eb: {  	v52 =	vor.u32 v33, v63;
	v35 =	vor.u32 v8, v59;
	v24 =	vld.idx.msk [tilespmem:v29+s13+$0x0], $0xffff;
	v0 =	vadd.f32 v0, v5  }
0x2ec: {  	v10 =	vor.u32 v32, v57;
	v28 =	vor.u32 v34, v55;
	v23 =	vadd.f32 v23, v15  }
0x2ed: {  	v34 =	vadd.f32 v27, v14;
	[tilespmem:v26+s16+$0x0] =	vst.idx.msk $0xffff, v0;
	v26 =	vor.u32 v53, v44  }
0x2ee: {  	v25 =	vadd.f32 v25, v20;
	[tilespmem:v31+s16+$0x0] =	vst.idx.msk $0xffff, v23  }
0x2ef: {  	v33 =	vor.u32 v32, v56;
	[tilespmem:v60+s16+$0x0] =	vst.idx.msk $0xffff, v34;
	v1 =	vadd.f32 v1, v17  }
0x2f0: {  	v30 =	vor.u32 v9, v47;
	[tilespmem:v52+s16+$0x0] =	vst.idx.msk $0xffff, v25;
	v24 =	vadd.f32 v24, v11  }
0x2f1: {  	v23 =	vor.u32 v32, v58;
	v6 =	vld.idx.msk [tilespmem:v10+s13+$0x0], $0xffff;
	[tilespmem:v35+s16+$0x0] =	vst.idx.msk $0xffff, v1  }
0x2f2: {  	v25 =	vld.idx.msk [tilespmem:v28+s13+$0x0], $0xffff;
	[tilespmem:v26+s16+$0x0] =	vst.idx.msk $0xffff, v24  }
0x2f3: {  	v28 =	vor.u32 v9, v41;
	v45 =	vld [tilespmem:$0x1FB30]  }
0x2f4: {  	v3 =	vld.idx.msk [tilespmem:v33+s13+$0x0], $0xffff  }
0x2f5: {  	v36 =	vor.u32 v8, v63;
	v27 =	vld.idx.msk [tilespmem:v30+s13+$0x0], $0xffff  }
0x2f6: {  	v38 =	vor.u32 v32, v55;
	v29 =	vor.u32 v53, v50;
	v23 =	vld.idx.msk [tilespmem:v23+s13+$0x0], $0xffff  }
0x2f7: {  	v39 =	vor.u32 v53, v54;
	v51 =	vor.u32 v53, v59;
	v52 =	vor.u32 v9, v58;
	v46 =	vld [tilespmem:$0x1FB40]  }
0x2f8: {  	v30 =	vor.u32 v9, v57;
	v42 =	vadd.f32 v25, v20;
	v26 =	vld.idx.msk [tilespmem:v28+s13+$0x0], $0xffff;
	v24 =	vor.u32 v45, v43  }
0x2f9: {  	v6 =	vadd.f32 v6, v15;
	v3 =	vadd.f32 v3, v14;
	v25 =	vor.u32 v9, v56  }
0x2fa: {  	[tilespmem:v36+s16+$0x0] =	vst.idx.msk $0xffff, v42;
	v48 =	vadd.f32 v27, v5;
	v27 =	vor.u32 v45, v44  }
0x2fb: {  	v53 =	vor.u32 v53, v63;
	[tilespmem:v29+s16+$0x0] =	vst.idx.msk $0xffff, v6;
	v7 =	vld.idx.msk [tilespmem:v38+s13+$0x0], $0xffff  }
0x2fc: {  	v8 =	vadd.f32 v23, v17;
	[tilespmem:v39+s16+$0x0] =	vst.idx.msk $0xffff, v3;
	v28 =	vor.u32 v46, v47  }
0x2fd: {  	v30 =	vld.idx.msk [tilespmem:v30+s13+$0x0], $0xffff;
	v29 =	vor.u32 v46, v41;
	[tilespmem:v24+s16+$0x0] =	vst.idx.msk $0xffff, v48;
	v24 =	vadd.f32 v26, v11  }
0x2fe: {  	[tilespmem:v51+s16+$0x0] =	vst.idx.msk $0xffff, v8;
	v60 =	vld.idx.msk [tilespmem:v25+s13+$0x0], $0xffff  }
0x2ff: {  	v23 =	vor.u32 v9, v55;
	v6 =	vld.idx.msk [tilespmem:v52+s13+$0x0], $0xffff;
	[tilespmem:v27+s16+$0x0] =	vst.idx.msk $0xffff, v24  }
0x300: {  	v25 =	vor.u32 v45, v50;
	v32 =	vadd.f32 v7, v20;
	v12 =	vld [tilespmem:$0x1FB50]  }
0x301: {  	v9 =	vor.u32 v45, v54;
	v28 =	vld.idx.msk [tilespmem:v28+s13+$0x0], $0xffff  }
0x302: {  	v36 =	vor.u32 v45, v59;
	v26 =	vor.u32 v46, v57;
	v24 =	vld.idx.msk [tilespmem:v29+s13+$0x0], $0xffff;
	[tilespmem:v53+s16+$0x0] =	vst.idx.msk $0xffff, v32  }
0x303: {  	v27 =	vadd.f32 v30, v15;
	v34 =	vld [tilespmem:$0x1FB60]  }
0x304: {  	v0 =	vadd.f32 v60, v14;
	v6 =	vadd.f32 v6, v17;
	v23 =	vld.idx.msk [tilespmem:v23+s13+$0x0], $0xffff  }
0x305: {  	v29 =	vor.u32 v46, v56;
	[tilespmem:v25+s16+$0x0] =	vst.idx.msk $0xffff, v27;
	v33 =	vor.u32 v12, v43  }
0x306: {  	v37 =	vor.u32 v45, v63;
	v25 =	vor.u32 v46, v58;
	[tilespmem:v9+s16+$0x0] =	vst.idx.msk $0xffff, v0  }
0x307: {  	[tilespmem:v36+s16+$0x0] =	vst.idx.msk $0xffff, v6;
	v26 =	vld.idx.msk [tilespmem:v26+s13+$0x0], $0xffff;
	v27 =	vadd.f32 v28, v5;
	v28 =	vor.u32 v46, v55  }
0x308: {  	v30 =	vor.u32 v12, v44;
	v42 =	vadd.f32 v24, v11;
	v35 =	vor.u32 v34, v47  }
0x309: {  	v24 =	vor.u32 v12, v50;
	v39 =	vor.u32 v34, v41;
	v45 =	vadd.f32 v23, v20  }
0x30a: {  	[tilespmem:v33+s16+$0x0] =	vst.idx.msk $0xffff, v27;
	v27 =	vld.idx.msk [tilespmem:v29+s13+$0x0], $0xffff;
	v29 =	vor.u32 v34, v57  }
0x30b: {  	v48 =	vld.idx.msk [tilespmem:v25+s13+$0x0], $0xffff;
	[tilespmem:v37+s16+$0x0] =	vst.idx.msk $0xffff, v45  }
0x30c: {  	v46 =	vor.u32 v12, v54;
	v23 =	vadd.f32 v26, v15;
	v26 =	vld.idx.msk [tilespmem:v28+s13+$0x0], $0xffff  }
0x30d: {  	[tilespmem:v30+s16+$0x0] =	vst.idx.msk $0xffff, v42;
	v1 =	vld.idx.msk [tilespmem:v35+s13+$0x0], $0xffff  }
0x30e: {  	v51 =	vor.u32 v34, v56;
	v25 =	vor.u32 v12, v59;
	[tilespmem:v24+s16+$0x0] =	vst.idx.msk $0xffff, v23;
	v3 =	vld.idx.msk [tilespmem:v39+s13+$0x0], $0xffff  }
0x30f: {  	v24 =	vor.u32 v34, v58;
	v23 =	vadd.f32 v27, v14;
	v28 =	vld.idx.msk [tilespmem:v29+s13+$0x0], $0xffff;
	v29 =	vor.u32 v12, v63  }
0x310: {  	v49 =	vor.u32 v18, v43;
	v53 =	vor.u32 v34, v55;
	v52 =	vadd.f32 v48, v17  }
0x311: {  	v27 =	vor.u32 v18, v44;
	[tilespmem:v46+s16+$0x0] =	vst.idx.msk $0xffff, v23;
	v23 =	vor.u32 v19, v47  }
0x312: {  	v30 =	vor.u32 v18, v50;
	v60 =	vadd.f32 v26, v20  }
0x313: {  	[tilespmem:v25+s16+$0x0] =	vst.idx.msk $0xffff, v52;
	v25 =	vor.u32 v19, v41;
	v1 =	vadd.f32 v1, v5;
	v4 =	vld.idx.msk [tilespmem:v51+s13+$0x0], $0xffff  }
0x314: {  	v32 =	vor.u32 v18, v54;
	v10 =	vld.idx.msk [tilespmem:v24+s13+$0x0], $0xffff;
	v9 =	vadd.f32 v3, v11;
	[tilespmem:v29+s16+$0x0] =	vst.idx.msk $0xffff, v60  }
0x315: {  	v33 =	vor.u32 v19, v57;
	[tilespmem:v49+s16+$0x0] =	vst.idx.msk $0xffff, v1;
	v24 =	vadd.f32 v28, v15;
	v7 =	vld.idx.msk [tilespmem:v53+s13+$0x0], $0xffff  }
0x316: {  	v34 =	vor.u32 v18, v59;
	v26 =	vor.u32 v19, v56;
	[tilespmem:v27+s16+$0x0] =	vst.idx.msk $0xffff, v9;
	v23 =	vld.idx.msk [tilespmem:v23+s13+$0x0], $0xffff  }
0x317: {  	v27 =	vor.u32 v19, v58;
	[tilespmem:v30+s16+$0x0] =	vst.idx.msk $0xffff, v24;
	v24 =	vor.u32 v18, v63  }
0x318: {  	v29 =	vor.u32 v19, v55;
	v35 =	vld.idx.msk [tilespmem:v25+s13+$0x0], $0xffff;
	v4 =	vadd.f32 v4, v14  }
0x319: {  	v31 =	vor.u32 v22, v58;
	v28 =	vor.u32 v21, v43;
	v1 =	vadd.f32 v10, v17  }
0x31a: {  	v37 =	vor.u32 v21, v44;
	v0 =	vld.idx.msk [tilespmem:v33+s13+$0x0], $0xffff;
	[tilespmem:v32+s16+$0x0] =	vst.idx.msk $0xffff, v4;
	v36 =	vadd.f32 v7, v20  }
0x31b: {  	v25 =	vor.u32 v22, v41;
	[tilespmem:v34+s16+$0x0] =	vst.idx.msk $0xffff, v1;
	v39 =	vadd.f32 v23, v5;
	v23 =	vld.idx.msk [tilespmem:v26+s13+$0x0], $0xffff  }
0x31c: {  	v38 =	vor.u32 v22, v47;
	v41 =	vor.u32 v21, v50;
	[tilespmem:v24+s16+$0x0] =	vst.idx.msk $0xffff, v36;
	v24 =	vld.idx.msk [tilespmem:v27+s13+$0x0], $0xffff  }
0x31d: {  	v42 =	vor.u32 v21, v54;
	v3 =	vadd.f32 v35, v11;
	v26 =	vor.u32 v22, v57;
	v27 =	vld.idx.msk [tilespmem:v29+s13+$0x0], $0xffff  }
0x31e: {  	[tilespmem:v28+s16+$0x0] =	vst.idx.msk $0xffff, v39;
	v28 =	vor.u32 v22, v56;
	v29 =	vor.u32 v21, v59  }
0x31f: {  	v30 =	vor.u32 v21, v63;
	v0 =	vadd.f32 v0, v15;
	[tilespmem:v37+s16+$0x0] =	vst.idx.msk $0xffff, v3  }
0x320: {  	v47 =	vor.u32 v22, v55;
	v48 =	vld.idx.msk [tilespmem:v25+s13+$0x0], $0xffff;
	v46 =	vadd.f32 v23, v14  }
0x321: {  	v45 =	vld.idx.msk [tilespmem:v38+s13+$0x0], $0xffff;
	[tilespmem:v41+s16+$0x0] =	vst.idx.msk $0xffff, v0;
	v49 =	vadd.f32 v24, v17  }
0x322: {  	v53 =	vor.u32 v40, v44;
	v52 =	vld.idx.msk [tilespmem:v26+s13+$0x0], $0xffff;
	[tilespmem:v42+s16+$0x0] =	vst.idx.msk $0xffff, v46;
	v23 =	vadd.f32 v27, v20  }
0x323: {  	v51 =	vor.u32 v40, v43;
	[tilespmem:v29+s16+$0x0] =	vst.idx.msk $0xffff, v49;
	v24 =	vld.idx.msk [tilespmem:v28+s13+$0x0], $0xffff  }
0x324: {  	[tilespmem:v30+s16+$0x0] =	vst.idx.msk $0xffff, v23;
	v23 =	vor.u32 v40, v50;
	v25 =	vld.idx.msk [tilespmem:v31+s13+$0x0], $0xffff  }
0x325: {  	v55 =	vor.u32 v40, v54;
	v0 =	vadd.f32 v48, v11;
	v6 =	vld.idx.msk [tilespmem:v47+s13+$0x0], $0xffff  }
0x326: {  	v56 =	vor.u32 v40, v59;
	v3 =	vadd.f32 v45, v5  }
0x327: {  	v58 =	vor.u32 v40, v63;
	[tilespmem:v53+s16+$0x0] =	vst.idx.msk $0xffff, v0;
	v57 =	vadd.f32 v52, v15  }
0x328: {  	[tilespmem:v51+s16+$0x0] =	vst.idx.msk $0xffff, v3;
	v59 =	vadd.f32 v24, v14  }
0x329: {  	[tilespmem:v23+s16+$0x0] =	vst.idx.msk $0xffff, v57;
	v60 =	vadd.f32 v25, v17  }
0x32a: {  	[tilespmem:v55+s16+$0x0] =	vst.idx.msk $0xffff, v59;
	v63 =	vadd.f32 v6, v20  }
0x32b: {  	[tilespmem:v56+s16+$0x0] =	vst.idx.msk $0xffff, v60  }
0x32c: {  	[tilespmem:v58+s16+$0x0] =	vst.idx.msk $0xffff, v63  }
0x32d: {  	v14 =	vld [tilespmem:$0x1FC50]  }
0x32e: {  	v20 =	vld [tilespmem:$0x1FFE0]  }
0x32f: {  	v25 =	vld [tilespmem:$0x1FFF0]  }
0x330: {  	p1 =	sne.s32 s24, $0x63;
	v58 =	vld [tilespmem:$0x1FFD0]  }
.Ltmp1:
0x331: {  	s31 =	sshll.u32 s24, $0x13;
	v29 =	vld [tilespmem:$0x1FFA0];
	(pc) =	sbr.rel @p1 .LBB2_6-.Ltmp1, $4  }
0x332: {  	s26 =	sor.u32 s7, s31;
	v48 =	vld [tilespmem:$0x1FFB0]  }
0x333: {  	s26 =	sshrl.u32 s26, $0x3;
	v53 =	vld [tilespmem:$0x1FC70]  }
0x334: {  	s26 =	sadd.s32 s5, s26;
	v60 =	vld [tilespmem:$0x1FC80]  }
0x335: {  	[hbm4b:s26+s17] =	stream.strided.scatter [tilespmem:s16], [sflag:$0x3], $0x2000, s18, s17, $0x38;
	v44 =	vld [tilespmem:$0x1FCA0]  }
.Ltmp2:
0x336: {  	(pc) =	sbr.rel .LBB2_7-.Ltmp2, $4  }
0x337: {  	_ =	swait.ge [sflag:s19], $0x2000  }
0x338: {  	v36 =	vld [tilespmem:$0x1FDC0]  }
0x339: {  	[sflag:s19] =	ssyncset.done $0x0;
	v31 =	vld [tilespmem:$0x1FDD0]  }
0x33a: {  	v47 =	vld [tilespmem:$0x1FF80];
	[sflag:s19] =	ssyncadd.s32 $0xFFFFE000  }
.LBB2_6:
0x33b: {  	s26 =	sshll.u32 s24, $0x8  }
0x33c: {  	s26 =	sand.u32 $0x3FFFFF00, s26  }
0x33d: {  	s26 =	sadd.s32 $0x100, s26  }
0x33e: {  	[tilespmem:s13], [sflag:$0x1] =	stream.indirect.gather [hbm4b:s4+s11], $0x40, s26, s11, $0xb8;
	[tilespmem:$0x11600] =	vst v63  }
.Ltmp3:
0x33f: {  	_ = 	snop;
	(pc) =	sbr.rel @p0 .LBB2_8-.Ltmp3, $4  }
0x340: {  	_ =	swait.ge [sflag:s19], $0x2000  }
0x341: {  	v36 =	vld [tilespmem:$0x1FDC0]  }
0x342: {  	[sflag:s19] =	ssyncset.done $0x0;
	v31 =	vld [tilespmem:$0x1FDD0]  }
0x343: {  	v47 =	vld [tilespmem:$0x1FF80];
	[sflag:s19] =	ssyncadd.s32 $0xFFFFE000  }
.LBB2_7:
0x344: {  	_ =	swait.ge [sflag:s20], $0x2000  }
0x345: {  	[sflag:s20] =	ssyncset.done $0x0  }
0x346: {  	[sflag:s20] =	ssyncadd.s32 $0xFFFFE000  }
.LBB2_8:
0x347: {  	_ = 	snop  }
0x348: {  	s29 =	simm.s32 $0x0;
	v9 =	vlaneseq.u32  }
0x349: {  	s26 =	sshll.u32 s25, $0x6;
	v28 =	vadd.s32 s29, v9;
	v0 =	vadd.s32 s29, v36  }
0x34a: {  	v59 =	vmov s26;
	v2 =	vand.u32 $0xF, v28;
	v0 =	vand.u32 $0x3CF, v0  }
0x34b: {  	v1 =	vor.u32 v59, v2;
	_ =	sdelay $0x1  }
0x34c: {  	s31 =	simm.s32 $0x1  }
0x34d: {  	v27 =	vadd.s32 s31, v9;
	[tilespmem:$0x1FA20] =	vst v2  }
0x34e: {  	v5 =	vand.u32 $0xF, v27;
	v0 =	vld.idx.msk [tilespmem:v0+s14+$0x0], $0xffff  }
0x34f: {  	v23 =	vand.u32 $0x7, v27;
	v13 =	vshll.u32 v28, $0x7;
	v3 =	vor.u32 v31, v5;
	v1 =	vld.idx.msk [tilespmem:v1+s9+$0x0], $0xffff  }
0x350: {  	v4 =	vor.u32 v59, v5;
	v8 =	vand.u32 $0x780, v13;
	v3 =	vand.u32 $0x3C8, v3  }
0x351: {  	v7 =	vor.u32 v9, v8;
	v3 =	vor.u32 v23, v3;
	_ =	sdelay $0x2  }
0x352: {  	v6 =	vadd.s32 s29, v61;
	v0 =	vadd.f32 v0, v1  }
0x353: {  	v6 =	vand.u32 $0x7CF, v6;
	v4 =	vld.idx.msk [tilespmem:v4+s9+$0x0], $0xffff  }
0x354: {  	v3 =	vld.idx.msk [tilespmem:v3+s14+$0x0], $0xffff;
	[tilespmem:v7+s21+$0x0] =	vst.idx.msk $0xffff, v0  }
0x355: {  	v11 =	vshll.u32 v27, $0x7;
	v10 =	vld [tilespmem:$0x1FE20]  }
0x356: {  	v12 =	vand.u32 $0x780, v11  }
0x357: {  	v17 =	vor.u32 v9, v12;
	v9 =	vld [tilespmem:$0x1FDE0]  }
0x358: {  	v11 =	vor.u32 v14, v5;
	v0 =	vld.idx.msk [tilespmem:v6+s14+$0x0], $0xffff  }
0x359: {  	v11 =	vand.u32 $0x7C8, v11  }
0x35a: {  	v11 =	vor.u32 v23, v11;
	v3 =	vadd.f32 v3, v4;
	v6 =	vor.u32 v10, v8;
	_ =	sdelay $0x1  }
0x35b: {  	[tilespmem:v17+s21+$0x0] =	vst.idx.msk $0xffff, v3;
	v7 =	vadd.s32 s29, v9  }
0x35c: {  	v2 =	vld [tilespmem:$0x1FF90];
	v0 =	vadd.f32 v0, v1;
	v3 =	vand.u32 $0xBCF, v7;
	_ =	sdelay $0x1  }
0x35d: {  	v7 =	vld.idx.msk [tilespmem:v11+s14+$0x0], $0xffff;
	[tilespmem:v6+s21+$0x0] =	vst.idx.msk $0xffff, v0  }
0x35e: {  	v33 =	vld [tilespmem:$0x1FC60]  }
0x35f: {  	v17 =	vor.u32 v10, v12  }
0x360: {  	v11 =	vor.u32 v2, v5;
	v0 =	vld.idx.msk [tilespmem:v3+s14+$0x0], $0xffff  }
0x361: {  	v11 =	vand.u32 $0xBC8, v11;
	v34 =	vld [tilespmem:$0x1FDF0]  }
0x362: {  	v11 =	vor.u32 v23, v11;
	v3 =	vadd.f32 v7, v4  }
0x363: {  	v7 =	vor.u32 v33, v8  }
0x364: {  	[tilespmem:v17+s21+$0x0] =	vst.idx.msk $0xffff, v3  }
0x365: {  	v63 =	vld [tilespmem:$0x1FE00]  }
0x366: {  	v6 =	vadd.s32 s29, v34;
	v0 =	vadd.f32 v0, v1  }
0x367: {  	v3 =	vand.u32 $0xFCF, v6;
	v6 =	vld.idx.msk [tilespmem:v11+s14+$0x0], $0xffff  }
0x368: {  	[tilespmem:v7+s21+$0x0] =	vst.idx.msk $0xffff, v0  }
0x369: {  	v17 =	vor.u32 v33, v12;
	v57 =	vld [tilespmem:$0x1FE10]  }
0x36a: {  	v11 =	vor.u32 v63, v5  }
0x36b: {  	v11 =	vand.u32 $0xFC8, v11  }
0x36c: {  	v11 =	vor.u32 v23, v11;
	v0 =	vld.idx.msk [tilespmem:v3+s14+$0x0], $0xffff;
	v3 =	vadd.f32 v6, v4;
	_ =	sdelay $0x1  }
0x36d: {  	[tilespmem:v17+s21+$0x0] =	vst.idx.msk $0xffff, v3;
	v7 =	vor.u32 v57, v8  }
0x36e: {  	v42 =	vld [tilespmem:$0x1FE30]  }
0x36f: {  	v6 =	vadd.s32 s29, v47  }
0x370: {  	v3 =	vand.u32 $0x13CF, v6;
	v6 =	vld.idx.msk [tilespmem:v11+s14+$0x0], $0xffff;
	v0 =	vadd.f32 v0, v1;
	_ =	sdelay $0x1  }
0x371: {  	v17 =	vor.u32 v57, v12;
	[tilespmem:v7+s21+$0x0] =	vst.idx.msk $0xffff, v0  }
0x372: {  	v11 =	vor.u32 v42, v5;
	v7 =	vld [tilespmem:$0x1FE50]  }
0x373: {  	v11 =	vand.u32 $0x13C8, v11;
	v38 =	vld [tilespmem:$0x1FE40]  }
0x374: {  	v11 =	vor.u32 v23, v11;
	v0 =	vld.idx.msk [tilespmem:v3+s14+$0x0], $0xffff;
	v3 =	vadd.f32 v6, v4;
	_ =	sdelay $0x1  }
0x375: {  	[tilespmem:v17+s21+$0x0] =	vst.idx.msk $0xffff, v3  }
0x376: {  	v50 =	vld [tilespmem:$0x1FE60]  }
0x377: {  	v51 =	vmovc v14;
	v6 =	vadd.s32 s29, v7;
	v14 =	vmov v7;
	v7 =	vor.u32 v38, v8  }
0x378: {  	v3 =	vand.u32 $0x17CF, v6;
	v6 =	vld.idx.msk [tilespmem:v11+s14+$0x0], $0xffff;
	_ =	sdelay $0x1  }
0x379: {  	v0 =	vadd.f32 v0, v1;
	v17 =	vor.u32 v38, v12  }
0x37a: {  	v11 =	vor.u32 v50, v5  }
0x37b: {  	v11 =	vand.u32 $0x17C8, v11;
	[tilespmem:v7+s21+$0x0] =	vst.idx.msk $0xffff, v0  }
0x37c: {  	v11 =	vor.u32 v23, v11;
	v0 =	vld.idx.msk [tilespmem:v3+s14+$0x0], $0xffff;
	v3 =	vadd.f32 v6, v4;
	_ =	sdelay $0x1  }
0x37d: {  	[tilespmem:v17+s21+$0x0] =	vst.idx.msk $0xffff, v3  }
0x37e: {  	v7 =	vor.u32 v20, v8;
	v45 =	vld [tilespmem:$0x1FE70]  }
0x37f: {  	v6 =	vadd.s32 s29, v25  }
0x380: {  	v3 =	vand.u32 $0x1BCF, v6;
	v6 =	vld.idx.msk [tilespmem:v11+s14+$0x0], $0xffff  }
0x381: {  	v0 =	vadd.f32 v0, v1  }
0x382: {  	v17 =	vor.u32 v20, v12  }
0x383: {  	[tilespmem:v7+s21+$0x0] =	vst.idx.msk $0xffff, v0;
	v11 =	vor.u32 v45, v5  }
0x384: {  	v39 =	vld [tilespmem:$0x1FE80];
	v11 =	vand.u32 $0x1BC8, v11  }
0x385: {  	v0 =	vld.idx.msk [tilespmem:v3+s14+$0x0], $0xffff;
	v3 =	vadd.f32 v6, v4;
	v11 =	vor.u32 v23, v11;
	_ =	sdelay $0x1  }
0x386: {  	[tilespmem:v17+s21+$0x0] =	vst.idx.msk $0xffff, v3  }
0x387: {  	v7 =	vor.u32 v58, v8;
	v49 =	vld [tilespmem:$0x1FE90]  }
0x388: {  	v6 =	vadd.s32 s29, v39  }
0x389: {  	v3 =	vand.u32 $0x1FCF, v6;
	v6 =	vld.idx.msk [tilespmem:v11+s14+$0x0], $0xffff  }
0x38a: {  	v0 =	vadd.f32 v0, v1  }
0x38b: {  	v17 =	vor.u32 v58, v12  }
0x38c: {  	[tilespmem:v7+s21+$0x0] =	vst.idx.msk $0xffff, v0;
	v11 =	vor.u32 v49, v5  }
0x38d: {  	v24 =	vld [tilespmem:$0x1FEA0];
	v11 =	vand.u32 $0x1FC8, v11  }
0x38e: {  	v37 =	vmovc v20;
	v20 =	vor.u32 v23, v11;
	v0 =	vld.idx.msk [tilespmem:v3+s14+$0x0], $0xffff;
	v11 =	vor.u32 $0x10, v59;
	v3 =	vadd.f32 v6, v4  }
0x38f: {  	[tilespmem:$0x1FA70] =	vst v11  }
0x390: {  	[tilespmem:v17+s21+$0x0] =	vst.idx.msk $0xffff, v3  }
0x391: {  	v16 =	vld [tilespmem:$0x1FEB0];
	_ =	sdelay $0x1  }
0x392: {  	v6 =	vor.u32 v24, v8  }
0x393: {  	v3 =	vor.u32 v28, v11;
	v7 =	vld.idx.msk [tilespmem:v20+s14+$0x0], $0xffff;
	_ =	sdelay $0x1  }
0x394: {  	v52 =	vor.u32 v24, v12;
	v0 =	vadd.f32 v0, v1;
	v17 =	vor.u32 v16, v28  }
0x395: {  	v20 =	vor.u32 v27, v11  }
0x396: {  	[tilespmem:v6+s21+$0x0] =	vst.idx.msk $0xffff, v0;
	v54 =	vor.u32 v16, v27  }
0x397: {  	v26 =	vld.idx.msk [tilespmem:v3+s9+$0x0], $0xffff;
	v3 =	vadd.f32 v7, v4  }
0x398: {  	s26 =	simm.s32 $0x2;
	v11 =	vlaneseq.u32  }
0x399: {  	v43 =	vadd.s32 s26, v11;
	[tilespmem:v52+s21+$0x0] =	vst.idx.msk $0xffff, v3;
	v3 =	vadd.s32 s26, v36;
	v4 =	vld.idx.msk [tilespmem:v17+s14+$0x0], $0xffff  }
0x39a: {  	v35 =	vmov v25;
	v7 =	vand.u32 $0xF, v43;
	v25 =	vld.idx.msk [tilespmem:v20+s9+$0x0], $0xffff;
	v3 =	vand.u32 $0x3CF, v3  }
0x39b: {  	v55 =	vor.u32 v29, v13;
	v0 =	vld.idx.msk [tilespmem:v54+s14+$0x0], $0xffff;
	[tilespmem:$0x1FA50] =	vst v7;
	v7 =	vor.u32 v59, v7  }
0x39c: {  	v6 =	vor.u32 v48, v28  }
0x39d: {  	v17 =	vor.u32 v29, v12  }
0x39e: {  	v4 =	vadd.f32 v4, v26  }
0x39f: {  	v29 =	vor.u32 v48, v27;
	v3 =	vld.idx.msk [tilespmem:v3+s14+$0x0], $0xffff  }
0x3a0: {  	v41 =	vshll.u32 v43, $0x7;
	v0 =	vadd.f32 v0, v25;
	v20 =	vld.idx.msk [tilespmem:v7+s9+$0x0], $0xffff;
	[tilespmem:v55+s21+$0x0] =	vst.idx.msk $0xffff, v4  }
0x3a1: {  	v52 =	vand.u32 $0x780, v41;
	v1 =	vld.idx.msk [tilespmem:v6+s14+$0x0], $0xffff  }
0x3a2: {  	v7 =	vadd.s32 s26, v61;
	[tilespmem:v17+s21+$0x0] =	vst.idx.msk $0xffff, v0;
	v17 =	vor.u32 v11, v52  }
0x3a3: {  	v7 =	vand.u32 $0x7CF, v7;
	v4 =	vor.u32 v53, v13  }
0x3a4: {  	v56 =	vor.u32 v60, v28;
	v6 =	vld.idx.msk [tilespmem:v29+s14+$0x0], $0xffff  }
0x3a5: {  	v3 =	vadd.f32 v3, v20  }
0x3a6: {  	v29 =	vor.u32 v53, v12;
	v1 =	vadd.f32 v1, v26  }
0x3a7: {  	[tilespmem:v17+s21+$0x0] =	vst.idx.msk $0xffff, v3  }
0x3a8: {  	s28 =	simm.s32 $0x3;
	v30 =	vor.u32 v60, v27;
	v3 =	vld.idx.msk [tilespmem:v7+s14+$0x0], $0xffff;
	[tilespmem:v4+s21+$0x0] =	vst.idx.msk $0xffff, v1  }
0x3a9: {  	v46 =	vadd.s32 s28, v11;
	v32 =	vadd.f32 v6, v25;
	v0 =	vld.idx.msk [tilespmem:v56+s14+$0x0], $0xffff  }
0x3aa: {  	v55 =	vand.u32 $0xF, v46;
	v1 =	vor.u32 v10, v52  }
0x3ab: {  	v4 =	vor.u32 v62, v13;
	[tilespmem:v29+s21+$0x0] =	vst.idx.msk $0xffff, v32;
	v29 =	vor.u32 v59, v55  }
0x3ac: {  	v6 =	vor.u32 v44, v28;
	v7 =	vor.u32 v31, v55  }
0x3ad: {  	v7 =	vand.u32 $0x3C8, v7;
	v17 =	vld.idx.msk [tilespmem:v30+s14+$0x0], $0xffff;
	v56 =	vand.u32 $0x7, v46;
	v3 =	vadd.f32 v3, v20  }
0x3ae: {  	v30 =	vadd.s32 s26, v9;
	v7 =	vor.u32 v56, v7;
	v0 =	vadd.f32 v0, v26  }
0x3af: {  	v31 =	vor.u32 v62, v12;
	v54 =	vand.u32 $0xBCF, v30;
	[tilespmem:v1+s21+$0x0] =	vst.idx.msk $0xffff, v3  }
0x3b0: {  	v30 =	vld.idx.msk [tilespmem:v29+s9+$0x0], $0xffff;
	[tilespmem:v4+s21+$0x0] =	vst.idx.msk $0xffff, v0  }
0x3b1: {  	v32 =	vor.u32 v44, v27;
	v15 =	vld [tilespmem:$0x1FEC0]  }
0x3b2: {  	v4 =	vld.idx.msk [tilespmem:v6+s14+$0x0], $0xffff;
	v6 =	vadd.f32 v17, v25  }
0x3b3: {  	v62 =	vld.idx.msk [tilespmem:v7+s14+$0x0], $0xffff;
	v7 =	vshll.u32 v46, $0x7  }
0x3b4: {  	v11 =	vlaneseq.u32;
	v44 =	vand.u32 $0x780, v7;
	v0 =	vld.idx.msk [tilespmem:v54+s14+$0x0], $0xffff;
	[tilespmem:v31+s21+$0x0] =	vst.idx.msk $0xffff, v6  }
0x3b5: {  	v29 =	vor.u32 v11, v44;
	v24 =	vld [tilespmem:$0x1FED0]  }
0x3b6: {  	v17 =	vld.idx.msk [tilespmem:v32+s14+$0x0], $0xffff;
	v3 =	vor.u32 v15, v13  }
0x3b7: {  	v16 =	vmov v10;
	v10 =	vmov v33;
	v33 =	vor.u32 v33, v52  }
0x3b8: {  	v1 =	vadd.f32 v62, v30;
	v31 =	vor.u32 v15, v12  }
0x3b9: {  	v4 =	vadd.f32 v4, v26  }
0x3ba: {  	v7 =	vor.u32 v51, v55;
	v0 =	vadd.f32 v0, v20;
	[tilespmem:v29+s21+$0x0] =	vst.idx.msk $0xffff, v1  }
0x3bb: {  	v7 =	vand.u32 $0x7C8, v7;
	v6 =	vor.u32 v24, v28;
	[tilespmem:v3+s21+$0x0] =	vst.idx.msk $0xffff, v4;
	v4 =	vadd.f32 v17, v25  }
0x3bc: {  	v54 =	vadd.s32 s26, v34;
	v7 =	vor.u32 v56, v7;
	v51 =	vld [tilespmem:$0x1FEE0];
	[tilespmem:v33+s21+$0x0] =	vst.idx.msk $0xffff, v0  }
0x3bd: {  	v32 =	vand.u32 $0xFCF, v54;
	[tilespmem:v31+s21+$0x0] =	vst.idx.msk $0xffff, v4  }
0x3be: {  	v34 =	vor.u32 v24, v27;
	v54 =	vld [tilespmem:$0x1FEF0];
	_ =	sdelay $0x1  }
0x3bf: {  	v3 =	vld.idx.msk [tilespmem:v6+s14+$0x0], $0xffff  }
0x3c0: {  	v1 =	vld.idx.msk [tilespmem:v7+s14+$0x0], $0xffff  }
0x3c1: {  	v17 =	vld.idx.msk [tilespmem:v32+s14+$0x0], $0xffff;
	v6 =	vor.u32 v51, v13  }
0x3c2: {  	v29 =	vor.u32 v16, v44;
	v7 =	vld.idx.msk [tilespmem:v34+s14+$0x0], $0xffff;
	v4 =	vor.u32 v54, v28  }
0x3c3: {  	v33 =	vor.u32 v57, v52  }
0x3c4: {  	v31 =	vor.u32 v51, v12;
	v3 =	vadd.f32 v3, v26  }
0x3c5: {  	v1 =	vadd.f32 v1, v30  }
0x3c6: {  	v62 =	vor.u32 v2, v55;
	[tilespmem:v6+s21+$0x0] =	vst.idx.msk $0xffff, v3;
	v6 =	vadd.f32 v17, v20  }
0x3c7: {  	v0 =	vand.u32 $0xBC8, v62;
	[tilespmem:v29+s21+$0x0] =	vst.idx.msk $0xffff, v1;
	v3 =	vld.idx.msk [tilespmem:v4+s14+$0x0], $0xffff;
	v4 =	vadd.f32 v7, v25  }
0x3c8: {  	v9 =	vmov v57;
	v0 =	vor.u32 v56, v0;
	v57 =	vld [tilespmem:$0x1FF00];
	[tilespmem:v33+s21+$0x0] =	vst.idx.msk $0xffff, v6  }
0x3c9: {  	v2 =	vadd.s32 s26, v47;
	v47 =	vor.u32 v54, v27;
	[tilespmem:v31+s21+$0x0] =	vst.idx.msk $0xffff, v4  }
0x3ca: {  	v32 =	vand.u32 $0x13CF, v2;
	v16 =	vld [tilespmem:$0x1FF10];
	_ =	sdelay $0x2  }
0x3cb: {  	v0 =	vld.idx.msk [tilespmem:v0+s14+$0x0], $0xffff  }
0x3cc: {  	v7 =	vld.idx.msk [tilespmem:v47+s14+$0x0], $0xffff;
	v62 =	vor.u32 v57, v13  }
0x3cd: {  	v29 =	vor.u32 v10, v44;
	v17 =	vld.idx.msk [tilespmem:v32+s14+$0x0], $0xffff;
	v6 =	vor.u32 v16, v28  }
0x3ce: {  	v31 =	vor.u32 v57, v12  }
0x3cf: {  	v33 =	vor.u32 v38, v52;
	v3 =	vadd.f32 v3, v26  }
0x3d0: {  	v0 =	vadd.f32 v0, v30  }
0x3d1: {  	[tilespmem:v62+s21+$0x0] =	vst.idx.msk $0xffff, v3;
	v3 =	vadd.f32 v7, v25  }
0x3d2: {  	v4 =	vor.u32 v63, v55;
	[tilespmem:v29+s21+$0x0] =	vst.idx.msk $0xffff, v0;
	v1 =	vld.idx.msk [tilespmem:v6+s14+$0x0], $0xffff;
	v6 =	vadd.f32 v17, v20  }
0x3d3: {  	v4 =	vand.u32 $0xFC8, v4;
	v63 =	vld [tilespmem:$0x1FF20];
	[tilespmem:v31+s21+$0x0] =	vst.idx.msk $0xffff, v3  }
0x3d4: {  	v4 =	vor.u32 v56, v4;
	[tilespmem:v33+s21+$0x0] =	vst.idx.msk $0xffff, v6  }
0x3d5: {  	v47 =	vor.u32 v16, v27;
	v62 =	vld [tilespmem:$0x1FF30];
	_ =	sdelay $0x2  }
0x3d6: {  	v2 =	vadd.s32 s26, v14  }
0x3d7: {  	v32 =	vand.u32 $0x17CF, v2;
	v0 =	vld.idx.msk [tilespmem:v4+s14+$0x0], $0xffff;
	v4 =	vor.u32 v63, v13  }
0x3d8: {  	v7 =	vld.idx.msk [tilespmem:v47+s14+$0x0], $0xffff;
	v6 =	vor.u32 v62, v28  }
0x3d9: {  	v31 =	vor.u32 v9, v44  }
0x3da: {  	v3 =	vor.u32 v42, v55;
	v42 =	vor.u32 v63, v12;
	v1 =	vadd.f32 v1, v26;
	_ =	sdelay $0x1  }
0x3db: {  	v9 =	vor.u32 $0x20, v59;
	v0 =	vadd.f32 v0, v30;
	v29 =	vld.idx.msk [tilespmem:v32+s14+$0x0], $0xffff;
	[tilespmem:v4+s21+$0x0] =	vst.idx.msk $0xffff, v1  }
0x3dc: {  	v4 =	vld.idx.msk [tilespmem:v6+s14+$0x0], $0xffff;
	v6 =	vadd.f32 v7, v25;
	[tilespmem:$0x1FA60] =	vst v9  }
0x3dd: {  	v17 =	vadd.s32 s26, v35;
	v47 =	vor.u32 v62, v27;
	v62 =	vor.u32 v37, v52;
	[tilespmem:v31+s21+$0x0] =	vst.idx.msk $0xffff, v0  }
0x3de: {  	v3 =	vand.u32 $0x13C8, v3;
	v35 =	vand.u32 $0x1BCF, v17;
	v17 =	vld [tilespmem:$0x1FF40];
	[tilespmem:v42+s21+$0x0] =	vst.idx.msk $0xffff, v6  }
0x3df: {  	v3 =	vor.u32 v56, v3;
	v14 =	vld [tilespmem:$0x1FF50]  }
0x3e0: {  	v7 =	vadd.f32 v29, v20;
	v42 =	vld [tilespmem:$0x1FA20];
	_ =	sdelay $0x1  }
0x3e1: {  	[tilespmem:v62+s21+$0x0] =	vst.idx.msk $0xffff, v7  }
0x3e2: {  	v10 =	vld [tilespmem:$0x1FCB0]  }
0x3e3: {  	v0 =	vld.idx.msk [tilespmem:v3+s14+$0x0], $0xffff;
	v3 =	vor.u32 v17, v13  }
0x3e4: {  	v31 =	vld.idx.msk [tilespmem:v47+s14+$0x0], $0xffff;
	v29 =	vadd.s32 s29, v14;
	v14 =	vor.u32 v42, v9  }
0x3e5: {  	v7 =	vand.u32 $0x3EF, v29;
	v29 =	vor.u32 v38, v44  }
0x3e6: {  	v4 =	vadd.f32 v4, v26;
	v26 =	vor.u32 v17, v12  }
0x3e7: {  	v47 =	vor.u32 v10, v5  }
0x3e8: {  	v0 =	vadd.f32 v0, v30;
	v32 =	vand.u32 $0x3E8, v47;
	[tilespmem:v3+s21+$0x0] =	vst.idx.msk $0xffff, v4  }
0x3e9: {  	v3 =	vor.u32 v23, v32;
	v32 =	vld.idx.msk [tilespmem:v14+s9+$0x0], $0xffff;
	v14 =	vadd.f32 v31, v25  }
0x3ea: {  	v6 =	vor.u32 v50, v55;
	[tilespmem:v29+s21+$0x0] =	vst.idx.msk $0xffff, v0  }
0x3eb: {  	v6 =	vand.u32 $0x17C8, v6;
	[tilespmem:v26+s21+$0x0] =	vst.idx.msk $0xffff, v14  }
0x3ec: {  	v6 =	vor.u32 v56, v6;
	v62 =	vld [tilespmem:$0x1FCC0]  }
0x3ed: {  	v1 =	vld.idx.msk [tilespmem:v35+s14+$0x0], $0xffff  }
0x3ee: {  	v38 =	vor.u32 v5, v9  }
0x3ef: {  	v39 =	vadd.s32 s26, v39;
	v50 =	vor.u32 v58, v52;
	v42 =	vld.idx.msk [tilespmem:v7+s14+$0x0], $0xffff  }
0x3f0: {  	v4 =	vand.u32 $0x1FCF, v39  }
0x3f1: {  	v6 =	vld.idx.msk [tilespmem:v6+s14+$0x0], $0xffff;
	v25 =	vor.u32 v62, v8  }
0x3f2: {  	v1 =	vadd.f32 v1, v20;
	v7 =	vld [tilespmem:$0x1FCD0]  }
0x3f3: {  	v14 =	vor.u32 v45, v55;
	v45 =	vor.u32 v37, v44;
	v26 =	vld.idx.msk [tilespmem:v38+s9+$0x0], $0xffff  }
0x3f4: {  	[tilespmem:v50+s21+$0x0] =	vst.idx.msk $0xffff, v1;
	v3 =	vld.idx.msk [tilespmem:v3+s14+$0x0], $0xffff;
	v0 =	vadd.f32 v42, v32  }
0x3f5: {  	v4 =	vld.idx.msk [tilespmem:v4+s14+$0x0], $0xffff  }
0x3f6: {  	v47 =	vld [tilespmem:$0x1FCE0];
	v6 =	vadd.f32 v6, v30;
	[tilespmem:v25+s21+$0x0] =	vst.idx.msk $0xffff, v0  }
0x3f7: {  	v7 =	vadd.s32 s29, v7;
	v9 =	vld [tilespmem:$0x1FEA0]  }
0x3f8: {  	v7 =	vand.u32 $0x7EF, v7;
	v37 =	vld [tilespmem:$0x1FA70];
	[tilespmem:v45+s21+$0x0] =	vst.idx.msk $0xffff, v6  }
0x3f9: {  	v14 =	vand.u32 $0x1BC8, v14;
	v38 =	vld [tilespmem:$0x1FEB0]  }
0x3fa: {  	v14 =	vor.u32 v56, v14;
	v39 =	vld [tilespmem:$0x1FCF0]  }
0x3fb: {  	v31 =	vor.u32 v62, v12;
	v35 =	vld [tilespmem:$0x1FD00]  }
0x3fc: {  	v29 =	vor.u32 v47, v5;
	v0 =	vor.u32 v9, v52  }
0x3fd: {  	v29 =	vand.u32 $0x7E8, v29;
	v50 =	vld.idx.msk [tilespmem:v7+s14+$0x0], $0xffff  }
0x3fe: {  	v3 =	vadd.f32 v3, v26;
	v29 =	vor.u32 v23, v29  }
0x3ff: {  	v4 =	vadd.f32 v4, v20;
	v7 =	vld.idx.msk [tilespmem:v14+s14+$0x0], $0xffff;
	v25 =	vor.u32 v43, v37;
	v42 =	vor.u32 v39, v8  }
0x400: {  	[tilespmem:v31+s21+$0x0] =	vst.idx.msk $0xffff, v3;
	v6 =	vor.u32 v38, v43;
	v14 =	vadd.s32 s29, v35  }
0x401: {  	v3 =	vand.u32 $0xBEF, v14;
	v14 =	vor.u32 v58, v44;
	[tilespmem:v0+s21+$0x0] =	vst.idx.msk $0xffff, v4  }
0x402: {  	s28 =	simm.s32 $0x4;
	v11 =	vlaneseq.u32;
	v1 =	vadd.f32 v50, v32;
	v0 =	vld [tilespmem:$0x1FD10]  }
0x403: {  	v47 =	vadd.s32 s28, v11;
	v29 =	vld.idx.msk [tilespmem:v29+s14+$0x0], $0xffff  }
0x404: {  	v50 =	vand.u32 $0xF, v47;
	v7 =	vadd.f32 v7, v30;
	v25 =	vld.idx.msk [tilespmem:v25+s9+$0x0], $0xffff;
	[tilespmem:v42+s21+$0x0] =	vst.idx.msk $0xffff, v1  }
0x405: {  	v20 =	vor.u32 v49, v55;
	v6 =	vld.idx.msk [tilespmem:v6+s14+$0x0], $0xffff;
	[tilespmem:$0x1FA30] =	vst v50  }
0x406: {  	v20 =	vand.u32 $0x1FC8, v20;
	[tilespmem:v14+s21+$0x0] =	vst.idx.msk $0xffff, v7  }
0x407: {  	v31 =	vor.u32 v56, v20;
	v20 =	vadd.s32 s28, v36;
	v11 =	vld [tilespmem:$0x1FFA0];
	v0 =	vor.u32 v0, v5  }
0x408: {  	v49 =	vand.u32 $0x3CF, v20;
	v4 =	vor.u32 v39, v12;
	v10 =	vld [tilespmem:$0x1FD20];
	v0 =	vand.u32 $0xBE8, v0  }
0x409: {  	v0 =	vor.u32 v23, v0  }
0x40a: {  	v39 =	vld [tilespmem:$0x1FD30]  }
0x40b: {  	v58 =	vor.u32 v59, v50;
	v3 =	vld.idx.msk [tilespmem:v3+s14+$0x0], $0xffff;
	v7 =	vadd.f32 v29, v26  }
0x40c: {  	v14 =	vld.idx.msk [tilespmem:v31+s14+$0x0], $0xffff;
	v31 =	vor.u32 v11, v41  }
0x40d: {  	v34 =	vld.idx.msk [tilespmem:v49+s14+$0x0], $0xffff;
	[tilespmem:v4+s21+$0x0] =	vst.idx.msk $0xffff, v7;
	v35 =	vor.u32 v10, v8  }
0x40e: {  	v4 =	vor.u32 v9, v44;
	v0 =	vld.idx.msk [tilespmem:v0+s14+$0x0], $0xffff  }
0x40f: {  	v6 =	vadd.f32 v6, v25;
	v9 =	vld [tilespmem:$0x1FC50];
	v29 =	vadd.s32 s29, v39  }
0x410: {  	v7 =	vand.u32 $0xFEF, v29;
	v29 =	vld.idx.msk [tilespmem:v58+s9+$0x0], $0xffff;
	v58 =	vadd.f32 v3, v32;
	v3 =	vor.u32 v10, v12  }
0x411: {  	v49 =	vld [tilespmem:$0x1FF60];
	[tilespmem:v31+s21+$0x0] =	vst.idx.msk $0xffff, v6;
	v6 =	vadd.f32 v14, v30  }
0x412: {  	[tilespmem:v35+s21+$0x0] =	vst.idx.msk $0xffff, v58  }
0x413: {  	v33 =	vor.u32 v48, v43;
	[tilespmem:v4+s21+$0x0] =	vst.idx.msk $0xffff, v6;
	v0 =	vadd.f32 v0, v26  }
0x414: {  	v39 =	vld [tilespmem:$0x1FD50]  }
0x415: {  	[tilespmem:v3+s21+$0x0] =	vst.idx.msk $0xffff, v0  }
0x416: {  	v42 =	vor.u32 v46, v37;
	v20 =	vld [tilespmem:$0x1FD40]  }
0x417: {  	v45 =	vor.u32 v38, v46;
	v50 =	vor.u32 v49, v5;
	v49 =	vshll.u32 v47, $0x7  }
0x418: {  	v38 =	vand.u32 $0xFE8, v50;
	v50 =	vlaneseq.u32;
	v58 =	vand.u32 $0x780, v49;
	v33 =	vld.idx.msk [tilespmem:v33+s14+$0x0], $0xffff  }
0x419: {  	v1 =	vld.idx.msk [tilespmem:v7+s14+$0x0], $0xffff;
	v4 =	vor.u32 v50, v58;
	v7 =	vadd.s32 s29, v39  }
0x41a: {  	v14 =	vor.u32 v23, v38;
	v3 =	vand.u32 $0x13EF, v7;
	v7 =	vor.u32 v53, v41  }
0x41b: {  	v31 =	vadd.s32 s28, v61;
	v30 =	vld.idx.msk [tilespmem:v42+s9+$0x0], $0xffff;
	v0 =	vor.u32 v20, v8  }
0x41c: {  	v34 =	vadd.f32 v34, v29;
	v6 =	vand.u32 $0x7CF, v31;
	v31 =	vld.idx.msk [tilespmem:v45+s14+$0x0], $0xffff  }
0x41d: {  	v33 =	vadd.f32 v33, v25  }
0x41e: {  	v35 =	vor.u32 v11, v44;
	v1 =	vadd.f32 v1, v32;
	v45 =	vld [tilespmem:$0x1FD60];
	[tilespmem:v4+s21+$0x0] =	vst.idx.msk $0xffff, v34  }
0x41f: {  	v14 =	vld.idx.msk [tilespmem:v14+s14+$0x0], $0xffff;
	[tilespmem:v7+s21+$0x0] =	vst.idx.msk $0xffff, v33  }
0x420: {  	[tilespmem:v0+s21+$0x0] =	vst.idx.msk $0xffff, v1  }
0x421: {  	v31 =	vadd.f32 v31, v30;
	v4 =	vor.u32 v20, v12;
	v0 =	vld [tilespmem:$0x1FD70];
	_ =	sdelay $0x1  }
0x422: {  	v1 =	vld.idx.msk [tilespmem:v3+s14+$0x0], $0xffff;
	[tilespmem:v35+s21+$0x0] =	vst.idx.msk $0xffff, v31  }
0x423: {  	v42 =	vor.u32 v48, v46;
	v48 =	vor.u32 v45, v5;
	v3 =	vadd.f32 v14, v26;
	v10 =	vld [tilespmem:$0x1FE20]  }
0x424: {  	v39 =	vand.u32 $0x13E8, v48;
	v48 =	vld [tilespmem:$0x1FCA0]  }
0x425: {  	v45 =	vld [tilespmem:$0x1FC90];
	[tilespmem:v4+s21+$0x0] =	vst.idx.msk $0xffff, v3;
	v7 =	vadd.s32 s29, v0  }
0x426: {  	v3 =	vand.u32 $0x17EF, v7;
	v7 =	vld [tilespmem:$0x1FF70]  }
0x427: {  	v34 =	vor.u32 v23, v39;
	_ =	sdelay $0x1  }
0x428: {  	v38 =	vor.u32 v60, v43  }
0x429: {  	v14 =	vld.idx.msk [tilespmem:v42+s14+$0x0], $0xffff  }
0x42a: {  	v6 =	vld.idx.msk [tilespmem:v6+s14+$0x0], $0xffff;
	v4 =	vor.u32 v7, v8  }
0x42b: {  	v0 =	vld.idx.msk [tilespmem:v34+s14+$0x0], $0xffff;
	v34 =	vor.u32 v53, v44  }
0x42c: {  	v31 =	vor.u32 v10, v58  }
0x42d: {  	v2 =	vld.idx.msk [tilespmem:v38+s14+$0x0], $0xffff;
	v1 =	vadd.f32 v1, v32;
	v38 =	vor.u32 v7, v12  }
0x42e: {  	v36 =	vor.u32 v60, v46;
	v42 =	vld [tilespmem:$0x1FD80];
	v60 =	vadd.f32 v14, v30  }
0x42f: {  	v6 =	vadd.f32 v6, v29;
	v53 =	vld [tilespmem:$0x1FDE0];
	[tilespmem:v4+s21+$0x0] =	vst.idx.msk $0xffff, v1  }
0x430: {  	v1 =	vadd.f32 v0, v26;
	v4 =	vld [tilespmem:$0x1FDD0];
	[tilespmem:v34+s21+$0x0] =	vst.idx.msk $0xffff, v60  }
0x431: {  	[tilespmem:v31+s21+$0x0] =	vst.idx.msk $0xffff, v6  }
0x432: {  	[tilespmem:v38+s21+$0x0] =	vst.idx.msk $0xffff, v1  }
0x433: {  	s30 =	simm.s32 $0x5;
	v35 =	vor.u32 v45, v41;
	v37 =	vor.u32 v42, v5;
	v42 =	vld [tilespmem:$0x1FDA0]  }
0x434: {  	v50 =	vadd.s32 s30, v50  }
0x435: {  	v14 =	vand.u32 $0xF, v50  }
0x436: {  	v39 =	vadd.s32 s28, v53;
	v53 =	vadd.f32 v2, v25;
	v4 =	vor.u32 v4, v14  }
0x437: {  	v37 =	vand.u32 $0x17E8, v37;
	v60 =	vand.u32 $0x7, v50;
	v4 =	vand.u32 $0x3C8, v4  }
0x438: {  	v37 =	vor.u32 v23, v37;
	v1 =	vor.u32 v60, v4;
	v4 =	vadd.s32 s29, v42;
	v42 =	vld [tilespmem:$0x1FD90];
	[tilespmem:v35+s21+$0x0] =	vst.idx.msk $0xffff, v53  }
0x439: {  	v31 =	vld [tilespmem:$0x1FC40];
	_ =	sdelay $0x2  }
0x43a: {  	v34 =	vld.idx.msk [tilespmem:v36+s14+$0x0], $0xffff  }
0x43b: {  	v36 =	vld.idx.msk [tilespmem:v37+s14+$0x0], $0xffff  }
0x43c: {  	v37 =	vadd.s32 s29, v31;
	v31 =	vld [tilespmem:$0x1FDF0]  }
0x43d: {  	v3 =	vld.idx.msk [tilespmem:v3+s14+$0x0], $0xffff  }
0x43e: {  	v33 =	vor.u32 v48, v43;
	v35 =	vor.u32 v45, v44  }
0x43f: {  	v39 =	vand.u32 $0xBCF, v39;
	v6 =	vor.u32 v42, v8  }
0x440: {  	v42 =	vor.u32 v42, v12  }
0x441: {  	v34 =	vadd.f32 v34, v30;
	v53 =	vadd.s32 s28, v31;
	v31 =	vld [tilespmem:$0x1FDB0]  }
0x442: {  	v7 =	vor.u32 v59, v14;
	v3 =	vadd.f32 v3, v32;
	v11 =	vld [tilespmem:$0x1FC60]  }
0x443: {  	v4 =	vand.u32 $0x1BEF, v4;
	v33 =	vld.idx.msk [tilespmem:v33+s14+$0x0], $0xffff;
	[tilespmem:v35+s21+$0x0] =	vst.idx.msk $0xffff, v34;
	v34 =	vadd.f32 v36, v26  }
0x444: {  	v0 =	vld.idx.msk [tilespmem:v39+s14+$0x0], $0xffff;
	v39 =	vor.u32 v48, v46;
	[tilespmem:v6+s21+$0x0] =	vst.idx.msk $0xffff, v3  }
0x445: {  	v1 =	vld.idx.msk [tilespmem:v1+s14+$0x0], $0xffff;
	[tilespmem:v42+s21+$0x0] =	vst.idx.msk $0xffff, v34  }
0x446: {  	v48 =	vor.u32 v15, v41;
	v42 =	vld [tilespmem:$0x1FAA0];
	v31 =	vor.u32 v31, v5  }
0x447: {  	v2 =	vand.u32 $0x1BE8, v31;
	v31 =	vld.idx.msk [tilespmem:v7+s9+$0x0], $0xffff;
	v7 =	vor.u32 v11, v58  }
0x448: {  	v33 =	vadd.f32 v33, v25;
	v6 =	vshll.u32 v50, $0x7;
	v4 =	vld.idx.msk [tilespmem:v4+s14+$0x0], $0xffff  }
0x449: {  	v38 =	vand.u32 $0xFCF, v53;
	v53 =	vand.u32 $0x780, v6;
	v35 =	vld.idx.msk [tilespmem:v39+s14+$0x0], $0xffff;
	v39 =	vlaneseq.u32  }
0x44a: {  	v0 =	vadd.f32 v0, v29;
	v36 =	vor.u32 v39, v53  }
0x44b: {  	[tilespmem:v48+s21+$0x0] =	vst.idx.msk $0xffff, v33;
	v45 =	vor.u32 v23, v2;
	v34 =	vor.u32 v42, v8  }
0x44c: {  	[tilespmem:v7+s21+$0x0] =	vst.idx.msk $0xffff, v0;
	v7 =	vor.u32 v15, v44  }
0x44d: {  	v6 =	vor.u32 v9, v14;
	v1 =	vadd.f32 v1, v31;
	v9 =	vld [tilespmem:$0x1FA90]  }
0x44e: {  	v3 =	vor.u32 v24, v43;
	v4 =	vadd.f32 v4, v32  }
0x44f: {  	v6 =	vand.u32 $0x7C8, v6;
	v39 =	vor.u32 v42, v12;
	v42 =	vadd.f32 v35, v30;
	[tilespmem:v36+s21+$0x0] =	vst.idx.msk $0xffff, v1  }
0x450: {  	v0 =	vor.u32 v60, v6;
	v6 =	vld.idx.msk [tilespmem:v45+s14+$0x0], $0xffff;
	[tilespmem:v34+s21+$0x0] =	vst.idx.msk $0xffff, v4  }
0x451: {  	[tilespmem:v7+s21+$0x0] =	vst.idx.msk $0xffff, v42  }
0x452: {  	v5 =	vor.u32 v9, v5;
	v9 =	vld [tilespmem:$0x1FF90]  }
0x453: {  	v3 =	vld.idx.msk [tilespmem:v3+s14+$0x0], $0xffff  }
0x454: {  	v15 =	vld [tilespmem:$0x1FE10]  }
0x455: {  	v48 =	vand.u32 $0x1FEF, v37;
	v37 =	vor.u32 v24, v46;
	v35 =	vld.idx.msk [tilespmem:v38+s14+$0x0], $0xffff;
	v1 =	vadd.f32 v6, v26  }
0x456: {  	v0 =	vld.idx.msk [tilespmem:v0+s14+$0x0], $0xffff  }
0x457: {  	v5 =	vand.u32 $0x1FE8, v5;
	v45 =	vor.u32 v9, v14;
	v9 =	vld [tilespmem:$0x1FF80];
	[tilespmem:v39+s21+$0x0] =	vst.idx.msk $0xffff, v1  }
0x458: {  	v42 =	vor.u32 v10, v53;
	v5 =	vor.u32 v23, v5;
	v23 =	vor.u32 v51, v41;
	v10 =	vld [tilespmem:$0x1FAB0]  }
0x459: {  	v7 =	vor.u32 v15, v58  }
0x45a: {  	v37 =	vld.idx.msk [tilespmem:v37+s14+$0x0], $0xffff  }
0x45b: {  	v3 =	vadd.f32 v3, v25;
	v34 =	vor.u32 v54, v43;
	v6 =	vld.idx.msk [tilespmem:v48+s14+$0x0], $0xffff  }
0x45c: {  	v35 =	vadd.f32 v35, v29;
	v51 =	vor.u32 v51, v44;
	v48 =	vadd.s32 s28, v9  }
0x45d: {  	v0 =	vadd.f32 v0, v31;
	v9 =	vld [tilespmem:$0x1FAC0];
	[tilespmem:v23+s21+$0x0] =	vst.idx.msk $0xffff, v3;
	v8 =	vor.u32 v10, v8;
	v48 =	vand.u32 $0x13CF, v48  }
0x45e: {  	[tilespmem:v7+s21+$0x0] =	vst.idx.msk $0xffff, v35  }
0x45f: {  	v2 =	vor.u32 $0x30, v59;
	v5 =	vld.idx.msk [tilespmem:v5+s14+$0x0], $0xffff;
	[tilespmem:v42+s21+$0x0] =	vst.idx.msk $0xffff, v0;
	v42 =	vadd.f32 v37, v30  }
0x460: {  	v6 =	vadd.f32 v6, v32;
	v33 =	vand.u32 $0xBC8, v45;
	v7 =	vld.idx.msk [tilespmem:v34+s14+$0x0], $0xffff;
	[tilespmem:$0x1FA40] =	vst v2  }
0x461: {  	v45 =	vor.u32 v60, v33;
	[tilespmem:v51+s21+$0x0] =	vst.idx.msk $0xffff, v42  }
0x462: {  	v4 =	vor.u32 v28, v2;
	[tilespmem:v8+s21+$0x0] =	vst.idx.msk $0xffff, v6;
	v33 =	vld.idx.msk [tilespmem:v48+s14+$0x0], $0xffff  }
0x463: {  	v48 =	vld [tilespmem:$0x1FE00]  }
0x464: {  	v3 =	vor.u32 v54, v46;
	v23 =	vor.u32 v10, v12  }
0x465: {  	v32 =	vor.u32 v27, v2;
	v42 =	vld [tilespmem:$0x1FE40]  }
0x466: {  	v1 =	vld.idx.msk [tilespmem:v45+s14+$0x0], $0xffff;
	v39 =	vor.u32 v9, v28  }
0x467: {  	v35 =	vor.u32 v57, v41;
	v45 =	vadd.f32 v5, v26;
	v6 =	vor.u32 v9, v27;
	v34 =	vld.idx.msk [tilespmem:v4+s9+$0x0], $0xffff  }
0x468: {  	v5 =	vor.u32 v16, v43;
	v51 =	vld [tilespmem:$0x1FE50];
	v4 =	vor.u32 v48, v14  }
0x469: {  	v26 =	vor.u32 v11, v53;
	v3 =	vld.idx.msk [tilespmem:v3+s14+$0x0], $0xffff;
	[tilespmem:v23+s21+$0x0] =	vst.idx.msk $0xffff, v45;
	v4 =	vand.u32 $0xFC8, v4  }
0x46a: {  	v8 =	vld.idx.msk [tilespmem:v32+s9+$0x0], $0xffff;
	v37 =	vor.u32 v42, v58;
	v45 =	vor.u32 v60, v4;
	v4 =	vadd.f32 v7, v25  }
0x46b: {  	v23 =	vor.u32 v57, v44;
	v38 =	vld.idx.msk [tilespmem:v39+s14+$0x0], $0xffff  }
0x46c: {  	v1 =	vadd.f32 v1, v31;
	v6 =	vld.idx.msk [tilespmem:v6+s14+$0x0], $0xffff;
	[tilespmem:v35+s21+$0x0] =	vst.idx.msk $0xffff, v4  }
0x46d: {  	v54 =	vadd.s32 s28, v51;
	v48 =	vadd.f32 v33, v29;
	v9 =	vld [tilespmem:$0x1FAD0]  }
0x46e: {  	v7 =	vand.u32 $0x17CF, v54;
	v54 =	vadd.f32 v3, v30;
	v51 =	vld [tilespmem:$0x1FAE0];
	[tilespmem:v26+s21+$0x0] =	vst.idx.msk $0xffff, v1  }
0x46f: {  	v5 =	vld.idx.msk [tilespmem:v5+s14+$0x0], $0xffff;
	[tilespmem:v37+s21+$0x0] =	vst.idx.msk $0xffff, v48  }
0x470: {  	v11 =	vld [tilespmem:$0x1FFF0];
	[tilespmem:v23+s21+$0x0] =	vst.idx.msk $0xffff, v54  }
0x471: {  	v36 =	vor.u32 v63, v41;
	v39 =	vld [tilespmem:$0x1FE30]  }
0x472: {  	v4 =	vor.u32 v16, v46;
	v33 =	vor.u32 v9, v13;
	v3 =	vor.u32 v9, v12;
	v9 =	vld [tilespmem:$0x1FF30]  }
0x473: {  	v10 =	vld [tilespmem:$0x1FFE0]  }
0x474: {  	v35 =	vor.u32 v51, v28  }
0x475: {  	v0 =	vld.idx.msk [tilespmem:v45+s14+$0x0], $0xffff;
	v54 =	vadd.f32 v5, v25  }
0x476: {  	v57 =	vadd.f32 v38, v34;
	v6 =	vadd.f32 v6, v8;
	v48 =	vor.u32 v15, v53;
	v7 =	vld.idx.msk [tilespmem:v7+s14+$0x0], $0xffff  }
0x477: {  	v4 =	vld.idx.msk [tilespmem:v4+s14+$0x0], $0xffff;
	v23 =	vor.u32 v39, v14;
	[tilespmem:v36+s21+$0x0] =	vst.idx.msk $0xffff, v54;
	v45 =	vor.u32 v9, v43  }
0x478: {  	v32 =	vor.u32 v51, v27;
	v51 =	vor.u32 v10, v58;
	v23 =	vand.u32 $0x13C8, v23;
	[tilespmem:v33+s21+$0x0] =	vst.idx.msk $0xffff, v57  }
0x479: {  	v5 =	vor.u32 v60, v23;
	[tilespmem:v3+s21+$0x0] =	vst.idx.msk $0xffff, v6;
	v3 =	vor.u32 v63, v44;
	v23 =	vld.idx.msk [tilespmem:v35+s14+$0x0], $0xffff  }
0x47a: {  	v0 =	vadd.f32 v0, v31;
	v57 =	vor.u32 v9, v46;
	v9 =	vld [tilespmem:$0x1FAF0]  }
0x47b: {  	v7 =	vadd.f32 v7, v29;
	v63 =	vld [tilespmem:$0x1FB00]  }
0x47c: {  	[tilespmem:v48+s21+$0x0] =	vst.idx.msk $0xffff, v0;
	v33 =	vld.idx.msk [tilespmem:v45+s14+$0x0], $0xffff;
	v45 =	vadd.f32 v4, v30  }
0x47d: {  	v26 =	vadd.s32 s28, v11;
	v4 =	vld [tilespmem:$0x1FF50];
	[tilespmem:v51+s21+$0x0] =	vst.idx.msk $0xffff, v7  }
0x47e: {  	v6 =	vand.u32 $0x1BCF, v26;
	v26 =	vld.idx.msk [tilespmem:v32+s14+$0x0], $0xffff;
	[tilespmem:v3+s21+$0x0] =	vst.idx.msk $0xffff, v45  }
0x47f: {  	v51 =	vld [tilespmem:$0x1FE60]  }
0x480: {  	v32 =	vor.u32 v9, v13  }
0x481: {  	v5 =	vld.idx.msk [tilespmem:v5+s14+$0x0], $0xffff;
	v36 =	vor.u32 v9, v12  }
0x482: {  	v54 =	vld [tilespmem:$0x1FA50]  }
0x483: {  	v37 =	vor.u32 v17, v41;
	v48 =	vadd.f32 v23, v34;
	v9 =	vld [tilespmem:$0x1FA60]  }
0x484: {  	v35 =	vor.u32 v63, v28;
	v24 =	vadd.f32 v26, v8;
	v3 =	vld.idx.msk [tilespmem:v6+s14+$0x0], $0xffff;
	v6 =	vor.u32 v51, v14  }
0x485: {  	v7 =	vor.u32 v63, v27;
	v63 =	vor.u32 v42, v53;
	v15 =	vld [tilespmem:$0x1FFD0];
	[tilespmem:v32+s21+$0x0] =	vst.idx.msk $0xffff, v48;
	v6 =	vand.u32 $0x17C8, v6  }
0x486: {  	v4 =	vadd.s32 s26, v4;
	v45 =	vld [tilespmem:$0x1FE80];
	[tilespmem:v36+s21+$0x0] =	vst.idx.msk $0xffff, v24;
	v42 =	vor.u32 v60, v6;
	v6 =	vadd.f32 v33, v25  }
0x487: {  	v4 =	vand.u32 $0x3EF, v4;
	v48 =	vld [tilespmem:$0x1FCB0]  }
0x488: {  	v1 =	vld.idx.msk [tilespmem:v57+s14+$0x0], $0xffff;
	v23 =	vor.u32 v54, v9;
	[tilespmem:v37+s21+$0x0] =	vst.idx.msk $0xffff, v6  }
0x489: {  	v51 =	vor.u32 v55, v9;
	v9 =	vld [tilespmem:$0x1FB10]  }
0x48a: {  	v32 =	vld.idx.msk [tilespmem:v35+s14+$0x0], $0xffff;
	v57 =	vor.u32 v15, v58  }
0x48b: {  	v5 =	vadd.f32 v5, v31;
	v24 =	vor.u32 v17, v44;
	v7 =	vld.idx.msk [tilespmem:v7+s14+$0x0], $0xffff  }
0x48c: {  	v25 =	vadd.s32 s28, v45;
	v26 =	vor.u32 v48, v55;
	v4 =	vld.idx.msk [tilespmem:v4+s14+$0x0], $0xffff  }
0x48d: {  	v3 =	vadd.f32 v3, v29;
	v25 =	vand.u32 $0x1FCF, v25;
	[tilespmem:v63+s21+$0x0] =	vst.idx.msk $0xffff, v5;
	v6 =	vand.u32 $0x3E8, v26;
	v26 =	vld.idx.msk [tilespmem:v23+s9+$0x0], $0xffff  }
0x48e: {  	v1 =	vadd.f32 v1, v30;
	v54 =	vld [tilespmem:$0x1FB20];
	v23 =	vor.u32 v9, v13  }
0x48f: {  	[tilespmem:v57+s21+$0x0] =	vst.idx.msk $0xffff, v3;
	v0 =	vld.idx.msk [tilespmem:v42+s14+$0x0], $0xffff;
	v30 =	vor.u32 v9, v12  }
0x490: {  	v3 =	vld [tilespmem:$0x1FCD0];
	[tilespmem:v24+s21+$0x0] =	vst.idx.msk $0xffff, v1  }
0x491: {  	v24 =	vadd.f32 v32, v34;
	v63 =	vld [tilespmem:$0x1FE70]  }
0x492: {  	v7 =	vadd.f32 v7, v8;
	v6 =	vor.u32 v56, v6;
	v1 =	vld.idx.msk [tilespmem:v25+s14+$0x0], $0xffff  }
0x493: {  	v25 =	vld.idx.msk [tilespmem:v51+s9+$0x0], $0xffff;
	v5 =	vor.u32 v54, v28;
	[tilespmem:v23+s21+$0x0] =	vst.idx.msk $0xffff, v24  }
0x494: {  	v42 =	vor.u32 v62, v52;
	v51 =	vld [tilespmem:$0x1FB40];
	[tilespmem:v30+s21+$0x0] =	vst.idx.msk $0xffff, v7  }
0x495: {  	v9 =	vld [tilespmem:$0x1FCE0]  }
0x496: {  	v57 =	vor.u32 v54, v27  }
0x497: {  	v48 =	vor.u32 v10, v53;
	v4 =	vadd.f32 v4, v26;
	v6 =	vld.idx.msk [tilespmem:v6+s14+$0x0], $0xffff  }
0x498: {  	v5 =	vld.idx.msk [tilespmem:v5+s14+$0x0], $0xffff  }
0x499: {  	v45 =	vld [tilespmem:$0x1FA70];
	[tilespmem:v42+s21+$0x0] =	vst.idx.msk $0xffff, v4  }
0x49a: {  	v0 =	vadd.f32 v0, v31;
	v30 =	vor.u32 v9, v55;
	v9 =	vld [tilespmem:$0x1FB30]  }
0x49b: {  	v54 =	vld.idx.msk [tilespmem:v57+s14+$0x0], $0xffff;
	v57 =	vor.u32 v62, v44  }
0x49c: {  	v3 =	vadd.s32 s26, v3;
	v16 =	vld [tilespmem:$0x1FEB0];
	[tilespmem:v48+s21+$0x0] =	vst.idx.msk $0xffff, v0  }
0x49d: {  	v2 =	vor.u32 v63, v14;
	v3 =	vand.u32 $0x7EF, v3;
	v17 =	vld [tilespmem:$0x1FEA0]  }
0x49e: {  	v32 =	vand.u32 $0x1BC8, v2;
	v6 =	vadd.f32 v6, v25  }
0x49f: {  	v23 =	vor.u32 v60, v32;
	v62 =	vld [tilespmem:$0x1FD00];
	v4 =	vor.u32 v9, v13  }
0x4a0: {  	v30 =	vand.u32 $0x7E8, v30;
	v37 =	vor.u32 v9, v12;
	v9 =	vld [tilespmem:$0x1FCF0];
	[tilespmem:v57+s21+$0x0] =	vst.idx.msk $0xffff, v6  }
0x4a1: {  	v30 =	vor.u32 v56, v30;
	v48 =	vld [tilespmem:$0x1FE90]  }
0x4a2: {  	v24 =	vor.u32 v51, v28;
	v5 =	vadd.f32 v5, v34;
	v0 =	vld.idx.msk [tilespmem:v3+s14+$0x0], $0xffff;
	v3 =	vor.u32 v17, v58;
	_ =	sdelay $0x1  }
0x4a3: {  	v38 =	vor.u32 v51, v27;
	v33 =	vld.idx.msk [tilespmem:v23+s14+$0x0], $0xffff;
	v6 =	vadd.f32 v54, v8;
	[tilespmem:v4+s21+$0x0] =	vst.idx.msk $0xffff, v5  }
0x4a4: {  	v1 =	vadd.f32 v1, v29;
	v7 =	vor.u32 v47, v45;
	v63 =	vor.u32 v9, v52;
	v42 =	vld [tilespmem:$0x1FDC0]  }
0x4a5: {  	v51 =	vor.u32 v48, v14;
	v48 =	vld.idx.msk [tilespmem:v30+s14+$0x0], $0xffff;
	[tilespmem:v37+s21+$0x0] =	vst.idx.msk $0xffff, v6  }
0x4a6: {  	v54 =	vor.u32 v15, v53;
	v24 =	vld.idx.msk [tilespmem:v24+s14+$0x0], $0xffff;
	[tilespmem:v3+s21+$0x0] =	vst.idx.msk $0xffff, v1  }
0x4a7: {  	v0 =	vadd.f32 v0, v26;
	v29 =	vadd.s32 s26, v62;
	v1 =	vld [tilespmem:$0x1FD10]  }
0x4a8: {  	v36 =	vor.u32 v16, v47;
	v5 =	vand.u32 $0xBEF, v29;
	v29 =	vand.u32 $0x1FC8, v51;
	v3 =	vld.idx.msk [tilespmem:v38+s14+$0x0], $0xffff  }
0x4a9: {  	v6 =	vor.u32 v60, v29;
	v29 =	vadd.f32 v33, v31;
	v33 =	vld.idx.msk [tilespmem:v7+s9+$0x0], $0xffff;
	[tilespmem:v63+s21+$0x0] =	vst.idx.msk $0xffff, v0  }
0x4aa: {  	v62 =	vld [tilespmem:$0x1FB50]  }
0x4ab: {  	v51 =	vor.u32 v9, v44;
	v7 =	vld [tilespmem:$0x1FD30];
	[tilespmem:v54+s21+$0x0] =	vst.idx.msk $0xffff, v29  }
0x4ac: {  	v9 =	vld [tilespmem:$0x1FB60]  }
0x4ad: {  	v54 =	vld [tilespmem:$0x1FFA0]  }
0x4ae: {  	s29 =	simm.s32 $0x6;
	v57 =	vlaneseq.u32;
	v36 =	vld.idx.msk [tilespmem:v36+s14+$0x0], $0xffff;
	v32 =	vadd.f32 v48, v25;
	v1 =	vor.u32 v1, v55  }
0x4af: {  	v23 =	vadd.s32 s29, v57;
	v5 =	vld.idx.msk [tilespmem:v5+s14+$0x0], $0xffff;
	[tilespmem:$0x1FA80] =	vst v59;
	v1 =	vand.u32 $0xBE8, v1  }
0x4b0: {  	v30 =	vand.u32 $0xF, v23;
	[tilespmem:v51+s21+$0x0] =	vst.idx.msk $0xffff, v32;
	v1 =	vor.u32 v56, v1;
	v63 =	vor.u32 v62, v13  }
0x4b1: {  	v35 =	vor.u32 v62, v12;
	v29 =	vor.u32 v9, v28;
	v38 =	vor.u32 v9, v27;
	v9 =	vld [tilespmem:$0x1FD20]  }
0x4b2: {  	v59 =	vor.u32 v59, v30;
	v39 =	vor.u32 v54, v49  }
0x4b3: {  	v4 =	vadd.s32 s29, v42;
	v24 =	vadd.f32 v24, v34;
	v6 =	vld.idx.msk [tilespmem:v6+s14+$0x0], $0xffff  }
0x4b4: {  	v4 =	vand.u32 $0x3CF, v4;
	v3 =	vadd.f32 v3, v8;
	v51 =	vld [tilespmem:$0x1FFB0]  }
0x4b5: {  	v62 =	vor.u32 v17, v53;
	v1 =	vld.idx.msk [tilespmem:v1+s14+$0x0], $0xffff;
	[tilespmem:v63+s21+$0x0] =	vst.idx.msk $0xffff, v24;
	v24 =	vadd.f32 v36, v33  }
0x4b6: {  	[tilespmem:v35+s21+$0x0] =	vst.idx.msk $0xffff, v3;
	v37 =	vor.u32 v9, v52  }
0x4b7: {  	v36 =	vld.idx.msk [tilespmem:v59+s9+$0x0], $0xffff;
	[tilespmem:v39+s21+$0x0] =	vst.idx.msk $0xffff, v24;
	v39 =	vor.u32 v9, v44  }
0x4b8: {  	v6 =	vadd.f32 v6, v31;
	v59 =	vld [tilespmem:$0x1FF60]  }
0x4b9: {  	v45 =	vor.u32 v50, v45;
	v5 =	vadd.f32 v5, v26;
	v32 =	vor.u32 v51, v47  }
0x4ba: {  	v7 =	vadd.s32 s26, v7;
	v4 =	vld.idx.msk [tilespmem:v4+s14+$0x0], $0xffff;
	[tilespmem:v62+s21+$0x0] =	vst.idx.msk $0xffff, v6;
	v62 =	vadd.f32 v1, v25  }
0x4bb: {  	v7 =	vand.u32 $0xFEF, v7;
	v63 =	vld.idx.msk [tilespmem:v29+s14+$0x0], $0xffff;
	[tilespmem:v37+s21+$0x0] =	vst.idx.msk $0xffff, v5  }
0x4bc: {  	v3 =	vor.u32 v16, v50;
	v38 =	vld.idx.msk [tilespmem:v38+s14+$0x0], $0xffff;
	[tilespmem:v39+s21+$0x0] =	vst.idx.msk $0xffff, v62  }
0x4bd: {  	v31 =	vor.u32 v18, v13;
	v24 =	vor.u32 v59, v55;
	v9 =	vld [tilespmem:$0x1FC70]  }
0x4be: {  	v32 =	vld.idx.msk [tilespmem:v32+s14+$0x0], $0xffff;
	v5 =	vor.u32 v18, v12;
	v29 =	vand.u32 $0xFE8, v24;
	v24 =	vshll.u32 v23, $0x7  }
0x4bf: {  	v1 =	vor.u32 v19, v28;
	v35 =	vld.idx.msk [tilespmem:v45+s9+$0x0], $0xffff;
	v37 =	vor.u32 v56, v29;
	v29 =	vand.u32 $0x780, v24  }
0x4c0: {  	v63 =	vadd.f32 v63, v34;
	v6 =	vld.idx.msk [tilespmem:v7+s14+$0x0], $0xffff;
	v7 =	vor.u32 v57, v29  }
0x4c1: {  	v3 =	vld.idx.msk [tilespmem:v3+s14+$0x0], $0xffff;
	v38 =	vadd.f32 v38, v8  }
0x4c2: {  	v57 =	vld [tilespmem:$0x1FD50];
	[tilespmem:v31+s21+$0x0] =	vst.idx.msk $0xffff, v63;
	v48 =	vor.u32 v9, v49  }
0x4c3: {  	v4 =	vadd.f32 v4, v36;
	[tilespmem:v5+s21+$0x0] =	vst.idx.msk $0xffff, v38;
	v5 =	vor.u32 v20, v52  }
0x4c4: {  	v31 =	vor.u32 v19, v27;
	v63 =	vor.u32 v54, v53;
	v1 =	vld.idx.msk [tilespmem:v1+s14+$0x0], $0xffff  }
0x4c5: {  	v32 =	vadd.f32 v32, v33;
	v54 =	vor.u32 v51, v50;
	v37 =	vld.idx.msk [tilespmem:v37+s14+$0x0], $0xffff;
	[tilespmem:v7+s21+$0x0] =	vst.idx.msk $0xffff, v4  }
0x4c6: {  	v6 =	vadd.f32 v6, v26;
	v16 =	vld [tilespmem:$0x1FC80]  }
0x4c7: {  	v3 =	vadd.f32 v3, v35;
	v45 =	vld [tilespmem:$0x1FD60];
	[tilespmem:v48+s21+$0x0] =	vst.idx.msk $0xffff, v32;
	v48 =	vor.u32 v20, v44  }
0x4c8: {  	[tilespmem:v5+s21+$0x0] =	vst.idx.msk $0xffff, v6  }
0x4c9: {  	v31 =	vld.idx.msk [tilespmem:v31+s14+$0x0], $0xffff;
	v5 =	vor.u32 v21, v13;
	[tilespmem:v63+s21+$0x0] =	vst.idx.msk $0xffff, v3  }
0x4ca: {  	v61 =	vadd.s32 s29, v61;
	v51 =	vld.idx.msk [tilespmem:v54+s14+$0x0], $0xffff;
	v3 =	vadd.f32 v37, v25  }
0x4cb: {  	v62 =	vand.u32 $0x7CF, v61;
	v1 =	vadd.f32 v1, v34;
	v61 =	vld [tilespmem:$0x1FD70]  }
0x4cc: {  	v59 =	vadd.s32 s26, v57;
	v4 =	vor.u32 v16, v47;
	v7 =	vor.u32 v45, v55;
	v45 =	vld [tilespmem:$0x1FE20];
	[tilespmem:v48+s21+$0x0] =	vst.idx.msk $0xffff, v3  }
0x4cd: {  	v39 =	vand.u32 $0x13EF, v59;
	v48 =	vld [tilespmem:$0x1FC90]  }
0x4ce: {  	v0 =	vld [tilespmem:$0x1FCA0];
	[tilespmem:v5+s21+$0x0] =	vst.idx.msk $0xffff, v1  }
0x4cf: {  	v7 =	vand.u32 $0x13E8, v7;
	v54 =	vld [tilespmem:$0x1FF70]  }
0x4d0: {  	v6 =	vor.u32 v56, v7;
	v7 =	vld.idx.msk [tilespmem:v62+s14+$0x0], $0xffff  }
0x4d1: {  	v38 =	vor.u32 v21, v12;
	v4 =	vld.idx.msk [tilespmem:v4+s14+$0x0], $0xffff  }
0x4d2: {  	v39 =	vld.idx.msk [tilespmem:v39+s14+$0x0], $0xffff;
	v45 =	vor.u32 v45, v29  }
0x4d3: {  	v3 =	vor.u32 v48, v49  }
0x4d4: {  	v31 =	vadd.f32 v31, v8;
	v59 =	vor.u32 v54, v52  }
0x4d5: {  	v63 =	vor.u32 v22, v28;
	v5 =	vld.idx.msk [tilespmem:v6+s14+$0x0], $0xffff;
	v6 =	vadd.f32 v7, v36;
	v7 =	vor.u32 v9, v53  }
0x4d6: {  	[tilespmem:v38+s21+$0x0] =	vst.idx.msk $0xffff, v31;
	v4 =	vadd.f32 v4, v33  }
0x4d7: {  	v28 =	vor.u32 v40, v13;
	v13 =	vld [tilespmem:$0x1FD80];
	[tilespmem:v45+s21+$0x0] =	vst.idx.msk $0xffff, v6;
	v6 =	vadd.f32 v39, v26  }
0x4d8: {  	v57 =	vor.u32 v0, v47;
	v0 =	vadd.f32 v51, v35;
	[tilespmem:v3+s21+$0x0] =	vst.idx.msk $0xffff, v4  }
0x4d9: {  	v27 =	vor.u32 v22, v27;
	v45 =	vor.u32 v54, v44;
	v54 =	vld [tilespmem:$0x1FDE0];
	[tilespmem:v59+s21+$0x0] =	vst.idx.msk $0xffff, v6  }
0x4da: {  	v62 =	vadd.s32 s26, v61;
	v61 =	vld.idx.msk [tilespmem:v63+s14+$0x0], $0xffff;
	[tilespmem:v7+s21+$0x0] =	vst.idx.msk $0xffff, v0  }
0x4db: {  	v37 =	vand.u32 $0x17EF, v62;
	v0 =	vld [tilespmem:$0x1FDA0]  }
0x4dc: {  	v63 =	vor.u32 v16, v50;
	v31 =	vor.u32 v13, v55;
	v59 =	vld [tilespmem:$0x1FDD0]  }
0x4dd: {  	s30 =	simm.s32 $0x7;
	v9 =	vlaneseq.u32;
	v31 =	vand.u32 $0x17E8, v31  }
0x4de: {  	v48 =	vor.u32 v56, v31;
	v31 =	vld.idx.msk [tilespmem:v27+s14+$0x0], $0xffff;
	v27 =	vadd.s32 s30, v9  }
0x4df: {  	v32 =	vor.u32 v40, v12;
	v34 =	vadd.f32 v61, v34;
	v38 =	vand.u32 $0xF, v27  }
0x4e0: {  	v42 =	vld.idx.msk [tilespmem:v37+s14+$0x0], $0xffff;
	v37 =	vand.u32 $0x7, v27;
	v3 =	vadd.s32 s29, v54;
	v54 =	vadd.f32 v5, v25  }
0x4e1: {  	s30 =	simm.s32 $0x8;
	v5 =	vld.idx.msk [tilespmem:v63+s14+$0x0], $0xffff;
	v62 =	vand.u32 $0xBCF, v3;
	v51 =	vadd.s32 s26, v0;
	v59 =	vor.u32 v59, v38  }
.LBB2_9:
0x4e2: {  	v9 =	vld [tilespmem:$0x1FA80]  }
0x4e3: {  	v11 =	vld [tilespmem:$0x1FD90]  }
0x4e4: {  	v17 =	vld [tilespmem:$0x1FC90]  }
0x4e5: {  	v2 =	vld [tilespmem:$0x1FC40]  }
0x4e6: {  	v13 =	vld [tilespmem:$0x1FDB0]  }
0x4e7: {  	v10 =	vld [tilespmem:$0x1FC60]  }
0x4e8: {  	v12 =	vld [tilespmem:$0x1FAA0];
	[tilespmem:v45+s21+$0x0] =	vst.idx.msk $0xffff, v54  }
0x4e9: {  	v6 =	vld.idx.msk [tilespmem:v48+s14+$0x0], $0xffff  }
0x4ea: {  	[tilespmem:v28+s21+$0x0] =	vst.idx.msk $0xffff, v34;
	v3 =	vadd.f32 v31, v8;
	v34 =	vadd.s32 s26, v2;
	v2 =	vld [tilespmem:$0x1FDF0]  }
0x4eb: {  	v1 =	vand.u32 $0x3C8, v59;
	v7 =	vld.idx.msk [tilespmem:v62+s14+$0x0], $0xffff;
	v0 =	vor.u32 v9, v38  }
0x4ec: {  	v1 =	vor.u32 v37, v1;
	v4 =	vor.u32 v11, v52;
	[tilespmem:v32+s21+$0x0] =	vst.idx.msk $0xffff, v3;
	v32 =	vld.idx.msk [tilespmem:v57+s14+$0x0], $0xffff  }
0x4ed: {  	v31 =	vand.u32 $0x1BEF, v51;
	v8 =	vor.u32 v17, v53;
	v51 =	vor.u32 v11, v44;
	v11 =	vld [tilespmem:$0x1FEC0]  }
0x4ee: {  	v28 =	vmovc v43;
	v43 =	vmovc v47;
	v47 =	vmov v23;
	s26 =	smov.u32 s28;
	s28 =	smov.u32 s29;
	v39 =	vor.u32 v13, v55;
	v23 =	vor.u32 v10, v29;
	v13 =	vld [tilespmem:$0x1FED0]  }
0x4ef: {  	v61 =	vadd.f32 v42, v26;
	v3 =	vadd.s32 s28, v2;
	v2 =	vld [tilespmem:$0x1FCA0]  }
0x4f0: {  	v42 =	vld.idx.msk [tilespmem:v0+s9+$0x0], $0xffff;
	v0 =	vadd.f32 v5, v35  }
0x4f1: {  	v1 =	vld.idx.msk [tilespmem:v1+s14+$0x0], $0xffff;
	v7 =	vadd.f32 v7, v36;
	[tilespmem:v4+s21+$0x0] =	vst.idx.msk $0xffff, v61  }
0x4f2: {  	v39 =	vand.u32 $0x1BE8, v39;
	[tilespmem:v8+s21+$0x0] =	vst.idx.msk $0xffff, v0;
	v0 =	vld.idx.msk [tilespmem:v31+s14+$0x0], $0xffff  }
0x4f3: {  	v54 =	vor.u32 v11, v49;
	v4 =	vshll.u32 v27, $0x7;
	[tilespmem:v23+s21+$0x0] =	vst.idx.msk $0xffff, v7;
	v7 =	vor.u32 v11, v53;
	v11 =	vld [tilespmem:$0x1FA90]  }
0x4f4: {  	v5 =	vor.u32 v56, v39;
	v39 =	vand.u32 $0x780, v4;
	v4 =	vld [tilespmem:$0x1FC50];
	v63 =	vor.u32 v2, v50  }
0x4f5: {  	v16 =	vld [tilespmem:$0x1FEE0]  }
0x4f6: {  	v20 =	vld [tilespmem:$0x1FAB0];
	v57 =	vor.u32 v13, v43  }
0x4f7: {  	v3 =	vand.u32 $0xFCF, v3;
	v31 =	vmovc v41;
	v41 =	vmovc v49;
	v49 =	vmov v24;
	v24 =	vor.u32 v13, v50;
	v13 =	vld [tilespmem:$0x1FE10]  }
0x4f8: {  	v15 =	vadd.f32 v32, v33;
	v55 =	vor.u32 v11, v55;
	v11 =	vld [tilespmem:$0x1FF80]  }
0x4f9: {  	v6 =	vadd.f32 v6, v25;
	v4 =	vor.u32 v4, v38;
	v8 =	vld.idx.msk [tilespmem:v63+s14+$0x0], $0xffff;
	v63 =	vlaneseq.u32  }
0x4fa: {  	[tilespmem:v54+s21+$0x0] =	vst.idx.msk $0xffff, v15;
	v15 =	vld [tilespmem:$0x1FE20];
	v4 =	vand.u32 $0x7C8, v4;
	v62 =	vor.u32 v63, v39  }
0x4fb: {  	v48 =	vld.idx.msk [tilespmem:v57+s14+$0x0], $0xffff;
	v4 =	vor.u32 v37, v4;
	[tilespmem:v51+s21+$0x0] =	vst.idx.msk $0xffff, v6;
	v6 =	vor.u32 v12, v52  }
0x4fc: {  	v23 =	vand.u32 $0x1FEF, v34;
	v3 =	vld.idx.msk [tilespmem:v3+s14+$0x0], $0xffff  }
0x4fd: {  	v1 =	vadd.f32 v1, v42;
	v59 =	vadd.s32 s28, v11;
	v11 =	vld [tilespmem:$0x1FF90]  }
0x4fe: {  	v57 =	vor.u32 v12, v44;
	v0 =	vadd.f32 v0, v26;
	v12 =	vld [tilespmem:$0x1FA40]  }
0x4ff: {  	v5 =	vld.idx.msk [tilespmem:v5+s14+$0x0], $0xffff;
	[tilespmem:v62+s21+$0x0] =	vst.idx.msk $0xffff, v1;
	v1 =	vadd.f32 v8, v35  }
0x500: {  	[tilespmem:v6+s21+$0x0] =	vst.idx.msk $0xffff, v0;
	v4 =	vld.idx.msk [tilespmem:v4+s14+$0x0], $0xffff  }
0x501: {  	[tilespmem:v7+s21+$0x0] =	vst.idx.msk $0xffff, v1;
	v1 =	vld.idx.msk [tilespmem:v23+s14+$0x0], $0xffff  }
0x502: {  	v23 =	vor.u32 v11, v38;
	v11 =	vld [tilespmem:$0x1FEF0]  }
0x503: {  	v34 =	vand.u32 $0x1FE8, v55;
	v61 =	vor.u32 v15, v39;
	v6 =	vor.u32 v16, v41  }
0x504: {  	v32 =	vmovc v46;
	v8 =	vor.u32 v56, v34;
	v5 =	vadd.f32 v5, v25;
	v7 =	vor.u32 v13, v29  }
0x505: {  	v46 =	vmovc v50;
	v55 =	vmovc v14;
	v14 =	vadd.f32 v48, v33;
	v34 =	vand.u32 $0x13CF, v59;
	v23 =	vand.u32 $0xBC8, v23  }
0x506: {  	v3 =	vadd.f32 v3, v36;
	v24 =	vld.idx.msk [tilespmem:v24+s14+$0x0], $0xffff;
	[tilespmem:v57+s21+$0x0] =	vst.idx.msk $0xffff, v5;
	v5 =	vor.u32 v37, v23  }
0x507: {  	v50 =	vmovc v27;
	v54 =	vld [tilespmem:$0x1FF10];
	v0 =	vor.u32 v28, v12;
	v23 =	vor.u32 v20, v52;
	v27 =	vor.u32 v11, v43  }
0x508: {  	v62 =	vor.u32 v16, v53;
	v16 =	vld [tilespmem:$0x1FAC0];
	[tilespmem:v6+s21+$0x0] =	vst.idx.msk $0xffff, v14;
	v4 =	vadd.f32 v4, v42  }
0x509: {  	v8 =	vld.idx.msk [tilespmem:v8+s14+$0x0], $0xffff;
	[tilespmem:v7+s21+$0x0] =	vst.idx.msk $0xffff, v3  }
0x50a: {  	v1 =	vadd.f32 v1, v26;
	v26 =	vld.idx.msk [tilespmem:v34+s14+$0x0], $0xffff;
	[tilespmem:v61+s21+$0x0] =	vst.idx.msk $0xffff, v4  }
0x50b: {  	v6 =	vor.u32 v11, v46;
	v5 =	vld.idx.msk [tilespmem:v5+s14+$0x0], $0xffff  }
0x50c: {  	v7 =	vor.u32 v20, v44;
	v3 =	vld.idx.msk [tilespmem:v27+s14+$0x0], $0xffff;
	[tilespmem:v23+s21+$0x0] =	vst.idx.msk $0xffff, v1  }
0x50d: {  	v4 =	vadd.f32 v24, v35;
	v1 =	vor.u32 v16, v32;
	v34 =	vld.idx.msk [tilespmem:v0+s9+$0x0], $0xffff  }
0x50e: {  	v24 =	vor.u32 v32, v12;
	v0 =	vadd.f32 v8, v25;
	v8 =	vld [tilespmem:$0x1FE50]  }
0x50f: {  	v11 =	vld [tilespmem:$0x1FF00];
	[tilespmem:v62+s21+$0x0] =	vst.idx.msk $0xffff, v4  }
0x510: {  	v52 =	vmov v58;
	v58 =	vmov v29;
	v29 =	vor.u32 v10, v39;
	v6 =	vld.idx.msk [tilespmem:v6+s14+$0x0], $0xffff  }
0x511: {  	v51 =	vor.u32 v16, v28;
	v16 =	vld [tilespmem:$0x1FE40];
	[tilespmem:v7+s21+$0x0] =	vst.idx.msk $0xffff, v0  }
0x512: {  	v1 =	vld.idx.msk [tilespmem:v1+s14+$0x0], $0xffff  }
0x513: {  	v5 =	vadd.f32 v5, v42;
	v27 =	vadd.s32 s28, v8;
	v8 =	vld.idx.msk [tilespmem:v24+s9+$0x0], $0xffff  }
0x514: {  	v23 =	vor.u32 v11, v41;
	v24 =	vor.u32 v11, v53;
	v11 =	vld [tilespmem:$0x1FAD0]  }
0x515: {  	[tilespmem:v29+s21+$0x0] =	vst.idx.msk $0xffff, v5;
	v5 =	vld [tilespmem:$0x1FD70]  }
0x516: {  	v4 =	vld [tilespmem:$0x1FE00]  }
0x517: {  	v3 =	vadd.f32 v3, v33  }
0x518: {  	v25 =	vor.u32 v54, v43;
	v57 =	vld.idx.msk [tilespmem:v51+s14+$0x0], $0xffff;
	v0 =	vor.u32 v16, v58  }
0x519: {  	v10 =	vld [tilespmem:$0x1FAE0];
	v7 =	vand.u32 $0x17CF, v27;
	[tilespmem:v23+s21+$0x0] =	vst.idx.msk $0xffff, v3;
	v23 =	vadd.f32 v26, v36;
	v26 =	vor.u32 v11, v31  }
0x51a: {  	v14 =	vmovc v38;
	v27 =	vadd.s32 s26, v5;
	v5 =	vadd.f32 v6, v35;
	v6 =	vor.u32 v11, v44;
	v11 =	vld [tilespmem:$0x1FD50]  }
0x51b: {  	v12 =	vld [tilespmem:$0x1FA60];
	v4 =	vor.u32 v4, v14  }
0x51c: {  	v56 =	vmov v60;
	v60 =	vmov v37;
	v62 =	vld [tilespmem:$0x1FFE0];
	v4 =	vand.u32 $0xFC8, v4  }
0x51d: {  	v4 =	vor.u32 v60, v4;
	v25 =	vld.idx.msk [tilespmem:v25+s14+$0x0], $0xffff  }
0x51e: {  	v38 =	vor.u32 v10, v28;
	[tilespmem:v0+s21+$0x0] =	vst.idx.msk $0xffff, v23;
	v23 =	vor.u32 v10, v32;
	v10 =	vld [tilespmem:$0x1FF20]  }
0x51f: {  	v29 =	vadd.s32 s26, v11;
	v11 =	vld [tilespmem:$0x1FE30]  }
0x520: {  	v3 =	vor.u32 v54, v46;
	v54 =	vld [tilespmem:$0x1FF30]  }
0x521: {  	v0 =	vld [tilespmem:$0x1FFF0]  }
0x522: {  	v4 =	vld.idx.msk [tilespmem:v4+s14+$0x0], $0xffff  }
0x523: {  	v7 =	vld.idx.msk [tilespmem:v7+s14+$0x0], $0xffff;
	[tilespmem:v24+s21+$0x0] =	vst.idx.msk $0xffff, v5;
	v5 =	vadd.f32 v57, v34  }
0x524: {  	v1 =	vadd.f32 v1, v8;
	v45 =	vor.u32 v10, v41;
	v24 =	vor.u32 v11, v14;
	v11 =	vld [tilespmem:$0x1FD30]  }
0x525: {  	v57 =	vor.u32 v13, v39;
	v13 =	vld [tilespmem:$0x1FB20];
	[tilespmem:v26+s21+$0x0] =	vst.idx.msk $0xffff, v5  }
0x526: {  	v3 =	vld.idx.msk [tilespmem:v3+s14+$0x0], $0xffff;
	[tilespmem:v6+s21+$0x0] =	vst.idx.msk $0xffff, v1;
	v24 =	vand.u32 $0x13C8, v24  }
0x527: {  	v1 =	vor.u32 v10, v53;
	v10 =	vld [tilespmem:$0x1FB00];
	v5 =	vor.u32 v60, v24;
	v24 =	vadd.f32 v25, v33  }
0x528: {  	v59 =	vor.u32 v54, v43;
	v25 =	vld.idx.msk [tilespmem:v38+s14+$0x0], $0xffff  }
0x529: {  	v4 =	vadd.f32 v4, v42;
	[tilespmem:v45+s21+$0x0] =	vst.idx.msk $0xffff, v24;
	v24 =	vadd.s32 s26, v11;
	v11 =	vld [tilespmem:$0x1FAF0]  }
0x52a: {  	v61 =	vor.u32 v62, v58;
	v23 =	vld.idx.msk [tilespmem:v23+s14+$0x0], $0xffff  }
0x52b: {  	[tilespmem:v57+s21+$0x0] =	vst.idx.msk $0xffff, v4;
	v4 =	vld [tilespmem:$0x1FF50]  }
0x52c: {  	v48 =	vor.u32 v10, v32;
	v45 =	vor.u32 v10, v28;
	v10 =	vld [tilespmem:$0x1FF40]  }
0x52d: {  	v7 =	vadd.f32 v7, v36;
	v37 =	vld.idx.msk [tilespmem:v59+s14+$0x0], $0xffff  }
0x52e: {  	v38 =	vor.u32 v11, v31;
	v51 =	vor.u32 v11, v44;
	v11 =	vld [tilespmem:$0x1FA30]  }
0x52f: {  	v0 =	vadd.s32 s28, v0;
	[tilespmem:v61+s21+$0x0] =	vst.idx.msk $0xffff, v7;
	v7 =	vld [tilespmem:$0x1FE80]  }
0x530: {  	v0 =	vand.u32 $0x1BCF, v0;
	v3 =	vadd.f32 v3, v35;
	v61 =	vld [tilespmem:$0x1FFD0]  }
0x531: {  	v26 =	vor.u32 v54, v46;
	v5 =	vld.idx.msk [tilespmem:v5+s14+$0x0], $0xffff  }
0x532: {  	[tilespmem:v1+s21+$0x0] =	vst.idx.msk $0xffff, v3;
	v3 =	vld [tilespmem:$0x1FE60]  }
0x533: {  	v1 =	vadd.f32 v25, v34;
	v25 =	vor.u32 v11, v12;
	v11 =	vld [tilespmem:$0x1FCB0]  }
0x534: {  	v59 =	vor.u32 v16, v39;
	v16 =	vld [tilespmem:$0x1FEA0]  }
0x535: {  	v20 =	vadd.f32 v23, v8;
	v0 =	vld.idx.msk [tilespmem:v0+s14+$0x0], $0xffff  }
0x536: {  	v6 =	vor.u32 v13, v28;
	v57 =	vld.idx.msk [tilespmem:v26+s14+$0x0], $0xffff;
	v54 =	vor.u32 v10, v41  }
0x537: {  	v3 =	vor.u32 v3, v14;
	[tilespmem:v51+s21+$0x0] =	vst.idx.msk $0xffff, v20;
	v51 =	vor.u32 v13, v32;
	v13 =	vld [tilespmem:$0x1FCE0]  }
0x538: {  	v4 =	vadd.s32 s26, v4;
	v3 =	vand.u32 $0x17C8, v3;
	[tilespmem:v38+s21+$0x0] =	vst.idx.msk $0xffff, v1;
	v26 =	vor.u32 v11, v55;
	v11 =	vld [tilespmem:$0x1FD00]  }
0x539: {  	v4 =	vand.u32 $0x3EF, v4;
	v1 =	vor.u32 v60, v3;
	v3 =	vadd.f32 v37, v33;
	v33 =	vld.idx.msk [tilespmem:v45+s14+$0x0], $0xffff  }
0x53a: {  	v37 =	vor.u32 v10, v53;
	v10 =	vmov v30;
	v38 =	vld.idx.msk [tilespmem:v48+s14+$0x0], $0xffff  }
0x53b: {  	v23 =	vor.u32 v61, v58;
	[tilespmem:$0x1FA30] =	vst v10;
	v10 =	vld [tilespmem:$0x1FB10]  }
0x53c: {  	[tilespmem:v54+s21+$0x0] =	vst.idx.msk $0xffff, v3;
	v3 =	vor.u32 v55, v12;
	v12 =	vld [tilespmem:$0x1FB40]  }
0x53d: {  	v5 =	vadd.f32 v5, v42;
	v48 =	vadd.s32 s26, v11;
	v11 =	vld [tilespmem:$0x1FE70]  }
0x53e: {  	v0 =	vadd.f32 v0, v36;
	v4 =	vld.idx.msk [tilespmem:v4+s14+$0x0], $0xffff  }
0x53f: {  	v7 =	vadd.s32 s28, v7;
	[tilespmem:v59+s21+$0x0] =	vst.idx.msk $0xffff, v5;
	v30 =	vand.u32 $0x3E8, v26;
	v26 =	vld.idx.msk [tilespmem:v25+s9+$0x0], $0xffff  }
0x540: {  	v7 =	vand.u32 $0x1FCF, v7;
	[tilespmem:v23+s21+$0x0] =	vst.idx.msk $0xffff, v0;
	v0 =	vld.idx.msk [tilespmem:v1+s14+$0x0], $0xffff  }
0x541: {  	v5 =	vadd.f32 v57, v35;
	v35 =	vor.u32 v10, v44;
	v1 =	vld [tilespmem:$0x1FCD0];
	v30 =	vor.u32 v56, v30  }
0x542: {  	v45 =	vor.u32 v10, v31;
	v59 =	vor.u32 v11, v14;
	v11 =	vld [tilespmem:$0x1FCC0]  }
0x543: {  	v10 =	vld [tilespmem:$0x1FDC0];
	[tilespmem:v37+s21+$0x0] =	vst.idx.msk $0xffff, v5  }
0x544: {  	v25 =	vld.idx.msk [tilespmem:v3+s9+$0x0], $0xffff;
	v3 =	vadd.f32 v38, v8  }
0x545: {  	v5 =	vadd.f32 v33, v34;
	v7 =	vld.idx.msk [tilespmem:v7+s14+$0x0], $0xffff  }
0x546: {  	v30 =	vld.idx.msk [tilespmem:v30+s14+$0x0], $0xffff;
	[tilespmem:v35+s21+$0x0] =	vst.idx.msk $0xffff, v3  }
0x547: {  	v1 =	vadd.s32 s26, v1;
	[tilespmem:v45+s21+$0x0] =	vst.idx.msk $0xffff, v5;
	v45 =	vld.idx.msk [tilespmem:v51+s14+$0x0], $0xffff;
	v37 =	vor.u32 v11, v52  }
0x548: {  	v57 =	vor.u32 v62, v39;
	v1 =	vand.u32 $0x7EF, v1;
	v51 =	vor.u32 v11, v53;
	v11 =	vld [tilespmem:$0x1FB30]  }
0x549: {  	v20 =	vmovc v40;
	v40 =	vmovc v22;
	v22 =	vmov v21;
	v21 =	vmov v18;
	v18 =	vld [tilespmem:$0x1FA70];
	v54 =	vadd.s32 s30, v10  }
0x54a: {  	v4 =	vadd.f32 v4, v26;
	v10 =	vld [tilespmem:$0x1FEB0];
	v33 =	vand.u32 $0x1BC8, v59;
	v59 =	vor.u32 v13, v55  }
0x54b: {  	v0 =	vadd.f32 v0, v42;
	v6 =	vld.idx.msk [tilespmem:v6+s14+$0x0], $0xffff;
	v5 =	vor.u32 v60, v33;
	v35 =	vand.u32 $0x7E8, v59  }
0x54c: {  	v13 =	vld [tilespmem:$0x1FE90];
	v35 =	vor.u32 v56, v35;
	[tilespmem:v37+s21+$0x0] =	vst.idx.msk $0xffff, v4  }
0x54d: {  	[tilespmem:v57+s21+$0x0] =	vst.idx.msk $0xffff, v0;
	v57 =	vor.u32 v12, v32;
	v0 =	vld.idx.msk [tilespmem:v1+s14+$0x0], $0xffff;
	v1 =	vor.u32 v11, v44  }
0x54e: {  	v33 =	vor.u32 v12, v28;
	v30 =	vadd.f32 v30, v25;
	v12 =	vld [tilespmem:$0x1FFA0];
	v37 =	vor.u32 v11, v31  }
0x54f: {  	v38 =	vor.u32 v16, v58;
	v11 =	vld [tilespmem:$0x1FCF0]  }
0x550: {  	v3 =	vor.u32 v47, v18;
	v45 =	vadd.f32 v45, v8;
	v5 =	vld.idx.msk [tilespmem:v5+s14+$0x0], $0xffff;
	[tilespmem:v51+s21+$0x0] =	vst.idx.msk $0xffff, v30  }
0x551: {  	v23 =	vadd.s32 s30, v63;
	v6 =	vadd.f32 v6, v34;
	v62 =	vor.u32 v13, v14;
	v35 =	vld.idx.msk [tilespmem:v35+s14+$0x0], $0xffff  }
0x552: {  	v7 =	vadd.f32 v7, v36;
	v59 =	vand.u32 $0x1FC8, v62;
	v30 =	vand.u32 $0xF, v23;
	[tilespmem:v1+s21+$0x0] =	vst.idx.msk $0xffff, v45;
	v1 =	vld [tilespmem:$0x1FD10]  }
0x553: {  	v62 =	vor.u32 v60, v59;
	v4 =	vand.u32 $0xBEF, v48;
	[tilespmem:v37+s21+$0x0] =	vst.idx.msk $0xffff, v6;
	v6 =	vor.u32 v9, v30;
	v9 =	vld [tilespmem:$0x1FB50]  }
0x554: {  	v48 =	vor.u32 v10, v47;
	v36 =	vor.u32 v11, v52;
	v59 =	vld.idx.msk [tilespmem:v33+s14+$0x0], $0xffff;
	[tilespmem:v38+s21+$0x0] =	vst.idx.msk $0xffff, v7  }
0x555: {  	v61 =	vor.u32 v61, v39;
	v33 =	vld.idx.msk [tilespmem:v3+s9+$0x0], $0xffff  }
0x556: {  	v3 =	vadd.f32 v5, v42;
	v5 =	vor.u32 v11, v53;
	v11 =	vld [tilespmem:$0x1FB60]  }
0x557: {  	v13 =	vld [tilespmem:$0x1FC80];
	v0 =	vadd.f32 v0, v26;
	v1 =	vor.u32 v1, v55  }
0x558: {  	v7 =	vld.idx.msk [tilespmem:v57+s14+$0x0], $0xffff;
	v1 =	vand.u32 $0xBE8, v1  }
0x559: {  	v38 =	vld.idx.msk [tilespmem:v48+s14+$0x0], $0xffff;
	[tilespmem:v36+s21+$0x0] =	vst.idx.msk $0xffff, v0;
	v0 =	vor.u32 v56, v1  }
0x55a: {  	v54 =	vand.u32 $0x3CF, v54;
	[tilespmem:v61+s21+$0x0] =	vst.idx.msk $0xffff, v3;
	v45 =	vor.u32 v9, v44;
	v3 =	vld.idx.msk [tilespmem:v4+s14+$0x0], $0xffff  }
0x55b: {  	v35 =	vadd.f32 v35, v25;
	v4 =	vor.u32 v11, v28;
	v51 =	vor.u32 v11, v32;
	v11 =	vld [tilespmem:$0x1FD20]  }
0x55c: {  	v1 =	vor.u32 v9, v31;
	v9 =	vld [tilespmem:$0x1FFB0]  }
0x55d: {  	v37 =	vld.idx.msk [tilespmem:v62+s14+$0x0], $0xffff;
	[tilespmem:v5+s21+$0x0] =	vst.idx.msk $0xffff, v35;
	v5 =	vadd.f32 v7, v8  }
0x55e: {  	v0 =	vld.idx.msk [tilespmem:v0+s14+$0x0], $0xffff  }
0x55f: {  	[tilespmem:v45+s21+$0x0] =	vst.idx.msk $0xffff, v5;
	v5 =	vor.u32 v10, v50;
	v10 =	vld [tilespmem:$0x1FF60]  }
0x560: {  	v57 =	vor.u32 v12, v49;
	v59 =	vadd.f32 v59, v34;
	v54 =	vld.idx.msk [tilespmem:v54+s14+$0x0], $0xffff  }
0x561: {  	v36 =	vld.idx.msk [tilespmem:v6+s9+$0x0], $0xffff;
	v6 =	vor.u32 v11, v52;
	v61 =	vor.u32 v9, v47  }
0x562: {  	v7 =	vld [tilespmem:$0x1FFC0];
	v35 =	vor.u32 v16, v39;
	[tilespmem:v1+s21+$0x0] =	vst.idx.msk $0xffff, v59  }
0x563: {  	v1 =	vadd.f32 v38, v33;
	v38 =	vor.u32 v50, v18;
	v4 =	vld.idx.msk [tilespmem:v4+s14+$0x0], $0xffff  }
0x564: {  	v62 =	vand.u32 $0xFEF, v24;
	v3 =	vadd.f32 v3, v26;
	v45 =	vld.idx.msk [tilespmem:v51+s14+$0x0], $0xffff;
	v24 =	vor.u32 v10, v55  }
0x565: {  	v16 =	vld [tilespmem:$0x1FD40];
	[tilespmem:v57+s21+$0x0] =	vst.idx.msk $0xffff, v1;
	v1 =	vadd.f32 v37, v42;
	v37 =	vor.u32 v11, v53;
	v24 =	vand.u32 $0xFE8, v24  }
0x566: {  	v18 =	vmov v21;
	v42 =	vld.idx.msk [tilespmem:v61+s14+$0x0], $0xffff;
	[tilespmem:v6+s21+$0x0] =	vst.idx.msk $0xffff, v3;
	v3 =	vor.u32 v56, v24  }
0x567: {  	v57 =	vor.u32 v18, v44;
	v11 =	vld [tilespmem:$0x1FC70];
	[tilespmem:v35+s21+$0x0] =	vst.idx.msk $0xffff, v1  }
0x568: {  	v35 =	vld.idx.msk [tilespmem:v38+s9+$0x0], $0xffff;
	v0 =	vadd.f32 v0, v25  }
0x569: {  	v48 =	vor.u32 v19, v28;
	v6 =	vor.u32 v18, v31;
	v5 =	vld.idx.msk [tilespmem:v5+s14+$0x0], $0xffff;
	v24 =	vshll.u32 v23, $0x7  }
0x56a: {  	v51 =	vand.u32 $0x13EF, v29;
	v1 =	vld.idx.msk [tilespmem:v62+s14+$0x0], $0xffff;
	[tilespmem:v37+s21+$0x0] =	vst.idx.msk $0xffff, v0;
	v0 =	vadd.f32 v45, v8;
	v29 =	vand.u32 $0x780, v24  }
0x56b: {  	v7 =	vadd.s32 s30, v7;
	v38 =	vor.u32 v19, v32;
	v59 =	vor.u32 v63, v29;
	v3 =	vld.idx.msk [tilespmem:v3+s14+$0x0], $0xffff  }
0x56c: {  	v7 =	vand.u32 $0x7CF, v7;
	v4 =	vadd.f32 v4, v34;
	[tilespmem:v57+s21+$0x0] =	vst.idx.msk $0xffff, v0;
	v57 =	vld [tilespmem:$0x1FD60]  }
0x56d: {  	v61 =	vor.u32 v13, v47;
	v62 =	vor.u32 v11, v49  }
0x56e: {  	v21 =	vmov v22;
	v10 =	vld [tilespmem:$0x1FF70];
	v37 =	vor.u32 v16, v52;
	[tilespmem:v6+s21+$0x0] =	vst.idx.msk $0xffff, v4;
	v6 =	vadd.f32 v54, v36  }
0x56f: {  	v22 =	vmov v40;
	v45 =	vor.u32 v12, v39;
	v4 =	vor.u32 v21, v31;
	v48 =	vld.idx.msk [tilespmem:v48+s14+$0x0], $0xffff  }
0x570: {  	v1 =	vadd.f32 v1, v26;
	v0 =	vadd.f32 v42, v33;
	v38 =	vld.idx.msk [tilespmem:v38+s14+$0x0], $0xffff;
	[tilespmem:v59+s21+$0x0] =	vst.idx.msk $0xffff, v6  }
0x571: {  	v42 =	vor.u32 v9, v50;
	v6 =	vor.u32 v16, v53;
	v7 =	vld.idx.msk [tilespmem:v7+s14+$0x0], $0xffff;
	v54 =	vor.u32 v57, v55  }
0x572: {  	[tilespmem:v62+s21+$0x0] =	vst.idx.msk $0xffff, v0;
	v0 =	vadd.f32 v5, v35;
	v62 =	vor.u32 v21, v44;
	v54 =	vand.u32 $0x13E8, v54  }
0x573: {  	v61 =	vld.idx.msk [tilespmem:v61+s14+$0x0], $0xffff;
	[tilespmem:v37+s21+$0x0] =	vst.idx.msk $0xffff, v1;
	v1 =	vor.u32 v22, v28;
	v5 =	vor.u32 v56, v54  }
0x574: {  	[tilespmem:v45+s21+$0x0] =	vst.idx.msk $0xffff, v0;
	v0 =	vld.idx.msk [tilespmem:v51+s14+$0x0], $0xffff;
	v3 =	vadd.f32 v3, v25;
	v45 =	vor.u32 v15, v29  }
0x575: {  	v28 =	vadd.f32 v48, v34;
	v48 =	vor.u32 v17, v49  }
0x576: {  	v42 =	vld.idx.msk [tilespmem:v42+s14+$0x0], $0xffff;
	[tilespmem:v6+s21+$0x0] =	vst.idx.msk $0xffff, v3;
	v3 =	vadd.f32 v38, v8;
	v6 =	vor.u32 v10, v52  }
0x577: {  	v57 =	vor.u32 v2, v47;
	v2 =	vld [tilespmem:$0x1FD80];
	[tilespmem:v4+s21+$0x0] =	vst.idx.msk $0xffff, v28;
	v4 =	vadd.f32 v7, v36  }
0x578: {  	v5 =	vld.idx.msk [tilespmem:v5+s14+$0x0], $0xffff;
	[tilespmem:v62+s21+$0x0] =	vst.idx.msk $0xffff, v3;
	v3 =	vadd.f32 v61, v33  }
0x579: {  	v1 =	vld.idx.msk [tilespmem:v1+s14+$0x0], $0xffff;
	[tilespmem:v45+s21+$0x0] =	vst.idx.msk $0xffff, v4;
	v0 =	vadd.f32 v0, v26  }
0x57a: {  	[tilespmem:v48+s21+$0x0] =	vst.idx.msk $0xffff, v3  }
0x57b: {  	[tilespmem:v6+s21+$0x0] =	vst.idx.msk $0xffff, v0;
	v0 =	vld [tilespmem:$0x1FDA0];
	_ =	sdelay $0x1  }
0x57c: {  	v32 =	vor.u32 v22, v32;
	v59 =	vand.u32 $0x17EF, v27;
	v27 =	vor.u32 v2, v55;
	v2 =	vld [tilespmem:$0x1FDE0];
	_ =	sdelay $0x1  }
0x57d: {  	v7 =	vor.u32 v11, v39  }
0x57e: {  	p0 =	slt.u32 s30, $0xE;
	v61 =	vor.u32 v13, v50;
	v51 =	vadd.s32 s26, v0;
	v0 =	vld [tilespmem:$0x1FDD0]  }
.Ltmp4:
0x57f: {  	v28 =	vor.u32 v20, v31;
	v45 =	vor.u32 v10, v53;
	v4 =	vand.u32 $0x17E8, v27;
	(pc) =	sbr.rel @p0 .LBB2_9-.Ltmp4, $4  }
0x580: {  	s31 =	sadd.s32 $0x1, s30;
	v31 =	vld.idx.msk [tilespmem:v32+s14+$0x0], $0xffff;
	v32 =	vor.u32 v20, v44;
	v3 =	vadd.f32 v42, v35;
	v27 =	vadd.s32 s30, v2  }
0x581: {  	v40 =	vmovc v20;
	v48 =	vor.u32 v56, v4;
	v62 =	vand.u32 $0xBCF, v27;
	v27 =	vadd.s32 s31, v63  }
0x582: {  	v44 =	vmovc v53;
	v34 =	vadd.f32 v1, v34;
	v2 =	vlaneseq.u32;
	[tilespmem:v7+s21+$0x0] =	vst.idx.msk $0xffff, v3;
	v42 =	vld.idx.msk [tilespmem:v59+s14+$0x0], $0xffff;
	v38 =	vand.u32 $0xF, v27  }
0x583: {  	s29 =	smov.u32 s30;
	v53 =	vmovc v39;
	s30 =	sadd.s32 $0x2, s30;
	v54 =	vadd.f32 v5, v25;
	v37 =	vand.u32 $0x7, v27;
	v5 =	vld.idx.msk [tilespmem:v61+s14+$0x0], $0xffff;
	v59 =	vor.u32 v0, v38  }
0x584: {  	v0 =	vld [tilespmem:$0x1FA80];
	_ =	sdelay $0x2  }
0x585: {  	v1 =	vand.u32 $0x3C8, v59  }
0x586: {  	v1 =	vor.u32 v37, v1  }
0x587: {  	v0 =	vor.u32 v0, v38;
	_ =	sdelay $0x2  }
0x588: {  	v15 =	vld [tilespmem:$0x1FC50]  }
0x589: {  	v1 =	vld.idx.msk [tilespmem:v1+s14+$0x0], $0xffff  }
0x58a: {  	v3 =	vshll.u32 v27, $0x7;
	v0 =	vld.idx.msk [tilespmem:v0+s9+$0x0], $0xffff  }
0x58b: {  	v59 =	vand.u32 $0x780, v3  }
0x58c: {  	v4 =	vor.u32 v2, v59;
	_ =	sdelay $0x2  }
0x58d: {  	v3 =	vor.u32 v15, v38;
	v1 =	vadd.f32 v1, v0  }
0x58e: {  	v3 =	vand.u32 $0x7C8, v3  }
0x58f: {  	v3 =	vor.u32 v37, v3;
	[tilespmem:v4+s21+$0x0] =	vst.idx.msk $0xffff, v1  }
0x590: {  	v2 =	vld [tilespmem:$0x1FF90];
	_ =	sdelay $0x3  }
0x591: {  	v1 =	vld.idx.msk [tilespmem:v3+s14+$0x0], $0xffff  }
0x592: {  	v3 =	vor.u32 v2, v38;
	v2 =	vld [tilespmem:$0x1FE20];
	_ =	sdelay $0x4  }
0x593: {  	v6 =	vor.u32 v2, v59;
	v2 =	vld [tilespmem:$0x1FDF0];
	_ =	sdelay $0x4  }
0x594: {  	v7 =	vadd.s32 s29, v2;
	v2 =	vld [tilespmem:$0x1FC60];
	_ =	sdelay $0x2  }
0x595: {  	v4 =	vld.idx.msk [tilespmem:v62+s14+$0x0], $0xffff  }
0x596: {  	v3 =	vand.u32 $0xBC8, v3  }
0x597: {  	v3 =	vor.u32 v37, v3;
	v39 =	vor.u32 v2, v29  }
0x598: {  	v1 =	vadd.f32 v1, v0;
	_ =	sdelay $0x1  }
0x599: {  	[tilespmem:v6+s21+$0x0] =	vst.idx.msk $0xffff, v1;
	v1 =	vadd.f32 v4, v36  }
0x59a: {  	v7 =	vand.u32 $0xFCF, v7  }
0x59b: {  	v3 =	vld.idx.msk [tilespmem:v3+s14+$0x0], $0xffff;
	[tilespmem:v39+s21+$0x0] =	vst.idx.msk $0xffff, v1  }
0x59c: {  	v63 =	vld [tilespmem:$0x1FE10]  }
0x59d: {  	v1 =	vld [tilespmem:$0x1FE00];
	_ =	sdelay $0x1  }
0x59e: {  	v6 =	vor.u32 v2, v59;
	v4 =	vld.idx.msk [tilespmem:v7+s14+$0x0], $0xffff  }
0x59f: {  	v2 =	vld [tilespmem:$0x1FF80]  }
0x5a0: {  	v10 =	vor.u32 v63, v29  }
0x5a1: {  	v3 =	vadd.f32 v3, v0;
	v1 =	vor.u32 v1, v38  }
0x5a2: {  	v1 =	vand.u32 $0xFC8, v1  }
0x5a3: {  	[tilespmem:v6+s21+$0x0] =	vst.idx.msk $0xffff, v3;
	v3 =	vadd.f32 v4, v36;
	v1 =	vor.u32 v37, v1  }
0x5a4: {  	v7 =	vadd.s32 s29, v2  }
0x5a5: {  	v7 =	vand.u32 $0x13CF, v7;
	[tilespmem:v10+s21+$0x0] =	vst.idx.msk $0xffff, v3  }
0x5a6: {  	v2 =	vld [tilespmem:$0x1FE30]  }
0x5a7: {  	v11 =	vld [tilespmem:$0x1FE40]  }
0x5a8: {  	v1 =	vld.idx.msk [tilespmem:v1+s14+$0x0], $0xffff;
	_ =	sdelay $0x1  }
0x5a9: {  	v6 =	vor.u32 v63, v59;
	v4 =	vld.idx.msk [tilespmem:v7+s14+$0x0], $0xffff  }
0x5aa: {  	v3 =	vor.u32 v2, v38;
	v2 =	vld [tilespmem:$0x1FE50]  }
0x5ab: {  	v62 =	vor.u32 v11, v29  }
0x5ac: {  	v1 =	vadd.f32 v1, v0  }
0x5ad: {  	v3 =	vand.u32 $0x13C8, v3  }
0x5ae: {  	v3 =	vor.u32 v37, v3;
	[tilespmem:v6+s21+$0x0] =	vst.idx.msk $0xffff, v1;
	v1 =	vadd.f32 v4, v36  }
0x5af: {  	v7 =	vadd.s32 s29, v2  }
0x5b0: {  	[tilespmem:v62+s21+$0x0] =	vst.idx.msk $0xffff, v1;
	v7 =	vand.u32 $0x17CF, v7  }
0x5b1: {  	v1 =	vld [tilespmem:$0x1FE60]  }
0x5b2: {  	v9 =	vld [tilespmem:$0x1FFE0]  }
0x5b3: {  	v3 =	vld.idx.msk [tilespmem:v3+s14+$0x0], $0xffff;
	_ =	sdelay $0x1  }
0x5b4: {  	v6 =	vor.u32 v11, v59;
	v4 =	vld.idx.msk [tilespmem:v7+s14+$0x0], $0xffff  }
0x5b5: {  	v2 =	vld [tilespmem:$0x1FFF0]  }
0x5b6: {  	v10 =	vor.u32 v9, v29  }
0x5b7: {  	v1 =	vor.u32 v1, v38;
	v3 =	vadd.f32 v3, v0  }
0x5b8: {  	v1 =	vand.u32 $0x17C8, v1  }
0x5b9: {  	v1 =	vor.u32 v37, v1;
	[tilespmem:v6+s21+$0x0] =	vst.idx.msk $0xffff, v3;
	v3 =	vadd.f32 v4, v36  }
0x5ba: {  	v7 =	vadd.s32 s29, v2  }
0x5bb: {  	v7 =	vand.u32 $0x1BCF, v7;
	[tilespmem:v10+s21+$0x0] =	vst.idx.msk $0xffff, v3  }
0x5bc: {  	v2 =	vld [tilespmem:$0x1FE70]  }
0x5bd: {  	v11 =	vld [tilespmem:$0x1FFD0]  }
0x5be: {  	v1 =	vld.idx.msk [tilespmem:v1+s14+$0x0], $0xffff;
	_ =	sdelay $0x1  }
0x5bf: {  	v6 =	vor.u32 v9, v59;
	v4 =	vld.idx.msk [tilespmem:v7+s14+$0x0], $0xffff;
	_ =	sdelay $0x1  }
0x5c0: {  	v3 =	vor.u32 v2, v38;
	v2 =	vld [tilespmem:$0x1FE80];
	v61 =	vor.u32 v11, v29  }
0x5c1: {  	v1 =	vadd.f32 v1, v0;
	_ =	sdelay $0x1  }
0x5c2: {  	v3 =	vand.u32 $0x1BC8, v3;
	[tilespmem:v6+s21+$0x0] =	vst.idx.msk $0xffff, v1;
	v1 =	vadd.f32 v4, v36  }
0x5c3: {  	v3 =	vor.u32 v37, v3  }
0x5c4: {  	v7 =	vadd.s32 s29, v2;
	[tilespmem:v61+s21+$0x0] =	vst.idx.msk $0xffff, v1  }
0x5c5: {  	v7 =	vand.u32 $0x1FCF, v7;
	v1 =	vld [tilespmem:$0x1FE90]  }
0x5c6: {  	v9 =	vld [tilespmem:$0x1FEA0]  }
0x5c7: {  	v2 =	vld [tilespmem:$0x1FA70]  }
0x5c8: {  	v3 =	vld.idx.msk [tilespmem:v3+s14+$0x0], $0xffff  }
0x5c9: {  	v10 =	vld [tilespmem:$0x1FEB0]  }
0x5ca: {  	v6 =	vor.u32 v11, v59;
	v1 =	vor.u32 v1, v38;
	v4 =	vld.idx.msk [tilespmem:v7+s14+$0x0], $0xffff  }
0x5cb: {  	v1 =	vand.u32 $0x1FC8, v1  }
0x5cc: {  	v7 =	vor.u32 v9, v29;
	v1 =	vor.u32 v37, v1  }
0x5cd: {  	v3 =	vadd.f32 v3, v0  }
0x5ce: {  	v39 =	vor.u32 v23, v2  }
0x5cf: {  	v61 =	vor.u32 v10, v23;
	[tilespmem:v6+s21+$0x0] =	vst.idx.msk $0xffff, v3;
	v3 =	vadd.f32 v4, v36;
	_ =	sdelay $0x1  }
0x5d0: {  	v1 =	vld.idx.msk [tilespmem:v1+s14+$0x0], $0xffff;
	[tilespmem:v7+s21+$0x0] =	vst.idx.msk $0xffff, v3  }
0x5d1: {  	v6 =	vor.u32 v27, v2;
	v2 =	vld [tilespmem:$0x1FFA0]  }
0x5d2: {  	v36 =	vld.idx.msk [tilespmem:v39+s9+$0x0], $0xffff  }
0x5d3: {  	v4 =	vld.idx.msk [tilespmem:v61+s14+$0x0], $0xffff  }
0x5d4: {  	v3 =	vor.u32 v9, v59;
	v62 =	vld [tilespmem:$0x1FFB0];
	_ =	sdelay $0x1  }
0x5d5: {  	v0 =	vadd.f32 v1, v0;
	v1 =	vor.u32 v2, v24;
	_ =	sdelay $0x1  }
0x5d6: {  	v7 =	vor.u32 v10, v27  }
0x5d7: {  	v63 =	vor.u32 v62, v23;
	[tilespmem:v3+s21+$0x0] =	vst.idx.msk $0xffff, v0;
	v0 =	vadd.f32 v4, v36;
	_ =	sdelay $0x1  }
0x5d8: {  	v11 =	vld.idx.msk [tilespmem:v6+s9+$0x0], $0xffff;
	[tilespmem:v1+s21+$0x0] =	vst.idx.msk $0xffff, v0  }
0x5d9: {  	v1 =	vor.u32 v2, v59;
	v2 =	vld [tilespmem:$0x1FC70]  }
0x5da: {  	v3 =	vld.idx.msk [tilespmem:v7+s14+$0x0], $0xffff  }
0x5db: {  	v0 =	vld.idx.msk [tilespmem:v63+s14+$0x0], $0xffff  }
0x5dc: {  	v9 =	vld [tilespmem:$0x1FC80];
	_ =	sdelay $0x1  }
0x5dd: {  	v4 =	vor.u32 v62, v27;
	v6 =	vor.u32 v2, v24  }
0x5de: {  	v3 =	vadd.f32 v3, v11;
	_ =	sdelay $0x1  }
0x5df: {  	[tilespmem:v1+s21+$0x0] =	vst.idx.msk $0xffff, v3;
	v7 =	vor.u32 v9, v23;
	v0 =	vadd.f32 v0, v36  }
0x5e0: {  	v16 =	vld [tilespmem:$0x1FC90]  }
0x5e1: {  	v3 =	vld.idx.msk [tilespmem:v4+s14+$0x0], $0xffff;
	[tilespmem:v6+s21+$0x0] =	vst.idx.msk $0xffff, v0  }
0x5e2: {  	v10 =	vld [tilespmem:$0x1FEC0]  }
0x5e3: {  	v1 =	vld.idx.msk [tilespmem:v57+s14+$0x0], $0xffff  }
0x5e4: {  	v57 =	vor.u32 v2, v59;
	v7 =	vld.idx.msk [tilespmem:v7+s14+$0x0], $0xffff  }
0x5e5: {  	v4 =	vor.u32 v16, v53;
	v13 =	vld [tilespmem:$0x1FCA0]  }
0x5e6: {  	v61 =	vor.u32 v9, v27;
	v9 =	vor.u32 v16, v24;
	v63 =	vld [tilespmem:$0x1FED0]  }
0x5e7: {  	v3 =	vadd.f32 v3, v11;
	v6 =	vor.u32 v10, v49  }
0x5e8: {  	v5 =	vadd.f32 v5, v35  }
0x5e9: {  	[tilespmem:v57+s21+$0x0] =	vst.idx.msk $0xffff, v3;
	v3 =	vadd.f32 v7, v36  }
0x5ea: {  	v1 =	vadd.f32 v1, v33;
	[tilespmem:v4+s21+$0x0] =	vst.idx.msk $0xffff, v5;
	v0 =	vor.u32 v13, v50  }
0x5eb: {  	v39 =	vor.u32 v63, v47;
	[tilespmem:v9+s21+$0x0] =	vst.idx.msk $0xffff, v3  }
0x5ec: {  	[tilespmem:v6+s21+$0x0] =	vst.idx.msk $0xffff, v1  }
0x5ed: {  	v4 =	vor.u32 v13, v23;
	v9 =	vld [tilespmem:$0x1FEE0];
	_ =	sdelay $0x1  }
0x5ee: {  	v0 =	vld.idx.msk [tilespmem:v0+s14+$0x0], $0xffff  }
0x5ef: {  	v1 =	vld.idx.msk [tilespmem:v39+s14+$0x0], $0xffff  }
0x5f0: {  	v5 =	vld.idx.msk [tilespmem:v61+s14+$0x0], $0xffff;
	v6 =	vor.u32 v10, v53  }
0x5f1: {  	v3 =	vor.u32 v63, v50;
	v4 =	vld.idx.msk [tilespmem:v4+s14+$0x0], $0xffff;
	v7 =	vor.u32 v9, v49  }
0x5f2: {  	v57 =	vor.u32 v16, v59;
	v12 =	vld [tilespmem:$0x1FEF0]  }
0x5f3: {  	v62 =	vor.u32 v10, v24;
	v0 =	vadd.f32 v0, v35  }
0x5f4: {  	v1 =	vadd.f32 v1, v33  }
0x5f5: {  	[tilespmem:v6+s21+$0x0] =	vst.idx.msk $0xffff, v0;
	v0 =	vadd.f32 v5, v11  }
0x5f6: {  	[tilespmem:v7+s21+$0x0] =	vst.idx.msk $0xffff, v1;
	v1 =	vld.idx.msk [tilespmem:v3+s14+$0x0], $0xffff;
	v3 =	vadd.f32 v4, v36  }
0x5f7: {  	v39 =	vor.u32 v12, v47;
	[tilespmem:v57+s21+$0x0] =	vst.idx.msk $0xffff, v0  }
0x5f8: {  	v61 =	vor.u32 v13, v27;
	[tilespmem:v62+s21+$0x0] =	vst.idx.msk $0xffff, v3  }
0x5f9: {  	v5 =	vor.u32 v63, v23;
	v13 =	vld [tilespmem:$0x1FF00];
	_ =	sdelay $0x2  }
0x5fa: {  	v0 =	vld.idx.msk [tilespmem:v39+s14+$0x0], $0xffff  }
0x5fb: {  	v6 =	vor.u32 v9, v53;
	v4 =	vld.idx.msk [tilespmem:v61+s14+$0x0], $0xffff  }
0x5fc: {  	v3 =	vor.u32 v12, v50;
	v5 =	vld.idx.msk [tilespmem:v5+s14+$0x0], $0xffff;
	v7 =	vor.u32 v13, v49  }
0x5fd: {  	v2 =	vmov v63;
	v57 =	vor.u32 v10, v59;
	v63 =	vld [tilespmem:$0x1FF10]  }
0x5fe: {  	v10 =	vor.u32 v9, v24;
	v1 =	vadd.f32 v1, v35  }
0x5ff: {  	v0 =	vadd.f32 v0, v33  }
0x600: {  	[tilespmem:v6+s21+$0x0] =	vst.idx.msk $0xffff, v1;
	v1 =	vadd.f32 v4, v11  }
0x601: {  	v61 =	vor.u32 v2, v27;
	[tilespmem:v7+s21+$0x0] =	vst.idx.msk $0xffff, v0;
	v0 =	vld.idx.msk [tilespmem:v3+s14+$0x0], $0xffff;
	v3 =	vadd.f32 v5, v36  }
0x602: {  	v39 =	vor.u32 v63, v47;
	[tilespmem:v57+s21+$0x0] =	vst.idx.msk $0xffff, v1  }
0x603: {  	v4 =	vor.u32 v12, v23;
	[tilespmem:v10+s21+$0x0] =	vst.idx.msk $0xffff, v3  }
0x604: {  	v10 =	vld [tilespmem:$0x1FF20];
	_ =	sdelay $0x1  }
0x605: {  	v5 =	vld.idx.msk [tilespmem:v61+s14+$0x0], $0xffff  }
0x606: {  	v1 =	vld.idx.msk [tilespmem:v39+s14+$0x0], $0xffff  }
0x607: {  	v6 =	vor.u32 v13, v53;
	v4 =	vld.idx.msk [tilespmem:v4+s14+$0x0], $0xffff  }
0x608: {  	v3 =	vor.u32 v63, v50;
	v16 =	vld [tilespmem:$0x1FF30];
	v7 =	vor.u32 v10, v49  }
0x609: {  	v57 =	vor.u32 v9, v59  }
0x60a: {  	v9 =	vor.u32 v13, v24;
	v0 =	vadd.f32 v0, v35  }
0x60b: {  	v1 =	vadd.f32 v1, v33  }
0x60c: {  	v61 =	vor.u32 v12, v27;
	[tilespmem:v6+s21+$0x0] =	vst.idx.msk $0xffff, v0;
	v0 =	vadd.f32 v5, v11  }
0x60d: {  	v39 =	vor.u32 v16, v47;
	[tilespmem:v7+s21+$0x0] =	vst.idx.msk $0xffff, v1;
	v1 =	vld.idx.msk [tilespmem:v3+s14+$0x0], $0xffff;
	v3 =	vadd.f32 v4, v36  }
0x60e: {  	[tilespmem:v57+s21+$0x0] =	vst.idx.msk $0xffff, v0  }
0x60f: {  	[tilespmem:v9+s21+$0x0] =	vst.idx.msk $0xffff, v3  }
0x610: {  	v12 =	vmov v63;
	v5 =	vor.u32 v63, v23;
	v63 =	vld [tilespmem:$0x1FF40]  }
0x611: {  	v4 =	vld.idx.msk [tilespmem:v61+s14+$0x0], $0xffff  }
0x612: {  	v6 =	vor.u32 v10, v53;
	v0 =	vld.idx.msk [tilespmem:v39+s14+$0x0], $0xffff  }
0x613: {  	v9 =	vld [tilespmem:$0x1FA60]  }
0x614: {  	v39 =	vor.u32 v13, v59;
	v2 =	vld [tilespmem:$0x1FA30]  }
0x615: {  	v5 =	vld.idx.msk [tilespmem:v5+s14+$0x0], $0xffff;
	v1 =	vadd.f32 v1, v35;
	v7 =	vor.u32 v63, v49  }
0x616: {  	v17 =	vld [tilespmem:$0x1FF50]  }
0x617: {  	[tilespmem:v6+s21+$0x0] =	vst.idx.msk $0xffff, v1;
	v1 =	vadd.f32 v4, v11  }
0x618: {  	v62 =	vor.u32 v10, v24;
	v3 =	vor.u32 v16, v50;
	v0 =	vadd.f32 v0, v33  }
0x619: {  	[tilespmem:v39+s21+$0x0] =	vst.idx.msk $0xffff, v1  }
0x61a: {  	v61 =	vor.u32 v12, v27;
	[tilespmem:v7+s21+$0x0] =	vst.idx.msk $0xffff, v0  }
0x61b: {  	v20 =	vor.u32 v2, v9;
	v57 =	vadd.s32 s28, v17;
	v1 =	vadd.f32 v5, v36;
	v2 =	vld [tilespmem:$0x1FCB0]  }
0x61c: {  	v33 =	vand.u32 $0x3EF, v57  }
0x61d: {  	v0 =	vld.idx.msk [tilespmem:v3+s14+$0x0], $0xffff;
	[tilespmem:v62+s21+$0x0] =	vst.idx.msk $0xffff, v1  }
0x61e: {  	v62 =	vld [tilespmem:$0x1FCC0]  }
0x61f: {  	v3 =	vld.idx.msk [tilespmem:v61+s14+$0x0], $0xffff  }
0x620: {  	v4 =	vor.u32 v16, v23;
	v20 =	vld.idx.msk [tilespmem:v20+s9+$0x0], $0xffff;
	v6 =	vor.u32 v2, v14  }
0x621: {  	v5 =	vor.u32 v63, v53;
	v1 =	vand.u32 $0x3E8, v6;
	v6 =	vld.idx.msk [tilespmem:v33+s14+$0x0], $0xffff  }
0x622: {  	v39 =	vor.u32 v10, v59  }
0x623: {  	v0 =	vadd.f32 v0, v35;
	v35 =	vor.u32 v62, v58  }
0x624: {  	v13 =	vld [tilespmem:$0x1FCD0]  }
0x625: {  	v7 =	vor.u32 v14, v9;
	v4 =	vld.idx.msk [tilespmem:v4+s14+$0x0], $0xffff;
	v3 =	vadd.f32 v3, v11  }
0x626: {  	[tilespmem:v5+s21+$0x0] =	vst.idx.msk $0xffff, v0;
	v1 =	vor.u32 v60, v1;
	v5 =	vadd.f32 v6, v20  }
0x627: {  	v57 =	vor.u32 v16, v27;
	v10 =	vor.u32 v63, v24;
	[tilespmem:v39+s21+$0x0] =	vst.idx.msk $0xffff, v3  }
0x628: {  	v6 =	vor.u32 v30, v9;
	[tilespmem:v35+s21+$0x0] =	vst.idx.msk $0xffff, v5  }
0x629: {  	v33 =	vadd.s32 s28, v13;
	v16 =	vld [tilespmem:$0x1FCE0]  }
0x62a: {  	v3 =	vadd.f32 v4, v36;
	v0 =	vand.u32 $0x7EF, v33;
	v33 =	vld.idx.msk [tilespmem:v7+s9+$0x0], $0xffff  }
0x62b: {  	v1 =	vld.idx.msk [tilespmem:v1+s14+$0x0], $0xffff  }
0x62c: {  	v30 =	vor.u32 v2, v38;
	v5 =	vld.idx.msk [tilespmem:v57+s14+$0x0], $0xffff;
	[tilespmem:v10+s21+$0x0] =	vst.idx.msk $0xffff, v3  }
0x62d: {  	v7 =	vadd.s32 s29, v17;
	v57 =	vand.u32 $0x3E8, v30;
	v30 =	vld.idx.msk [tilespmem:v6+s9+$0x0], $0xffff  }
0x62e: {  	v4 =	vand.u32 $0x3EF, v7;
	v6 =	vor.u32 v37, v57;
	v57 =	vld [tilespmem:$0x1FD90];
	[tilespmem:v45+s21+$0x0] =	vst.idx.msk $0xffff, v54;
	v7 =	vor.u32 v16, v14  }
0x62f: {  	v17 =	vor.u32 v38, v9;
	v9 =	vld [tilespmem:$0x1FCF0];
	v3 =	vand.u32 $0x7E8, v7;
	v7 =	vor.u32 v62, v53;
	_ =	sdelay $0x1  }
0x630: {  	v35 =	vor.u32 v63, v59;
	v3 =	vor.u32 v60, v3  }
0x631: {  	v0 =	vld.idx.msk [tilespmem:v0+s14+$0x0], $0xffff;
	v1 =	vadd.f32 v1, v33  }
0x632: {  	v4 =	vld.idx.msk [tilespmem:v4+s14+$0x0], $0xffff;
	v36 =	vor.u32 v57, v52  }
0x633: {  	v61 =	vand.u32 $0x1BEF, v51;
	v5 =	vadd.f32 v5, v11;
	v39 =	vor.u32 v9, v58;
	[tilespmem:v7+s21+$0x0] =	vst.idx.msk $0xffff, v1  }
0x634: {  	v51 =	vor.u32 v62, v29;
	v2 =	vld [tilespmem:$0x1FD00]  }
0x635: {  	[tilespmem:v35+s21+$0x0] =	vst.idx.msk $0xffff, v5;
	v5 =	vadd.f32 v42, v26;
	v3 =	vld.idx.msk [tilespmem:v3+s14+$0x0], $0xffff  }
0x636: {  	v0 =	vadd.f32 v0, v20;
	v35 =	vld.idx.msk [tilespmem:v17+s9+$0x0], $0xffff  }
0x637: {  	v4 =	vadd.f32 v4, v30;
	[tilespmem:v36+s21+$0x0] =	vst.idx.msk $0xffff, v5;
	v5 =	vld.idx.msk [tilespmem:v6+s14+$0x0], $0xffff  }
0x638: {  	v54 =	vadd.s32 s29, v13;
	[tilespmem:v39+s21+$0x0] =	vst.idx.msk $0xffff, v0;
	v6 =	vld.idx.msk [tilespmem:v61+s14+$0x0], $0xffff;
	v61 =	vor.u32 v9, v53  }
0x639: {  	v17 =	vand.u32 $0x7EF, v54;
	v13 =	vld [tilespmem:$0x1FD10];
	[tilespmem:v51+s21+$0x0] =	vst.idx.msk $0xffff, v4;
	v4 =	vor.u32 v62, v59;
	_ =	sdelay $0x1  }
0x63a: {  	v0 =	vor.u32 v16, v38;
	v54 =	vld [tilespmem:$0x1FDB0];
	v3 =	vadd.f32 v3, v33  }
0x63b: {  	v1 =	vld.idx.msk [tilespmem:v48+s14+$0x0], $0xffff;
	v0 =	vand.u32 $0x7E8, v0;
	v5 =	vadd.f32 v5, v35  }
0x63c: {  	v42 =	vor.u32 v57, v44;
	v0 =	vor.u32 v37, v0;
	v7 =	vadd.s32 s28, v2;
	[tilespmem:v61+s21+$0x0] =	vst.idx.msk $0xffff, v3  }
0x63d: {  	v7 =	vand.u32 $0xBEF, v7;
	v17 =	vld.idx.msk [tilespmem:v17+s14+$0x0], $0xffff;
	v48 =	vor.u32 v13, v14;
	[tilespmem:v4+s21+$0x0] =	vst.idx.msk $0xffff, v5  }
0x63e: {  	v36 =	vand.u32 $0xBE8, v48;
	v62 =	vld [tilespmem:$0x1FAA0]  }
0x63f: {  	v3 =	vadd.s32 s29, v2;
	v51 =	vor.u32 v54, v55;
	v36 =	vor.u32 v60, v36;
	v2 =	vld [tilespmem:$0x1FD20]  }
0x640: {  	v1 =	vadd.f32 v1, v25;
	v39 =	vand.u32 $0x1BE8, v51;
	v51 =	vld [tilespmem:$0x1FD30]  }
0x641: {  	v11 =	vor.u32 v9, v29;
	v0 =	vld.idx.msk [tilespmem:v0+s14+$0x0], $0xffff  }
0x642: {  	v3 =	vand.u32 $0xBEF, v3;
	[tilespmem:v42+s21+$0x0] =	vst.idx.msk $0xffff, v1;
	v7 =	vld.idx.msk [tilespmem:v7+s14+$0x0], $0xffff  }
0x643: {  	v39 =	vor.u32 v56, v39;
	v12 =	vld [tilespmem:$0x1FF60];
	v4 =	vor.u32 v62, v52  }
0x644: {  	v17 =	vadd.f32 v17, v30;
	v45 =	vor.u32 v2, v58;
	v36 =	vld.idx.msk [tilespmem:v36+s14+$0x0], $0xffff  }
0x645: {  	v61 =	vor.u32 v13, v38;
	v48 =	vor.u32 v9, v59  }
0x646: {  	v6 =	vadd.f32 v6, v26;
	v1 =	vand.u32 $0xBE8, v61;
	[tilespmem:v11+s21+$0x0] =	vst.idx.msk $0xffff, v17;
	v17 =	vor.u32 v2, v53  }
0x647: {  	v1 =	vor.u32 v37, v1;
	v3 =	vld.idx.msk [tilespmem:v3+s14+$0x0], $0xffff;
	v5 =	vadd.s32 s28, v51;
	v7 =	vadd.f32 v7, v20  }
0x648: {  	v0 =	vadd.f32 v0, v35;
	v5 =	vand.u32 $0xFEF, v5;
	v11 =	vld.idx.msk [tilespmem:v39+s14+$0x0], $0xffff;
	[tilespmem:v4+s21+$0x0] =	vst.idx.msk $0xffff, v6  }
0x649: {  	v10 =	vor.u32 v12, v14;
	v36 =	vadd.f32 v36, v33;
	v61 =	vld [tilespmem:$0x1FC40];
	[tilespmem:v45+s21+$0x0] =	vst.idx.msk $0xffff, v7  }
0x64a: {  	v42 =	vand.u32 $0xFE8, v10;
	v10 =	vld [tilespmem:$0x1FA90];
	[tilespmem:v48+s21+$0x0] =	vst.idx.msk $0xffff, v0  }
0x64b: {  	v9 =	vld [tilespmem:$0x1FD50];
	[tilespmem:v17+s21+$0x0] =	vst.idx.msk $0xffff, v36  }
0x64c: {  	v13 =	vld [tilespmem:$0x1FD40]  }
0x64d: {  	v4 =	vor.u32 v60, v42;
	v42 =	vor.u32 v2, v29;
	v5 =	vld.idx.msk [tilespmem:v5+s14+$0x0], $0xffff  }
0x64e: {  	v45 =	vadd.s32 s29, v51;
	v1 =	vld.idx.msk [tilespmem:v1+s14+$0x0], $0xffff  }
0x64f: {  	v3 =	vadd.f32 v3, v30;
	v39 =	vand.u32 $0xFEF, v45;
	v16 =	vld [tilespmem:$0x1FD60]  }
0x650: {  	v51 =	vor.u32 v12, v38;
	v48 =	vor.u32 v2, v59;
	v6 =	vadd.s32 s26, v61  }
0x651: {  	v36 =	vand.u32 $0xFE8, v51;
	v6 =	vand.u32 $0x1FEF, v6;
	v17 =	vor.u32 v13, v58  }
0x652: {  	v36 =	vor.u32 v37, v36;
	v4 =	vld.idx.msk [tilespmem:v4+s14+$0x0], $0xffff;
	[tilespmem:v42+s21+$0x0] =	vst.idx.msk $0xffff, v3  }
0x653: {  	v7 =	vor.u32 v10, v55;
	v5 =	vadd.f32 v5, v20;
	v1 =	vadd.f32 v1, v35  }
0x654: {  	v39 =	vld.idx.msk [tilespmem:v39+s14+$0x0], $0xffff;
	v0 =	vand.u32 $0x1FE8, v7;
	v55 =	vor.u32 v16, v14;
	v3 =	vor.u32 v13, v53  }
0x655: {  	v0 =	vor.u32 v56, v0;
	v56 =	vand.u32 $0x13E8, v55;
	v55 =	vld [tilespmem:$0x1FA40];
	[tilespmem:v48+s21+$0x0] =	vst.idx.msk $0xffff, v1  }
0x656: {  	v42 =	vor.u32 v60, v56;
	v6 =	vld.idx.msk [tilespmem:v6+s14+$0x0], $0xffff;
	[tilespmem:v17+s21+$0x0] =	vst.idx.msk $0xffff, v5  }
0x657: {  	v7 =	vadd.s32 s28, v9;
	v4 =	vadd.f32 v4, v33;
	v2 =	vld [tilespmem:$0x1FD70]  }
0x658: {  	v7 =	vand.u32 $0x13EF, v7;
	v56 =	vld [tilespmem:$0x1FAB0]  }
0x659: {  	[tilespmem:v3+s21+$0x0] =	vst.idx.msk $0xffff, v4;
	v3 =	vld.idx.msk [tilespmem:v36+s14+$0x0], $0xffff  }
0x65a: {  	v12 =	vld [tilespmem:$0x1FF70]  }
0x65b: {  	v5 =	vadd.s32 s29, v9;
	v9 =	vor.u32 v16, v38;
	v36 =	vld.idx.msk [tilespmem:v42+s14+$0x0], $0xffff  }
0x65c: {  	v45 =	vor.u32 v62, v44;
	v42 =	vand.u32 $0x13E8, v9;
	v9 =	vld [tilespmem:$0x1FD80]  }
0x65d: {  	v17 =	vor.u32 v13, v29;
	v7 =	vld.idx.msk [tilespmem:v7+s14+$0x0], $0xffff  }
0x65e: {  	v5 =	vand.u32 $0x13EF, v5;
	v1 =	vadd.f32 v6, v26;
	v26 =	vor.u32 v56, v52  }
0x65f: {  	v11 =	vadd.f32 v11, v25;
	v6 =	vadd.s32 s28, v2;
	v4 =	vor.u32 v12, v58  }
0x660: {  	v39 =	vadd.f32 v39, v30;
	v6 =	vand.u32 $0x17EF, v6  }
0x661: {  	[tilespmem:v45+s21+$0x0] =	vst.idx.msk $0xffff, v11;
	v52 =	vor.u32 v13, v59;
	v48 =	vor.u32 v9, v14  }
0x662: {  	[tilespmem:v17+s21+$0x0] =	vst.idx.msk $0xffff, v39;
	v7 =	vadd.f32 v7, v20;
	v17 =	vand.u32 $0x17E8, v48;
	v48 =	vor.u32 v12, v53  }
0x663: {  	v5 =	vld.idx.msk [tilespmem:v5+s14+$0x0], $0xffff;
	[tilespmem:v26+s21+$0x0] =	vst.idx.msk $0xffff, v1  }
0x664: {  	v3 =	vadd.f32 v3, v35;
	v13 =	vld [tilespmem:$0x1FAC0];
	[tilespmem:v4+s21+$0x0] =	vst.idx.msk $0xffff, v7  }
0x665: {  	v4 =	vadd.f32 v36, v33;
	v6 =	vld.idx.msk [tilespmem:v6+s14+$0x0], $0xffff  }
0x666: {  	v51 =	vor.u32 v43, v55;
	v7 =	vor.u32 v12, v29;
	[tilespmem:v52+s21+$0x0] =	vst.idx.msk $0xffff, v3  }
0x667: {  	v39 =	vor.u32 v37, v42;
	v26 =	vadd.s32 s29, v2;
	v2 =	vld [tilespmem:$0x1FDA0];
	[tilespmem:v48+s21+$0x0] =	vst.idx.msk $0xffff, v4;
	v4 =	vor.u32 v57, v58;
	_ =	sdelay $0x1  }
0x668: {  	v17 =	vor.u32 v60, v17;
	v5 =	vadd.f32 v5, v30  }
0x669: {  	v0 =	vld.idx.msk [tilespmem:v0+s14+$0x0], $0xffff;
	v26 =	vand.u32 $0x17EF, v26;
	v6 =	vadd.f32 v6, v20  }
0x66a: {  	v11 =	vld.idx.msk [tilespmem:v51+s9+$0x0], $0xffff;
	v1 =	vor.u32 v13, v43;
	[tilespmem:v7+s21+$0x0] =	vst.idx.msk $0xffff, v5  }
0x66b: {  	v36 =	vld.idx.msk [tilespmem:v39+s14+$0x0], $0xffff;
	[tilespmem:v4+s21+$0x0] =	vst.idx.msk $0xffff, v6  }
0x66c: {  	v48 =	vor.u32 v9, v38;
	v9 =	vld [tilespmem:$0x1FAD0]  }
0x66d: {  	v42 =	vor.u32 v56, v44;
	v52 =	vor.u32 v12, v59;
	v17 =	vld.idx.msk [tilespmem:v17+s14+$0x0], $0xffff  }
0x66e: {  	v51 =	vor.u32 v54, v14;
	v39 =	vand.u32 $0x17E8, v48;
	v3 =	vadd.s32 s28, v2;
	v26 =	vld.idx.msk [tilespmem:v26+s14+$0x0], $0xffff  }
0x66f: {  	v39 =	vor.u32 v37, v39;
	v5 =	vor.u32 v57, v53;
	v3 =	vand.u32 $0x1BEF, v3;
	v1 =	vld.idx.msk [tilespmem:v1+s14+$0x0], $0xffff  }
0x670: {  	v7 =	vand.u32 $0x1BE8, v51;
	v51 =	vor.u32 v57, v29;
	v36 =	vadd.f32 v36, v35  }
0x671: {  	v0 =	vadd.f32 v0, v25;
	v7 =	vor.u32 v60, v7;
	v4 =	vor.u32 v9, v41  }
0x672: {  	v6 =	vadd.f32 v17, v33;
	[tilespmem:v52+s21+$0x0] =	vst.idx.msk $0xffff, v36  }
0x673: {  	[tilespmem:v42+s21+$0x0] =	vst.idx.msk $0xffff, v0;
	v0 =	vadd.f32 v26, v30  }
0x674: {  	v25 =	vor.u32 v46, v55;
	[tilespmem:v5+s21+$0x0] =	vst.idx.msk $0xffff, v6;
	v3 =	vld.idx.msk [tilespmem:v3+s14+$0x0], $0xffff;
	v1 =	vadd.f32 v1, v11  }
0x675: {  	v48 =	vor.u32 v13, v46;
	v6 =	vld.idx.msk [tilespmem:v39+s14+$0x0], $0xffff;
	[tilespmem:v51+s21+$0x0] =	vst.idx.msk $0xffff, v0  }
0x676: {  	v52 =	vor.u32 v62, v58;
	v7 =	vld.idx.msk [tilespmem:v7+s14+$0x0], $0xffff;
	[tilespmem:v4+s21+$0x0] =	vst.idx.msk $0xffff, v1  }
0x677: {  	v5 =	vadd.s32 s29, v2;
	v26 =	vor.u32 v57, v59;
	v2 =	vld [tilespmem:$0x1FAE0]  }
0x678: {  	v17 =	vor.u32 v54, v38;
	v5 =	vand.u32 $0x1BEF, v5;
	v1 =	vor.u32 v62, v53  }
0x679: {  	v45 =	vand.u32 $0x1BE8, v17;
	v17 =	vld.idx.msk [tilespmem:v25+s9+$0x0], $0xffff;
	v3 =	vadd.f32 v3, v20  }
0x67a: {  	v25 =	vadd.s32 s28, v61;
	v51 =	vld.idx.msk [tilespmem:v48+s14+$0x0], $0xffff;
	v6 =	vadd.f32 v6, v35;
	v4 =	vor.u32 v37, v45  }
0x67b: {  	v14 =	vor.u32 v10, v14;
	v25 =	vand.u32 $0x1FEF, v25;
	v7 =	vadd.f32 v7, v33;
	[tilespmem:v52+s21+$0x0] =	vst.idx.msk $0xffff, v3  }
0x67c: {  	[tilespmem:v26+s21+$0x0] =	vst.idx.msk $0xffff, v6;
	v6 =	vor.u32 v9, v44;
	v0 =	vor.u32 v2, v43  }
0x67d: {  	v5 =	vld.idx.msk [tilespmem:v5+s14+$0x0], $0xffff;
	v3 =	vand.u32 $0x1FE8, v14;
	[tilespmem:v1+s21+$0x0] =	vst.idx.msk $0xffff, v7  }
0x67e: {  	v3 =	vor.u32 v60, v3;
	v16 =	vld [tilespmem:$0x1FAF0]  }
0x67f: {  	v36 =	vadd.f32 v51, v17;
	v1 =	vadd.s32 s29, v61;
	v7 =	vor.u32 v62, v29;
	v4 =	vld.idx.msk [tilespmem:v4+s14+$0x0], $0xffff  }
0x680: {  	v14 =	vor.u32 v10, v38;
	v52 =	vor.u32 v62, v59;
	v25 =	vld.idx.msk [tilespmem:v25+s14+$0x0], $0xffff;
	v1 =	vand.u32 $0x1FEF, v1  }
0x681: {  	v14 =	vand.u32 $0x1FE8, v14;
	v26 =	vor.u32 v2, v46;
	[tilespmem:v6+s21+$0x0] =	vst.idx.msk $0xffff, v36;
	v0 =	vld.idx.msk [tilespmem:v0+s14+$0x0], $0xffff  }
0x682: {  	v57 =	vor.u32 v56, v58;
	v5 =	vadd.f32 v5, v30;
	v14 =	vor.u32 v37, v14;
	v10 =	vld [tilespmem:$0x1FB00]  }
0x683: {  	v3 =	vld.idx.msk [tilespmem:v3+s14+$0x0], $0xffff;
	v54 =	vor.u32 v16, v41  }
0x684: {  	v58 =	vor.u32 v47, v55;
	[tilespmem:v7+s21+$0x0] =	vst.idx.msk $0xffff, v5;
	v4 =	vadd.f32 v4, v35  }
0x685: {  	v20 =	vadd.f32 v25, v20;
	v5 =	vor.u32 v13, v47;
	v7 =	vor.u32 v56, v53;
	v1 =	vld.idx.msk [tilespmem:v1+s14+$0x0], $0xffff  }
0x686: {  	v25 =	vor.u32 v50, v55;
	[tilespmem:v52+s21+$0x0] =	vst.idx.msk $0xffff, v4;
	v4 =	vld.idx.msk [tilespmem:v26+s14+$0x0], $0xffff;
	v0 =	vadd.f32 v0, v11  }
0x687: {  	[tilespmem:v57+s21+$0x0] =	vst.idx.msk $0xffff, v20;
	v6 =	vor.u32 v10, v43;
	v26 =	vor.u32 v56, v29;
	v29 =	vld.idx.msk [tilespmem:v14+s14+$0x0], $0xffff  }
0x688: {  	v3 =	vadd.f32 v3, v33;
	[tilespmem:v54+s21+$0x0] =	vst.idx.msk $0xffff, v0;
	v0 =	vor.u32 v13, v50  }
0x689: {  	v61 =	vor.u32 v56, v59;
	v20 =	vor.u32 v23, v55;
	v14 =	vld.idx.msk [tilespmem:v58+s9+$0x0], $0xffff  }
0x68a: {  	[tilespmem:v7+s21+$0x0] =	vst.idx.msk $0xffff, v3;
	v7 =	vld.idx.msk [tilespmem:v5+s14+$0x0], $0xffff;
	v1 =	vadd.f32 v1, v30  }
0x68b: {  	v60 =	vor.u32 v13, v23;
	v5 =	vld.idx.msk [tilespmem:v25+s9+$0x0], $0xffff  }
0x68c: {  	[tilespmem:v26+s21+$0x0] =	vst.idx.msk $0xffff, v1;
	v1 =	vadd.f32 v29, v35;
	v6 =	vld.idx.msk [tilespmem:v6+s14+$0x0], $0xffff  }
0x68d: {  	v30 =	vor.u32 v27, v55;
	v0 =	vld.idx.msk [tilespmem:v0+s14+$0x0], $0xffff  }
0x68e: {  	v62 =	vor.u32 v9, v49;
	v25 =	vor.u32 v13, v27;
	v3 =	vld.idx.msk [tilespmem:v20+s9+$0x0], $0xffff;
	[tilespmem:v61+s21+$0x0] =	vst.idx.msk $0xffff, v1  }
0x68f: {  	v26 =	vor.u32 v2, v47;
	v29 =	vor.u32 v9, v53;
	v13 =	vld [tilespmem:$0x1FB10]  }
0x690: {  	v42 =	vor.u32 v2, v50;
	v33 =	vld.idx.msk [tilespmem:v60+s14+$0x0], $0xffff;
	v1 =	vor.u32 v16, v44  }
0x691: {  	v7 =	vadd.f32 v7, v14  }
0x692: {  	v45 =	vor.u32 v9, v24;
	v20 =	vld.idx.msk [tilespmem:v30+s9+$0x0], $0xffff;
	v0 =	vadd.f32 v0, v5  }
0x693: {  	v51 =	vor.u32 v9, v59;
	v4 =	vadd.f32 v4, v17;
	v25 =	vld.idx.msk [tilespmem:v25+s14+$0x0], $0xffff;
	[tilespmem:v62+s21+$0x0] =	vst.idx.msk $0xffff, v7  }
0x694: {  	v7 =	vor.u32 v2, v23;
	v30 =	vor.u32 v13, v41;
	[tilespmem:v29+s21+$0x0] =	vst.idx.msk $0xffff, v0;
	v0 =	vld.idx.msk [tilespmem:v26+s14+$0x0], $0xffff  }
0x695: {  	[tilespmem:v1+s21+$0x0] =	vst.idx.msk $0xffff, v4;
	v4 =	vadd.f32 v6, v11;
	v29 =	vadd.f32 v33, v3;
	v6 =	vld.idx.msk [tilespmem:v42+s14+$0x0], $0xffff  }
0x696: {  	v48 =	vor.u32 v10, v46;
	v54 =	vor.u32 v16, v49;
	v52 =	vld [tilespmem:$0x1FB20]  }
0x697: {  	[tilespmem:v45+s21+$0x0] =	vst.idx.msk $0xffff, v29;
	v29 =	vor.u32 v16, v53  }
0x698: {  	v25 =	vadd.f32 v25, v20  }
0x699: {  	v26 =	vor.u32 v2, v27;
	[tilespmem:v30+s21+$0x0] =	vst.idx.msk $0xffff, v4;
	v0 =	vadd.f32 v0, v14  }
0x69a: {  	v4 =	vor.u32 v10, v47;
	[tilespmem:v51+s21+$0x0] =	vst.idx.msk $0xffff, v25;
	v7 =	vld.idx.msk [tilespmem:v7+s14+$0x0], $0xffff;
	v6 =	vadd.f32 v6, v5  }
0x69b: {  	v30 =	vld.idx.msk [tilespmem:v48+s14+$0x0], $0xffff;
	v1 =	vor.u32 v52, v43;
	[tilespmem:v54+s21+$0x0] =	vst.idx.msk $0xffff, v0  }
0x69c: {  	v55 =	vor.u32 v16, v24;
	v25 =	vor.u32 v10, v50;
	[tilespmem:v29+s21+$0x0] =	vst.idx.msk $0xffff, v6  }
0x69d: {  	v58 =	vor.u32 v16, v59;
	v56 =	vor.u32 v13, v44;
	v16 =	vld [tilespmem:$0x1FB30]  }
0x69e: {  	v26 =	vld.idx.msk [tilespmem:v26+s14+$0x0], $0xffff  }
0x69f: {  	v57 =	vor.u32 v10, v23;
	v4 =	vld.idx.msk [tilespmem:v4+s14+$0x0], $0xffff;
	v6 =	vadd.f32 v7, v3  }
0x6a0: {  	v0 =	vor.u32 v52, v46;
	v7 =	vadd.f32 v30, v17;
	v1 =	vld.idx.msk [tilespmem:v1+s14+$0x0], $0xffff  }
0x6a1: {  	v30 =	vor.u32 v10, v27;
	[tilespmem:v55+s21+$0x0] =	vst.idx.msk $0xffff, v6;
	v6 =	vld.idx.msk [tilespmem:v25+s14+$0x0], $0xffff;
	v25 =	vor.u32 v13, v49  }
0x6a2: {  	[tilespmem:v56+s21+$0x0] =	vst.idx.msk $0xffff, v7;
	v7 =	vor.u32 v52, v47;
	v29 =	vor.u32 v16, v41  }
0x6a3: {  	v26 =	vadd.f32 v26, v20  }
0x6a4: {  	v60 =	vor.u32 v13, v53;
	v35 =	vld.idx.msk [tilespmem:v57+s14+$0x0], $0xffff;
	v4 =	vadd.f32 v4, v14  }
0x6a5: {  	v0 =	vld.idx.msk [tilespmem:v0+s14+$0x0], $0xffff;
	[tilespmem:v58+s21+$0x0] =	vst.idx.msk $0xffff, v26;
	v26 =	vor.u32 v52, v50;
	v1 =	vadd.f32 v1, v11  }
0x6a6: {  	v30 =	vld.idx.msk [tilespmem:v30+s14+$0x0], $0xffff;
	[tilespmem:v25+s21+$0x0] =	vst.idx.msk $0xffff, v4  }
0x6a7: {  	v6 =	vadd.f32 v6, v5;
	v7 =	vld.idx.msk [tilespmem:v7+s14+$0x0], $0xffff;
	[tilespmem:v29+s21+$0x0] =	vst.idx.msk $0xffff, v1;
	v1 =	vor.u32 v16, v44  }
0x6a8: {  	v61 =	vor.u32 v13, v24;
	v2 =	vld [tilespmem:$0x1FB40]  }
0x6a9: {  	v62 =	vor.u32 v13, v59;
	v29 =	vor.u32 v52, v23;
	[tilespmem:v60+s21+$0x0] =	vst.idx.msk $0xffff, v6  }
0x6aa: {  	v0 =	vadd.f32 v0, v17;
	v42 =	vld.idx.msk [tilespmem:v26+s14+$0x0], $0xffff;
	v26 =	vor.u32 v16, v49  }
0x6ab: {  	v35 =	vadd.f32 v35, v3  }
0x6ac: {  	[tilespmem:v1+s21+$0x0] =	vst.idx.msk $0xffff, v0;
	v0 =	vadd.f32 v30, v20  }
0x6ad: {  	[tilespmem:v61+s21+$0x0] =	vst.idx.msk $0xffff, v35;
	v7 =	vadd.f32 v7, v14;
	v4 =	vor.u32 v2, v43  }
0x6ae: {  	v6 =	vor.u32 v52, v27;
	v1 =	vld.idx.msk [tilespmem:v29+s14+$0x0], $0xffff;
	[tilespmem:v62+s21+$0x0] =	vst.idx.msk $0xffff, v0  }
0x6af: {  	v48 =	vld [tilespmem:$0x1FB50];
	[tilespmem:v26+s21+$0x0] =	vst.idx.msk $0xffff, v7  }
0x6b0: {  	v25 =	vor.u32 v2, v46;
	v37 =	vld [tilespmem:$0x1FB60]  }
0x6b1: {  	v30 =	vor.u32 v16, v53;
	v29 =	vor.u32 v2, v47  }
0x6b2: {  	v45 =	vor.u32 v2, v50;
	v0 =	vor.u32 v16, v24;
	v4 =	vld.idx.msk [tilespmem:v4+s14+$0x0], $0xffff  }
0x6b3: {  	v6 =	vld.idx.msk [tilespmem:v6+s14+$0x0], $0xffff  }
0x6b4: {  	v9 =	vadd.f32 v42, v5;
	v7 =	vor.u32 v2, v23;
	v51 =	vor.u32 v48, v41  }
0x6b5: {  	v52 =	vor.u32 v16, v59;
	v1 =	vadd.f32 v1, v3;
	v25 =	vld.idx.msk [tilespmem:v25+s14+$0x0], $0xffff;
	v26 =	vor.u32 v37, v43  }
0x6b6: {  	v13 =	vor.u32 v2, v27;
	[tilespmem:v30+s21+$0x0] =	vst.idx.msk $0xffff, v9;
	v29 =	vld.idx.msk [tilespmem:v29+s14+$0x0], $0xffff  }
0x6b7: {  	[tilespmem:v0+s21+$0x0] =	vst.idx.msk $0xffff, v1;
	v54 =	vor.u32 v48, v44;
	v1 =	vadd.f32 v4, v11;
	v4 =	vld.idx.msk [tilespmem:v45+s14+$0x0], $0xffff  }
0x6b8: {  	v30 =	vor.u32 v48, v49;
	v6 =	vadd.f32 v6, v20;
	v0 =	vor.u32 v37, v46  }
0x6b9: {  	v55 =	vor.u32 v48, v53;
	v7 =	vld.idx.msk [tilespmem:v7+s14+$0x0], $0xffff;
	[tilespmem:v51+s21+$0x0] =	vst.idx.msk $0xffff, v1;
	v1 =	vor.u32 v37, v47  }
0x6ba: {  	[tilespmem:v52+s21+$0x0] =	vst.idx.msk $0xffff, v6;
	v6 =	vor.u32 v37, v50;
	v25 =	vadd.f32 v25, v17;
	v26 =	vld.idx.msk [tilespmem:v26+s14+$0x0], $0xffff  }
0x6bb: {  	v56 =	vadd.f32 v29, v14;
	v57 =	vld.idx.msk [tilespmem:v13+s14+$0x0], $0xffff;
	v13 =	vor.u32 v48, v24  }
0x6bc: {  	[tilespmem:v54+s21+$0x0] =	vst.idx.msk $0xffff, v25;
	v25 =	vor.u32 v18, v41;
	v4 =	vadd.f32 v4, v5  }
0x6bd: {  	v58 =	vor.u32 v48, v59;
	v29 =	vor.u32 v37, v23;
	[tilespmem:v30+s21+$0x0] =	vst.idx.msk $0xffff, v56;
	v0 =	vld.idx.msk [tilespmem:v0+s14+$0x0], $0xffff  }
0x6be: {  	v7 =	vadd.f32 v7, v3;
	v1 =	vld.idx.msk [tilespmem:v1+s14+$0x0], $0xffff;
	[tilespmem:v55+s21+$0x0] =	vst.idx.msk $0xffff, v4;
	v4 =	vor.u32 v37, v27  }
0x6bf: {  	v15 =	vor.u32 v18, v44;
	v30 =	vor.u32 v19, v43;
	v16 =	vadd.f32 v26, v11;
	v6 =	vld.idx.msk [tilespmem:v6+s14+$0x0], $0xffff  }
0x6c0: {  	[tilespmem:v13+s21+$0x0] =	vst.idx.msk $0xffff, v7;
	v7 =	vor.u32 v18, v49;
	v26 =	vadd.f32 v57, v20  }
0x6c1: {  	v13 =	vor.u32 v19, v46;
	[tilespmem:v25+s21+$0x0] =	vst.idx.msk $0xffff, v16  }
0x6c2: {  	v0 =	vadd.f32 v0, v17;
	v16 =	vld.idx.msk [tilespmem:v29+s14+$0x0], $0xffff;
	v25 =	vor.u32 v18, v53;
	[tilespmem:v58+s21+$0x0] =	vst.idx.msk $0xffff, v26  }
0x6c3: {  	v60 =	vor.u32 v19, v47;
	v26 =	vor.u32 v18, v24;
	v1 =	vadd.f32 v1, v14;
	v4 =	vld.idx.msk [tilespmem:v4+s14+$0x0], $0xffff  }
0x6c4: {  	[tilespmem:v15+s21+$0x0] =	vst.idx.msk $0xffff, v0;
	v29 =	vor.u32 v19, v50;
	v0 =	vld.idx.msk [tilespmem:v30+s14+$0x0], $0xffff;
	v6 =	vadd.f32 v6, v5  }
0x6c5: {  	[tilespmem:v7+s21+$0x0] =	vst.idx.msk $0xffff, v1;
	v1 =	vor.u32 v19, v23;
	v7 =	vor.u32 v18, v59  }
0x6c6: {  	v15 =	vor.u32 v21, v41;
	v18 =	vor.u32 v19, v27  }
0x6c7: {  	v16 =	vadd.f32 v16, v3;
	[tilespmem:v25+s21+$0x0] =	vst.idx.msk $0xffff, v6;
	v6 =	vld.idx.msk [tilespmem:v13+s14+$0x0], $0xffff  }
0x6c8: {  	v9 =	vld.idx.msk [tilespmem:v60+s14+$0x0], $0xffff;
	v25 =	vor.u32 v22, v43;
	v4 =	vadd.f32 v4, v20  }
0x6c9: {  	v13 =	vor.u32 v21, v44;
	v0 =	vadd.f32 v0, v11;
	[tilespmem:v26+s21+$0x0] =	vst.idx.msk $0xffff, v16;
	v26 =	vld.idx.msk [tilespmem:v29+s14+$0x0], $0xffff  }
0x6ca: {  	[tilespmem:v7+s21+$0x0] =	vst.idx.msk $0xffff, v4;
	v4 =	vor.u32 v22, v46;
	v7 =	vor.u32 v21, v49;
	v1 =	vld.idx.msk [tilespmem:v1+s14+$0x0], $0xffff  }
0x6cb: {  	[tilespmem:v15+s21+$0x0] =	vst.idx.msk $0xffff, v0;
	v0 =	vor.u32 v22, v47;
	v15 =	vor.u32 v21, v53;
	v16 =	vld.idx.msk [tilespmem:v18+s14+$0x0], $0xffff  }
0x6cc: {  	v19 =	vor.u32 v21, v24;
	v6 =	vadd.f32 v6, v17;
	v18 =	vor.u32 v22, v50  }
0x6cd: {  	v23 =	vor.u32 v22, v23;
	v21 =	vor.u32 v21, v59;
	v9 =	vadd.f32 v9, v14  }
0x6ce: {  	[tilespmem:v13+s21+$0x0] =	vst.idx.msk $0xffff, v6;
	v6 =	vor.u32 v22, v27;
	v22 =	vld.idx.msk [tilespmem:v25+s14+$0x0], $0xffff;
	v13 =	vadd.f32 v26, v5  }
0x6cf: {  	[tilespmem:v7+s21+$0x0] =	vst.idx.msk $0xffff, v9;
	v4 =	vld.idx.msk [tilespmem:v4+s14+$0x0], $0xffff;
	v1 =	vadd.f32 v1, v3  }
0x6d0: {  	[tilespmem:v15+s21+$0x0] =	vst.idx.msk $0xffff, v13;
	v7 =	vor.u32 v40, v41;
	v0 =	vld.idx.msk [tilespmem:v0+s14+$0x0], $0xffff;
	v61 =	vadd.f32 v16, v20  }
0x6d1: {  	v16 =	vld.idx.msk [tilespmem:v18+s14+$0x0], $0xffff;
	[tilespmem:v19+s21+$0x0] =	vst.idx.msk $0xffff, v1;
	v1 =	vor.u32 v40, v44  }
0x6d2: {  	v8 =	vadd.f32 v31, v8;
	v62 =	vor.u32 v40, v49;
	[tilespmem:v21+s21+$0x0] =	vst.idx.msk $0xffff, v61;
	v13 =	vld.idx.msk [tilespmem:v23+s14+$0x0], $0xffff  }
0x6d3: {  	[tilespmem:v28+s21+$0x0] =	vst.idx.msk $0xffff, v34;
	v15 =	vor.u32 v40, v53;
	v11 =	vadd.f32 v22, v11;
	v6 =	vld.idx.msk [tilespmem:v6+s14+$0x0], $0xffff  }
0x6d4: {  	[tilespmem:v32+s21+$0x0] =	vst.idx.msk $0xffff, v8;
	v8 =	vor.u32 v40, v24;
	v4 =	vadd.f32 v4, v17  }
0x6d5: {  	[tilespmem:v7+s21+$0x0] =	vst.idx.msk $0xffff, v11;
	v7 =	vor.u32 v40, v59;
	v0 =	vadd.f32 v0, v14  }
0x6d6: {  	[tilespmem:v1+s21+$0x0] =	vst.idx.msk $0xffff, v4;
	v1 =	vadd.f32 v16, v5  }
0x6d7: {  	v5 =	vld [tilespmem:$0x1FDD0];
	[tilespmem:v62+s21+$0x0] =	vst.idx.msk $0xffff, v0;
	v0 =	vadd.f32 v13, v3  }
0x6d8: {  	v62 =	vld [tilespmem:$0x1FDC0];
	[tilespmem:v15+s21+$0x0] =	vst.idx.msk $0xffff, v1;
	v1 =	vadd.f32 v6, v20  }
0x6d9: {  	[tilespmem:v8+s21+$0x0] =	vst.idx.msk $0xffff, v0  }
0x6da: {  	[tilespmem:v7+s21+$0x0] =	vst.idx.msk $0xffff, v1  }
0x6db: {  	v61 =	vld [tilespmem:$0x1FFC0]  }
0x6dc: {  	v46 =	vld [tilespmem:$0x1FE20]  }
0x6dd: {  	v13 =	vld [tilespmem:$0x1FDE0]  }
0x6de: {  	v27 =	vld [tilespmem:$0x1FF90]  }
0x6df: {  	v14 =	vld [tilespmem:$0x1FDF0]  }
0x6e0: {  	v28 =	vld [tilespmem:$0x1FE00]  }
0x6e1: {  	v31 =	vld [tilespmem:$0x1FE10]  }
0x6e2: {  	v15 =	vld [tilespmem:$0x1FF80]  }
0x6e3: {  	v55 =	vld [tilespmem:$0x1FE30]  }
0x6e4: {  	v37 =	vld [tilespmem:$0x1FE40]  }
0x6e5: {  	v17 =	vld [tilespmem:$0x1FE50]  }
0x6e6: {  	v18 =	vld [tilespmem:$0x1FE60]  }
0x6e7: {  	v42 =	vld [tilespmem:$0x1FFE0]  }
0x6e8: {  	v6 =	vld [tilespmem:$0x1FFF0]  }
0x6e9: {  	v20 =	vld [tilespmem:$0x1FE70]  }
0x6ea: {  	v51 =	vld [tilespmem:$0x1FFD0]  }
0x6eb: {  	v4 =	vld [tilespmem:$0x1FE80]  }
0x6ec: {  	v19 =	vld [tilespmem:$0x1FE90]  }
0x6ed: {  	v58 =	vld [tilespmem:$0x1FEA0]  }
0x6ee: {  	v59 =	vld [tilespmem:$0x1FEB0]  }
0x6ef: {  	v2 =	vld [tilespmem:$0x1FFA0]  }
0x6f0: {  	v60 =	vld [tilespmem:$0x1FFB0]  }
0x6f1: {  	s24 =	sadd.s32 $0x1, s24;
	v7 =	vld [tilespmem:$0x1FEC0]  }
0x6f2: {  	p0 =	sne.s32 s24, $0x64;
	v23 =	vld [tilespmem:$0x1FED0]  }
.Ltmp5:
0x6f3: {  	s25 =	sshll.u32 s25, $0x12;
	v24 =	vld [tilespmem:$0x1FEE0];
	(pc) =	sbr.rel @p0 .LBB2_2-.Ltmp5, $4  }
0x6f4: {  	s25 =	sor.u32 s7, s25;
	v32 =	vld [tilespmem:$0x1FEF0]  }
0x6f5: {  	s25 =	sshrl.u32 s25, $0x3;
	v29 =	vld [tilespmem:$0x1FF00]  }
0x6f6: {  	s25 =	sadd.s32 s5, s25;
	v30 =	vld [tilespmem:$0x1FF10]  }
0x6f7: {  	v36 =	vmov v63;
	v52 =	vmov v12;
	[hbm4b:s25+s17] =	stream.strided.scatter [tilespmem:s21], [sflag:$0x4], $0x2000, s18, s17, $0x38;
	v0 =	vld [tilespmem:$0x1FF30]  }
0x6f8: {  	s23 =	sadd.s32 $0x1, s23  }
0x6f9: {  	_ =	swait.ge [sflag:s22], $0x2000;
	p0 =	sne.s32 s23, s8  }
.Ltmp6:
0x6fa: {  	[sflag:s22] =	ssyncset.done $0x0;
	(pc) =	sbr.rel @p0 .LBB2_1-.Ltmp6, $4  }
0x6fb: {  	[sflag:s22] =	ssyncadd.s32 $0xFFFFE000  }
0x6fc: {  	_ =	swait.ge [sflag:s20], $0x2000  }
0x6fd: {  	[sflag:s20] =	ssyncset.done $0x0  }
0x6fe: {  	[sflag:s20] =	ssyncadd.s32 $0xFFFFE000  }
0x6ff: {  	_ =	sfence.sel $0x180000  }
0x700: {  	[bflag:$0x0] =	sbarrier.arrive $0xFFFF  }
0x701: {  	p0 =	sne.s32 s2, $0x0;
	_ =	strace $0x90000047  }
0x702: {  	s0 =	sadd.s32 @!p0 $0x100000, s0;
	[bflag:$0x2] =	sbarrier.arrive $0xFFFF  }
0x703: {  	[sflag:s0] =	ssyncadd.tile.s32 @!p0 $0x1;
	_ =	shalt  }
.Lfunc_end2:
_tile_overlayer_lowered:
.L_overlay_start_2:
0x704: {  	(tag) =	ssettag $0x2  }
0x705: {  	s0 =	rddreg [dreg:$0x0];
	s2 =	stileid.u32  }
0x706: {  	s1 =	rddreg [dreg:$0x1];
	p0 =	sne.s32 s2, $0x0  }
0x707: {  	s3 =	rddreg [dreg:$0x2];
	[bflag:$0x3] =	sbarrier.arrive $0xFFFF;
	s2 =	simm.s32 @!p0 $0x1C05  }
0x708: {  	[timem:s3], [sflag:s2] =	dma.local @!p0 [hbm:s0], s1  }
0x709: {  	s0 =	simm.s32 @!p0 $0x5  }
0x70a: {  	_ =	swait.ge @!p0 [sflag:s0], s1  }
0x70b: {  	s1 =	ssub.s32 @!p0 $0x0, s1;
	[sflag:s0] =	ssyncset.done @!p0 $0x0  }
0x70c: {  	[sflag:s0] =	ssyncadd.s32 @!p0 s1  }
0x70d: {  	[bflag:$0x3] =	sbarrier.arrive $0xFFFF  }
0x70e: {  	_ =	shalt  }

</sc_bundles>
